<compile_context>
chip_gen: v7x
topology: tpu7x:2x2x1
jax: 0.10.2.dev20260603
libtpu: 0.0.44.dev20260713+nightly
codegen_flags: <defaults>
</compile_context>

<pallas_src>
import jax
import jax.numpy as jnp
from jax import lax
from jax.experimental import pallas as pl
from jax.experimental.pallas import tpu as pltpu
from jax.experimental.pallas import tpu_sc as plsc

N = 10000
NPAD = 10112
E_RAW = 320000
B = 112
EPAD = 322560
ROWS = EPAD // B
NC, NS = 2, 16
ROWS_PER_SUB = ROWS // NS
KCH0, CHR0 = 9, 20
ROWS_PER_WORKER = ROWS // (NC * NS)
KCH1, CHR1 = 6, 15
ACC_PER_SUB = NPAD // NS
MBLK = 1000


def _sc_mesh():
    return plsc.VectorSubcoreMesh(core_axis_name="c", subcore_axis_name="s",
                                  num_cores=NC, num_subcores=NS)


def _deg_body(dst_hbm, ones_hbm, zeros_hbm, deg_hbm, acc, dst_v, ones_v, sem):
    c = lax.axis_index("c")
    s = lax.axis_index("s")
    w = s * NC + c
    pltpu.sync_copy(zeros_hbm, acc.at[pl.ds(s * ACC_PER_SUB, ACC_PER_SUB)])
    pltpu.sync_copy(ones_hbm, ones_v)
    pltpu.sync_copy(dst_hbm.at[w], dst_v)
    plsc.subcore_barrier()

    def issue(j, _):
        pltpu.async_copy(ones_v, acc.at[dst_v.at[j]], sem, add=True)
        return ()

    def drain(j, _):
        pltpu.make_async_copy(ones_v, acc.at[dst_v.at[j]], sem).wait()
        return ()

    lax.fori_loop(0, ROWS_PER_WORKER, issue, ())
    lax.fori_loop(0, ROWS_PER_WORKER, drain, ())
    plsc.subcore_barrier()
    pltpu.sync_copy(acc.at[pl.ds(s * ACC_PER_SUB, ACC_PER_SUB)],
                    deg_hbm.at[c, pl.ds(s * ACC_PER_SUB, ACC_PER_SUB)])


def _make_deg_kernel():
    return pl.kernel(
        _deg_body,
        out_type=jax.ShapeDtypeStruct((NC, NPAD, 128), jnp.float32),
        mesh=_sc_mesh(),
        scratch_types=[
            pltpu.VMEM_SHARED((NPAD, 128), jnp.float32),
            pltpu.VMEM((ROWS_PER_WORKER, B), jnp.int32),
            pltpu.VMEM((B, 128), jnp.float32),
            pltpu.SemaphoreType.DMA,
        ],
    )


NBUF = 3


def _pipelined_chunk(table_hbm, acc, src_v, dst_v, bufs, gsems, ssems, ch_r):

    def g_issue(j):
        pltpu.async_copy(table_hbm.at[src_v.at[j]], bufs[j % NBUF],
                         gsems[j % NBUF])

    def g_wait(j):
        pltpu.make_async_copy(table_hbm.at[src_v.at[j]], bufs[j % NBUF],
                              gsems[j % NBUF]).wait()

    def s_issue(j):
        pltpu.async_copy(bufs[j % NBUF], acc.at[dst_v.at[j]], ssems[j % NBUF],
                         add=True)

    def s_wait(j):
        pltpu.make_async_copy(bufs[j % NBUF], acc.at[dst_v.at[j]],
                              ssems[j % NBUF]).wait()

    for j in range(NBUF):
        g_issue(j)
    for j in range(ch_r):
        g_wait(j)
        s_issue(j)
        if j + NBUF < ch_r:
            s_wait(j)
            g_issue(j + NBUF)
    for j in range(max(ch_r - NBUF, 0), ch_r):
        s_wait(j)


def _agg_body(kch, ch_r, col_split, table_hbm, src_hbm, dst_hbm, zeros_hbm,
              out_hbm, acc, src_v, dst_v, r0, r1, r2, gs0, gs1, gs2,
              ss0, ss1, ss2):
    c = lax.axis_index("c")
    s = lax.axis_index("s")
    w = s * NC + c
    pltpu.sync_copy(zeros_hbm, acc.at[pl.ds(s * ACC_PER_SUB, ACC_PER_SUB)])
    plsc.subcore_barrier()

    def chunk(k, _):
        if col_split:
            pltpu.sync_copy(src_hbm.at[c, s, k], src_v)
            pltpu.sync_copy(dst_hbm.at[s, k], dst_v)
        else:
            pltpu.sync_copy(src_hbm.at[w, k], src_v)
            pltpu.sync_copy(dst_hbm.at[w, k], dst_v)
        _pipelined_chunk(table_hbm, acc, src_v, dst_v, (r0, r1, r2),
                         (gs0, gs1, gs2), (ss0, ss1, ss2), ch_r)
        return ()

    lax.fori_loop(0, kch, chunk, ())
    plsc.subcore_barrier()
    pltpu.sync_copy(acc.at[pl.ds(s * ACC_PER_SUB, ACC_PER_SUB)],
                    out_hbm.at[c, pl.ds(s * ACC_PER_SUB, ACC_PER_SUB)])


def _make_agg_kernel(kch, ch_r, col_split):
    import functools
    return pl.kernel(
        functools.partial(_agg_body, kch, ch_r, col_split),
        out_type=jax.ShapeDtypeStruct((NC, NPAD, 128), jnp.float32),
        mesh=_sc_mesh(),
        scratch_types=[
            pltpu.VMEM_SHARED((NPAD, 128), jnp.float32),
            pltpu.VMEM((ch_r, B), jnp.int32),
            pltpu.VMEM((ch_r, B), jnp.int32),
            pltpu.VMEM((B, 128), jnp.float32),
            pltpu.VMEM((B, 128), jnp.float32),
            pltpu.VMEM((B, 128), jnp.float32),
            pltpu.SemaphoreType.DMA,
            pltpu.SemaphoreType.DMA,
            pltpu.SemaphoreType.DMA,
            pltpu.SemaphoreType.DMA,
            pltpu.SemaphoreType.DMA,
            pltpu.SemaphoreType.DMA,
        ],
    )


def _dinv_block(deg_ref):
    deg = deg_ref[0, :, 0:1] + deg_ref[1, :, 0:1] + 1.0
    return lax.rsqrt(deg)


def _tc0_body(x_ref, w_ref, deg_ref, out_ref):
    dinv = _dinv_block(deg_ref)
    h = jnp.dot(x_ref[...], w_ref[...], preferred_element_type=jnp.float32)
    hs = h * dinv
    out_ref[0] = hs[:, :128]
    out_ref[1] = hs[:, 128:]


def _tc1_body(a_ref, t_ref, deg_ref, b0_ref, w_ref, out_ref):
    dinv = _dinv_block(deg_ref)
    agg = jnp.concatenate([a_ref[0] + t_ref[0], a_ref[1] + t_ref[1]], axis=1)
    y = jnp.maximum(agg * dinv + b0_ref[...], 0.0)
    h = jnp.dot(y, w_ref[...], preferred_element_type=jnp.float32)
    out_ref[...] = h * dinv


def _tc2_body(a_ref, t_ref, deg_ref, b1_ref, out_ref):
    dinv = _dinv_block(deg_ref)
    z = (a_ref[0] + a_ref[1] + t_ref[...]) * dinv + b1_ref[...]
    m = jnp.max(z, axis=1, keepdims=True)
    ez = jnp.exp(z - m)
    lse = jnp.log(jnp.sum(ez, axis=1, keepdims=True))
    out_ref[...] = z - m - lse


def _row_spec(shape):
    if len(shape) == 3:
        return pl.BlockSpec((shape[0], MBLK, shape[2]), lambda i: (0, i, 0))
    return pl.BlockSpec((MBLK, shape[1]), lambda i: (i, 0))


def _full_spec(shape):
    return pl.BlockSpec(shape, lambda i: tuple(0 for _ in shape))


def _tc_call(body, in_arrays, full_mask, out_shape):
    in_specs = [
        _full_spec(a.shape) if f else _row_spec(a.shape)
        for a, f in zip(in_arrays, full_mask)
    ]
    return pl.pallas_call(
        body,
        grid=(N // MBLK,),
        in_specs=in_specs,
        out_specs=_row_spec(out_shape),
        out_shape=jax.ShapeDtypeStruct(out_shape, jnp.float32),
    )(*in_arrays)


def kernel(x, edge_index, W0, b0, W1, b1):
    src = edge_index[0].astype(jnp.int32)
    dst = edge_index[1].astype(jnp.int32)
    npad = EPAD - E_RAW
    pad_src = jnp.arange(npad, dtype=jnp.int32) % N
    pad_dst = N + (jnp.arange(npad, dtype=jnp.int32) % (NPAD - N))
    src = jnp.concatenate([src, pad_src])
    dst = jnp.concatenate([dst, pad_dst])
    dst_w = dst.reshape(NC * NS, ROWS_PER_WORKER, B)
    dst_s = dst.reshape(NS, KCH0, CHR0, B)
    src2 = jnp.stack([src, src + N]).reshape(NC, NS, KCH0, CHR0, B)
    src_e = src.reshape(NC * NS, KCH1, CHR1, B)
    dst_e = dst.reshape(NC * NS, KCH1, CHR1, B)

    ones128 = jnp.ones((B, 128), jnp.float32)
    zeros128 = jnp.zeros((ACC_PER_SUB, 128), jnp.float32)

    deg = _make_deg_kernel()(dst_w, ones128, zeros128)
    degn = deg[:, :, :16]

    hs0 = _tc_call(_tc0_body, [x, W0, degn], [False, True, False],
                   (2, N, 128))
    table0 = hs0.reshape(2 * N, 128)
    agg0 = _make_agg_kernel(KCH0, CHR0, True)(table0, src2, dst_s, zeros128)

    table1 = _tc_call(_tc1_body,
                      [agg0, hs0, degn, b0.reshape(1, 256), W1],
                      [False, False, False, True, True], (N, 128))
    agg1 = _make_agg_kernel(KCH1, CHR1, False)(table1, src_e, dst_e, zeros128)

    out = _tc_call(_tc2_body,
                   [agg1, table1, degn, b1.reshape(1, 128)],
                   [False, False, False, True], (N, 128))
    return out

# --- scband reference (transcript-rebuilt; emitter-appended) ---
"""Pipeline reference for scband-neural-portfolio-gcn-14757507629087 (READ-ONLY COPY).

The authoritative reference and input builder live on the scoring server;
editing this copy changes nothing except your own understanding.
"""

import jax, jax.numpy as jnp
import numpy as np

N_NODES = 10000
N_EDGES = 320000


def glorot(key, shape):
    fan_in, fan_out = shape[0], shape[1]
    limit = np.sqrt(6.0 / (fan_in + fan_out))
    return jax.random.uniform(key, shape, jnp.float32, -limit, limit)


def setup_inputs(seed: int = 0) -> dict:
    key = jax.random.key(seed)
    k1, k2, k3, k4 = jax.random.split(key, 4)
    x = jax.random.normal(k1, (N_NODES, 128), dtype=jnp.float32)
    edge_index = jax.random.randint(k2, (2, N_EDGES), 0, N_NODES, dtype=jnp.int64)
    W0 = glorot(k3, (128, 256))
    b0 = jnp.zeros((256,), jnp.float32)
    W1 = glorot(k4, (256, 128))
    b1 = jnp.zeros((128,), jnp.float32)
    return {"x": x, "edge_index": edge_index, "W0": W0, "b0": b0, "W1": W1, "b1": b1}


def _gcn_conv(x, src, dst, W, b, n_nodes):
    # PyG GCNConv: x' = D^{-1/2} (A + I) D^{-1/2} X W + b (self-loops already in src/dst)
    h = x @ W
    deg = jnp.zeros((n_nodes,), x.dtype).at[dst].add(1.0)
    deg_inv_sqrt = jnp.where(deg > 0, deg ** -0.5, 0.0)
    norm = deg_inv_sqrt[src] * deg_inv_sqrt[dst]
    msg = h[src] * norm[:, None]
    out = jnp.zeros((n_nodes, W.shape[1]), x.dtype).at[dst].add(msg)
    return out + b


def reference(x, edge_index, W0, b0, W1, b1):
    n = x.shape[0]
    loops = jnp.arange(n, dtype=edge_index.dtype)
    src = jnp.concatenate([edge_index[0], loops])
    dst = jnp.concatenate([edge_index[1], loops])
    h = _gcn_conv(x, src, dst, W0, b0, n)
    h = jax.nn.relu(h)
    h = _gcn_conv(h, src, dst, W1, b1, n)
    return jax.nn.log_softmax(h, axis=1)

if __name__ == "__main__":
    import jax
    _d = setup_inputs()
    print(jax.jit(kernel)(*tuple(_d.values())))

</pallas_src>

<mosaic_0001>
#map = affine_map<(d0, d1) -> (0, 0)>
#map1 = affine_map<(d0, d1) -> (0, 0, 0, 0, 0)>
#map2 = affine_map<(d0, d1) -> (0, 0, 0, 0)>
#map3 = affine_map<(d0, d1) -> (0, 0, 0)>
module attributes {stable_mosaic.version = 14 : i64} {
  func.func @_agg_body(%arg0: i32, %arg1: i32, %arg2: memref<20000x128xf32, #tpu.memory_space<hbm>>, %arg3: memref<2x16x9x20x112xi32, #tpu.memory_space<hbm>>, %arg4: memref<16x9x20x112xi32, #tpu.memory_space<hbm>>, %arg5: memref<632x128xf32, #tpu.memory_space<hbm>>, %arg6: memref<2x10112x128xf32, #tpu.memory_space<hbm>>, %arg7: memref<10112x128xf32, #tpu.memory_space<vmem_shared>>, %arg8: memref<20x112xi32, #tpu.memory_space<vmem>>, %arg9: memref<20x112xi32, #tpu.memory_space<vmem>>, %arg10: memref<112x128xf32, #tpu.memory_space<vmem>>, %arg11: memref<112x128xf32, #tpu.memory_space<vmem>>, %arg12: memref<112x128xf32, #tpu.memory_space<vmem>>, %arg13: memref<!tpu.dma_semaphore, #tpu.memory_space<semaphore_mem>>, %arg14: memref<!tpu.dma_semaphore, #tpu.memory_space<semaphore_mem>>, %arg15: memref<!tpu.dma_semaphore, #tpu.memory_space<semaphore_mem>>, %arg16: memref<!tpu.dma_semaphore, #tpu.memory_space<semaphore_mem>>, %arg17: memref<!tpu.dma_semaphore, #tpu.memory_space<semaphore_mem>>, %arg18: memref<!tpu.dma_semaphore, #tpu.memory_space<semaphore_mem>>) attributes {dimension_semantics = [#tpu.dimension_semantics<core_parallel>, #tpu.dimension_semantics<subcore_parallel>], iteration_bounds = array<i64: 2, 16>, scalar_prefetch = 0 : i64, scratch_operands = 12 : i64, tpu.core_type = #tpu.core_type<sc_vector_subcore>, window_params = [{transform_indices = #map}, {transform_indices = #map1}, {transform_indices = #map2}, {transform_indices = #map}, {transform_indices = #map3}]} {
    %mul3A = arith.constant 2 : i32
    %mul3A_0 = arith.muli %arg1, %mul3A : i32
    %add3A = arith.addi %mul3A_0, %arg0 : i32
    %mul3A_1 = arith.constant 632 : i32
    %mul3A_2 = arith.muli %arg1, %mul3A_1 : i32
    "tpu.region"() ({
      %run_scoped3A = tpu.sem_alloc : memref<!tpu.dma_semaphore, #tpu.memory_space<semaphore_mem>>
      %dma_start3A = arith.constant 0 : i32
      %dma_start3A_12 = tpu.memref_slice %arg7[%mul3A_2, %dma_start3A] : memref<10112x128xf32, #tpu.memory_space<vmem_shared>> -> memref<632x128xf32, #tpu.memory_space<vmem_shared>>
      tpu.enqueue_dma source(%arg5 : memref<632x128xf32, #tpu.memory_space<hbm>>) target(%dma_start3A_12 : memref<632x128xf32, #tpu.memory_space<vmem_shared>>) target_semaphore(%run_scoped3A : memref<!tpu.dma_semaphore, #tpu.memory_space<semaphore_mem>>)
      %dma_wait3A = arith.constant 0 : i32
      %dma_wait3A_13 = tpu.memref_slice %arg7[%mul3A_2, %dma_wait3A] : memref<10112x128xf32, #tpu.memory_space<vmem_shared>> -> memref<632x128xf32, #tpu.memory_space<vmem_shared>>
      tpu.wait_dma2 semaphore(%run_scoped3A : memref<!tpu.dma_semaphore, #tpu.memory_space<semaphore_mem>>) src(%arg5 : memref<632x128xf32, #tpu.memory_space<hbm>>) dst(%dma_wait3A_13 : memref<632x128xf32, #tpu.memory_space<vmem_shared>>)
      tpu.yield
    }) : () -> ()
    %barrier3A = arith.constant 0 : index
    tpu.barrier barrier_id(%barrier3A)
    %scan3A = arith.constant 0 : i32
    %scan3A_3 = arith.constant 9 : i32
    %scan3A_4 = arith.addi %scan3A, %scan3A_3 : i32
    %scan3A_5 = arith.constant 1 : i32
    scf.for %scan3A_12 = %scan3A to %scan3A_4 step %scan3A_5  : i32 {
      "tpu.region"() ({
        %run_scoped3A = tpu.sem_alloc : memref<!tpu.dma_semaphore, #tpu.memory_space<semaphore_mem>>
        %dma_start3A_571 = arith.constant 0 : i32
        %dma_start3A_572 = arith.constant 0 : i32
        %dma_start3A_573 = tpu.memref_slice %arg3[%arg0, %arg1, %scan3A_12, %dma_start3A_571, %dma_start3A_572] : memref<2x16x9x20x112xi32, #tpu.memory_space<hbm>> -> memref<1x1x1x20x112xi32, #tpu.memory_space<hbm>>
        %dma_start3A_574 = tpu.memref_squeeze %dma_start3A_573 : memref<1x1x1x20x112xi32, #tpu.memory_space<hbm>> -> memref<20x112xi32, #tpu.memory_space<hbm>>
        %dma_start3A_575 = arith.constant 0 : i32
        %dma_start3A_576 = arith.constant 0 : i32
        %dma_start3A_577 = tpu.memref_slice %arg3[%arg0, %arg1, %scan3A_12, %dma_start3A_575, %dma_start3A_576] : memref<2x16x9x20x112xi32, #tpu.memory_space<hbm>> -> memref<1x1x1x20x112xi32, #tpu.memory_space<hbm>>
        %dma_start3A_578 = tpu.memref_squeeze %dma_start3A_577 : memref<1x1x1x20x112xi32, #tpu.memory_space<hbm>> -> memref<20x112xi32, #tpu.memory_space<hbm>>
        tpu.enqueue_dma source(%dma_start3A_578 : memref<20x112xi32, #tpu.memory_space<hbm>>) target(%arg8 : memref<20x112xi32, #tpu.memory_space<vmem>>) target_semaphore(%run_scoped3A : memref<!tpu.dma_semaphore, #tpu.memory_space<semaphore_mem>>)
        %dma_wait3A_579 = arith.constant 0 : i32
        %dma_wait3A_580 = arith.constant 0 : i32
        %dma_wait3A_581 = tpu.memref_slice %arg3[%arg0, %arg1, %scan3A_12, %dma_wait3A_579, %dma_wait3A_580] : memref<2x16x9x20x112xi32, #tpu.memory_space<hbm>> -> memref<1x1x1x20x112xi32, #tpu.memory_space<hbm>>
        %dma_wait3A_582 = tpu.memref_squeeze %dma_wait3A_581 : memref<1x1x1x20x112xi32, #tpu.memory_space<hbm>> -> memref<20x112xi32, #tpu.memory_space<hbm>>
        %dma_wait3A_583 = arith.constant 0 : i32
        %dma_wait3A_584 = arith.constant 0 : i32
        %dma_wait3A_585 = tpu.memref_slice %arg3[%arg0, %arg1, %scan3A_12, %dma_wait3A_583, %dma_wait3A_584] : memref<2x16x9x20x112xi32, #tpu.memory_space<hbm>> -> memref<1x1x1x20x112xi32, #tpu.memory_space<hbm>>
        %dma_wait3A_586 = tpu.memref_squeeze %dma_wait3A_585 : memref<1x1x1x20x112xi32, #tpu.memory_space<hbm>> -> memref<20x112xi32, #tpu.memory_space<hbm>>
        tpu.wait_dma2 semaphore(%run_scoped3A : memref<!tpu.dma_semaphore, #tpu.memory_space<semaphore_mem>>) src(%dma_wait3A_586 : memref<20x112xi32, #tpu.memory_space<hbm>>) dst(%arg8 : memref<20x112xi32, #tpu.memory_space<vmem>>)
        tpu.yield
      }) : () -> ()
      "tpu.region"() ({
        %run_scoped3A = tpu.sem_alloc : memref<!tpu.dma_semaphore, #tpu.memory_space<semaphore_mem>>
        %dma_start3A_571 = arith.constant 0 : i32
        %dma_start3A_572 = arith.constant 0 : i32
        %dma_start3A_573 = tpu.memref_slice %arg4[%arg1, %scan3A_12, %dma_start3A_571, %dma_start3A_572] : memref<16x9x20x112xi32, #tpu.memory_space<hbm>> -> memref<1x1x20x112xi32, #tpu.memory_space<hbm>>
        %dma_start3A_574 = tpu.memref_squeeze %dma_start3A_573 : memref<1x1x20x112xi32, #tpu.memory_space<hbm>> -> memref<20x112xi32, #tpu.memory_space<hbm>>
        %dma_start3A_575 = arith.constant 0 : i32
        %dma_start3A_576 = arith.constant 0 : i32
        %dma_start3A_577 = tpu.memref_slice %arg4[%arg1, %scan3A_12, %dma_start3A_575, %dma_start3A_576] : memref<16x9x20x112xi32, #tpu.memory_space<hbm>> -> memref<1x1x20x112xi32, #tpu.memory_space<hbm>>
        %dma_start3A_578 = tpu.memref_squeeze %dma_start3A_577 : memref<1x1x20x112xi32, #tpu.memory_space<hbm>> -> memref<20x112xi32, #tpu.memory_space<hbm>>
        tpu.enqueue_dma source(%dma_start3A_578 : memref<20x112xi32, #tpu.memory_space<hbm>>) target(%arg9 : memref<20x112xi32, #tpu.memory_space<vmem>>) target_semaphore(%run_scoped3A : memref<!tpu.dma_semaphore, #tpu.memory_space<semaphore_mem>>)
        %dma_wait3A_579 = arith.constant 0 : i32
        %dma_wait3A_580 = arith.constant 0 : i32
        %dma_wait3A_581 = tpu.memref_slice %arg4[%arg1, %scan3A_12, %dma_wait3A_579, %dma_wait3A_580] : memref<16x9x20x112xi32, #tpu.memory_space<hbm>> -> memref<1x1x20x112xi32, #tpu.memory_space<hbm>>
        %dma_wait3A_582 = tpu.memref_squeeze %dma_wait3A_581 : memref<1x1x20x112xi32, #tpu.memory_space<hbm>> -> memref<20x112xi32, #tpu.memory_space<hbm>>
        %dma_wait3A_583 = arith.constant 0 : i32
        %dma_wait3A_584 = arith.constant 0 : i32
        %dma_wait3A_585 = tpu.memref_slice %arg4[%arg1, %scan3A_12, %dma_wait3A_583, %dma_wait3A_584] : memref<16x9x20x112xi32, #tpu.memory_space<hbm>> -> memref<1x1x20x112xi32, #tpu.memory_space<hbm>>
        %dma_wait3A_586 = tpu.memref_squeeze %dma_wait3A_585 : memref<1x1x20x112xi32, #tpu.memory_space<hbm>> -> memref<20x112xi32, #tpu.memory_space<hbm>>
        tpu.wait_dma2 semaphore(%run_scoped3A : memref<!tpu.dma_semaphore, #tpu.memory_space<semaphore_mem>>) src(%dma_wait3A_586 : memref<20x112xi32, #tpu.memory_space<hbm>>) dst(%arg9 : memref<20x112xi32, #tpu.memory_space<vmem>>)
        tpu.yield
      }) : () -> ()
      %dma_start3A = arith.constant 0 : i32
      %dma_start3A_13 = arith.constant 0 : i32
      %dma_start3A_14 = tpu.memref_slice %arg8[%dma_start3A, %dma_start3A_13] : memref<20x112xi32, #tpu.memory_space<vmem>> -> memref<1x112xi32, #tpu.memory_space<vmem>>
      %dma_start3A_15 = tpu.memref_squeeze %dma_start3A_14 : memref<1x112xi32, #tpu.memory_space<vmem>> -> memref<112xi32, #tpu.memory_space<vmem>>
      %dma_start3A_16 = arith.constant 0 : i32
      %dma_start3A_17 = arith.constant 0 : i32
      %dma_start3A_18 = tpu.memref_slice %arg2[%dma_start3A_16, %dma_start3A_17] : memref<20000x128xf32, #tpu.memory_space<hbm>> -> memref<20000x128xf32, #tpu.memory_space<hbm>>
      tpu.enqueue_indirect_dma source(%dma_start3A_18 : memref<20000x128xf32, #tpu.memory_space<hbm>>) target(%arg10 : memref<112x128xf32, #tpu.memory_space<vmem>>) offsets(%dma_start3A_15 : memref<112xi32, #tpu.memory_space<vmem>>) semaphore(%arg13 : memref<!tpu.dma_semaphore, #tpu.memory_space<semaphore_mem>>)
      %dma_start3A_19 = arith.constant 1 : i32
      %dma_start3A_20 = arith.constant 0 : i32
      %dma_start3A_21 = tpu.memref_slice %arg8[%dma_start3A_19, %dma_start3A_20] : memref<20x112xi32, #tpu.memory_space<vmem>> -> memref<1x112xi32, #tpu.memory_space<vmem>>
      %dma_start3A_22 = tpu.memref_squeeze %dma_start3A_21 : memref<1x112xi32, #tpu.memory_space<vmem>> -> memref<112xi32, #tpu.memory_space<vmem>>
      %dma_start3A_23 = arith.constant 0 : i32
      %dma_start3A_24 = arith.constant 0 : i32
      %dma_start3A_25 = tpu.memref_slice %arg2[%dma_start3A_23, %dma_start3A_24] : memref<20000x128xf32, #tpu.memory_space<hbm>> -> memref<20000x128xf32, #tpu.memory_space<hbm>>
      tpu.enqueue_indirect_dma source(%dma_start3A_25 : memref<20000x128xf32, #tpu.memory_space<hbm>>) target(%arg11 : memref<112x128xf32, #tpu.memory_space<vmem>>) offsets(%dma_start3A_22 : memref<112xi32, #tpu.memory_space<vmem>>) semaphore(%arg14 : memref<!tpu.dma_semaphore, #tpu.memory_space<semaphore_mem>>)
      %dma_start3A_26 = arith.constant 2 : i32
      %dma_start3A_27 = arith.constant 0 : i32
      %dma_start3A_28 = tpu.memref_slice %arg8[%dma_start3A_26, %dma_start3A_27] : memref<20x112xi32, #tpu.memory_space<vmem>> -> memref<1x112xi32, #tpu.memory_space<vmem>>
      %dma_start3A_29 = tpu.memref_squeeze %dma_start3A_28 : memref<1x112xi32, #tpu.memory_space<vmem>> -> memref<112xi32, #tpu.memory_space<vmem>>
      %dma_start3A_30 = arith.constant 0 : i32
      %dma_start3A_31 = arith.constant 0 : i32
      %dma_start3A_32 = tpu.memref_slice %arg2[%dma_start3A_30, %dma_start3A_31] : memref<20000x128xf32, #tpu.memory_space<hbm>> -> memref<20000x128xf32, #tpu.memory_space<hbm>>
      tpu.enqueue_indirect_dma source(%dma_start3A_32 : memref<20000x128xf32, #tpu.memory_space<hbm>>) target(%arg12 : memref<112x128xf32, #tpu.memory_space<vmem>>) offsets(%dma_start3A_29 : memref<112xi32, #tpu.memory_space<vmem>>) semaphore(%arg15 : memref<!tpu.dma_semaphore, #tpu.memory_space<semaphore_mem>>)
      %dma_wait3A = arith.constant 0 : i32
      %dma_wait3A_33 = arith.constant 0 : i32
      %dma_wait3A_34 = tpu.memref_slice %arg8[%dma_wait3A, %dma_wait3A_33] : memref<20x112xi32, #tpu.memory_space<vmem>> -> memref<1x112xi32, #tpu.memory_space<vmem>>
      %dma_wait3A_35 = tpu.memref_squeeze %dma_wait3A_34 : memref<1x112xi32, #tpu.memory_space<vmem>> -> memref<112xi32, #tpu.memory_space<vmem>>
      %dma_wait3A_36 = arith.constant 0 : i32
      %dma_wait3A_37 = arith.constant 0 : i32
      %dma_wait3A_38 = tpu.memref_slice %arg2[%dma_wait3A_36, %dma_wait3A_37] : memref<20000x128xf32, #tpu.memory_space<hbm>> -> memref<20000x128xf32, #tpu.memory_space<hbm>>
      tpu.wait_indirect_dma semaphore(%arg13 : memref<!tpu.dma_semaphore, #tpu.memory_space<semaphore_mem>>) src(%dma_wait3A_38 : memref<20000x128xf32, #tpu.memory_space<hbm>>) dst(%arg10 : memref<112x128xf32, #tpu.memory_space<vmem>>)
      %dma_start3A_39 = arith.constant 0 : i32
      %dma_start3A_40 = arith.constant 0 : i32
      %dma_start3A_41 = tpu.memref_slice %arg9[%dma_start3A_39, %dma_start3A_40] : memref<20x112xi32, #tpu.memory_space<vmem>> -> memref<1x112xi32, #tpu.memory_space<vmem>>
      %dma_start3A_42 = tpu.memref_squeeze %dma_start3A_41 : memref<1x112xi32, #tpu.memory_space<vmem>> -> memref<112xi32, #tpu.memory_space<vmem>>
      %dma_start3A_43 = arith.constant 0 : i32
      %dma_start3A_44 = arith.constant 0 : i32
      %dma_start3A_45 = tpu.memref_slice %arg7[%dma_start3A_43, %dma_start3A_44] : memref<10112x128xf32, #tpu.memory_space<vmem_shared>> -> memref<10112x128xf32, #tpu.memory_space<vmem_shared>>
      tpu.enqueue_indirect_dma source(%arg10 : memref<112x128xf32, #tpu.memory_space<vmem>>) target(%dma_start3A_45 : memref<10112x128xf32, #tpu.memory_space<vmem_shared>>) offsets(%dma_start3A_42 : memref<112xi32, #tpu.memory_space<vmem>>) semaphore(%arg16 : memref<!tpu.dma_semaphore, #tpu.memory_space<semaphore_mem>>) {add = true}
      %dma_wait3A_46 = arith.constant 0 : i32
      %dma_wait3A_47 = arith.constant 0 : i32
      %dma_wait3A_48 = tpu.memref_slice %arg9[%dma_wait3A_46, %dma_wait3A_47] : memref<20x112xi32, #tpu.memory_space<vmem>> -> memref<1x112xi32, #tpu.memory_space<vmem>>
      %dma_wait3A_49 = tpu.memref_squeeze %dma_wait3A_48 : memref<1x112xi32, #tpu.memory_space<vmem>> -> memref<112xi32, #tpu.memory_space<vmem>>
      %dma_wait3A_50 = arith.constant 0 : i32
      %dma_wait3A_51 = arith.constant 0 : i32
      %dma_wait3A_52 = tpu.memref_slice %arg7[%dma_wait3A_50, %dma_wait3A_51] : memref<10112x128xf32, #tpu.memory_space<vmem_shared>> -> memref<10112x128xf32, #tpu.memory_space<vmem_shared>>
      tpu.wait_indirect_dma semaphore(%arg16 : memref<!tpu.dma_semaphore, #tpu.memory_space<semaphore_mem>>) src(%arg10 : memref<112x128xf32, #tpu.memory_space<vmem>>) dst(%dma_wait3A_52 : memref<10112x128xf32, #tpu.memory_space<vmem_shared>>)
      %dma_start3A_53 = arith.constant 3 : i32
      %dma_start3A_54 = arith.constant 0 : i32
      %dma_start3A_55 = tpu.memref_slice %arg8[%dma_start3A_53, %dma_start3A_54] : memref<20x112xi32, #tpu.memory_space<vmem>> -> memref<1x112xi32, #tpu.memory_space<vmem>>
      %dma_start3A_56 = tpu.memref_squeeze %dma_start3A_55 : memref<1x112xi32, #tpu.memory_space<vmem>> -> memref<112xi32, #tpu.memory_space<vmem>>
      %dma_start3A_57 = arith.constant 0 : i32
      %dma_start3A_58 = arith.constant 0 : i32
      %dma_start3A_59 = tpu.memref_slice %arg2[%dma_start3A_57, %dma_start3A_58] : memref<20000x128xf32, #tpu.memory_space<hbm>> -> memref<20000x128xf32, #tpu.memory_space<hbm>>
      tpu.enqueue_indirect_dma source(%dma_start3A_59 : memref<20000x128xf32, #tpu.memory_space<hbm>>) target(%arg10 : memref<112x128xf32, #tpu.memory_space<vmem>>) offsets(%dma_start3A_56 : memref<112xi32, #tpu.memory_space<vmem>>) semaphore(%arg13 : memref<!tpu.dma_semaphore, #tpu.memory_space<semaphore_mem>>)
      %dma_wait3A_60 = arith.constant 1 : i32
      %dma_wait3A_61 = arith.constant 0 : i32
      %dma_wait3A_62 = tpu.memref_slice %arg8[%dma_wait3A_60, %dma_wait3A_61] : memref<20x112xi32, #tpu.memory_space<vmem>> -> memref<1x112xi32, #tpu.memory_space<vmem>>
      %dma_wait3A_63 = tpu.memref_squeeze %dma_wait3A_62 : memref<1x112xi32, #tpu.memory_space<vmem>> -> memref<112xi32, #tpu.memory_space<vmem>>
      %dma_wait3A_64 = arith.constant 0 : i32
      %dma_wait3A_65 = arith.constant 0 : i32
      %dma_wait3A_66 = tpu.memref_slice %arg2[%dma_wait3A_64, %dma_wait3A_65] : memref<20000x128xf32, #tpu.memory_space<hbm>> -> memref<20000x128xf32, #tpu.memory_space<hbm>>
      tpu.wait_indirect_dma semaphore(%arg14 : memref<!tpu.dma_semaphore, #tpu.memory_space<semaphore_mem>>) src(%dma_wait3A_66 : memref<20000x128xf32, #tpu.memory_space<hbm>>) dst(%arg11 : memref<112x128xf32, #tpu.memory_space<vmem>>)
      %dma_start3A_67 = arith.constant 1 : i32
      %dma_start3A_68 = arith.constant 0 : i32
      %dma_start3A_69 = tpu.memref_slice %arg9[%dma_start3A_67, %dma_start3A_68] : memref<20x112xi32, #tpu.memory_space<vmem>> -> memref<1x112xi32, #tpu.memory_space<vmem>>
      %dma_start3A_70 = tpu.memref_squeeze %dma_start3A_69 : memref<1x112xi32, #tpu.memory_space<vmem>> -> memref<112xi32, #tpu.memory_space<vmem>>
      %dma_start3A_71 = arith.constant 0 : i32
      %dma_start3A_72 = arith.constant 0 : i32
      %dma_start3A_73 = tpu.memref_slice %arg7[%dma_start3A_71, %dma_start3A_72] : memref<10112x128xf32, #tpu.memory_space<vmem_shared>> -> memref<10112x128xf32, #tpu.memory_space<vmem_shared>>
      tpu.enqueue_indirect_dma source(%arg11 : memref<112x128xf32, #tpu.memory_space<vmem>>) target(%dma_start3A_73 : memref<10112x128xf32, #tpu.memory_space<vmem_shared>>) offsets(%dma_start3A_70 : memref<112xi32, #tpu.memory_space<vmem>>) semaphore(%arg17 : memref<!tpu.dma_semaphore, #tpu.memory_space<semaphore_mem>>) {add = true}
      %dma_wait3A_74 = arith.constant 1 : i32
      %dma_wait3A_75 = arith.constant 0 : i32
      %dma_wait3A_76 = tpu.memref_slice %arg9[%dma_wait3A_74, %dma_wait3A_75] : memref<20x112xi32, #tpu.memory_space<vmem>> -> memref<1x112xi32, #tpu.memory_space<vmem>>
      %dma_wait3A_77 = tpu.memref_squeeze %dma_wait3A_76 : memref<1x112xi32, #tpu.memory_space<vmem>> -> memref<112xi32, #tpu.memory_space<vmem>>
      %dma_wait3A_78 = arith.constant 0 : i32
      %dma_wait3A_79 = arith.constant 0 : i32
      %dma_wait3A_80 = tpu.memref_slice %arg7[%dma_wait3A_78, %dma_wait3A_79] : memref<10112x128xf32, #tpu.memory_space<vmem_shared>> -> memref<10112x128xf32, #tpu.memory_space<vmem_shared>>
      tpu.wait_indirect_dma semaphore(%arg17 : memref<!tpu.dma_semaphore, #tpu.memory_space<semaphore_mem>>) src(%arg11 : memref<112x128xf32, #tpu.memory_space<vmem>>) dst(%dma_wait3A_80 : memref<10112x128xf32, #tpu.memory_space<vmem_shared>>)
      %dma_start3A_81 = arith.constant 4 : i32
      %dma_start3A_82 = arith.constant 0 : i32
      %dma_start3A_83 = tpu.memref_slice %arg8[%dma_start3A_81, %dma_start3A_82] : memref<20x112xi32, #tpu.memory_space<vmem>> -> memref<1x112xi32, #tpu.memory_space<vmem>>
      %dma_start3A_84 = tpu.memref_squeeze %dma_start3A_83 : memref<1x112xi32, #tpu.memory_space<vmem>> -> memref<112xi32, #tpu.memory_space<vmem>>
      %dma_start3A_85 = arith.constant 0 : i32
      %dma_start3A_86 = arith.constant 0 : i32
      %dma_start3A_87 = tpu.memref_slice %arg2[%dma_start3A_85, %dma_start3A_86] : memref<20000x128xf32, #tpu.memory_space<hbm>> -> memref<20000x128xf32, #tpu.memory_space<hbm>>
      tpu.enqueue_indirect_dma source(%dma_start3A_87 : memref<20000x128xf32, #tpu.memory_space<hbm>>) target(%arg11 : memref<112x128xf32, #tpu.memory_space<vmem>>) offsets(%dma_start3A_84 : memref<112xi32, #tpu.memory_space<vmem>>) semaphore(%arg14 : memref<!tpu.dma_semaphore, #tpu.memory_space<semaphore_mem>>)
      %dma_wait3A_88 = arith.constant 2 : i32
      %dma_wait3A_89 = arith.constant 0 : i32
      %dma_wait3A_90 = tpu.memref_slice %arg8[%dma_wait3A_88, %dma_wait3A_89] : memref<20x112xi32, #tpu.memory_space<vmem>> -> memref<1x112xi32, #tpu.memory_space<vmem>>
      %dma_wait3A_91 = tpu.memref_squeeze %dma_wait3A_90 : memref<1x112xi32, #tpu.memory_space<vmem>> -> memref<112xi32, #tpu.memory_space<vmem>>
      %dma_wait3A_92 = arith.constant 0 : i32
      %dma_wait3A_93 = arith.constant 0 : i32
      %dma_wait3A_94 = tpu.memref_slice %arg2[%dma_wait3A_92, %dma_wait3A_93] : memref<20000x128xf32, #tpu.memory_space<hbm>> -> memref<20000x128xf32, #tpu.memory_space<hbm>>
      tpu.wait_indirect_dma semaphore(%arg15 : memref<!tpu.dma_semaphore, #tpu.memory_space<semaphore_mem>>) src(%dma_wait3A_94 : memref<20000x128xf32, #tpu.memory_space<hbm>>) dst(%arg12 : memref<112x128xf32, #tpu.memory_space<vmem>>)
      %dma_start3A_95 = arith.constant 2 : i32
      %dma_start3A_96 = arith.constant 0 : i32
      %dma_start3A_97 = tpu.memref_slice %arg9[%dma_start3A_95, %dma_start3A_96] : memref<20x112xi32, #tpu.memory_space<vmem>> -> memref<1x112xi32, #tpu.memory_space<vmem>>
      %dma_start3A_98 = tpu.memref_squeeze %dma_start3A_97 : memref<1x112xi32, #tpu.memory_space<vmem>> -> memref<112xi32, #tpu.memory_space<vmem>>
      %dma_start3A_99 = arith.constant 0 : i32
      %dma_start3A_100 = arith.constant 0 : i32
      %dma_start3A_101 = tpu.memref_slice %arg7[%dma_start3A_99, %dma_start3A_100] : memref<10112x128xf32, #tpu.memory_space<vmem_shared>> -> memref<10112x128xf32, #tpu.memory_space<vmem_shared>>
      tpu.enqueue_indirect_dma source(%arg12 : memref<112x128xf32, #tpu.memory_space<vmem>>) target(%dma_start3A_101 : memref<10112x128xf32, #tpu.memory_space<vmem_shared>>) offsets(%dma_start3A_98 : memref<112xi32, #tpu.memory_space<vmem>>) semaphore(%arg18 : memref<!tpu.dma_semaphore, #tpu.memory_space<semaphore_mem>>) {add = true}
      %dma_wait3A_102 = arith.constant 2 : i32
      %dma_wait3A_103 = arith.constant 0 : i32
      %dma_wait3A_104 = tpu.memref_slice %arg9[%dma_wait3A_102, %dma_wait3A_103] : memref<20x112xi32, #tpu.memory_space<vmem>> -> memref<1x112xi32, #tpu.memory_space<vmem>>
      %dma_wait3A_105 = tpu.memref_squeeze %dma_wait3A_104 : memref<1x112xi32, #tpu.memory_space<vmem>> -> memref<112xi32, #tpu.memory_space<vmem>>
      %dma_wait3A_106 = arith.constant 0 : i32
      %dma_wait3A_107 = arith.constant 0 : i32
      %dma_wait3A_108 = tpu.memref_slice %arg7[%dma_wait3A_106, %dma_wait3A_107] : memref<10112x128xf32, #tpu.memory_space<vmem_shared>> -> memref<10112x128xf32, #tpu.memory_space<vmem_shared>>
      tpu.wait_indirect_dma semaphore(%arg18 : memref<!tpu.dma_semaphore, #tpu.memory_space<semaphore_mem>>) src(%arg12 : memref<112x128xf32, #tpu.memory_space<vmem>>) dst(%dma_wait3A_108 : memref<10112x128xf32, #tpu.memory_space<vmem_shared>>)
      %dma_start3A_109 = arith.constant 5 : i32
      %dma_start3A_110 = arith.constant 0 : i32
      %dma_start3A_111 = tpu.memref_slice %arg8[%dma_start3A_109, %dma_start3A_110] : memref<20x112xi32, #tpu.memory_space<vmem>> -> memref<1x112xi32, #tpu.memory_space<vmem>>
      %dma_start3A_112 = tpu.memref_squeeze %dma_start3A_111 : memref<1x112xi32, #tpu.memory_space<vmem>> -> memref<112xi32, #tpu.memory_space<vmem>>
      %dma_start3A_113 = arith.constant 0 : i32
      %dma_start3A_114 = arith.constant 0 : i32
      %dma_start3A_115 = tpu.memref_slice %arg2[%dma_start3A_113, %dma_start3A_114] : memref<20000x128xf32, #tpu.memory_space<hbm>> -> memref<20000x128xf32, #tpu.memory_space<hbm>>
      tpu.enqueue_indirect_dma source(%dma_start3A_115 : memref<20000x128xf32, #tpu.memory_space<hbm>>) target(%arg12 : memref<112x128xf32, #tpu.memory_space<vmem>>) offsets(%dma_start3A_112 : memref<112xi32, #tpu.memory_space<vmem>>) semaphore(%arg15 : memref<!tpu.dma_semaphore, #tpu.memory_space<semaphore_mem>>)
      %dma_wait3A_116 = arith.constant 3 : i32
      %dma_wait3A_117 = arith.constant 0 : i32
      %dma_wait3A_118 = tpu.memref_slice %arg8[%dma_wait3A_116, %dma_wait3A_117] : memref<20x112xi32, #tpu.memory_space<vmem>> -> memref<1x112xi32, #tpu.memory_space<vmem>>
      %dma_wait3A_119 = tpu.memref_squeeze %dma_wait3A_118 : memref<1x112xi32, #tpu.memory_space<vmem>> -> memref<112xi32, #tpu.memory_space<vmem>>
      %dma_wait3A_120 = arith.constant 0 : i32
      %dma_wait3A_121 = arith.constant 0 : i32
      %dma_wait3A_122 = tpu.memref_slice %arg2[%dma_wait3A_120, %dma_wait3A_121] : memref<20000x128xf32, #tpu.memory_space<hbm>> -> memref<20000x128xf32, #tpu.memory_space<hbm>>
      tpu.wait_indirect_dma semaphore(%arg13 : memref<!tpu.dma_semaphore, #tpu.memory_space<semaphore_mem>>) src(%dma_wait3A_122 : memref<20000x128xf32, #tpu.memory_space<hbm>>) dst(%arg10 : memref<112x128xf32, #tpu.memory_space<vmem>>)
      %dma_start3A_123 = arith.constant 3 : i32
      %dma_start3A_124 = arith.constant 0 : i32
      %dma_start3A_125 = tpu.memref_slice %arg9[%dma_start3A_123, %dma_start3A_124] : memref<20x112xi32, #tpu.memory_space<vmem>> -> memref<1x112xi32, #tpu.memory_space<vmem>>
      %dma_start3A_126 = tpu.memref_squeeze %dma_start3A_125 : memref<1x112xi32, #tpu.memory_space<vmem>> -> memref<112xi32, #tpu.memory_space<vmem>>
      %dma_start3A_127 = arith.constant 0 : i32
      %dma_start3A_128 = arith.constant 0 : i32
      %dma_start3A_129 = tpu.memref_slice %arg7[%dma_start3A_127, %dma_start3A_128] : memref<10112x128xf32, #tpu.memory_space<vmem_shared>> -> memref<10112x128xf32, #tpu.memory_space<vmem_shared>>
      tpu.enqueue_indirect_dma source(%arg10 : memref<112x128xf32, #tpu.memory_space<vmem>>) target(%dma_start3A_129 : memref<10112x128xf32, #tpu.memory_space<vmem_shared>>) offsets(%dma_start3A_126 : memref<112xi32, #tpu.memory_space<vmem>>) semaphore(%arg16 : memref<!tpu.dma_semaphore, #tpu.memory_space<semaphore_mem>>) {add = true}
      %dma_wait3A_130 = arith.constant 3 : i32
      %dma_wait3A_131 = arith.constant 0 : i32
      %dma_wait3A_132 = tpu.memref_slice %arg9[%dma_wait3A_130, %dma_wait3A_131] : memref<20x112xi32, #tpu.memory_space<vmem>> -> memref<1x112xi32, #tpu.memory_space<vmem>>
      %dma_wait3A_133 = tpu.memref_squeeze %dma_wait3A_132 : memref<1x112xi32, #tpu.memory_space<vmem>> -> memref<112xi32, #tpu.memory_space<vmem>>
      %dma_wait3A_134 = arith.constant 0 : i32
      %dma_wait3A_135 = arith.constant 0 : i32
      %dma_wait3A_136 = tpu.memref_slice %arg7[%dma_wait3A_134, %dma_wait3A_135] : memref<10112x128xf32, #tpu.memory_space<vmem_shared>> -> memref<10112x128xf32, #tpu.memory_space<vmem_shared>>
      tpu.wait_indirect_dma semaphore(%arg16 : memref<!tpu.dma_semaphore, #tpu.memory_space<semaphore_mem>>) src(%arg10 : memref<112x128xf32, #tpu.memory_space<vmem>>) dst(%dma_wait3A_136 : memref<10112x128xf32, #tpu.memory_space<vmem_shared>>)
      %dma_start3A_137 = arith.constant 6 : i32
      %dma_start3A_138 = arith.constant 0 : i32
      %dma_start3A_139 = tpu.memref_slice %arg8[%dma_start3A_137, %dma_start3A_138] : memref<20x112xi32, #tpu.memory_space<vmem>> -> memref<1x112xi32, #tpu.memory_space<vmem>>
      %dma_start3A_140 = tpu.memref_squeeze %dma_start3A_139 : memref<1x112xi32, #tpu.memory_space<vmem>> -> memref<112xi32, #tpu.memory_space<vmem>>
      %dma_start3A_141 = arith.constant 0 : i32
      %dma_start3A_142 = arith.constant 0 : i32
      %dma_start3A_143 = tpu.memref_slice %arg2[%dma_start3A_141, %dma_start3A_142] : memref<20000x128xf32, #tpu.memory_space<hbm>> -> memref<20000x128xf32, #tpu.memory_space<hbm>>
      tpu.enqueue_indirect_dma source(%dma_start3A_143 : memref<20000x128xf32, #tpu.memory_space<hbm>>) target(%arg10 : memref<112x128xf32, #tpu.memory_space<vmem>>) offsets(%dma_start3A_140 : memref<112xi32, #tpu.memory_space<vmem>>) semaphore(%arg13 : memref<!tpu.dma_semaphore, #tpu.memory_space<semaphore_mem>>)
      %dma_wait3A_144 = arith.constant 4 : i32
      %dma_wait3A_145 = arith.constant 0 : i32
      %dma_wait3A_146 = tpu.memref_slice %arg8[%dma_wait3A_144, %dma_wait3A_145] : memref<20x112xi32, #tpu.memory_space<vmem>> -> memref<1x112xi32, #tpu.memory_space<vmem>>
      %dma_wait3A_147 = tpu.memref_squeeze %dma_wait3A_146 : memref<1x112xi32, #tpu.memory_space<vmem>> -> memref<112xi32, #tpu.memory_space<vmem>>
      %dma_wait3A_148 = arith.constant 0 : i32
      %dma_wait3A_149 = arith.constant 0 : i32
      %dma_wait3A_150 = tpu.memref_slice %arg2[%dma_wait3A_148, %dma_wait3A_149] : memref<20000x128xf32, #tpu.memory_space<hbm>> -> memref<20000x128xf32, #tpu.memory_space<hbm>>
      tpu.wait_indirect_dma semaphore(%arg14 : memref<!tpu.dma_semaphore, #tpu.memory_space<semaphore_mem>>) src(%dma_wait3A_150 : memref<20000x128xf32, #tpu.memory_space<hbm>>) dst(%arg11 : memref<112x128xf32, #tpu.memory_space<vmem>>)
      %dma_start3A_151 = arith.constant 4 : i32
      %dma_start3A_152 = arith.constant 0 : i32
      %dma_start3A_153 = tpu.memref_slice %arg9[%dma_start3A_151, %dma_start3A_152] : memref<20x112xi32, #tpu.memory_space<vmem>> -> memref<1x112xi32, #tpu.memory_space<vmem>>
      %dma_start3A_154 = tpu.memref_squeeze %dma_start3A_153 : memref<1x112xi32, #tpu.memory_space<vmem>> -> memref<112xi32, #tpu.memory_space<vmem>>
      %dma_start3A_155 = arith.constant 0 : i32
      %dma_start3A_156 = arith.constant 0 : i32
      %dma_start3A_157 = tpu.memref_slice %arg7[%dma_start3A_155, %dma_start3A_156] : memref<10112x128xf32, #tpu.memory_space<vmem_shared>> -> memref<10112x128xf32, #tpu.memory_space<vmem_shared>>
      tpu.enqueue_indirect_dma source(%arg11 : memref<112x128xf32, #tpu.memory_space<vmem>>) target(%dma_start3A_157 : memref<10112x128xf32, #tpu.memory_space<vmem_shared>>) offsets(%dma_start3A_154 : memref<112xi32, #tpu.memory_space<vmem>>) semaphore(%arg17 : memref<!tpu.dma_semaphore, #tpu.memory_space<semaphore_mem>>) {add = true}
      %dma_wait3A_158 = arith.constant 4 : i32
      %dma_wait3A_159 = arith.constant 0 : i32
      %dma_wait3A_160 = tpu.memref_slice %arg9[%dma_wait3A_158, %dma_wait3A_159] : memref<20x112xi32, #tpu.memory_space<vmem>> -> memref<1x112xi32, #tpu.memory_space<vmem>>
      %dma_wait3A_161 = tpu.memref_squeeze %dma_wait3A_160 : memref<1x112xi32, #tpu.memory_space<vmem>> -> memref<112xi32, #tpu.memory_space<vmem>>
      %dma_wait3A_162 = arith.constant 0 : i32
      %dma_wait3A_163 = arith.constant 0 : i32
      %dma_wait3A_164 = tpu.memref_slice %arg7[%dma_wait3A_162, %dma_wait3A_163] : memref<10112x128xf32, #tpu.memory_space<vmem_shared>> -> memref<10112x128xf32, #tpu.memory_space<vmem_shared>>
      tpu.wait_indirect_dma semaphore(%arg17 : memref<!tpu.dma_semaphore, #tpu.memory_space<semaphore_mem>>) src(%arg11 : memref<112x128xf32, #tpu.memory_space<vmem>>) dst(%dma_wait3A_164 : memref<10112x128xf32, #tpu.memory_space<vmem_shared>>)
      %dma_start3A_165 = arith.constant 7 : i32
      %dma_start3A_166 = arith.constant 0 : i32
      %dma_start3A_167 = tpu.memref_slice %arg8[%dma_start3A_165, %dma_start3A_166] : memref<20x112xi32, #tpu.memory_space<vmem>> -> memref<1x112xi32, #tpu.memory_space<vmem>>
      %dma_start3A_168 = tpu.memref_squeeze %dma_start3A_167 : memref<1x112xi32, #tpu.memory_space<vmem>> -> memref<112xi32, #tpu.memory_space<vmem>>
      %dma_start3A_169 = arith.constant 0 : i32
      %dma_start3A_170 = arith.constant 0 : i32
      %dma_start3A_171 = tpu.memref_slice %arg2[%dma_start3A_169, %dma_start3A_170] : memref<20000x128xf32, #tpu.memory_space<hbm>> -> memref<20000x128xf32, #tpu.memory_space<hbm>>
      tpu.enqueue_indirect_dma source(%dma_start3A_171 : memref<20000x128xf32, #tpu.memory_space<hbm>>) target(%arg11 : memref<112x128xf32, #tpu.memory_space<vmem>>) offsets(%dma_start3A_168 : memref<112xi32, #tpu.memory_space<vmem>>) semaphore(%arg14 : memref<!tpu.dma_semaphore, #tpu.memory_space<semaphore_mem>>)
      %dma_wait3A_172 = arith.constant 5 : i32
      %dma_wait3A_173 = arith.constant 0 : i32
      %dma_wait3A_174 = tpu.memref_slice %arg8[%dma_wait3A_172, %dma_wait3A_173] : memref<20x112xi32, #tpu.memory_space<vmem>> -> memref<1x112xi32, #tpu.memory_space<vmem>>
      %dma_wait3A_175 = tpu.memref_squeeze %dma_wait3A_174 : memref<1x112xi32, #tpu.memory_space<vmem>> -> memref<112xi32, #tpu.memory_space<vmem>>
      %dma_wait3A_176 = arith.constant 0 : i32
      %dma_wait3A_177 = arith.constant 0 : i32
      %dma_wait3A_178 = tpu.memref_slice %arg2[%dma_wait3A_176, %dma_wait3A_177] : memref<20000x128xf32, #tpu.memory_space<hbm>> -> memref<20000x128xf32, #tpu.memory_space<hbm>>
      tpu.wait_indirect_dma semaphore(%arg15 : memref<!tpu.dma_semaphore, #tpu.memory_space<semaphore_mem>>) src(%dma_wait3A_178 : memref<20000x128xf32, #tpu.memory_space<hbm>>) dst(%arg12 : memref<112x128xf32, #tpu.memory_space<vmem>>)
      %dma_start3A_179 = arith.constant 5 : i32
      %dma_start3A_180 = arith.constant 0 : i32
      %dma_start3A_181 = tpu.memref_slice %arg9[%dma_start3A_179, %dma_start3A_180] : memref<20x112xi32, #tpu.memory_space<vmem>> -> memref<1x112xi32, #tpu.memory_space<vmem>>
      %dma_start3A_182 = tpu.memref_squeeze %dma_start3A_181 : memref<1x112xi32, #tpu.memory_space<vmem>> -> memref<112xi32, #tpu.memory_space<vmem>>
      %dma_start3A_183 = arith.constant 0 : i32
      %dma_start3A_184 = arith.constant 0 : i32
      %dma_start3A_185 = tpu.memref_slice %arg7[%dma_start3A_183, %dma_start3A_184] : memref<10112x128xf32, #tpu.memory_space<vmem_shared>> -> memref<10112x128xf32, #tpu.memory_space<vmem_shared>>
      tpu.enqueue_indirect_dma source(%arg12 : memref<112x128xf32, #tpu.memory_space<vmem>>) target(%dma_start3A_185 : memref<10112x128xf32, #tpu.memory_space<vmem_shared>>) offsets(%dma_start3A_182 : memref<112xi32, #tpu.memory_space<vmem>>) semaphore(%arg18 : memref<!tpu.dma_semaphore, #tpu.memory_space<semaphore_mem>>) {add = true}
      %dma_wait3A_186 = arith.constant 5 : i32
      %dma_wait3A_187 = arith.constant 0 : i32
      %dma_wait3A_188 = tpu.memref_slice %arg9[%dma_wait3A_186, %dma_wait3A_187] : memref<20x112xi32, #tpu.memory_space<vmem>> -> memref<1x112xi32, #tpu.memory_space<vmem>>
      %dma_wait3A_189 = tpu.memref_squeeze %dma_wait3A_188 : memref<1x112xi32, #tpu.memory_space<vmem>> -> memref<112xi32, #tpu.memory_space<vmem>>
      %dma_wait3A_190 = arith.constant 0 : i32
      %dma_wait3A_191 = arith.constant 0 : i32
      %dma_wait3A_192 = tpu.memref_slice %arg7[%dma_wait3A_190, %dma_wait3A_191] : memref<10112x128xf32, #tpu.memory_space<vmem_shared>> -> memref<10112x128xf32, #tpu.memory_space<vmem_shared>>
      tpu.wait_indirect_dma semaphore(%arg18 : memref<!tpu.dma_semaphore, #tpu.memory_space<semaphore_mem>>) src(%arg12 : memref<112x128xf32, #tpu.memory_space<vmem>>) dst(%dma_wait3A_192 : memref<10112x128xf32, #tpu.memory_space<vmem_shared>>)
      %dma_start3A_193 = arith.constant 8 : i32
      %dma_start3A_194 = arith.constant 0 : i32
      %dma_start3A_195 = tpu.memref_slice %arg8[%dma_start3A_193, %dma_start3A_194] : memref<20x112xi32, #tpu.memory_space<vmem>> -> memref<1x112xi32, #tpu.memory_space<vmem>>
      %dma_start3A_196 = tpu.memref_squeeze %dma_start3A_195 : memref<1x112xi32, #tpu.memory_space<vmem>> -> memref<112xi32, #tpu.memory_space<vmem>>
      %dma_start3A_197 = arith.constant 0 : i32
      %dma_start3A_198 = arith.constant 0 : i32
      %dma_start3A_199 = tpu.memref_slice %arg2[%dma_start3A_197, %dma_start3A_198] : memref<20000x128xf32, #tpu.memory_space<hbm>> -> memref<20000x128xf32, #tpu.memory_space<hbm>>
      tpu.enqueue_indirect_dma source(%dma_start3A_199 : memref<20000x128xf32, #tpu.memory_space<hbm>>) target(%arg12 : memref<112x128xf32, #tpu.memory_space<vmem>>) offsets(%dma_start3A_196 : memref<112xi32, #tpu.memory_space<vmem>>) semaphore(%arg15 : memref<!tpu.dma_semaphore, #tpu.memory_space<semaphore_mem>>)
      %dma_wait3A_200 = arith.constant 6 : i32
      %dma_wait3A_201 = arith.constant 0 : i32
      %dma_wait3A_202 = tpu.memref_slice %arg8[%dma_wait3A_200, %dma_wait3A_201] : memref<20x112xi32, #tpu.memory_space<vmem>> -> memref<1x112xi32, #tpu.memory_space<vmem>>
      %dma_wait3A_203 = tpu.memref_squeeze %dma_wait3A_202 : memref<1x112xi32, #tpu.memory_space<vmem>> -> memref<112xi32, #tpu.memory_space<vmem>>
      %dma_wait3A_204 = arith.constant 0 : i32
      %dma_wait3A_205 = arith.constant 0 : i32
      %dma_wait3A_206 = tpu.memref_slice %arg2[%dma_wait3A_204, %dma_wait3A_205] : memref<20000x128xf32, #tpu.memory_space<hbm>> -> memref<20000x128xf32, #tpu.memory_space<hbm>>
      tpu.wait_indirect_dma semaphore(%arg13 : memref<!tpu.dma_semaphore, #tpu.memory_space<semaphore_mem>>) src(%dma_wait3A_206 : memref<20000x128xf32, #tpu.memory_space<hbm>>) dst(%arg10 : memref<112x128xf32, #tpu.memory_space<vmem>>)
      %dma_start3A_207 = arith.constant 6 : i32
      %dma_start3A_208 = arith.constant 0 : i32
      %dma_start3A_209 = tpu.memref_slice %arg9[%dma_start3A_207, %dma_start3A_208] : memref<20x112xi32, #tpu.memory_space<vmem>> -> memref<1x112xi32, #tpu.memory_space<vmem>>
      %dma_start3A_210 = tpu.memref_squeeze %dma_start3A_209 : memref<1x112xi32, #tpu.memory_space<vmem>> -> memref<112xi32, #tpu.memory_space<vmem>>
      %dma_start3A_211 = arith.constant 0 : i32
      %dma_start3A_212 = arith.constant 0 : i32
      %dma_start3A_213 = tpu.memref_slice %arg7[%dma_start3A_211, %dma_start3A_212] : memref<10112x128xf32, #tpu.memory_space<vmem_shared>> -> memref<10112x128xf32, #tpu.memory_space<vmem_shared>>
      tpu.enqueue_indirect_dma source(%arg10 : memref<112x128xf32, #tpu.memory_space<vmem>>) target(%dma_start3A_213 : memref<10112x128xf32, #tpu.memory_space<vmem_shared>>) offsets(%dma_start3A_210 : memref<112xi32, #tpu.memory_space<vmem>>) semaphore(%arg16 : memref<!tpu.dma_semaphore, #tpu.memory_space<semaphore_mem>>) {add = true}
      %dma_wait3A_214 = arith.constant 6 : i32
      %dma_wait3A_215 = arith.constant 0 : i32
      %dma_wait3A_216 = tpu.memref_slice %arg9[%dma_wait3A_214, %dma_wait3A_215] : memref<20x112xi32, #tpu.memory_space<vmem>> -> memref<1x112xi32, #tpu.memory_space<vmem>>
      %dma_wait3A_217 = tpu.memref_squeeze %dma_wait3A_216 : memref<1x112xi32, #tpu.memory_space<vmem>> -> memref<112xi32, #tpu.memory_space<vmem>>
      %dma_wait3A_218 = arith.constant 0 : i32
      %dma_wait3A_219 = arith.constant 0 : i32
      %dma_wait3A_220 = tpu.memref_slice %arg7[%dma_wait3A_218, %dma_wait3A_219] : memref<10112x128xf32, #tpu.memory_space<vmem_shared>> -> memref<10112x128xf32, #tpu.memory_space<vmem_shared>>
      tpu.wait_indirect_dma semaphore(%arg16 : memref<!tpu.dma_semaphore, #tpu.memory_space<semaphore_mem>>) src(%arg10 : memref<112x128xf32, #tpu.memory_space<vmem>>) dst(%dma_wait3A_220 : memref<10112x128xf32, #tpu.memory_space<vmem_shared>>)
      %dma_start3A_221 = arith.constant 9 : i32
      %dma_start3A_222 = arith.constant 0 : i32
      %dma_start3A_223 = tpu.memref_slice %arg8[%dma_start3A_221, %dma_start3A_222] : memref<20x112xi32, #tpu.memory_space<vmem>> -> memref<1x112xi32, #tpu.memory_space<vmem>>
      %dma_start3A_224 = tpu.memref_squeeze %dma_start3A_223 : memref<1x112xi32, #tpu.memory_space<vmem>> -> memref<112xi32, #tpu.memory_space<vmem>>
      %dma_start3A_225 = arith.constant 0 : i32
      %dma_start3A_226 = arith.constant 0 : i32
      %dma_start3A_227 = tpu.memref_slice %arg2[%dma_start3A_225, %dma_start3A_226] : memref<20000x128xf32, #tpu.memory_space<hbm>> -> memref<20000x128xf32, #tpu.memory_space<hbm>>
      tpu.enqueue_indirect_dma source(%dma_start3A_227 : memref<20000x128xf32, #tpu.memory_space<hbm>>) target(%arg10 : memref<112x128xf32, #tpu.memory_space<vmem>>) offsets(%dma_start3A_224 : memref<112xi32, #tpu.memory_space<vmem>>) semaphore(%arg13 : memref<!tpu.dma_semaphore, #tpu.memory_space<semaphore_mem>>)
      %dma_wait3A_228 = arith.constant 7 : i32
      %dma_wait3A_229 = arith.constant 0 : i32
      %dma_wait3A_230 = tpu.memref_slice %arg8[%dma_wait3A_228, %dma_wait3A_229] : memref<20x112xi32, #tpu.memory_space<vmem>> -> memref<1x112xi32, #tpu.memory_space<vmem>>
      %dma_wait3A_231 = tpu.memref_squeeze %dma_wait3A_230 : memref<1x112xi32, #tpu.memory_space<vmem>> -> memref<112xi32, #tpu.memory_space<vmem>>
      %dma_wait3A_232 = arith.constant 0 : i32
      %dma_wait3A_233 = arith.constant 0 : i32
      %dma_wait3A_234 = tpu.memref_slice %arg2[%dma_wait3A_232, %dma_wait3A_233] : memref<20000x128xf32, #tpu.memory_space<hbm>> -> memref<20000x128xf32, #tpu.memory_space<hbm>>
      tpu.wait_indirect_dma semaphore(%arg14 : memref<!tpu.dma_semaphore, #tpu.memory_space<semaphore_mem>>) src(%dma_wait3A_234 : memref<20000x128xf32, #tpu.memory_space<hbm>>) dst(%arg11 : memref<112x128xf32, #tpu.memory_space<vmem>>)
      %dma_start3A_235 = arith.constant 7 : i32
      %dma_start3A_236 = arith.constant 0 : i32
      %dma_start3A_237 = tpu.memref_slice %arg9[%dma_start3A_235, %dma_start3A_236] : memref<20x112xi32, #tpu.memory_space<vmem>> -> memref<1x112xi32, #tpu.memory_space<vmem>>
      %dma_start3A_238 = tpu.memref_squeeze %dma_start3A_237 : memref<1x112xi32, #tpu.memory_space<vmem>> -> memref<112xi32, #tpu.memory_space<vmem>>
      %dma_start3A_239 = arith.constant 0 : i32
      %dma_start3A_240 = arith.constant 0 : i32
      %dma_start3A_241 = tpu.memref_slice %arg7[%dma_start3A_239, %dma_start3A_240] : memref<10112x128xf32, #tpu.memory_space<vmem_shared>> -> memref<10112x128xf32, #tpu.memory_space<vmem_shared>>
      tpu.enqueue_indirect_dma source(%arg11 : memref<112x128xf32, #tpu.memory_space<vmem>>) target(%dma_start3A_241 : memref<10112x128xf32, #tpu.memory_space<vmem_shared>>) offsets(%dma_start3A_238 : memref<112xi32, #tpu.memory_space<vmem>>) semaphore(%arg17 : memref<!tpu.dma_semaphore, #tpu.memory_space<semaphore_mem>>) {add = true}
      %dma_wait3A_242 = arith.constant 7 : i32
      %dma_wait3A_243 = arith.constant 0 : i32
      %dma_wait3A_244 = tpu.memref_slice %arg9[%dma_wait3A_242, %dma_wait3A_243] : memref<20x112xi32, #tpu.memory_space<vmem>> -> memref<1x112xi32, #tpu.memory_space<vmem>>
      %dma_wait3A_245 = tpu.memref_squeeze %dma_wait3A_244 : memref<1x112xi32, #tpu.memory_space<vmem>> -> memref<112xi32, #tpu.memory_space<vmem>>
      %dma_wait3A_246 = arith.constant 0 : i32
      %dma_wait3A_247 = arith.constant 0 : i32
      %dma_wait3A_248 = tpu.memref_slice %arg7[%dma_wait3A_246, %dma_wait3A_247] : memref<10112x128xf32, #tpu.memory_space<vmem_shared>> -> memref<10112x128xf32, #tpu.memory_space<vmem_shared>>
      tpu.wait_indirect_dma semaphore(%arg17 : memref<!tpu.dma_semaphore, #tpu.memory_space<semaphore_mem>>) src(%arg11 : memref<112x128xf32, #tpu.memory_space<vmem>>) dst(%dma_wait3A_248 : memref<10112x128xf32, #tpu.memory_space<vmem_shared>>)
      %dma_start3A_249 = arith.constant 10 : i32
      %dma_start3A_250 = arith.constant 0 : i32
      %dma_start3A_251 = tpu.memref_slice %arg8[%dma_start3A_249, %dma_start3A_250] : memref<20x112xi32, #tpu.memory_space<vmem>> -> memref<1x112xi32, #tpu.memory_space<vmem>>
      %dma_start3A_252 = tpu.memref_squeeze %dma_start3A_251 : memref<1x112xi32, #tpu.memory_space<vmem>> -> memref<112xi32, #tpu.memory_space<vmem>>
      %dma_start3A_253 = arith.constant 0 : i32
      %dma_start3A_254 = arith.constant 0 : i32
      %dma_start3A_255 = tpu.memref_slice %arg2[%dma_start3A_253, %dma_start3A_254] : memref<20000x128xf32, #tpu.memory_space<hbm>> -> memref<20000x128xf32, #tpu.memory_space<hbm>>
      tpu.enqueue_indirect_dma source(%dma_start3A_255 : memref<20000x128xf32, #tpu.memory_space<hbm>>) target(%arg11 : memref<112x128xf32, #tpu.memory_space<vmem>>) offsets(%dma_start3A_252 : memref<112xi32, #tpu.memory_space<vmem>>) semaphore(%arg14 : memref<!tpu.dma_semaphore, #tpu.memory_space<semaphore_mem>>)
      %dma_wait3A_256 = arith.constant 8 : i32
      %dma_wait3A_257 = arith.constant 0 : i32
      %dma_wait3A_258 = tpu.memref_slice %arg8[%dma_wait3A_256, %dma_wait3A_257] : memref<20x112xi32, #tpu.memory_space<vmem>> -> memref<1x112xi32, #tpu.memory_space<vmem>>
      %dma_wait3A_259 = tpu.memref_squeeze %dma_wait3A_258 : memref<1x112xi32, #tpu.memory_space<vmem>> -> memref<112xi32, #tpu.memory_space<vmem>>
      %dma_wait3A_260 = arith.constant 0 : i32
      %dma_wait3A_261 = arith.constant 0 : i32
      %dma_wait3A_262 = tpu.memref_slice %arg2[%dma_wait3A_260, %dma_wait3A_261] : memref<20000x128xf32, #tpu.memory_space<hbm>> -> memref<20000x128xf32, #tpu.memory_space<hbm>>
      tpu.wait_indirect_dma semaphore(%arg15 : memref<!tpu.dma_semaphore, #tpu.memory_space<semaphore_mem>>) src(%dma_wait3A_262 : memref<20000x128xf32, #tpu.memory_space<hbm>>) dst(%arg12 : memref<112x128xf32, #tpu.memory_space<vmem>>)
      %dma_start3A_263 = arith.constant 8 : i32
      %dma_start3A_264 = arith.constant 0 : i32
      %dma_start3A_265 = tpu.memref_slice %arg9[%dma_start3A_263, %dma_start3A_264] : memref<20x112xi32, #tpu.memory_space<vmem>> -> memref<1x112xi32, #tpu.memory_space<vmem>>
      %dma_start3A_266 = tpu.memref_squeeze %dma_start3A_265 : memref<1x112xi32, #tpu.memory_space<vmem>> -> memref<112xi32, #tpu.memory_space<vmem>>
      %dma_start3A_267 = arith.constant 0 : i32
      %dma_start3A_268 = arith.constant 0 : i32
      %dma_start3A_269 = tpu.memref_slice %arg7[%dma_start3A_267, %dma_start3A_268] : memref<10112x128xf32, #tpu.memory_space<vmem_shared>> -> memref<10112x128xf32, #tpu.memory_space<vmem_shared>>
      tpu.enqueue_indirect_dma source(%arg12 : memref<112x128xf32, #tpu.memory_space<vmem>>) target(%dma_start3A_269 : memref<10112x128xf32, #tpu.memory_space<vmem_shared>>) offsets(%dma_start3A_266 : memref<112xi32, #tpu.memory_space<vmem>>) semaphore(%arg18 : memref<!tpu.dma_semaphore, #tpu.memory_space<semaphore_mem>>) {add = true}
      %dma_wait3A_270 = arith.constant 8 : i32
      %dma_wait3A_271 = arith.constant 0 : i32
      %dma_wait3A_272 = tpu.memref_slice %arg9[%dma_wait3A_270, %dma_wait3A_271] : memref<20x112xi32, #tpu.memory_space<vmem>> -> memref<1x112xi32, #tpu.memory_space<vmem>>
      %dma_wait3A_273 = tpu.memref_squeeze %dma_wait3A_272 : memref<1x112xi32, #tpu.memory_space<vmem>> -> memref<112xi32, #tpu.memory_space<vmem>>
      %dma_wait3A_274 = arith.constant 0 : i32
      %dma_wait3A_275 = arith.constant 0 : i32
      %dma_wait3A_276 = tpu.memref_slice %arg7[%dma_wait3A_274, %dma_wait3A_275] : memref<10112x128xf32, #tpu.memory_space<vmem_shared>> -> memref<10112x128xf32, #tpu.memory_space<vmem_shared>>
      tpu.wait_indirect_dma semaphore(%arg18 : memref<!tpu.dma_semaphore, #tpu.memory_space<semaphore_mem>>) src(%arg12 : memref<112x128xf32, #tpu.memory_space<vmem>>) dst(%dma_wait3A_276 : memref<10112x128xf32, #tpu.memory_space<vmem_shared>>)
      %dma_start3A_277 = arith.constant 11 : i32
      %dma_start3A_278 = arith.constant 0 : i32
      %dma_start3A_279 = tpu.memref_slice %arg8[%dma_start3A_277, %dma_start3A_278] : memref<20x112xi32, #tpu.memory_space<vmem>> -> memref<1x112xi32, #tpu.memory_space<vmem>>
      %dma_start3A_280 = tpu.memref_squeeze %dma_start3A_279 : memref<1x112xi32, #tpu.memory_space<vmem>> -> memref<112xi32, #tpu.memory_space<vmem>>
      %dma_start3A_281 = arith.constant 0 : i32
      %dma_start3A_282 = arith.constant 0 : i32
      %dma_start3A_283 = tpu.memref_slice %arg2[%dma_start3A_281, %dma_start3A_282] : memref<20000x128xf32, #tpu.memory_space<hbm>> -> memref<20000x128xf32, #tpu.memory_space<hbm>>
      tpu.enqueue_indirect_dma source(%dma_start3A_283 : memref<20000x128xf32, #tpu.memory_space<hbm>>) target(%arg12 : memref<112x128xf32, #tpu.memory_space<vmem>>) offsets(%dma_start3A_280 : memref<112xi32, #tpu.memory_space<vmem>>) semaphore(%arg15 : memref<!tpu.dma_semaphore, #tpu.memory_space<semaphore_mem>>)
      %dma_wait3A_284 = arith.constant 9 : i32
      %dma_wait3A_285 = arith.constant 0 : i32
      %dma_wait3A_286 = tpu.memref_slice %arg8[%dma_wait3A_284, %dma_wait3A_285] : memref<20x112xi32, #tpu.memory_space<vmem>> -> memref<1x112xi32, #tpu.memory_space<vmem>>
      %dma_wait3A_287 = tpu.memref_squeeze %dma_wait3A_286 : memref<1x112xi32, #tpu.memory_space<vmem>> -> memref<112xi32, #tpu.memory_space<vmem>>
      %dma_wait3A_288 = arith.constant 0 : i32
      %dma_wait3A_289 = arith.constant 0 : i32
      %dma_wait3A_290 = tpu.memref_slice %arg2[%dma_wait3A_288, %dma_wait3A_289] : memref<20000x128xf32, #tpu.memory_space<hbm>> -> memref<20000x128xf32, #tpu.memory_space<hbm>>
      tpu.wait_indirect_dma semaphore(%arg13 : memref<!tpu.dma_semaphore, #tpu.memory_space<semaphore_mem>>) src(%dma_wait3A_290 : memref<20000x128xf32, #tpu.memory_space<hbm>>) dst(%arg10 : memref<112x128xf32, #tpu.memory_space<vmem>>)
      %dma_start3A_291 = arith.constant 9 : i32
      %dma_start3A_292 = arith.constant 0 : i32
      %dma_start3A_293 = tpu.memref_slice %arg9[%dma_start3A_291, %dma_start3A_292] : memref<20x112xi32, #tpu.memory_space<vmem>> -> memref<1x112xi32, #tpu.memory_space<vmem>>
      %dma_start3A_294 = tpu.memref_squeeze %dma_start3A_293 : memref<1x112xi32, #tpu.memory_space<vmem>> -> memref<112xi32, #tpu.memory_space<vmem>>
      %dma_start3A_295 = arith.constant 0 : i32
      %dma_start3A_296 = arith.constant 0 : i32
      %dma_start3A_297 = tpu.memref_slice %arg7[%dma_start3A_295, %dma_start3A_296] : memref<10112x128xf32, #tpu.memory_space<vmem_shared>> -> memref<10112x128xf32, #tpu.memory_space<vmem_shared>>
      tpu.enqueue_indirect_dma source(%arg10 : memref<112x128xf32, #tpu.memory_space<vmem>>) target(%dma_start3A_297 : memref<10112x128xf32, #tpu.memory_space<vmem_shared>>) offsets(%dma_start3A_294 : memref<112xi32, #tpu.memory_space<vmem>>) semaphore(%arg16 : memref<!tpu.dma_semaphore, #tpu.memory_space<semaphore_mem>>) {add = true}
      %dma_wait3A_298 = arith.constant 9 : i32
      %dma_wait3A_299 = arith.constant 0 : i32
      %dma_wait3A_300 = tpu.memref_slice %arg9[%dma_wait3A_298, %dma_wait3A_299] : memref<20x112xi32, #tpu.memory_space<vmem>> -> memref<1x112xi32, #tpu.memory_space<vmem>>
      %dma_wait3A_301 = tpu.memref_squeeze %dma_wait3A_300 : memref<1x112xi32, #tpu.memory_space<vmem>> -> memref<112xi32, #tpu.memory_space<vmem>>
      %dma_wait3A_302 = arith.constant 0 : i32
      %dma_wait3A_303 = arith.constant 0 : i32
      %dma_wait3A_304 = tpu.memref_slice %arg7[%dma_wait3A_302, %dma_wait3A_303] : memref<10112x128xf32, #tpu.memory_space<vmem_shared>> -> memref<10112x128xf32, #tpu.memory_space<vmem_shared>>
      tpu.wait_indirect_dma semaphore(%arg16 : memref<!tpu.dma_semaphore, #tpu.memory_space<semaphore_mem>>) src(%arg10 : memref<112x128xf32, #tpu.memory_space<vmem>>) dst(%dma_wait3A_304 : memref<10112x128xf32, #tpu.memory_space<vmem_shared>>)
      %dma_start3A_305 = arith.constant 12 : i32
      %dma_start3A_306 = arith.constant 0 : i32
      %dma_start3A_307 = tpu.memref_slice %arg8[%dma_start3A_305, %dma_start3A_306] : memref<20x112xi32, #tpu.memory_space<vmem>> -> memref<1x112xi32, #tpu.memory_space<vmem>>
      %dma_start3A_308 = tpu.memref_squeeze %dma_start3A_307 : memref<1x112xi32, #tpu.memory_space<vmem>> -> memref<112xi32, #tpu.memory_space<vmem>>
      %dma_start3A_309 = arith.constant 0 : i32
      %dma_start3A_310 = arith.constant 0 : i32
      %dma_start3A_311 = tpu.memref_slice %arg2[%dma_start3A_309, %dma_start3A_310] : memref<20000x128xf32, #tpu.memory_space<hbm>> -> memref<20000x128xf32, #tpu.memory_space<hbm>>
      tpu.enqueue_indirect_dma source(%dma_start3A_311 : memref<20000x128xf32, #tpu.memory_space<hbm>>) target(%arg10 : memref<112x128xf32, #tpu.memory_space<vmem>>) offsets(%dma_start3A_308 : memref<112xi32, #tpu.memory_space<vmem>>) semaphore(%arg13 : memref<!tpu.dma_semaphore, #tpu.memory_space<semaphore_mem>>)
      %dma_wait3A_312 = arith.constant 10 : i32
      %dma_wait3A_313 = arith.constant 0 : i32
      %dma_wait3A_314 = tpu.memref_slice %arg8[%dma_wait3A_312, %dma_wait3A_313] : memref<20x112xi32, #tpu.memory_space<vmem>> -> memref<1x112xi32, #tpu.memory_space<vmem>>
      %dma_wait3A_315 = tpu.memref_squeeze %dma_wait3A_314 : memref<1x112xi32, #tpu.memory_space<vmem>> -> memref<112xi32, #tpu.memory_space<vmem>>
      %dma_wait3A_316 = arith.constant 0 : i32
      %dma_wait3A_317 = arith.constant 0 : i32
      %dma_wait3A_318 = tpu.memref_slice %arg2[%dma_wait3A_316, %dma_wait3A_317] : memref<20000x128xf32, #tpu.memory_space<hbm>> -> memref<20000x128xf32, #tpu.memory_space<hbm>>
      tpu.wait_indirect_dma semaphore(%arg14 : memref<!tpu.dma_semaphore, #tpu.memory_space<semaphore_mem>>) src(%dma_wait3A_318 : memref<20000x128xf32, #tpu.memory_space<hbm>>) dst(%arg11 : memref<112x128xf32, #tpu.memory_space<vmem>>)
      %dma_start3A_319 = arith.constant 10 : i32
      %dma_start3A_320 = arith.constant 0 : i32
      %dma_start3A_321 = tpu.memref_slice %arg9[%dma_start3A_319, %dma_start3A_320] : memref<20x112xi32, #tpu.memory_space<vmem>> -> memref<1x112xi32, #tpu.memory_space<vmem>>
      %dma_start3A_322 = tpu.memref_squeeze %dma_start3A_321 : memref<1x112xi32, #tpu.memory_space<vmem>> -> memref<112xi32, #tpu.memory_space<vmem>>
      %dma_start3A_323 = arith.constant 0 : i32
      %dma_start3A_324 = arith.constant 0 : i32
      %dma_start3A_325 = tpu.memref_slice %arg7[%dma_start3A_323, %dma_start3A_324] : memref<10112x128xf32, #tpu.memory_space<vmem_shared>> -> memref<10112x128xf32, #tpu.memory_space<vmem_shared>>
      tpu.enqueue_indirect_dma source(%arg11 : memref<112x128xf32, #tpu.memory_space<vmem>>) target(%dma_start3A_325 : memref<10112x128xf32, #tpu.memory_space<vmem_shared>>) offsets(%dma_start3A_322 : memref<112xi32, #tpu.memory_space<vmem>>) semaphore(%arg17 : memref<!tpu.dma_semaphore, #tpu.memory_space<semaphore_mem>>) {add = true}
      %dma_wait3A_326 = arith.constant 10 : i32
      %dma_wait3A_327 = arith.constant 0 : i32
      %dma_wait3A_328 = tpu.memref_slice %arg9[%dma_wait3A_326, %dma_wait3A_327] : memref<20x112xi32, #tpu.memory_space<vmem>> -> memref<1x112xi32, #tpu.memory_space<vmem>>
      %dma_wait3A_329 = tpu.memref_squeeze %dma_wait3A_328 : memref<1x112xi32, #tpu.memory_space<vmem>> -> memref<112xi32, #tpu.memory_space<vmem>>
      %dma_wait3A_330 = arith.constant 0 : i32
      %dma_wait3A_331 = arith.constant 0 : i32
      %dma_wait3A_332 = tpu.memref_slice %arg7[%dma_wait3A_330, %dma_wait3A_331] : memref<10112x128xf32, #tpu.memory_space<vmem_shared>> -> memref<10112x128xf32, #tpu.memory_space<vmem_shared>>
      tpu.wait_indirect_dma semaphore(%arg17 : memref<!tpu.dma_semaphore, #tpu.memory_space<semaphore_mem>>) src(%arg11 : memref<112x128xf32, #tpu.memory_space<vmem>>) dst(%dma_wait3A_332 : memref<10112x128xf32, #tpu.memory_space<vmem_shared>>)
      %dma_start3A_333 = arith.constant 13 : i32
      %dma_start3A_334 = arith.constant 0 : i32
      %dma_start3A_335 = tpu.memref_slice %arg8[%dma_start3A_333, %dma_start3A_334] : memref<20x112xi32, #tpu.memory_space<vmem>> -> memref<1x112xi32, #tpu.memory_space<vmem>>
      %dma_start3A_336 = tpu.memref_squeeze %dma_start3A_335 : memref<1x112xi32, #tpu.memory_space<vmem>> -> memref<112xi32, #tpu.memory_space<vmem>>
      %dma_start3A_337 = arith.constant 0 : i32
      %dma_start3A_338 = arith.constant 0 : i32
      %dma_start3A_339 = tpu.memref_slice %arg2[%dma_start3A_337, %dma_start3A_338] : memref<20000x128xf32, #tpu.memory_space<hbm>> -> memref<20000x128xf32, #tpu.memory_space<hbm>>
      tpu.enqueue_indirect_dma source(%dma_start3A_339 : memref<20000x128xf32, #tpu.memory_space<hbm>>) target(%arg11 : memref<112x128xf32, #tpu.memory_space<vmem>>) offsets(%dma_start3A_336 : memref<112xi32, #tpu.memory_space<vmem>>) semaphore(%arg14 : memref<!tpu.dma_semaphore, #tpu.memory_space<semaphore_mem>>)
      %dma_wait3A_340 = arith.constant 11 : i32
      %dma_wait3A_341 = arith.constant 0 : i32
      %dma_wait3A_342 = tpu.memref_slice %arg8[%dma_wait3A_340, %dma_wait3A_341] : memref<20x112xi32, #tpu.memory_space<vmem>> -> memref<1x112xi32, #tpu.memory_space<vmem>>
      %dma_wait3A_343 = tpu.memref_squeeze %dma_wait3A_342 : memref<1x112xi32, #tpu.memory_space<vmem>> -> memref<112xi32, #tpu.memory_space<vmem>>
      %dma_wait3A_344 = arith.constant 0 : i32
      %dma_wait3A_345 = arith.constant 0 : i32
      %dma_wait3A_346 = tpu.memref_slice %arg2[%dma_wait3A_344, %dma_wait3A_345] : memref<20000x128xf32, #tpu.memory_space<hbm>> -> memref<20000x128xf32, #tpu.memory_space<hbm>>
      tpu.wait_indirect_dma semaphore(%arg15 : memref<!tpu.dma_semaphore, #tpu.memory_space<semaphore_mem>>) src(%dma_wait3A_346 : memref<20000x128xf32, #tpu.memory_space<hbm>>) dst(%arg12 : memref<112x128xf32, #tpu.memory_space<vmem>>)
      %dma_start3A_347 = arith.constant 11 : i32
      %dma_start3A_348 = arith.constant 0 : i32
      %dma_start3A_349 = tpu.memref_slice %arg9[%dma_start3A_347, %dma_start3A_348] : memref<20x112xi32, #tpu.memory_space<vmem>> -> memref<1x112xi32, #tpu.memory_space<vmem>>
      %dma_start3A_350 = tpu.memref_squeeze %dma_start3A_349 : memref<1x112xi32, #tpu.memory_space<vmem>> -> memref<112xi32, #tpu.memory_space<vmem>>
      %dma_start3A_351 = arith.constant 0 : i32
      %dma_start3A_352 = arith.constant 0 : i32
      %dma_start3A_353 = tpu.memref_slice %arg7[%dma_start3A_351, %dma_start3A_352] : memref<10112x128xf32, #tpu.memory_space<vmem_shared>> -> memref<10112x128xf32, #tpu.memory_space<vmem_shared>>
      tpu.enqueue_indirect_dma source(%arg12 : memref<112x128xf32, #tpu.memory_space<vmem>>) target(%dma_start3A_353 : memref<10112x128xf32, #tpu.memory_space<vmem_shared>>) offsets(%dma_start3A_350 : memref<112xi32, #tpu.memory_space<vmem>>) semaphore(%arg18 : memref<!tpu.dma_semaphore, #tpu.memory_space<semaphore_mem>>) {add = true}
      %dma_wait3A_354 = arith.constant 11 : i32
      %dma_wait3A_355 = arith.constant 0 : i32
      %dma_wait3A_356 = tpu.memref_slice %arg9[%dma_wait3A_354, %dma_wait3A_355] : memref<20x112xi32, #tpu.memory_space<vmem>> -> memref<1x112xi32, #tpu.memory_space<vmem>>
      %dma_wait3A_357 = tpu.memref_squeeze %dma_wait3A_356 : memref<1x112xi32, #tpu.memory_space<vmem>> -> memref<112xi32, #tpu.memory_space<vmem>>
      %dma_wait3A_358 = arith.constant 0 : i32
      %dma_wait3A_359 = arith.constant 0 : i32
      %dma_wait3A_360 = tpu.memref_slice %arg7[%dma_wait3A_358, %dma_wait3A_359] : memref<10112x128xf32, #tpu.memory_space<vmem_shared>> -> memref<10112x128xf32, #tpu.memory_space<vmem_shared>>
      tpu.wait_indirect_dma semaphore(%arg18 : memref<!tpu.dma_semaphore, #tpu.memory_space<semaphore_mem>>) src(%arg12 : memref<112x128xf32, #tpu.memory_space<vmem>>) dst(%dma_wait3A_360 : memref<10112x128xf32, #tpu.memory_space<vmem_shared>>)
      %dma_start3A_361 = arith.constant 14 : i32
      %dma_start3A_362 = arith.constant 0 : i32
      %dma_start3A_363 = tpu.memref_slice %arg8[%dma_start3A_361, %dma_start3A_362] : memref<20x112xi32, #tpu.memory_space<vmem>> -> memref<1x112xi32, #tpu.memory_space<vmem>>
      %dma_start3A_364 = tpu.memref_squeeze %dma_start3A_363 : memref<1x112xi32, #tpu.memory_space<vmem>> -> memref<112xi32, #tpu.memory_space<vmem>>
      %dma_start3A_365 = arith.constant 0 : i32
      %dma_start3A_366 = arith.constant 0 : i32
      %dma_start3A_367 = tpu.memref_slice %arg2[%dma_start3A_365, %dma_start3A_366] : memref<20000x128xf32, #tpu.memory_space<hbm>> -> memref<20000x128xf32, #tpu.memory_space<hbm>>
      tpu.enqueue_indirect_dma source(%dma_start3A_367 : memref<20000x128xf32, #tpu.memory_space<hbm>>) target(%arg12 : memref<112x128xf32, #tpu.memory_space<vmem>>) offsets(%dma_start3A_364 : memref<112xi32, #tpu.memory_space<vmem>>) semaphore(%arg15 : memref<!tpu.dma_semaphore, #tpu.memory_space<semaphore_mem>>)
      %dma_wait3A_368 = arith.constant 12 : i32
      %dma_wait3A_369 = arith.constant 0 : i32
      %dma_wait3A_370 = tpu.memref_slice %arg8[%dma_wait3A_368, %dma_wait3A_369] : memref<20x112xi32, #tpu.memory_space<vmem>> -> memref<1x112xi32, #tpu.memory_space<vmem>>
      %dma_wait3A_371 = tpu.memref_squeeze %dma_wait3A_370 : memref<1x112xi32, #tpu.memory_space<vmem>> -> memref<112xi32, #tpu.memory_space<vmem>>
      %dma_wait3A_372 = arith.constant 0 : i32
      %dma_wait3A_373 = arith.constant 0 : i32
      %dma_wait3A_374 = tpu.memref_slice %arg2[%dma_wait3A_372, %dma_wait3A_373] : memref<20000x128xf32, #tpu.memory_space<hbm>> -> memref<20000x128xf32, #tpu.memory_space<hbm>>
      tpu.wait_indirect_dma semaphore(%arg13 : memref<!tpu.dma_semaphore, #tpu.memory_space<semaphore_mem>>) src(%dma_wait3A_374 : memref<20000x128xf32, #tpu.memory_space<hbm>>) dst(%arg10 : memref<112x128xf32, #tpu.memory_space<vmem>>)
      %dma_start3A_375 = arith.constant 12 : i32
      %dma_start3A_376 = arith.constant 0 : i32
      %dma_start3A_377 = tpu.memref_slice %arg9[%dma_start3A_375, %dma_start3A_376] : memref<20x112xi32, #tpu.memory_space<vmem>> -> memref<1x112xi32, #tpu.memory_space<vmem>>
      %dma_start3A_378 = tpu.memref_squeeze %dma_start3A_377 : memref<1x112xi32, #tpu.memory_space<vmem>> -> memref<112xi32, #tpu.memory_space<vmem>>
      %dma_start3A_379 = arith.constant 0 : i32
      %dma_start3A_380 = arith.constant 0 : i32
      %dma_start3A_381 = tpu.memref_slice %arg7[%dma_start3A_379, %dma_start3A_380] : memref<10112x128xf32, #tpu.memory_space<vmem_shared>> -> memref<10112x128xf32, #tpu.memory_space<vmem_shared>>
      tpu.enqueue_indirect_dma source(%arg10 : memref<112x128xf32, #tpu.memory_space<vmem>>) target(%dma_start3A_381 : memref<10112x128xf32, #tpu.memory_space<vmem_shared>>) offsets(%dma_start3A_378 : memref<112xi32, #tpu.memory_space<vmem>>) semaphore(%arg16 : memref<!tpu.dma_semaphore, #tpu.memory_space<semaphore_mem>>) {add = true}
      %dma_wait3A_382 = arith.constant 12 : i32
      %dma_wait3A_383 = arith.constant 0 : i32
      %dma_wait3A_384 = tpu.memref_slice %arg9[%dma_wait3A_382, %dma_wait3A_383] : memref<20x112xi32, #tpu.memory_space<vmem>> -> memref<1x112xi32, #tpu.memory_space<vmem>>
      %dma_wait3A_385 = tpu.memref_squeeze %dma_wait3A_384 : memref<1x112xi32, #tpu.memory_space<vmem>> -> memref<112xi32, #tpu.memory_space<vmem>>
      %dma_wait3A_386 = arith.constant 0 : i32
      %dma_wait3A_387 = arith.constant 0 : i32
      %dma_wait3A_388 = tpu.memref_slice %arg7[%dma_wait3A_386, %dma_wait3A_387] : memref<10112x128xf32, #tpu.memory_space<vmem_shared>> -> memref<10112x128xf32, #tpu.memory_space<vmem_shared>>
      tpu.wait_indirect_dma semaphore(%arg16 : memref<!tpu.dma_semaphore, #tpu.memory_space<semaphore_mem>>) src(%arg10 : memref<112x128xf32, #tpu.memory_space<vmem>>) dst(%dma_wait3A_388 : memref<10112x128xf32, #tpu.memory_space<vmem_shared>>)
      %dma_start3A_389 = arith.constant 15 : i32
      %dma_start3A_390 = arith.constant 0 : i32
      %dma_start3A_391 = tpu.memref_slice %arg8[%dma_start3A_389, %dma_start3A_390] : memref<20x112xi32, #tpu.memory_space<vmem>> -> memref<1x112xi32, #tpu.memory_space<vmem>>
      %dma_start3A_392 = tpu.memref_squeeze %dma_start3A_391 : memref<1x112xi32, #tpu.memory_space<vmem>> -> memref<112xi32, #tpu.memory_space<vmem>>
      %dma_start3A_393 = arith.constant 0 : i32
      %dma_start3A_394 = arith.constant 0 : i32
      %dma_start3A_395 = tpu.memref_slice %arg2[%dma_start3A_393, %dma_start3A_394] : memref<20000x128xf32, #tpu.memory_space<hbm>> -> memref<20000x128xf32, #tpu.memory_space<hbm>>
      tpu.enqueue_indirect_dma source(%dma_start3A_395 : memref<20000x128xf32, #tpu.memory_space<hbm>>) target(%arg10 : memref<112x128xf32, #tpu.memory_space<vmem>>) offsets(%dma_start3A_392 : memref<112xi32, #tpu.memory_space<vmem>>) semaphore(%arg13 : memref<!tpu.dma_semaphore, #tpu.memory_space<semaphore_mem>>)
      %dma_wait3A_396 = arith.constant 13 : i32
      %dma_wait3A_397 = arith.constant 0 : i32
      %dma_wait3A_398 = tpu.memref_slice %arg8[%dma_wait3A_396, %dma_wait3A_397] : memref<20x112xi32, #tpu.memory_space<vmem>> -> memref<1x112xi32, #tpu.memory_space<vmem>>
      %dma_wait3A_399 = tpu.memref_squeeze %dma_wait3A_398 : memref<1x112xi32, #tpu.memory_space<vmem>> -> memref<112xi32, #tpu.memory_space<vmem>>
      %dma_wait3A_400 = arith.constant 0 : i32
      %dma_wait3A_401 = arith.constant 0 : i32
      %dma_wait3A_402 = tpu.memref_slice %arg2[%dma_wait3A_400, %dma_wait3A_401] : memref<20000x128xf32, #tpu.memory_space<hbm>> -> memref<20000x128xf32, #tpu.memory_space<hbm>>
      tpu.wait_indirect_dma semaphore(%arg14 : memref<!tpu.dma_semaphore, #tpu.memory_space<semaphore_mem>>) src(%dma_wait3A_402 : memref<20000x128xf32, #tpu.memory_space<hbm>>) dst(%arg11 : memref<112x128xf32, #tpu.memory_space<vmem>>)
      %dma_start3A_403 = arith.constant 13 : i32
      %dma_start3A_404 = arith.constant 0 : i32
      %dma_start3A_405 = tpu.memref_slice %arg9[%dma_start3A_403, %dma_start3A_404] : memref<20x112xi32, #tpu.memory_space<vmem>> -> memref<1x112xi32, #tpu.memory_space<vmem>>
      %dma_start3A_406 = tpu.memref_squeeze %dma_start3A_405 : memref<1x112xi32, #tpu.memory_space<vmem>> -> memref<112xi32, #tpu.memory_space<vmem>>
      %dma_start3A_407 = arith.constant 0 : i32
      %dma_start3A_408 = arith.constant 0 : i32
      %dma_start3A_409 = tpu.memref_slice %arg7[%dma_start3A_407, %dma_start3A_408] : memref<10112x128xf32, #tpu.memory_space<vmem_shared>> -> memref<10112x128xf32, #tpu.memory_space<vmem_shared>>
      tpu.enqueue_indirect_dma source(%arg11 : memref<112x128xf32, #tpu.memory_space<vmem>>) target(%dma_start3A_409 : memref<10112x128xf32, #tpu.memory_space<vmem_shared>>) offsets(%dma_start3A_406 : memref<112xi32, #tpu.memory_space<vmem>>) semaphore(%arg17 : memref<!tpu.dma_semaphore, #tpu.memory_space<semaphore_mem>>) {add = true}
      %dma_wait3A_410 = arith.constant 13 : i32
      %dma_wait3A_411 = arith.constant 0 : i32
      %dma_wait3A_412 = tpu.memref_slice %arg9[%dma_wait3A_410, %dma_wait3A_411] : memref<20x112xi32, #tpu.memory_space<vmem>> -> memref<1x112xi32, #tpu.memory_space<vmem>>
      %dma_wait3A_413 = tpu.memref_squeeze %dma_wait3A_412 : memref<1x112xi32, #tpu.memory_space<vmem>> -> memref<112xi32, #tpu.memory_space<vmem>>
      %dma_wait3A_414 = arith.constant 0 : i32
      %dma_wait3A_415 = arith.constant 0 : i32
      %dma_wait3A_416 = tpu.memref_slice %arg7[%dma_wait3A_414, %dma_wait3A_415] : memref<10112x128xf32, #tpu.memory_space<vmem_shared>> -> memref<10112x128xf32, #tpu.memory_space<vmem_shared>>
      tpu.wait_indirect_dma semaphore(%arg17 : memref<!tpu.dma_semaphore, #tpu.memory_space<semaphore_mem>>) src(%arg11 : memref<112x128xf32, #tpu.memory_space<vmem>>) dst(%dma_wait3A_416 : memref<10112x128xf32, #tpu.memory_space<vmem_shared>>)
      %dma_start3A_417 = arith.constant 16 : i32
      %dma_start3A_418 = arith.constant 0 : i32
      %dma_start3A_419 = tpu.memref_slice %arg8[%dma_start3A_417, %dma_start3A_418] : memref<20x112xi32, #tpu.memory_space<vmem>> -> memref<1x112xi32, #tpu.memory_space<vmem>>
      %dma_start3A_420 = tpu.memref_squeeze %dma_start3A_419 : memref<1x112xi32, #tpu.memory_space<vmem>> -> memref<112xi32, #tpu.memory_space<vmem>>
      %dma_start3A_421 = arith.constant 0 : i32
      %dma_start3A_422 = arith.constant 0 : i32
      %dma_start3A_423 = tpu.memref_slice %arg2[%dma_start3A_421, %dma_start3A_422] : memref<20000x128xf32, #tpu.memory_space<hbm>> -> memref<20000x128xf32, #tpu.memory_space<hbm>>
      tpu.enqueue_indirect_dma source(%dma_start3A_423 : memref<20000x128xf32, #tpu.memory_space<hbm>>) target(%arg11 : memref<112x128xf32, #tpu.memory_space<vmem>>) offsets(%dma_start3A_420 : memref<112xi32, #tpu.memory_space<vmem>>) semaphore(%arg14 : memref<!tpu.dma_semaphore, #tpu.memory_space<semaphore_mem>>)
      %dma_wait3A_424 = arith.constant 14 : i32
      %dma_wait3A_425 = arith.constant 0 : i32
      %dma_wait3A_426 = tpu.memref_slice %arg8[%dma_wait3A_424, %dma_wait3A_425] : memref<20x112xi32, #tpu.memory_space<vmem>> -> memref<1x112xi32, #tpu.memory_space<vmem>>
      %dma_wait3A_427 = tpu.memref_squeeze %dma_wait3A_426 : memref<1x112xi32, #tpu.memory_space<vmem>> -> memref<112xi32, #tpu.memory_space<vmem>>
      %dma_wait3A_428 = arith.constant 0 : i32
      %dma_wait3A_429 = arith.constant 0 : i32
      %dma_wait3A_430 = tpu.memref_slice %arg2[%dma_wait3A_428, %dma_wait3A_429] : memref<20000x128xf32, #tpu.memory_space<hbm>> -> memref<20000x128xf32, #tpu.memory_space<hbm>>
      tpu.wait_indirect_dma semaphore(%arg15 : memref<!tpu.dma_semaphore, #tpu.memory_space<semaphore_mem>>) src(%dma_wait3A_430 : memref<20000x128xf32, #tpu.memory_space<hbm>>) dst(%arg12 : memref<112x128xf32, #tpu.memory_space<vmem>>)
      %dma_start3A_431 = arith.constant 14 : i32
      %dma_start3A_432 = arith.constant 0 : i32
      %dma_start3A_433 = tpu.memref_slice %arg9[%dma_start3A_431, %dma_start3A_432] : memref<20x112xi32, #tpu.memory_space<vmem>> -> memref<1x112xi32, #tpu.memory_space<vmem>>
      %dma_start3A_434 = tpu.memref_squeeze %dma_start3A_433 : memref<1x112xi32, #tpu.memory_space<vmem>> -> memref<112xi32, #tpu.memory_space<vmem>>
      %dma_start3A_435 = arith.constant 0 : i32
      %dma_start3A_436 = arith.constant 0 : i32
      %dma_start3A_437 = tpu.memref_slice %arg7[%dma_start3A_435, %dma_start3A_436] : memref<10112x128xf32, #tpu.memory_space<vmem_shared>> -> memref<10112x128xf32, #tpu.memory_space<vmem_shared>>
      tpu.enqueue_indirect_dma source(%arg12 : memref<112x128xf32, #tpu.memory_space<vmem>>) target(%dma_start3A_437 : memref<10112x128xf32, #tpu.memory_space<vmem_shared>>) offsets(%dma_start3A_434 : memref<112xi32, #tpu.memory_space<vmem>>) semaphore(%arg18 : memref<!tpu.dma_semaphore, #tpu.memory_space<semaphore_mem>>) {add = true}
      %dma_wait3A_438 = arith.constant 14 : i32
      %dma_wait3A_439 = arith.constant 0 : i32
      %dma_wait3A_440 = tpu.memref_slice %arg9[%dma_wait3A_438, %dma_wait3A_439] : memref<20x112xi32, #tpu.memory_space<vmem>> -> memref<1x112xi32, #tpu.memory_space<vmem>>
      %dma_wait3A_441 = tpu.memref_squeeze %dma_wait3A_440 : memref<1x112xi32, #tpu.memory_space<vmem>> -> memref<112xi32, #tpu.memory_space<vmem>>
      %dma_wait3A_442 = arith.constant 0 : i32
      %dma_wait3A_443 = arith.constant 0 : i32
      %dma_wait3A_444 = tpu.memref_slice %arg7[%dma_wait3A_442, %dma_wait3A_443] : memref<10112x128xf32, #tpu.memory_space<vmem_shared>> -> memref<10112x128xf32, #tpu.memory_space<vmem_shared>>
      tpu.wait_indirect_dma semaphore(%arg18 : memref<!tpu.dma_semaphore, #tpu.memory_space<semaphore_mem>>) src(%arg12 : memref<112x128xf32, #tpu.memory_space<vmem>>) dst(%dma_wait3A_444 : memref<10112x128xf32, #tpu.memory_space<vmem_shared>>)
      %dma_start3A_445 = arith.constant 17 : i32
      %dma_start3A_446 = arith.constant 0 : i32
      %dma_start3A_447 = tpu.memref_slice %arg8[%dma_start3A_445, %dma_start3A_446] : memref<20x112xi32, #tpu.memory_space<vmem>> -> memref<1x112xi32, #tpu.memory_space<vmem>>
      %dma_start3A_448 = tpu.memref_squeeze %dma_start3A_447 : memref<1x112xi32, #tpu.memory_space<vmem>> -> memref<112xi32, #tpu.memory_space<vmem>>
      %dma_start3A_449 = arith.constant 0 : i32
      %dma_start3A_450 = arith.constant 0 : i32
      %dma_start3A_451 = tpu.memref_slice %arg2[%dma_start3A_449, %dma_start3A_450] : memref<20000x128xf32, #tpu.memory_space<hbm>> -> memref<20000x128xf32, #tpu.memory_space<hbm>>
      tpu.enqueue_indirect_dma source(%dma_start3A_451 : memref<20000x128xf32, #tpu.memory_space<hbm>>) target(%arg12 : memref<112x128xf32, #tpu.memory_space<vmem>>) offsets(%dma_start3A_448 : memref<112xi32, #tpu.memory_space<vmem>>) semaphore(%arg15 : memref<!tpu.dma_semaphore, #tpu.memory_space<semaphore_mem>>)
      %dma_wait3A_452 = arith.constant 15 : i32
      %dma_wait3A_453 = arith.constant 0 : i32
      %dma_wait3A_454 = tpu.memref_slice %arg8[%dma_wait3A_452, %dma_wait3A_453] : memref<20x112xi32, #tpu.memory_space<vmem>> -> memref<1x112xi32, #tpu.memory_space<vmem>>
      %dma_wait3A_455 = tpu.memref_squeeze %dma_wait3A_454 : memref<1x112xi32, #tpu.memory_space<vmem>> -> memref<112xi32, #tpu.memory_space<vmem>>
      %dma_wait3A_456 = arith.constant 0 : i32
      %dma_wait3A_457 = arith.constant 0 : i32
      %dma_wait3A_458 = tpu.memref_slice %arg2[%dma_wait3A_456, %dma_wait3A_457] : memref<20000x128xf32, #tpu.memory_space<hbm>> -> memref<20000x128xf32, #tpu.memory_space<hbm>>
      tpu.wait_indirect_dma semaphore(%arg13 : memref<!tpu.dma_semaphore, #tpu.memory_space<semaphore_mem>>) src(%dma_wait3A_458 : memref<20000x128xf32, #tpu.memory_space<hbm>>) dst(%arg10 : memref<112x128xf32, #tpu.memory_space<vmem>>)
      %dma_start3A_459 = arith.constant 15 : i32
      %dma_start3A_460 = arith.constant 0 : i32
      %dma_start3A_461 = tpu.memref_slice %arg9[%dma_start3A_459, %dma_start3A_460] : memref<20x112xi32, #tpu.memory_space<vmem>> -> memref<1x112xi32, #tpu.memory_space<vmem>>
      %dma_start3A_462 = tpu.memref_squeeze %dma_start3A_461 : memref<1x112xi32, #tpu.memory_space<vmem>> -> memref<112xi32, #tpu.memory_space<vmem>>
      %dma_start3A_463 = arith.constant 0 : i32
      %dma_start3A_464 = arith.constant 0 : i32
      %dma_start3A_465 = tpu.memref_slice %arg7[%dma_start3A_463, %dma_start3A_464] : memref<10112x128xf32, #tpu.memory_space<vmem_shared>> -> memref<10112x128xf32, #tpu.memory_space<vmem_shared>>
      tpu.enqueue_indirect_dma source(%arg10 : memref<112x128xf32, #tpu.memory_space<vmem>>) target(%dma_start3A_465 : memref<10112x128xf32, #tpu.memory_space<vmem_shared>>) offsets(%dma_start3A_462 : memref<112xi32, #tpu.memory_space<vmem>>) semaphore(%arg16 : memref<!tpu.dma_semaphore, #tpu.memory_space<semaphore_mem>>) {add = true}
      %dma_wait3A_466 = arith.constant 15 : i32
      %dma_wait3A_467 = arith.constant 0 : i32
      %dma_wait3A_468 = tpu.memref_slice %arg9[%dma_wait3A_466, %dma_wait3A_467] : memref<20x112xi32, #tpu.memory_space<vmem>> -> memref<1x112xi32, #tpu.memory_space<vmem>>
      %dma_wait3A_469 = tpu.memref_squeeze %dma_wait3A_468 : memref<1x112xi32, #tpu.memory_space<vmem>> -> memref<112xi32, #tpu.memory_space<vmem>>
      %dma_wait3A_470 = arith.constant 0 : i32
      %dma_wait3A_471 = arith.constant 0 : i32
      %dma_wait3A_472 = tpu.memref_slice %arg7[%dma_wait3A_470, %dma_wait3A_471] : memref<10112x128xf32, #tpu.memory_space<vmem_shared>> -> memref<10112x128xf32, #tpu.memory_space<vmem_shared>>
      tpu.wait_indirect_dma semaphore(%arg16 : memref<!tpu.dma_semaphore, #tpu.memory_space<semaphore_mem>>) src(%arg10 : memref<112x128xf32, #tpu.memory_space<vmem>>) dst(%dma_wait3A_472 : memref<10112x128xf32, #tpu.memory_space<vmem_shared>>)
      %dma_start3A_473 = arith.constant 18 : i32
      %dma_start3A_474 = arith.constant 0 : i32
      %dma_start3A_475 = tpu.memref_slice %arg8[%dma_start3A_473, %dma_start3A_474] : memref<20x112xi32, #tpu.memory_space<vmem>> -> memref<1x112xi32, #tpu.memory_space<vmem>>
      %dma_start3A_476 = tpu.memref_squeeze %dma_start3A_475 : memref<1x112xi32, #tpu.memory_space<vmem>> -> memref<112xi32, #tpu.memory_space<vmem>>
      %dma_start3A_477 = arith.constant 0 : i32
      %dma_start3A_478 = arith.constant 0 : i32
      %dma_start3A_479 = tpu.memref_slice %arg2[%dma_start3A_477, %dma_start3A_478] : memref<20000x128xf32, #tpu.memory_space<hbm>> -> memref<20000x128xf32, #tpu.memory_space<hbm>>
      tpu.enqueue_indirect_dma source(%dma_start3A_479 : memref<20000x128xf32, #tpu.memory_space<hbm>>) target(%arg10 : memref<112x128xf32, #tpu.memory_space<vmem>>) offsets(%dma_start3A_476 : memref<112xi32, #tpu.memory_space<vmem>>) semaphore(%arg13 : memref<!tpu.dma_semaphore, #tpu.memory_space<semaphore_mem>>)
      %dma_wait3A_480 = arith.constant 16 : i32
      %dma_wait3A_481 = arith.constant 0 : i32
      %dma_wait3A_482 = tpu.memref_slice %arg8[%dma_wait3A_480, %dma_wait3A_481] : memref<20x112xi32, #tpu.memory_space<vmem>> -> memref<1x112xi32, #tpu.memory_space<vmem>>
      %dma_wait3A_483 = tpu.memref_squeeze %dma_wait3A_482 : memref<1x112xi32, #tpu.memory_space<vmem>> -> memref<112xi32, #tpu.memory_space<vmem>>
      %dma_wait3A_484 = arith.constant 0 : i32
      %dma_wait3A_485 = arith.constant 0 : i32
      %dma_wait3A_486 = tpu.memref_slice %arg2[%dma_wait3A_484, %dma_wait3A_485] : memref<20000x128xf32, #tpu.memory_space<hbm>> -> memref<20000x128xf32, #tpu.memory_space<hbm>>
      tpu.wait_indirect_dma semaphore(%arg14 : memref<!tpu.dma_semaphore, #tpu.memory_space<semaphore_mem>>) src(%dma_wait3A_486 : memref<20000x128xf32, #tpu.memory_space<hbm>>) dst(%arg11 : memref<112x128xf32, #tpu.memory_space<vmem>>)
      %dma_start3A_487 = arith.constant 16 : i32
      %dma_start3A_488 = arith.constant 0 : i32
      %dma_start3A_489 = tpu.memref_slice %arg9[%dma_start3A_487, %dma_start3A_488] : memref<20x112xi32, #tpu.memory_space<vmem>> -> memref<1x112xi32, #tpu.memory_space<vmem>>
      %dma_start3A_490 = tpu.memref_squeeze %dma_start3A_489 : memref<1x112xi32, #tpu.memory_space<vmem>> -> memref<112xi32, #tpu.memory_space<vmem>>
      %dma_start3A_491 = arith.constant 0 : i32
      %dma_start3A_492 = arith.constant 0 : i32
      %dma_start3A_493 = tpu.memref_slice %arg7[%dma_start3A_491, %dma_start3A_492] : memref<10112x128xf32, #tpu.memory_space<vmem_shared>> -> memref<10112x128xf32, #tpu.memory_space<vmem_shared>>
      tpu.enqueue_indirect_dma source(%arg11 : memref<112x128xf32, #tpu.memory_space<vmem>>) target(%dma_start3A_493 : memref<10112x128xf32, #tpu.memory_space<vmem_shared>>) offsets(%dma_start3A_490 : memref<112xi32, #tpu.memory_space<vmem>>) semaphore(%arg17 : memref<!tpu.dma_semaphore, #tpu.memory_space<semaphore_mem>>) {add = true}
      %dma_wait3A_494 = arith.constant 16 : i32
      %dma_wait3A_495 = arith.constant 0 : i32
      %dma_wait3A_496 = tpu.memref_slice %arg9[%dma_wait3A_494, %dma_wait3A_495] : memref<20x112xi32, #tpu.memory_space<vmem>> -> memref<1x112xi32, #tpu.memory_space<vmem>>
      %dma_wait3A_497 = tpu.memref_squeeze %dma_wait3A_496 : memref<1x112xi32, #tpu.memory_space<vmem>> -> memref<112xi32, #tpu.memory_space<vmem>>
      %dma_wait3A_498 = arith.constant 0 : i32
      %dma_wait3A_499 = arith.constant 0 : i32
      %dma_wait3A_500 = tpu.memref_slice %arg7[%dma_wait3A_498, %dma_wait3A_499] : memref<10112x128xf32, #tpu.memory_space<vmem_shared>> -> memref<10112x128xf32, #tpu.memory_space<vmem_shared>>
      tpu.wait_indirect_dma semaphore(%arg17 : memref<!tpu.dma_semaphore, #tpu.memory_space<semaphore_mem>>) src(%arg11 : memref<112x128xf32, #tpu.memory_space<vmem>>) dst(%dma_wait3A_500 : memref<10112x128xf32, #tpu.memory_space<vmem_shared>>)
      %dma_start3A_501 = arith.constant 19 : i32
      %dma_start3A_502 = arith.constant 0 : i32
      %dma_start3A_503 = tpu.memref_slice %arg8[%dma_start3A_501, %dma_start3A_502] : memref<20x112xi32, #tpu.memory_space<vmem>> -> memref<1x112xi32, #tpu.memory_space<vmem>>
      %dma_start3A_504 = tpu.memref_squeeze %dma_start3A_503 : memref<1x112xi32, #tpu.memory_space<vmem>> -> memref<112xi32, #tpu.memory_space<vmem>>
      %dma_start3A_505 = arith.constant 0 : i32
      %dma_start3A_506 = arith.constant 0 : i32
      %dma_start3A_507 = tpu.memref_slice %arg2[%dma_start3A_505, %dma_start3A_506] : memref<20000x128xf32, #tpu.memory_space<hbm>> -> memref<20000x128xf32, #tpu.memory_space<hbm>>
      tpu.enqueue_indirect_dma source(%dma_start3A_507 : memref<20000x128xf32, #tpu.memory_space<hbm>>) target(%arg11 : memref<112x128xf32, #tpu.memory_space<vmem>>) offsets(%dma_start3A_504 : memref<112xi32, #tpu.memory_space<vmem>>) semaphore(%arg14 : memref<!tpu.dma_semaphore, #tpu.memory_space<semaphore_mem>>)
      %dma_wait3A_508 = arith.constant 17 : i32
      %dma_wait3A_509 = arith.constant 0 : i32
      %dma_wait3A_510 = tpu.memref_slice %arg8[%dma_wait3A_508, %dma_wait3A_509] : memref<20x112xi32, #tpu.memory_space<vmem>> -> memref<1x112xi32, #tpu.memory_space<vmem>>
      %dma_wait3A_511 = tpu.memref_squeeze %dma_wait3A_510 : memref<1x112xi32, #tpu.memory_space<vmem>> -> memref<112xi32, #tpu.memory_space<vmem>>
      %dma_wait3A_512 = arith.constant 0 : i32
      %dma_wait3A_513 = arith.constant 0 : i32
      %dma_wait3A_514 = tpu.memref_slice %arg2[%dma_wait3A_512, %dma_wait3A_513] : memref<20000x128xf32, #tpu.memory_space<hbm>> -> memref<20000x128xf32, #tpu.memory_space<hbm>>
      tpu.wait_indirect_dma semaphore(%arg15 : memref<!tpu.dma_semaphore, #tpu.memory_space<semaphore_mem>>) src(%dma_wait3A_514 : memref<20000x128xf32, #tpu.memory_space<hbm>>) dst(%arg12 : memref<112x128xf32, #tpu.memory_space<vmem>>)
      %dma_start3A_515 = arith.constant 17 : i32
      %dma_start3A_516 = arith.constant 0 : i32
      %dma_start3A_517 = tpu.memref_slice %arg9[%dma_start3A_515, %dma_start3A_516] : memref<20x112xi32, #tpu.memory_space<vmem>> -> memref<1x112xi32, #tpu.memory_space<vmem>>
      %dma_start3A_518 = tpu.memref_squeeze %dma_start3A_517 : memref<1x112xi32, #tpu.memory_space<vmem>> -> memref<112xi32, #tpu.memory_space<vmem>>
      %dma_start3A_519 = arith.constant 0 : i32
      %dma_start3A_520 = arith.constant 0 : i32
      %dma_start3A_521 = tpu.memref_slice %arg7[%dma_start3A_519, %dma_start3A_520] : memref<10112x128xf32, #tpu.memory_space<vmem_shared>> -> memref<10112x128xf32, #tpu.memory_space<vmem_shared>>
      tpu.enqueue_indirect_dma source(%arg12 : memref<112x128xf32, #tpu.memory_space<vmem>>) target(%dma_start3A_521 : memref<10112x128xf32, #tpu.memory_space<vmem_shared>>) offsets(%dma_start3A_518 : memref<112xi32, #tpu.memory_space<vmem>>) semaphore(%arg18 : memref<!tpu.dma_semaphore, #tpu.memory_space<semaphore_mem>>) {add = true}
      %dma_wait3A_522 = arith.constant 18 : i32
      %dma_wait3A_523 = arith.constant 0 : i32
      %dma_wait3A_524 = tpu.memref_slice %arg8[%dma_wait3A_522, %dma_wait3A_523] : memref<20x112xi32, #tpu.memory_space<vmem>> -> memref<1x112xi32, #tpu.memory_space<vmem>>
      %dma_wait3A_525 = tpu.memref_squeeze %dma_wait3A_524 : memref<1x112xi32, #tpu.memory_space<vmem>> -> memref<112xi32, #tpu.memory_space<vmem>>
      %dma_wait3A_526 = arith.constant 0 : i32
      %dma_wait3A_527 = arith.constant 0 : i32
      %dma_wait3A_528 = tpu.memref_slice %arg2[%dma_wait3A_526, %dma_wait3A_527] : memref<20000x128xf32, #tpu.memory_space<hbm>> -> memref<20000x128xf32, #tpu.memory_space<hbm>>
      tpu.wait_indirect_dma semaphore(%arg13 : memref<!tpu.dma_semaphore, #tpu.memory_space<semaphore_mem>>) src(%dma_wait3A_528 : memref<20000x128xf32, #tpu.memory_space<hbm>>) dst(%arg10 : memref<112x128xf32, #tpu.memory_space<vmem>>)
      %dma_start3A_529 = arith.constant 18 : i32
      %dma_start3A_530 = arith.constant 0 : i32
      %dma_start3A_531 = tpu.memref_slice %arg9[%dma_start3A_529, %dma_start3A_530] : memref<20x112xi32, #tpu.memory_space<vmem>> -> memref<1x112xi32, #tpu.memory_space<vmem>>
      %dma_start3A_532 = tpu.memref_squeeze %dma_start3A_531 : memref<1x112xi32, #tpu.memory_space<vmem>> -> memref<112xi32, #tpu.memory_space<vmem>>
      %dma_start3A_533 = arith.constant 0 : i32
      %dma_start3A_534 = arith.constant 0 : i32
      %dma_start3A_535 = tpu.memref_slice %arg7[%dma_start3A_533, %dma_start3A_534] : memref<10112x128xf32, #tpu.memory_space<vmem_shared>> -> memref<10112x128xf32, #tpu.memory_space<vmem_shared>>
      tpu.enqueue_indirect_dma source(%arg10 : memref<112x128xf32, #tpu.memory_space<vmem>>) target(%dma_start3A_535 : memref<10112x128xf32, #tpu.memory_space<vmem_shared>>) offsets(%dma_start3A_532 : memref<112xi32, #tpu.memory_space<vmem>>) semaphore(%arg16 : memref<!tpu.dma_semaphore, #tpu.memory_space<semaphore_mem>>) {add = true}
      %dma_wait3A_536 = arith.constant 19 : i32
      %dma_wait3A_537 = arith.constant 0 : i32
      %dma_wait3A_538 = tpu.memref_slice %arg8[%dma_wait3A_536, %dma_wait3A_537] : memref<20x112xi32, #tpu.memory_space<vmem>> -> memref<1x112xi32, #tpu.memory_space<vmem>>
      %dma_wait3A_539 = tpu.memref_squeeze %dma_wait3A_538 : memref<1x112xi32, #tpu.memory_space<vmem>> -> memref<112xi32, #tpu.memory_space<vmem>>
      %dma_wait3A_540 = arith.constant 0 : i32
      %dma_wait3A_541 = arith.constant 0 : i32
      %dma_wait3A_542 = tpu.memref_slice %arg2[%dma_wait3A_540, %dma_wait3A_541] : memref<20000x128xf32, #tpu.memory_space<hbm>> -> memref<20000x128xf32, #tpu.memory_space<hbm>>
      tpu.wait_indirect_dma semaphore(%arg14 : memref<!tpu.dma_semaphore, #tpu.memory_space<semaphore_mem>>) src(%dma_wait3A_542 : memref<20000x128xf32, #tpu.memory_space<hbm>>) dst(%arg11 : memref<112x128xf32, #tpu.memory_space<vmem>>)
      %dma_start3A_543 = arith.constant 19 : i32
      %dma_start3A_544 = arith.constant 0 : i32
      %dma_start3A_545 = tpu.memref_slice %arg9[%dma_start3A_543, %dma_start3A_544] : memref<20x112xi32, #tpu.memory_space<vmem>> -> memref<1x112xi32, #tpu.memory_space<vmem>>
      %dma_start3A_546 = tpu.memref_squeeze %dma_start3A_545 : memref<1x112xi32, #tpu.memory_space<vmem>> -> memref<112xi32, #tpu.memory_space<vmem>>
      %dma_start3A_547 = arith.constant 0 : i32
      %dma_start3A_548 = arith.constant 0 : i32
      %dma_start3A_549 = tpu.memref_slice %arg7[%dma_start3A_547, %dma_start3A_548] : memref<10112x128xf32, #tpu.memory_space<vmem_shared>> -> memref<10112x128xf32, #tpu.memory_space<vmem_shared>>
      tpu.enqueue_indirect_dma source(%arg11 : memref<112x128xf32, #tpu.memory_space<vmem>>) target(%dma_start3A_549 : memref<10112x128xf32, #tpu.memory_space<vmem_shared>>) offsets(%dma_start3A_546 : memref<112xi32, #tpu.memory_space<vmem>>) semaphore(%arg17 : memref<!tpu.dma_semaphore, #tpu.memory_space<semaphore_mem>>) {add = true}
      %dma_wait3A_550 = arith.constant 17 : i32
      %dma_wait3A_551 = arith.constant 0 : i32
      %dma_wait3A_552 = tpu.memref_slice %arg9[%dma_wait3A_550, %dma_wait3A_551] : memref<20x112xi32, #tpu.memory_space<vmem>> -> memref<1x112xi32, #tpu.memory_space<vmem>>
      %dma_wait3A_553 = tpu.memref_squeeze %dma_wait3A_552 : memref<1x112xi32, #tpu.memory_space<vmem>> -> memref<112xi32, #tpu.memory_space<vmem>>
      %dma_wait3A_554 = arith.constant 0 : i32
      %dma_wait3A_555 = arith.constant 0 : i32
      %dma_wait3A_556 = tpu.memref_slice %arg7[%dma_wait3A_554, %dma_wait3A_555] : memref<10112x128xf32, #tpu.memory_space<vmem_shared>> -> memref<10112x128xf32, #tpu.memory_space<vmem_shared>>
      tpu.wait_indirect_dma semaphore(%arg18 : memref<!tpu.dma_semaphore, #tpu.memory_space<semaphore_mem>>) src(%arg12 : memref<112x128xf32, #tpu.memory_space<vmem>>) dst(%dma_wait3A_556 : memref<10112x128xf32, #tpu.memory_space<vmem_shared>>)
      %dma_wait3A_557 = arith.constant 18 : i32
      %dma_wait3A_558 = arith.constant 0 : i32
      %dma_wait3A_559 = tpu.memref_slice %arg9[%dma_wait3A_557, %dma_wait3A_558] : memref<20x112xi32, #tpu.memory_space<vmem>> -> memref<1x112xi32, #tpu.memory_space<vmem>>
      %dma_wait3A_560 = tpu.memref_squeeze %dma_wait3A_559 : memref<1x112xi32, #tpu.memory_space<vmem>> -> memref<112xi32, #tpu.memory_space<vmem>>
      %dma_wait3A_561 = arith.constant 0 : i32
      %dma_wait3A_562 = arith.constant 0 : i32
      %dma_wait3A_563 = tpu.memref_slice %arg7[%dma_wait3A_561, %dma_wait3A_562] : memref<10112x128xf32, #tpu.memory_space<vmem_shared>> -> memref<10112x128xf32, #tpu.memory_space<vmem_shared>>
      tpu.wait_indirect_dma semaphore(%arg16 : memref<!tpu.dma_semaphore, #tpu.memory_space<semaphore_mem>>) src(%arg10 : memref<112x128xf32, #tpu.memory_space<vmem>>) dst(%dma_wait3A_563 : memref<10112x128xf32, #tpu.memory_space<vmem_shared>>)
      %dma_wait3A_564 = arith.constant 19 : i32
      %dma_wait3A_565 = arith.constant 0 : i32
      %dma_wait3A_566 = tpu.memref_slice %arg9[%dma_wait3A_564, %dma_wait3A_565] : memref<20x112xi32, #tpu.memory_space<vmem>> -> memref<1x112xi32, #tpu.memory_space<vmem>>
      %dma_wait3A_567 = tpu.memref_squeeze %dma_wait3A_566 : memref<1x112xi32, #tpu.memory_space<vmem>> -> memref<112xi32, #tpu.memory_space<vmem>>
      %dma_wait3A_568 = arith.constant 0 : i32
      %dma_wait3A_569 = arith.constant 0 : i32
      %dma_wait3A_570 = tpu.memref_slice %arg7[%dma_wait3A_568, %dma_wait3A_569] : memref<10112x128xf32, #tpu.memory_space<vmem_shared>> -> memref<10112x128xf32, #tpu.memory_space<vmem_shared>>
      tpu.wait_indirect_dma semaphore(%arg17 : memref<!tpu.dma_semaphore, #tpu.memory_space<semaphore_mem>>) src(%arg11 : memref<112x128xf32, #tpu.memory_space<vmem>>) dst(%dma_wait3A_570 : memref<10112x128xf32, #tpu.memory_space<vmem_shared>>)
    }
    %scan3A_6 = arith.constant 9 : i32
    %barrier3A_7 = arith.constant 0 : index
    tpu.barrier barrier_id(%barrier3A_7)
    %mul3A_8 = arith.constant 632 : i32
    %mul3A_9 = arith.muli %arg1, %mul3A_8 : i32
    %mul3A_10 = arith.constant 632 : i32
    %mul3A_11 = arith.muli %arg1, %mul3A_10 : i32
    "tpu.region"() ({
      %run_scoped3A = tpu.sem_alloc : memref<!tpu.dma_semaphore, #tpu.memory_space<semaphore_mem>>
      %dma_start3A = arith.constant 0 : i32
      %dma_start3A_12 = tpu.memref_slice %arg6[%arg0, %mul3A_11, %dma_start3A] : memref<2x10112x128xf32, #tpu.memory_space<hbm>> -> memref<1x632x128xf32, #tpu.memory_space<hbm>>
      %dma_start3A_13 = tpu.memref_squeeze %dma_start3A_12 : memref<1x632x128xf32, #tpu.memory_space<hbm>> -> memref<632x128xf32, #tpu.memory_space<hbm>>
      %dma_start3A_14 = arith.constant 0 : i32
      %dma_start3A_15 = tpu.memref_slice %arg7[%mul3A_9, %dma_start3A_14] : memref<10112x128xf32, #tpu.memory_space<vmem_shared>> -> memref<632x128xf32, #tpu.memory_space<vmem_shared>>
      tpu.enqueue_dma source(%dma_start3A_15 : memref<632x128xf32, #tpu.memory_space<vmem_shared>>) target(%dma_start3A_13 : memref<632x128xf32, #tpu.memory_space<hbm>>) target_semaphore(%run_scoped3A : memref<!tpu.dma_semaphore, #tpu.memory_space<semaphore_mem>>)
      %dma_wait3A = arith.constant 0 : i32
      %dma_wait3A_16 = tpu.memref_slice %arg6[%arg0, %mul3A_11, %dma_wait3A] : memref<2x10112x128xf32, #tpu.memory_space<hbm>> -> memref<1x632x128xf32, #tpu.memory_space<hbm>>
      %dma_wait3A_17 = tpu.memref_squeeze %dma_wait3A_16 : memref<1x632x128xf32, #tpu.memory_space<hbm>> -> memref<632x128xf32, #tpu.memory_space<hbm>>
      %dma_wait3A_18 = arith.constant 0 : i32
      %dma_wait3A_19 = tpu.memref_slice %arg7[%mul3A_9, %dma_wait3A_18] : memref<10112x128xf32, #tpu.memory_space<vmem_shared>> -> memref<632x128xf32, #tpu.memory_space<vmem_shared>>
      tpu.wait_dma2 semaphore(%run_scoped3A : memref<!tpu.dma_semaphore, #tpu.memory_space<semaphore_mem>>) src(%dma_wait3A_19 : memref<632x128xf32, #tpu.memory_space<vmem_shared>>) dst(%dma_wait3A_17 : memref<632x128xf32, #tpu.memory_space<hbm>>)
      tpu.yield
    }) : () -> ()
    return
  }
}

#map = affine_map<(d0, d1) -> (0, 0, 0)>
#map1 = affine_map<(d0, d1) -> (0, 0)>
module attributes {stable_mosaic.version = 14 : i64} {
  func.func @_deg_body(%arg0: i32, %arg1: i32, %arg2: memref<32x90x112xi32, #tpu.memory_space<hbm>>, %arg3: memref<112x128xf32, #tpu.memory_space<hbm>>, %arg4: memref<632x128xf32, #tpu.memory_space<hbm>>, %arg5: memref<2x10112x128xf32, #tpu.memory_space<hbm>>, %arg6: memref<10112x128xf32, #tpu.memory_space<vmem_shared>>, %arg7: memref<90x112xi32, #tpu.memory_space<vmem>>, %arg8: memref<112x128xf32, #tpu.memory_space<vmem>>, %arg9: memref<!tpu.dma_semaphore, #tpu.memory_space<semaphore_mem>>) attributes {dimension_semantics = [#tpu.dimension_semantics<core_parallel>, #tpu.dimension_semantics<subcore_parallel>], iteration_bounds = array<i64: 2, 16>, scalar_prefetch = 0 : i64, scratch_operands = 4 : i64, tpu.core_type = #tpu.core_type<sc_vector_subcore>, window_params = [{transform_indices = #map}, {transform_indices = #map1}, {transform_indices = #map1}, {transform_indices = #map}]} {
    %mul3A = arith.constant 2 : i32
    %mul3A_0 = arith.muli %arg1, %mul3A : i32
    %add3A = arith.addi %mul3A_0, %arg0 : i32
    %mul3A_1 = arith.constant 632 : i32
    %mul3A_2 = arith.muli %arg1, %mul3A_1 : i32
    "tpu.region"() ({
      %run_scoped3A = tpu.sem_alloc : memref<!tpu.dma_semaphore, #tpu.memory_space<semaphore_mem>>
      %dma_start3A = arith.constant 0 : i32
      %dma_start3A_17 = tpu.memref_slice %arg6[%mul3A_2, %dma_start3A] : memref<10112x128xf32, #tpu.memory_space<vmem_shared>> -> memref<632x128xf32, #tpu.memory_space<vmem_shared>>
      tpu.enqueue_dma source(%arg4 : memref<632x128xf32, #tpu.memory_space<hbm>>) target(%dma_start3A_17 : memref<632x128xf32, #tpu.memory_space<vmem_shared>>) target_semaphore(%run_scoped3A : memref<!tpu.dma_semaphore, #tpu.memory_space<semaphore_mem>>)
      %dma_wait3A = arith.constant 0 : i32
      %dma_wait3A_18 = tpu.memref_slice %arg6[%mul3A_2, %dma_wait3A] : memref<10112x128xf32, #tpu.memory_space<vmem_shared>> -> memref<632x128xf32, #tpu.memory_space<vmem_shared>>
      tpu.wait_dma2 semaphore(%run_scoped3A : memref<!tpu.dma_semaphore, #tpu.memory_space<semaphore_mem>>) src(%arg4 : memref<632x128xf32, #tpu.memory_space<hbm>>) dst(%dma_wait3A_18 : memref<632x128xf32, #tpu.memory_space<vmem_shared>>)
      tpu.yield
    }) : () -> ()
    "tpu.region"() ({
      %run_scoped3A = tpu.sem_alloc : memref<!tpu.dma_semaphore, #tpu.memory_space<semaphore_mem>>
      tpu.enqueue_dma source(%arg3 : memref<112x128xf32, #tpu.memory_space<hbm>>) target(%arg8 : memref<112x128xf32, #tpu.memory_space<vmem>>) target_semaphore(%run_scoped3A : memref<!tpu.dma_semaphore, #tpu.memory_space<semaphore_mem>>)
      tpu.wait_dma2 semaphore(%run_scoped3A : memref<!tpu.dma_semaphore, #tpu.memory_space<semaphore_mem>>) src(%arg3 : memref<112x128xf32, #tpu.memory_space<hbm>>) dst(%arg8 : memref<112x128xf32, #tpu.memory_space<vmem>>)
      tpu.yield
    }) : () -> ()
    "tpu.region"() ({
      %run_scoped3A = tpu.sem_alloc : memref<!tpu.dma_semaphore, #tpu.memory_space<semaphore_mem>>
      %dma_start3A = arith.constant 0 : i32
      %dma_start3A_17 = arith.constant 0 : i32
      %dma_start3A_18 = tpu.memref_slice %arg2[%add3A, %dma_start3A, %dma_start3A_17] : memref<32x90x112xi32, #tpu.memory_space<hbm>> -> memref<1x90x112xi32, #tpu.memory_space<hbm>>
      %dma_start3A_19 = tpu.memref_squeeze %dma_start3A_18 : memref<1x90x112xi32, #tpu.memory_space<hbm>> -> memref<90x112xi32, #tpu.memory_space<hbm>>
      %dma_start3A_20 = arith.constant 0 : i32
      %dma_start3A_21 = arith.constant 0 : i32
      %dma_start3A_22 = tpu.memref_slice %arg2[%add3A, %dma_start3A_20, %dma_start3A_21] : memref<32x90x112xi32, #tpu.memory_space<hbm>> -> memref<1x90x112xi32, #tpu.memory_space<hbm>>
      %dma_start3A_23 = tpu.memref_squeeze %dma_start3A_22 : memref<1x90x112xi32, #tpu.memory_space<hbm>> -> memref<90x112xi32, #tpu.memory_space<hbm>>
      tpu.enqueue_dma source(%dma_start3A_23 : memref<90x112xi32, #tpu.memory_space<hbm>>) target(%arg7 : memref<90x112xi32, #tpu.memory_space<vmem>>) target_semaphore(%run_scoped3A : memref<!tpu.dma_semaphore, #tpu.memory_space<semaphore_mem>>)
      %dma_wait3A = arith.constant 0 : i32
      %dma_wait3A_24 = arith.constant 0 : i32
      %dma_wait3A_25 = tpu.memref_slice %arg2[%add3A, %dma_wait3A, %dma_wait3A_24] : memref<32x90x112xi32, #tpu.memory_space<hbm>> -> memref<1x90x112xi32, #tpu.memory_space<hbm>>
      %dma_wait3A_26 = tpu.memref_squeeze %dma_wait3A_25 : memref<1x90x112xi32, #tpu.memory_space<hbm>> -> memref<90x112xi32, #tpu.memory_space<hbm>>
      %dma_wait3A_27 = arith.constant 0 : i32
      %dma_wait3A_28 = arith.constant 0 : i32
      %dma_wait3A_29 = tpu.memref_slice %arg2[%add3A, %dma_wait3A_27, %dma_wait3A_28] : memref<32x90x112xi32, #tpu.memory_space<hbm>> -> memref<1x90x112xi32, #tpu.memory_space<hbm>>
      %dma_wait3A_30 = tpu.memref_squeeze %dma_wait3A_29 : memref<1x90x112xi32, #tpu.memory_space<hbm>> -> memref<90x112xi32, #tpu.memory_space<hbm>>
      tpu.wait_dma2 semaphore(%run_scoped3A : memref<!tpu.dma_semaphore, #tpu.memory_space<semaphore_mem>>) src(%dma_wait3A_30 : memref<90x112xi32, #tpu.memory_space<hbm>>) dst(%arg7 : memref<90x112xi32, #tpu.memory_space<vmem>>)
      tpu.yield
    }) : () -> ()
    %barrier3A = arith.constant 0 : index
    tpu.barrier barrier_id(%barrier3A)
    %scan3A = arith.constant 0 : i32
    %scan3A_3 = arith.constant 90 : i32
    %scan3A_4 = arith.addi %scan3A, %scan3A_3 : i32
    %scan3A_5 = arith.constant 1 : i32
    scf.for %scan3A_17 = %scan3A to %scan3A_4 step %scan3A_5  : i32 {
      %dma_start3A = arith.constant 0 : i32
      %dma_start3A_18 = tpu.memref_slice %arg7[%scan3A_17, %dma_start3A] : memref<90x112xi32, #tpu.memory_space<vmem>> -> memref<1x112xi32, #tpu.memory_space<vmem>>
      %dma_start3A_19 = tpu.memref_squeeze %dma_start3A_18 : memref<1x112xi32, #tpu.memory_space<vmem>> -> memref<112xi32, #tpu.memory_space<vmem>>
      %dma_start3A_20 = arith.constant 0 : i32
      %dma_start3A_21 = arith.constant 0 : i32
      %dma_start3A_22 = tpu.memref_slice %arg6[%dma_start3A_20, %dma_start3A_21] : memref<10112x128xf32, #tpu.memory_space<vmem_shared>> -> memref<10112x128xf32, #tpu.memory_space<vmem_shared>>
      tpu.enqueue_indirect_dma source(%arg8 : memref<112x128xf32, #tpu.memory_space<vmem>>) target(%dma_start3A_22 : memref<10112x128xf32, #tpu.memory_space<vmem_shared>>) offsets(%dma_start3A_19 : memref<112xi32, #tpu.memory_space<vmem>>) semaphore(%arg9 : memref<!tpu.dma_semaphore, #tpu.memory_space<semaphore_mem>>) {add = true}
    }
    %scan3A_6 = arith.constant 90 : i32
    %scan3A_7 = arith.constant 0 : i32
    %scan3A_8 = arith.constant 90 : i32
    %scan3A_9 = arith.addi %scan3A_7, %scan3A_8 : i32
    %scan3A_10 = arith.constant 1 : i32
    scf.for %scan3A_17 = %scan3A_7 to %scan3A_9 step %scan3A_10  : i32 {
      %dma_wait3A = arith.constant 0 : i32
      %dma_wait3A_18 = tpu.memref_slice %arg7[%scan3A_17, %dma_wait3A] : memref<90x112xi32, #tpu.memory_space<vmem>> -> memref<1x112xi32, #tpu.memory_space<vmem>>
      %dma_wait3A_19 = tpu.memref_squeeze %dma_wait3A_18 : memref<1x112xi32, #tpu.memory_space<vmem>> -> memref<112xi32, #tpu.memory_space<vmem>>
      %dma_wait3A_20 = arith.constant 0 : i32
      %dma_wait3A_21 = arith.constant 0 : i32
      %dma_wait3A_22 = tpu.memref_slice %arg6[%dma_wait3A_20, %dma_wait3A_21] : memref<10112x128xf32, #tpu.memory_space<vmem_shared>> -> memref<10112x128xf32, #tpu.memory_space<vmem_shared>>
      tpu.wait_indirect_dma semaphore(%arg9 : memref<!tpu.dma_semaphore, #tpu.memory_space<semaphore_mem>>) src(%arg8 : memref<112x128xf32, #tpu.memory_space<vmem>>) dst(%dma_wait3A_22 : memref<10112x128xf32, #tpu.memory_space<vmem_shared>>)
    }
    %scan3A_11 = arith.constant 90 : i32
    %barrier3A_12 = arith.constant 0 : index
    tpu.barrier barrier_id(%barrier3A_12)
    %mul3A_13 = arith.constant 632 : i32
    %mul3A_14 = arith.muli %arg1, %mul3A_13 : i32
    %mul3A_15 = arith.constant 632 : i32
    %mul3A_16 = arith.muli %arg1, %mul3A_15 : i32
    "tpu.region"() ({
      %run_scoped3A = tpu.sem_alloc : memref<!tpu.dma_semaphore, #tpu.memory_space<semaphore_mem>>
      %dma_start3A = arith.constant 0 : i32
      %dma_start3A_17 = tpu.memref_slice %arg5[%arg0, %mul3A_16, %dma_start3A] : memref<2x10112x128xf32, #tpu.memory_space<hbm>> -> memref<1x632x128xf32, #tpu.memory_space<hbm>>
      %dma_start3A_18 = tpu.memref_squeeze %dma_start3A_17 : memref<1x632x128xf32, #tpu.memory_space<hbm>> -> memref<632x128xf32, #tpu.memory_space<hbm>>
      %dma_start3A_19 = arith.constant 0 : i32
      %dma_start3A_20 = tpu.memref_slice %arg6[%mul3A_14, %dma_start3A_19] : memref<10112x128xf32, #tpu.memory_space<vmem_shared>> -> memref<632x128xf32, #tpu.memory_space<vmem_shared>>
      tpu.enqueue_dma source(%dma_start3A_20 : memref<632x128xf32, #tpu.memory_space<vmem_shared>>) target(%dma_start3A_18 : memref<632x128xf32, #tpu.memory_space<hbm>>) target_semaphore(%run_scoped3A : memref<!tpu.dma_semaphore, #tpu.memory_space<semaphore_mem>>)
      %dma_wait3A = arith.constant 0 : i32
      %dma_wait3A_21 = tpu.memref_slice %arg5[%arg0, %mul3A_16, %dma_wait3A] : memref<2x10112x128xf32, #tpu.memory_space<hbm>> -> memref<1x632x128xf32, #tpu.memory_space<hbm>>
      %dma_wait3A_22 = tpu.memref_squeeze %dma_wait3A_21 : memref<1x632x128xf32, #tpu.memory_space<hbm>> -> memref<632x128xf32, #tpu.memory_space<hbm>>
      %dma_wait3A_23 = arith.constant 0 : i32
      %dma_wait3A_24 = tpu.memref_slice %arg6[%mul3A_14, %dma_wait3A_23] : memref<10112x128xf32, #tpu.memory_space<vmem_shared>> -> memref<632x128xf32, #tpu.memory_space<vmem_shared>>
      tpu.wait_dma2 semaphore(%run_scoped3A : memref<!tpu.dma_semaphore, #tpu.memory_space<semaphore_mem>>) src(%dma_wait3A_24 : memref<632x128xf32, #tpu.memory_space<vmem_shared>>) dst(%dma_wait3A_22 : memref<632x128xf32, #tpu.memory_space<hbm>>)
      tpu.yield
    }) : () -> ()
    return
  }
}

#map = affine_map<(d0, d1) -> (0, 0)>
#map1 = affine_map<(d0, d1) -> (0, 0, 0, 0)>
#map2 = affine_map<(d0, d1) -> (0, 0, 0)>
module attributes {stable_mosaic.version = 14 : i64} {
  func.func @_agg_body(%arg0: i32, %arg1: i32, %arg2: memref<10000x128xf32, #tpu.memory_space<hbm>>, %arg3: memref<32x6x15x112xi32, #tpu.memory_space<hbm>>, %arg4: memref<32x6x15x112xi32, #tpu.memory_space<hbm>>, %arg5: memref<632x128xf32, #tpu.memory_space<hbm>>, %arg6: memref<2x10112x128xf32, #tpu.memory_space<hbm>>, %arg7: memref<10112x128xf32, #tpu.memory_space<vmem_shared>>, %arg8: memref<15x112xi32, #tpu.memory_space<vmem>>, %arg9: memref<15x112xi32, #tpu.memory_space<vmem>>, %arg10: memref<112x128xf32, #tpu.memory_space<vmem>>, %arg11: memref<112x128xf32, #tpu.memory_space<vmem>>, %arg12: memref<112x128xf32, #tpu.memory_space<vmem>>, %arg13: memref<!tpu.dma_semaphore, #tpu.memory_space<semaphore_mem>>, %arg14: memref<!tpu.dma_semaphore, #tpu.memory_space<semaphore_mem>>, %arg15: memref<!tpu.dma_semaphore, #tpu.memory_space<semaphore_mem>>, %arg16: memref<!tpu.dma_semaphore, #tpu.memory_space<semaphore_mem>>, %arg17: memref<!tpu.dma_semaphore, #tpu.memory_space<semaphore_mem>>, %arg18: memref<!tpu.dma_semaphore, #tpu.memory_space<semaphore_mem>>) attributes {dimension_semantics = [#tpu.dimension_semantics<core_parallel>, #tpu.dimension_semantics<subcore_parallel>], iteration_bounds = array<i64: 2, 16>, scalar_prefetch = 0 : i64, scratch_operands = 12 : i64, tpu.core_type = #tpu.core_type<sc_vector_subcore>, window_params = [{transform_indices = #map}, {transform_indices = #map1}, {transform_indices = #map1}, {transform_indices = #map}, {transform_indices = #map2}]} {
    %mul3A = arith.constant 2 : i32
    %mul3A_0 = arith.muli %arg1, %mul3A : i32
    %add3A = arith.addi %mul3A_0, %arg0 : i32
    %mul3A_1 = arith.constant 632 : i32
    %mul3A_2 = arith.muli %arg1, %mul3A_1 : i32
    "tpu.region"() ({
      %run_scoped3A = tpu.sem_alloc : memref<!tpu.dma_semaphore, #tpu.memory_space<semaphore_mem>>
      %dma_start3A = arith.constant 0 : i32
      %dma_start3A_12 = tpu.memref_slice %arg7[%mul3A_2, %dma_start3A] : memref<10112x128xf32, #tpu.memory_space<vmem_shared>> -> memref<632x128xf32, #tpu.memory_space<vmem_shared>>
      tpu.enqueue_dma source(%arg5 : memref<632x128xf32, #tpu.memory_space<hbm>>) target(%dma_start3A_12 : memref<632x128xf32, #tpu.memory_space<vmem_shared>>) target_semaphore(%run_scoped3A : memref<!tpu.dma_semaphore, #tpu.memory_space<semaphore_mem>>)
      %dma_wait3A = arith.constant 0 : i32
      %dma_wait3A_13 = tpu.memref_slice %arg7[%mul3A_2, %dma_wait3A] : memref<10112x128xf32, #tpu.memory_space<vmem_shared>> -> memref<632x128xf32, #tpu.memory_space<vmem_shared>>
      tpu.wait_dma2 semaphore(%run_scoped3A : memref<!tpu.dma_semaphore, #tpu.memory_space<semaphore_mem>>) src(%arg5 : memref<632x128xf32, #tpu.memory_space<hbm>>) dst(%dma_wait3A_13 : memref<632x128xf32, #tpu.memory_space<vmem_shared>>)
      tpu.yield
    }) : () -> ()
    %barrier3A = arith.constant 0 : index
    tpu.barrier barrier_id(%barrier3A)
    %scan3A = arith.constant 0 : i32
    %scan3A_3 = arith.constant 6 : i32
    %scan3A_4 = arith.addi %scan3A, %scan3A_3 : i32
    %scan3A_5 = arith.constant 1 : i32
    scf.for %scan3A_12 = %scan3A to %scan3A_4 step %scan3A_5  : i32 {
      "tpu.region"() ({
        %run_scoped3A = tpu.sem_alloc : memref<!tpu.dma_semaphore, #tpu.memory_space<semaphore_mem>>
        %dma_start3A_431 = arith.constant 0 : i32
        %dma_start3A_432 = arith.constant 0 : i32
        %dma_start3A_433 = tpu.memref_slice %arg3[%add3A, %scan3A_12, %dma_start3A_431, %dma_start3A_432] : memref<32x6x15x112xi32, #tpu.memory_space<hbm>> -> memref<1x1x15x112xi32, #tpu.memory_space<hbm>>
        %dma_start3A_434 = tpu.memref_squeeze %dma_start3A_433 : memref<1x1x15x112xi32, #tpu.memory_space<hbm>> -> memref<15x112xi32, #tpu.memory_space<hbm>>
        %dma_start3A_435 = arith.constant 0 : i32
        %dma_start3A_436 = arith.constant 0 : i32
        %dma_start3A_437 = tpu.memref_slice %arg3[%add3A, %scan3A_12, %dma_start3A_435, %dma_start3A_436] : memref<32x6x15x112xi32, #tpu.memory_space<hbm>> -> memref<1x1x15x112xi32, #tpu.memory_space<hbm>>
        %dma_start3A_438 = tpu.memref_squeeze %dma_start3A_437 : memref<1x1x15x112xi32, #tpu.memory_space<hbm>> -> memref<15x112xi32, #tpu.memory_space<hbm>>
        tpu.enqueue_dma source(%dma_start3A_438 : memref<15x112xi32, #tpu.memory_space<hbm>>) target(%arg8 : memref<15x112xi32, #tpu.memory_space<vmem>>) target_semaphore(%run_scoped3A : memref<!tpu.dma_semaphore, #tpu.memory_space<semaphore_mem>>)
        %dma_wait3A_439 = arith.constant 0 : i32
        %dma_wait3A_440 = arith.constant 0 : i32
        %dma_wait3A_441 = tpu.memref_slice %arg3[%add3A, %scan3A_12, %dma_wait3A_439, %dma_wait3A_440] : memref<32x6x15x112xi32, #tpu.memory_space<hbm>> -> memref<1x1x15x112xi32, #tpu.memory_space<hbm>>
        %dma_wait3A_442 = tpu.memref_squeeze %dma_wait3A_441 : memref<1x1x15x112xi32, #tpu.memory_space<hbm>> -> memref<15x112xi32, #tpu.memory_space<hbm>>
        %dma_wait3A_443 = arith.constant 0 : i32
        %dma_wait3A_444 = arith.constant 0 : i32
        %dma_wait3A_445 = tpu.memref_slice %arg3[%add3A, %scan3A_12, %dma_wait3A_443, %dma_wait3A_444] : memref<32x6x15x112xi32, #tpu.memory_space<hbm>> -> memref<1x1x15x112xi32, #tpu.memory_space<hbm>>
        %dma_wait3A_446 = tpu.memref_squeeze %dma_wait3A_445 : memref<1x1x15x112xi32, #tpu.memory_space<hbm>> -> memref<15x112xi32, #tpu.memory_space<hbm>>
        tpu.wait_dma2 semaphore(%run_scoped3A : memref<!tpu.dma_semaphore, #tpu.memory_space<semaphore_mem>>) src(%dma_wait3A_446 : memref<15x112xi32, #tpu.memory_space<hbm>>) dst(%arg8 : memref<15x112xi32, #tpu.memory_space<vmem>>)
        tpu.yield
      }) : () -> ()
      "tpu.region"() ({
        %run_scoped3A = tpu.sem_alloc : memref<!tpu.dma_semaphore, #tpu.memory_space<semaphore_mem>>
        %dma_start3A_431 = arith.constant 0 : i32
        %dma_start3A_432 = arith.constant 0 : i32
        %dma_start3A_433 = tpu.memref_slice %arg4[%add3A, %scan3A_12, %dma_start3A_431, %dma_start3A_432] : memref<32x6x15x112xi32, #tpu.memory_space<hbm>> -> memref<1x1x15x112xi32, #tpu.memory_space<hbm>>
        %dma_start3A_434 = tpu.memref_squeeze %dma_start3A_433 : memref<1x1x15x112xi32, #tpu.memory_space<hbm>> -> memref<15x112xi32, #tpu.memory_space<hbm>>
        %dma_start3A_435 = arith.constant 0 : i32
        %dma_start3A_436 = arith.constant 0 : i32
        %dma_start3A_437 = tpu.memref_slice %arg4[%add3A, %scan3A_12, %dma_start3A_435, %dma_start3A_436] : memref<32x6x15x112xi32, #tpu.memory_space<hbm>> -> memref<1x1x15x112xi32, #tpu.memory_space<hbm>>
        %dma_start3A_438 = tpu.memref_squeeze %dma_start3A_437 : memref<1x1x15x112xi32, #tpu.memory_space<hbm>> -> memref<15x112xi32, #tpu.memory_space<hbm>>
        tpu.enqueue_dma source(%dma_start3A_438 : memref<15x112xi32, #tpu.memory_space<hbm>>) target(%arg9 : memref<15x112xi32, #tpu.memory_space<vmem>>) target_semaphore(%run_scoped3A : memref<!tpu.dma_semaphore, #tpu.memory_space<semaphore_mem>>)
        %dma_wait3A_439 = arith.constant 0 : i32
        %dma_wait3A_440 = arith.constant 0 : i32
        %dma_wait3A_441 = tpu.memref_slice %arg4[%add3A, %scan3A_12, %dma_wait3A_439, %dma_wait3A_440] : memref<32x6x15x112xi32, #tpu.memory_space<hbm>> -> memref<1x1x15x112xi32, #tpu.memory_space<hbm>>
        %dma_wait3A_442 = tpu.memref_squeeze %dma_wait3A_441 : memref<1x1x15x112xi32, #tpu.memory_space<hbm>> -> memref<15x112xi32, #tpu.memory_space<hbm>>
        %dma_wait3A_443 = arith.constant 0 : i32
        %dma_wait3A_444 = arith.constant 0 : i32
        %dma_wait3A_445 = tpu.memref_slice %arg4[%add3A, %scan3A_12, %dma_wait3A_443, %dma_wait3A_444] : memref<32x6x15x112xi32, #tpu.memory_space<hbm>> -> memref<1x1x15x112xi32, #tpu.memory_space<hbm>>
        %dma_wait3A_446 = tpu.memref_squeeze %dma_wait3A_445 : memref<1x1x15x112xi32, #tpu.memory_space<hbm>> -> memref<15x112xi32, #tpu.memory_space<hbm>>
        tpu.wait_dma2 semaphore(%run_scoped3A : memref<!tpu.dma_semaphore, #tpu.memory_space<semaphore_mem>>) src(%dma_wait3A_446 : memref<15x112xi32, #tpu.memory_space<hbm>>) dst(%arg9 : memref<15x112xi32, #tpu.memory_space<vmem>>)
        tpu.yield
      }) : () -> ()
      %dma_start3A = arith.constant 0 : i32
      %dma_start3A_13 = arith.constant 0 : i32
      %dma_start3A_14 = tpu.memref_slice %arg8[%dma_start3A, %dma_start3A_13] : memref<15x112xi32, #tpu.memory_space<vmem>> -> memref<1x112xi32, #tpu.memory_space<vmem>>
      %dma_start3A_15 = tpu.memref_squeeze %dma_start3A_14 : memref<1x112xi32, #tpu.memory_space<vmem>> -> memref<112xi32, #tpu.memory_space<vmem>>
      %dma_start3A_16 = arith.constant 0 : i32
      %dma_start3A_17 = arith.constant 0 : i32
      %dma_start3A_18 = tpu.memref_slice %arg2[%dma_start3A_16, %dma_start3A_17] : memref<10000x128xf32, #tpu.memory_space<hbm>> -> memref<10000x128xf32, #tpu.memory_space<hbm>>
      tpu.enqueue_indirect_dma source(%dma_start3A_18 : memref<10000x128xf32, #tpu.memory_space<hbm>>) target(%arg10 : memref<112x128xf32, #tpu.memory_space<vmem>>) offsets(%dma_start3A_15 : memref<112xi32, #tpu.memory_space<vmem>>) semaphore(%arg13 : memref<!tpu.dma_semaphore, #tpu.memory_space<semaphore_mem>>)
      %dma_start3A_19 = arith.constant 1 : i32
      %dma_start3A_20 = arith.constant 0 : i32
      %dma_start3A_21 = tpu.memref_slice %arg8[%dma_start3A_19, %dma_start3A_20] : memref<15x112xi32, #tpu.memory_space<vmem>> -> memref<1x112xi32, #tpu.memory_space<vmem>>
      %dma_start3A_22 = tpu.memref_squeeze %dma_start3A_21 : memref<1x112xi32, #tpu.memory_space<vmem>> -> memref<112xi32, #tpu.memory_space<vmem>>
      %dma_start3A_23 = arith.constant 0 : i32
      %dma_start3A_24 = arith.constant 0 : i32
      %dma_start3A_25 = tpu.memref_slice %arg2[%dma_start3A_23, %dma_start3A_24] : memref<10000x128xf32, #tpu.memory_space<hbm>> -> memref<10000x128xf32, #tpu.memory_space<hbm>>
      tpu.enqueue_indirect_dma source(%dma_start3A_25 : memref<10000x128xf32, #tpu.memory_space<hbm>>) target(%arg11 : memref<112x128xf32, #tpu.memory_space<vmem>>) offsets(%dma_start3A_22 : memref<112xi32, #tpu.memory_space<vmem>>) semaphore(%arg14 : memref<!tpu.dma_semaphore, #tpu.memory_space<semaphore_mem>>)
      %dma_start3A_26 = arith.constant 2 : i32
      %dma_start3A_27 = arith.constant 0 : i32
      %dma_start3A_28 = tpu.memref_slice %arg8[%dma_start3A_26, %dma_start3A_27] : memref<15x112xi32, #tpu.memory_space<vmem>> -> memref<1x112xi32, #tpu.memory_space<vmem>>
      %dma_start3A_29 = tpu.memref_squeeze %dma_start3A_28 : memref<1x112xi32, #tpu.memory_space<vmem>> -> memref<112xi32, #tpu.memory_space<vmem>>
      %dma_start3A_30 = arith.constant 0 : i32
      %dma_start3A_31 = arith.constant 0 : i32
      %dma_start3A_32 = tpu.memref_slice %arg2[%dma_start3A_30, %dma_start3A_31] : memref<10000x128xf32, #tpu.memory_space<hbm>> -> memref<10000x128xf32, #tpu.memory_space<hbm>>
      tpu.enqueue_indirect_dma source(%dma_start3A_32 : memref<10000x128xf32, #tpu.memory_space<hbm>>) target(%arg12 : memref<112x128xf32, #tpu.memory_space<vmem>>) offsets(%dma_start3A_29 : memref<112xi32, #tpu.memory_space<vmem>>) semaphore(%arg15 : memref<!tpu.dma_semaphore, #tpu.memory_space<semaphore_mem>>)
      %dma_wait3A = arith.constant 0 : i32
      %dma_wait3A_33 = arith.constant 0 : i32
      %dma_wait3A_34 = tpu.memref_slice %arg8[%dma_wait3A, %dma_wait3A_33] : memref<15x112xi32, #tpu.memory_space<vmem>> -> memref<1x112xi32, #tpu.memory_space<vmem>>
      %dma_wait3A_35 = tpu.memref_squeeze %dma_wait3A_34 : memref<1x112xi32, #tpu.memory_space<vmem>> -> memref<112xi32, #tpu.memory_space<vmem>>
      %dma_wait3A_36 = arith.constant 0 : i32
      %dma_wait3A_37 = arith.constant 0 : i32
      %dma_wait3A_38 = tpu.memref_slice %arg2[%dma_wait3A_36, %dma_wait3A_37] : memref<10000x128xf32, #tpu.memory_space<hbm>> -> memref<10000x128xf32, #tpu.memory_space<hbm>>
      tpu.wait_indirect_dma semaphore(%arg13 : memref<!tpu.dma_semaphore, #tpu.memory_space<semaphore_mem>>) src(%dma_wait3A_38 : memref<10000x128xf32, #tpu.memory_space<hbm>>) dst(%arg10 : memref<112x128xf32, #tpu.memory_space<vmem>>)
      %dma_start3A_39 = arith.constant 0 : i32
      %dma_start3A_40 = arith.constant 0 : i32
      %dma_start3A_41 = tpu.memref_slice %arg9[%dma_start3A_39, %dma_start3A_40] : memref<15x112xi32, #tpu.memory_space<vmem>> -> memref<1x112xi32, #tpu.memory_space<vmem>>
      %dma_start3A_42 = tpu.memref_squeeze %dma_start3A_41 : memref<1x112xi32, #tpu.memory_space<vmem>> -> memref<112xi32, #tpu.memory_space<vmem>>
      %dma_start3A_43 = arith.constant 0 : i32
      %dma_start3A_44 = arith.constant 0 : i32
      %dma_start3A_45 = tpu.memref_slice %arg7[%dma_start3A_43, %dma_start3A_44] : memref<10112x128xf32, #tpu.memory_space<vmem_shared>> -> memref<10112x128xf32, #tpu.memory_space<vmem_shared>>
      tpu.enqueue_indirect_dma source(%arg10 : memref<112x128xf32, #tpu.memory_space<vmem>>) target(%dma_start3A_45 : memref<10112x128xf32, #tpu.memory_space<vmem_shared>>) offsets(%dma_start3A_42 : memref<112xi32, #tpu.memory_space<vmem>>) semaphore(%arg16 : memref<!tpu.dma_semaphore, #tpu.memory_space<semaphore_mem>>) {add = true}
      %dma_wait3A_46 = arith.constant 0 : i32
      %dma_wait3A_47 = arith.constant 0 : i32
      %dma_wait3A_48 = tpu.memref_slice %arg9[%dma_wait3A_46, %dma_wait3A_47] : memref<15x112xi32, #tpu.memory_space<vmem>> -> memref<1x112xi32, #tpu.memory_space<vmem>>
      %dma_wait3A_49 = tpu.memref_squeeze %dma_wait3A_48 : memref<1x112xi32, #tpu.memory_space<vmem>> -> memref<112xi32, #tpu.memory_space<vmem>>
      %dma_wait3A_50 = arith.constant 0 : i32
      %dma_wait3A_51 = arith.constant 0 : i32
      %dma_wait3A_52 = tpu.memref_slice %arg7[%dma_wait3A_50, %dma_wait3A_51] : memref<10112x128xf32, #tpu.memory_space<vmem_shared>> -> memref<10112x128xf32, #tpu.memory_space<vmem_shared>>
      tpu.wait_indirect_dma semaphore(%arg16 : memref<!tpu.dma_semaphore, #tpu.memory_space<semaphore_mem>>) src(%arg10 : memref<112x128xf32, #tpu.memory_space<vmem>>) dst(%dma_wait3A_52 : memref<10112x128xf32, #tpu.memory_space<vmem_shared>>)
      %dma_start3A_53 = arith.constant 3 : i32
      %dma_start3A_54 = arith.constant 0 : i32
      %dma_start3A_55 = tpu.memref_slice %arg8[%dma_start3A_53, %dma_start3A_54] : memref<15x112xi32, #tpu.memory_space<vmem>> -> memref<1x112xi32, #tpu.memory_space<vmem>>
      %dma_start3A_56 = tpu.memref_squeeze %dma_start3A_55 : memref<1x112xi32, #tpu.memory_space<vmem>> -> memref<112xi32, #tpu.memory_space<vmem>>
      %dma_start3A_57 = arith.constant 0 : i32
      %dma_start3A_58 = arith.constant 0 : i32
      %dma_start3A_59 = tpu.memref_slice %arg2[%dma_start3A_57, %dma_start3A_58] : memref<10000x128xf32, #tpu.memory_space<hbm>> -> memref<10000x128xf32, #tpu.memory_space<hbm>>
      tpu.enqueue_indirect_dma source(%dma_start3A_59 : memref<10000x128xf32, #tpu.memory_space<hbm>>) target(%arg10 : memref<112x128xf32, #tpu.memory_space<vmem>>) offsets(%dma_start3A_56 : memref<112xi32, #tpu.memory_space<vmem>>) semaphore(%arg13 : memref<!tpu.dma_semaphore, #tpu.memory_space<semaphore_mem>>)
      %dma_wait3A_60 = arith.constant 1 : i32
      %dma_wait3A_61 = arith.constant 0 : i32
      %dma_wait3A_62 = tpu.memref_slice %arg8[%dma_wait3A_60, %dma_wait3A_61] : memref<15x112xi32, #tpu.memory_space<vmem>> -> memref<1x112xi32, #tpu.memory_space<vmem>>
      %dma_wait3A_63 = tpu.memref_squeeze %dma_wait3A_62 : memref<1x112xi32, #tpu.memory_space<vmem>> -> memref<112xi32, #tpu.memory_space<vmem>>
      %dma_wait3A_64 = arith.constant 0 : i32
      %dma_wait3A_65 = arith.constant 0 : i32
      %dma_wait3A_66 = tpu.memref_slice %arg2[%dma_wait3A_64, %dma_wait3A_65] : memref<10000x128xf32, #tpu.memory_space<hbm>> -> memref<10000x128xf32, #tpu.memory_space<hbm>>
      tpu.wait_indirect_dma semaphore(%arg14 : memref<!tpu.dma_semaphore, #tpu.memory_space<semaphore_mem>>) src(%dma_wait3A_66 : memref<10000x128xf32, #tpu.memory_space<hbm>>) dst(%arg11 : memref<112x128xf32, #tpu.memory_space<vmem>>)
      %dma_start3A_67 = arith.constant 1 : i32
      %dma_start3A_68 = arith.constant 0 : i32
      %dma_start3A_69 = tpu.memref_slice %arg9[%dma_start3A_67, %dma_start3A_68] : memref<15x112xi32, #tpu.memory_space<vmem>> -> memref<1x112xi32, #tpu.memory_space<vmem>>
      %dma_start3A_70 = tpu.memref_squeeze %dma_start3A_69 : memref<1x112xi32, #tpu.memory_space<vmem>> -> memref<112xi32, #tpu.memory_space<vmem>>
      %dma_start3A_71 = arith.constant 0 : i32
      %dma_start3A_72 = arith.constant 0 : i32
      %dma_start3A_73 = tpu.memref_slice %arg7[%dma_start3A_71, %dma_start3A_72] : memref<10112x128xf32, #tpu.memory_space<vmem_shared>> -> memref<10112x128xf32, #tpu.memory_space<vmem_shared>>
      tpu.enqueue_indirect_dma source(%arg11 : memref<112x128xf32, #tpu.memory_space<vmem>>) target(%dma_start3A_73 : memref<10112x128xf32, #tpu.memory_space<vmem_shared>>) offsets(%dma_start3A_70 : memref<112xi32, #tpu.memory_space<vmem>>) semaphore(%arg17 : memref<!tpu.dma_semaphore, #tpu.memory_space<semaphore_mem>>) {add = true}
      %dma_wait3A_74 = arith.constant 1 : i32
      %dma_wait3A_75 = arith.constant 0 : i32
      %dma_wait3A_76 = tpu.memref_slice %arg9[%dma_wait3A_74, %dma_wait3A_75] : memref<15x112xi32, #tpu.memory_space<vmem>> -> memref<1x112xi32, #tpu.memory_space<vmem>>
      %dma_wait3A_77 = tpu.memref_squeeze %dma_wait3A_76 : memref<1x112xi32, #tpu.memory_space<vmem>> -> memref<112xi32, #tpu.memory_space<vmem>>
      %dma_wait3A_78 = arith.constant 0 : i32
      %dma_wait3A_79 = arith.constant 0 : i32
      %dma_wait3A_80 = tpu.memref_slice %arg7[%dma_wait3A_78, %dma_wait3A_79] : memref<10112x128xf32, #tpu.memory_space<vmem_shared>> -> memref<10112x128xf32, #tpu.memory_space<vmem_shared>>
      tpu.wait_indirect_dma semaphore(%arg17 : memref<!tpu.dma_semaphore, #tpu.memory_space<semaphore_mem>>) src(%arg11 : memref<112x128xf32, #tpu.memory_space<vmem>>) dst(%dma_wait3A_80 : memref<10112x128xf32, #tpu.memory_space<vmem_shared>>)
      %dma_start3A_81 = arith.constant 4 : i32
      %dma_start3A_82 = arith.constant 0 : i32
      %dma_start3A_83 = tpu.memref_slice %arg8[%dma_start3A_81, %dma_start3A_82] : memref<15x112xi32, #tpu.memory_space<vmem>> -> memref<1x112xi32, #tpu.memory_space<vmem>>
      %dma_start3A_84 = tpu.memref_squeeze %dma_start3A_83 : memref<1x112xi32, #tpu.memory_space<vmem>> -> memref<112xi32, #tpu.memory_space<vmem>>
      %dma_start3A_85 = arith.constant 0 : i32
      %dma_start3A_86 = arith.constant 0 : i32
      %dma_start3A_87 = tpu.memref_slice %arg2[%dma_start3A_85, %dma_start3A_86] : memref<10000x128xf32, #tpu.memory_space<hbm>> -> memref<10000x128xf32, #tpu.memory_space<hbm>>
      tpu.enqueue_indirect_dma source(%dma_start3A_87 : memref<10000x128xf32, #tpu.memory_space<hbm>>) target(%arg11 : memref<112x128xf32, #tpu.memory_space<vmem>>) offsets(%dma_start3A_84 : memref<112xi32, #tpu.memory_space<vmem>>) semaphore(%arg14 : memref<!tpu.dma_semaphore, #tpu.memory_space<semaphore_mem>>)
      %dma_wait3A_88 = arith.constant 2 : i32
      %dma_wait3A_89 = arith.constant 0 : i32
      %dma_wait3A_90 = tpu.memref_slice %arg8[%dma_wait3A_88, %dma_wait3A_89] : memref<15x112xi32, #tpu.memory_space<vmem>> -> memref<1x112xi32, #tpu.memory_space<vmem>>
      %dma_wait3A_91 = tpu.memref_squeeze %dma_wait3A_90 : memref<1x112xi32, #tpu.memory_space<vmem>> -> memref<112xi32, #tpu.memory_space<vmem>>
      %dma_wait3A_92 = arith.constant 0 : i32
      %dma_wait3A_93 = arith.constant 0 : i32
      %dma_wait3A_94 = tpu.memref_slice %arg2[%dma_wait3A_92, %dma_wait3A_93] : memref<10000x128xf32, #tpu.memory_space<hbm>> -> memref<10000x128xf32, #tpu.memory_space<hbm>>
      tpu.wait_indirect_dma semaphore(%arg15 : memref<!tpu.dma_semaphore, #tpu.memory_space<semaphore_mem>>) src(%dma_wait3A_94 : memref<10000x128xf32, #tpu.memory_space<hbm>>) dst(%arg12 : memref<112x128xf32, #tpu.memory_space<vmem>>)
      %dma_start3A_95 = arith.constant 2 : i32
      %dma_start3A_96 = arith.constant 0 : i32
      %dma_start3A_97 = tpu.memref_slice %arg9[%dma_start3A_95, %dma_start3A_96] : memref<15x112xi32, #tpu.memory_space<vmem>> -> memref<1x112xi32, #tpu.memory_space<vmem>>
      %dma_start3A_98 = tpu.memref_squeeze %dma_start3A_97 : memref<1x112xi32, #tpu.memory_space<vmem>> -> memref<112xi32, #tpu.memory_space<vmem>>
      %dma_start3A_99 = arith.constant 0 : i32
      %dma_start3A_100 = arith.constant 0 : i32
      %dma_start3A_101 = tpu.memref_slice %arg7[%dma_start3A_99, %dma_start3A_100] : memref<10112x128xf32, #tpu.memory_space<vmem_shared>> -> memref<10112x128xf32, #tpu.memory_space<vmem_shared>>
      tpu.enqueue_indirect_dma source(%arg12 : memref<112x128xf32, #tpu.memory_space<vmem>>) target(%dma_start3A_101 : memref<10112x128xf32, #tpu.memory_space<vmem_shared>>) offsets(%dma_start3A_98 : memref<112xi32, #tpu.memory_space<vmem>>) semaphore(%arg18 : memref<!tpu.dma_semaphore, #tpu.memory_space<semaphore_mem>>) {add = true}
      %dma_wait3A_102 = arith.constant 2 : i32
      %dma_wait3A_103 = arith.constant 0 : i32
      %dma_wait3A_104 = tpu.memref_slice %arg9[%dma_wait3A_102, %dma_wait3A_103] : memref<15x112xi32, #tpu.memory_space<vmem>> -> memref<1x112xi32, #tpu.memory_space<vmem>>
      %dma_wait3A_105 = tpu.memref_squeeze %dma_wait3A_104 : memref<1x112xi32, #tpu.memory_space<vmem>> -> memref<112xi32, #tpu.memory_space<vmem>>
      %dma_wait3A_106 = arith.constant 0 : i32
      %dma_wait3A_107 = arith.constant 0 : i32
      %dma_wait3A_108 = tpu.memref_slice %arg7[%dma_wait3A_106, %dma_wait3A_107] : memref<10112x128xf32, #tpu.memory_space<vmem_shared>> -> memref<10112x128xf32, #tpu.memory_space<vmem_shared>>
      tpu.wait_indirect_dma semaphore(%arg18 : memref<!tpu.dma_semaphore, #tpu.memory_space<semaphore_mem>>) src(%arg12 : memref<112x128xf32, #tpu.memory_space<vmem>>) dst(%dma_wait3A_108 : memref<10112x128xf32, #tpu.memory_space<vmem_shared>>)
      %dma_start3A_109 = arith.constant 5 : i32
      %dma_start3A_110 = arith.constant 0 : i32
      %dma_start3A_111 = tpu.memref_slice %arg8[%dma_start3A_109, %dma_start3A_110] : memref<15x112xi32, #tpu.memory_space<vmem>> -> memref<1x112xi32, #tpu.memory_space<vmem>>
      %dma_start3A_112 = tpu.memref_squeeze %dma_start3A_111 : memref<1x112xi32, #tpu.memory_space<vmem>> -> memref<112xi32, #tpu.memory_space<vmem>>
      %dma_start3A_113 = arith.constant 0 : i32
      %dma_start3A_114 = arith.constant 0 : i32
      %dma_start3A_115 = tpu.memref_slice %arg2[%dma_start3A_113, %dma_start3A_114] : memref<10000x128xf32, #tpu.memory_space<hbm>> -> memref<10000x128xf32, #tpu.memory_space<hbm>>
      tpu.enqueue_indirect_dma source(%dma_start3A_115 : memref<10000x128xf32, #tpu.memory_space<hbm>>) target(%arg12 : memref<112x128xf32, #tpu.memory_space<vmem>>) offsets(%dma_start3A_112 : memref<112xi32, #tpu.memory_space<vmem>>) semaphore(%arg15 : memref<!tpu.dma_semaphore, #tpu.memory_space<semaphore_mem>>)
      %dma_wait3A_116 = arith.constant 3 : i32
      %dma_wait3A_117 = arith.constant 0 : i32
      %dma_wait3A_118 = tpu.memref_slice %arg8[%dma_wait3A_116, %dma_wait3A_117] : memref<15x112xi32, #tpu.memory_space<vmem>> -> memref<1x112xi32, #tpu.memory_space<vmem>>
      %dma_wait3A_119 = tpu.memref_squeeze %dma_wait3A_118 : memref<1x112xi32, #tpu.memory_space<vmem>> -> memref<112xi32, #tpu.memory_space<vmem>>
      %dma_wait3A_120 = arith.constant 0 : i32
      %dma_wait3A_121 = arith.constant 0 : i32
      %dma_wait3A_122 = tpu.memref_slice %arg2[%dma_wait3A_120, %dma_wait3A_121] : memref<10000x128xf32, #tpu.memory_space<hbm>> -> memref<10000x128xf32, #tpu.memory_space<hbm>>
      tpu.wait_indirect_dma semaphore(%arg13 : memref<!tpu.dma_semaphore, #tpu.memory_space<semaphore_mem>>) src(%dma_wait3A_122 : memref<10000x128xf32, #tpu.memory_space<hbm>>) dst(%arg10 : memref<112x128xf32, #tpu.memory_space<vmem>>)
      %dma_start3A_123 = arith.constant 3 : i32
      %dma_start3A_124 = arith.constant 0 : i32
      %dma_start3A_125 = tpu.memref_slice %arg9[%dma_start3A_123, %dma_start3A_124] : memref<15x112xi32, #tpu.memory_space<vmem>> -> memref<1x112xi32, #tpu.memory_space<vmem>>
      %dma_start3A_126 = tpu.memref_squeeze %dma_start3A_125 : memref<1x112xi32, #tpu.memory_space<vmem>> -> memref<112xi32, #tpu.memory_space<vmem>>
      %dma_start3A_127 = arith.constant 0 : i32
      %dma_start3A_128 = arith.constant 0 : i32
      %dma_start3A_129 = tpu.memref_slice %arg7[%dma_start3A_127, %dma_start3A_128] : memref<10112x128xf32, #tpu.memory_space<vmem_shared>> -> memref<10112x128xf32, #tpu.memory_space<vmem_shared>>
      tpu.enqueue_indirect_dma source(%arg10 : memref<112x128xf32, #tpu.memory_space<vmem>>) target(%dma_start3A_129 : memref<10112x128xf32, #tpu.memory_space<vmem_shared>>) offsets(%dma_start3A_126 : memref<112xi32, #tpu.memory_space<vmem>>) semaphore(%arg16 : memref<!tpu.dma_semaphore, #tpu.memory_space<semaphore_mem>>) {add = true}
      %dma_wait3A_130 = arith.constant 3 : i32
      %dma_wait3A_131 = arith.constant 0 : i32
      %dma_wait3A_132 = tpu.memref_slice %arg9[%dma_wait3A_130, %dma_wait3A_131] : memref<15x112xi32, #tpu.memory_space<vmem>> -> memref<1x112xi32, #tpu.memory_space<vmem>>
      %dma_wait3A_133 = tpu.memref_squeeze %dma_wait3A_132 : memref<1x112xi32, #tpu.memory_space<vmem>> -> memref<112xi32, #tpu.memory_space<vmem>>
      %dma_wait3A_134 = arith.constant 0 : i32
      %dma_wait3A_135 = arith.constant 0 : i32
      %dma_wait3A_136 = tpu.memref_slice %arg7[%dma_wait3A_134, %dma_wait3A_135] : memref<10112x128xf32, #tpu.memory_space<vmem_shared>> -> memref<10112x128xf32, #tpu.memory_space<vmem_shared>>
      tpu.wait_indirect_dma semaphore(%arg16 : memref<!tpu.dma_semaphore, #tpu.memory_space<semaphore_mem>>) src(%arg10 : memref<112x128xf32, #tpu.memory_space<vmem>>) dst(%dma_wait3A_136 : memref<10112x128xf32, #tpu.memory_space<vmem_shared>>)
      %dma_start3A_137 = arith.constant 6 : i32
      %dma_start3A_138 = arith.constant 0 : i32
      %dma_start3A_139 = tpu.memref_slice %arg8[%dma_start3A_137, %dma_start3A_138] : memref<15x112xi32, #tpu.memory_space<vmem>> -> memref<1x112xi32, #tpu.memory_space<vmem>>
      %dma_start3A_140 = tpu.memref_squeeze %dma_start3A_139 : memref<1x112xi32, #tpu.memory_space<vmem>> -> memref<112xi32, #tpu.memory_space<vmem>>
      %dma_start3A_141 = arith.constant 0 : i32
      %dma_start3A_142 = arith.constant 0 : i32
      %dma_start3A_143 = tpu.memref_slice %arg2[%dma_start3A_141, %dma_start3A_142] : memref<10000x128xf32, #tpu.memory_space<hbm>> -> memref<10000x128xf32, #tpu.memory_space<hbm>>
      tpu.enqueue_indirect_dma source(%dma_start3A_143 : memref<10000x128xf32, #tpu.memory_space<hbm>>) target(%arg10 : memref<112x128xf32, #tpu.memory_space<vmem>>) offsets(%dma_start3A_140 : memref<112xi32, #tpu.memory_space<vmem>>) semaphore(%arg13 : memref<!tpu.dma_semaphore, #tpu.memory_space<semaphore_mem>>)
      %dma_wait3A_144 = arith.constant 4 : i32
      %dma_wait3A_145 = arith.constant 0 : i32
      %dma_wait3A_146 = tpu.memref_slice %arg8[%dma_wait3A_144, %dma_wait3A_145] : memref<15x112xi32, #tpu.memory_space<vmem>> -> memref<1x112xi32, #tpu.memory_space<vmem>>
      %dma_wait3A_147 = tpu.memref_squeeze %dma_wait3A_146 : memref<1x112xi32, #tpu.memory_space<vmem>> -> memref<112xi32, #tpu.memory_space<vmem>>
      %dma_wait3A_148 = arith.constant 0 : i32
      %dma_wait3A_149 = arith.constant 0 : i32
      %dma_wait3A_150 = tpu.memref_slice %arg2[%dma_wait3A_148, %dma_wait3A_149] : memref<10000x128xf32, #tpu.memory_space<hbm>> -> memref<10000x128xf32, #tpu.memory_space<hbm>>
      tpu.wait_indirect_dma semaphore(%arg14 : memref<!tpu.dma_semaphore, #tpu.memory_space<semaphore_mem>>) src(%dma_wait3A_150 : memref<10000x128xf32, #tpu.memory_space<hbm>>) dst(%arg11 : memref<112x128xf32, #tpu.memory_space<vmem>>)
      %dma_start3A_151 = arith.constant 4 : i32
      %dma_start3A_152 = arith.constant 0 : i32
      %dma_start3A_153 = tpu.memref_slice %arg9[%dma_start3A_151, %dma_start3A_152] : memref<15x112xi32, #tpu.memory_space<vmem>> -> memref<1x112xi32, #tpu.memory_space<vmem>>
      %dma_start3A_154 = tpu.memref_squeeze %dma_start3A_153 : memref<1x112xi32, #tpu.memory_space<vmem>> -> memref<112xi32, #tpu.memory_space<vmem>>
      %dma_start3A_155 = arith.constant 0 : i32
      %dma_start3A_156 = arith.constant 0 : i32
      %dma_start3A_157 = tpu.memref_slice %arg7[%dma_start3A_155, %dma_start3A_156] : memref<10112x128xf32, #tpu.memory_space<vmem_shared>> -> memref<10112x128xf32, #tpu.memory_space<vmem_shared>>
      tpu.enqueue_indirect_dma source(%arg11 : memref<112x128xf32, #tpu.memory_space<vmem>>) target(%dma_start3A_157 : memref<10112x128xf32, #tpu.memory_space<vmem_shared>>) offsets(%dma_start3A_154 : memref<112xi32, #tpu.memory_space<vmem>>) semaphore(%arg17 : memref<!tpu.dma_semaphore, #tpu.memory_space<semaphore_mem>>) {add = true}
      %dma_wait3A_158 = arith.constant 4 : i32
      %dma_wait3A_159 = arith.constant 0 : i32
      %dma_wait3A_160 = tpu.memref_slice %arg9[%dma_wait3A_158, %dma_wait3A_159] : memref<15x112xi32, #tpu.memory_space<vmem>> -> memref<1x112xi32, #tpu.memory_space<vmem>>
      %dma_wait3A_161 = tpu.memref_squeeze %dma_wait3A_160 : memref<1x112xi32, #tpu.memory_space<vmem>> -> memref<112xi32, #tpu.memory_space<vmem>>
      %dma_wait3A_162 = arith.constant 0 : i32
      %dma_wait3A_163 = arith.constant 0 : i32
      %dma_wait3A_164 = tpu.memref_slice %arg7[%dma_wait3A_162, %dma_wait3A_163] : memref<10112x128xf32, #tpu.memory_space<vmem_shared>> -> memref<10112x128xf32, #tpu.memory_space<vmem_shared>>
      tpu.wait_indirect_dma semaphore(%arg17 : memref<!tpu.dma_semaphore, #tpu.memory_space<semaphore_mem>>) src(%arg11 : memref<112x128xf32, #tpu.memory_space<vmem>>) dst(%dma_wait3A_164 : memref<10112x128xf32, #tpu.memory_space<vmem_shared>>)
      %dma_start3A_165 = arith.constant 7 : i32
      %dma_start3A_166 = arith.constant 0 : i32
      %dma_start3A_167 = tpu.memref_slice %arg8[%dma_start3A_165, %dma_start3A_166] : memref<15x112xi32, #tpu.memory_space<vmem>> -> memref<1x112xi32, #tpu.memory_space<vmem>>
      %dma_start3A_168 = tpu.memref_squeeze %dma_start3A_167 : memref<1x112xi32, #tpu.memory_space<vmem>> -> memref<112xi32, #tpu.memory_space<vmem>>
      %dma_start3A_169 = arith.constant 0 : i32
      %dma_start3A_170 = arith.constant 0 : i32
      %dma_start3A_171 = tpu.memref_slice %arg2[%dma_start3A_169, %dma_start3A_170] : memref<10000x128xf32, #tpu.memory_space<hbm>> -> memref<10000x128xf32, #tpu.memory_space<hbm>>
      tpu.enqueue_indirect_dma source(%dma_start3A_171 : memref<10000x128xf32, #tpu.memory_space<hbm>>) target(%arg11 : memref<112x128xf32, #tpu.memory_space<vmem>>) offsets(%dma_start3A_168 : memref<112xi32, #tpu.memory_space<vmem>>) semaphore(%arg14 : memref<!tpu.dma_semaphore, #tpu.memory_space<semaphore_mem>>)
      %dma_wait3A_172 = arith.constant 5 : i32
      %dma_wait3A_173 = arith.constant 0 : i32
      %dma_wait3A_174 = tpu.memref_slice %arg8[%dma_wait3A_172, %dma_wait3A_173] : memref<15x112xi32, #tpu.memory_space<vmem>> -> memref<1x112xi32, #tpu.memory_space<vmem>>
      %dma_wait3A_175 = tpu.memref_squeeze %dma_wait3A_174 : memref<1x112xi32, #tpu.memory_space<vmem>> -> memref<112xi32, #tpu.memory_space<vmem>>
      %dma_wait3A_176 = arith.constant 0 : i32
      %dma_wait3A_177 = arith.constant 0 : i32
      %dma_wait3A_178 = tpu.memref_slice %arg2[%dma_wait3A_176, %dma_wait3A_177] : memref<10000x128xf32, #tpu.memory_space<hbm>> -> memref<10000x128xf32, #tpu.memory_space<hbm>>
      tpu.wait_indirect_dma semaphore(%arg15 : memref<!tpu.dma_semaphore, #tpu.memory_space<semaphore_mem>>) src(%dma_wait3A_178 : memref<10000x128xf32, #tpu.memory_space<hbm>>) dst(%arg12 : memref<112x128xf32, #tpu.memory_space<vmem>>)
      %dma_start3A_179 = arith.constant 5 : i32
      %dma_start3A_180 = arith.constant 0 : i32
      %dma_start3A_181 = tpu.memref_slice %arg9[%dma_start3A_179, %dma_start3A_180] : memref<15x112xi32, #tpu.memory_space<vmem>> -> memref<1x112xi32, #tpu.memory_space<vmem>>
      %dma_start3A_182 = tpu.memref_squeeze %dma_start3A_181 : memref<1x112xi32, #tpu.memory_space<vmem>> -> memref<112xi32, #tpu.memory_space<vmem>>
      %dma_start3A_183 = arith.constant 0 : i32
      %dma_start3A_184 = arith.constant 0 : i32
      %dma_start3A_185 = tpu.memref_slice %arg7[%dma_start3A_183, %dma_start3A_184] : memref<10112x128xf32, #tpu.memory_space<vmem_shared>> -> memref<10112x128xf32, #tpu.memory_space<vmem_shared>>
      tpu.enqueue_indirect_dma source(%arg12 : memref<112x128xf32, #tpu.memory_space<vmem>>) target(%dma_start3A_185 : memref<10112x128xf32, #tpu.memory_space<vmem_shared>>) offsets(%dma_start3A_182 : memref<112xi32, #tpu.memory_space<vmem>>) semaphore(%arg18 : memref<!tpu.dma_semaphore, #tpu.memory_space<semaphore_mem>>) {add = true}
      %dma_wait3A_186 = arith.constant 5 : i32
      %dma_wait3A_187 = arith.constant 0 : i32
      %dma_wait3A_188 = tpu.memref_slice %arg9[%dma_wait3A_186, %dma_wait3A_187] : memref<15x112xi32, #tpu.memory_space<vmem>> -> memref<1x112xi32, #tpu.memory_space<vmem>>
      %dma_wait3A_189 = tpu.memref_squeeze %dma_wait3A_188 : memref<1x112xi32, #tpu.memory_space<vmem>> -> memref<112xi32, #tpu.memory_space<vmem>>
      %dma_wait3A_190 = arith.constant 0 : i32
      %dma_wait3A_191 = arith.constant 0 : i32
      %dma_wait3A_192 = tpu.memref_slice %arg7[%dma_wait3A_190, %dma_wait3A_191] : memref<10112x128xf32, #tpu.memory_space<vmem_shared>> -> memref<10112x128xf32, #tpu.memory_space<vmem_shared>>
      tpu.wait_indirect_dma semaphore(%arg18 : memref<!tpu.dma_semaphore, #tpu.memory_space<semaphore_mem>>) src(%arg12 : memref<112x128xf32, #tpu.memory_space<vmem>>) dst(%dma_wait3A_192 : memref<10112x128xf32, #tpu.memory_space<vmem_shared>>)
      %dma_start3A_193 = arith.constant 8 : i32
      %dma_start3A_194 = arith.constant 0 : i32
      %dma_start3A_195 = tpu.memref_slice %arg8[%dma_start3A_193, %dma_start3A_194] : memref<15x112xi32, #tpu.memory_space<vmem>> -> memref<1x112xi32, #tpu.memory_space<vmem>>
      %dma_start3A_196 = tpu.memref_squeeze %dma_start3A_195 : memref<1x112xi32, #tpu.memory_space<vmem>> -> memref<112xi32, #tpu.memory_space<vmem>>
      %dma_start3A_197 = arith.constant 0 : i32
      %dma_start3A_198 = arith.constant 0 : i32
      %dma_start3A_199 = tpu.memref_slice %arg2[%dma_start3A_197, %dma_start3A_198] : memref<10000x128xf32, #tpu.memory_space<hbm>> -> memref<10000x128xf32, #tpu.memory_space<hbm>>
      tpu.enqueue_indirect_dma source(%dma_start3A_199 : memref<10000x128xf32, #tpu.memory_space<hbm>>) target(%arg12 : memref<112x128xf32, #tpu.memory_space<vmem>>) offsets(%dma_start3A_196 : memref<112xi32, #tpu.memory_space<vmem>>) semaphore(%arg15 : memref<!tpu.dma_semaphore, #tpu.memory_space<semaphore_mem>>)
      %dma_wait3A_200 = arith.constant 6 : i32
      %dma_wait3A_201 = arith.constant 0 : i32
      %dma_wait3A_202 = tpu.memref_slice %arg8[%dma_wait3A_200, %dma_wait3A_201] : memref<15x112xi32, #tpu.memory_space<vmem>> -> memref<1x112xi32, #tpu.memory_space<vmem>>
      %dma_wait3A_203 = tpu.memref_squeeze %dma_wait3A_202 : memref<1x112xi32, #tpu.memory_space<vmem>> -> memref<112xi32, #tpu.memory_space<vmem>>
      %dma_wait3A_204 = arith.constant 0 : i32
      %dma_wait3A_205 = arith.constant 0 : i32
      %dma_wait3A_206 = tpu.memref_slice %arg2[%dma_wait3A_204, %dma_wait3A_205] : memref<10000x128xf32, #tpu.memory_space<hbm>> -> memref<10000x128xf32, #tpu.memory_space<hbm>>
      tpu.wait_indirect_dma semaphore(%arg13 : memref<!tpu.dma_semaphore, #tpu.memory_space<semaphore_mem>>) src(%dma_wait3A_206 : memref<10000x128xf32, #tpu.memory_space<hbm>>) dst(%arg10 : memref<112x128xf32, #tpu.memory_space<vmem>>)
      %dma_start3A_207 = arith.constant 6 : i32
      %dma_start3A_208 = arith.constant 0 : i32
      %dma_start3A_209 = tpu.memref_slice %arg9[%dma_start3A_207, %dma_start3A_208] : memref<15x112xi32, #tpu.memory_space<vmem>> -> memref<1x112xi32, #tpu.memory_space<vmem>>
      %dma_start3A_210 = tpu.memref_squeeze %dma_start3A_209 : memref<1x112xi32, #tpu.memory_space<vmem>> -> memref<112xi32, #tpu.memory_space<vmem>>
      %dma_start3A_211 = arith.constant 0 : i32
      %dma_start3A_212 = arith.constant 0 : i32
      %dma_start3A_213 = tpu.memref_slice %arg7[%dma_start3A_211, %dma_start3A_212] : memref<10112x128xf32, #tpu.memory_space<vmem_shared>> -> memref<10112x128xf32, #tpu.memory_space<vmem_shared>>
      tpu.enqueue_indirect_dma source(%arg10 : memref<112x128xf32, #tpu.memory_space<vmem>>) target(%dma_start3A_213 : memref<10112x128xf32, #tpu.memory_space<vmem_shared>>) offsets(%dma_start3A_210 : memref<112xi32, #tpu.memory_space<vmem>>) semaphore(%arg16 : memref<!tpu.dma_semaphore, #tpu.memory_space<semaphore_mem>>) {add = true}
      %dma_wait3A_214 = arith.constant 6 : i32
      %dma_wait3A_215 = arith.constant 0 : i32
      %dma_wait3A_216 = tpu.memref_slice %arg9[%dma_wait3A_214, %dma_wait3A_215] : memref<15x112xi32, #tpu.memory_space<vmem>> -> memref<1x112xi32, #tpu.memory_space<vmem>>
      %dma_wait3A_217 = tpu.memref_squeeze %dma_wait3A_216 : memref<1x112xi32, #tpu.memory_space<vmem>> -> memref<112xi32, #tpu.memory_space<vmem>>
      %dma_wait3A_218 = arith.constant 0 : i32
      %dma_wait3A_219 = arith.constant 0 : i32
      %dma_wait3A_220 = tpu.memref_slice %arg7[%dma_wait3A_218, %dma_wait3A_219] : memref<10112x128xf32, #tpu.memory_space<vmem_shared>> -> memref<10112x128xf32, #tpu.memory_space<vmem_shared>>
      tpu.wait_indirect_dma semaphore(%arg16 : memref<!tpu.dma_semaphore, #tpu.memory_space<semaphore_mem>>) src(%arg10 : memref<112x128xf32, #tpu.memory_space<vmem>>) dst(%dma_wait3A_220 : memref<10112x128xf32, #tpu.memory_space<vmem_shared>>)
      %dma_start3A_221 = arith.constant 9 : i32
      %dma_start3A_222 = arith.constant 0 : i32
      %dma_start3A_223 = tpu.memref_slice %arg8[%dma_start3A_221, %dma_start3A_222] : memref<15x112xi32, #tpu.memory_space<vmem>> -> memref<1x112xi32, #tpu.memory_space<vmem>>
      %dma_start3A_224 = tpu.memref_squeeze %dma_start3A_223 : memref<1x112xi32, #tpu.memory_space<vmem>> -> memref<112xi32, #tpu.memory_space<vmem>>
      %dma_start3A_225 = arith.constant 0 : i32
      %dma_start3A_226 = arith.constant 0 : i32
      %dma_start3A_227 = tpu.memref_slice %arg2[%dma_start3A_225, %dma_start3A_226] : memref<10000x128xf32, #tpu.memory_space<hbm>> -> memref<10000x128xf32, #tpu.memory_space<hbm>>
      tpu.enqueue_indirect_dma source(%dma_start3A_227 : memref<10000x128xf32, #tpu.memory_space<hbm>>) target(%arg10 : memref<112x128xf32, #tpu.memory_space<vmem>>) offsets(%dma_start3A_224 : memref<112xi32, #tpu.memory_space<vmem>>) semaphore(%arg13 : memref<!tpu.dma_semaphore, #tpu.memory_space<semaphore_mem>>)
      %dma_wait3A_228 = arith.constant 7 : i32
      %dma_wait3A_229 = arith.constant 0 : i32
      %dma_wait3A_230 = tpu.memref_slice %arg8[%dma_wait3A_228, %dma_wait3A_229] : memref<15x112xi32, #tpu.memory_space<vmem>> -> memref<1x112xi32, #tpu.memory_space<vmem>>
      %dma_wait3A_231 = tpu.memref_squeeze %dma_wait3A_230 : memref<1x112xi32, #tpu.memory_space<vmem>> -> memref<112xi32, #tpu.memory_space<vmem>>
      %dma_wait3A_232 = arith.constant 0 : i32
      %dma_wait3A_233 = arith.constant 0 : i32
      %dma_wait3A_234 = tpu.memref_slice %arg2[%dma_wait3A_232, %dma_wait3A_233] : memref<10000x128xf32, #tpu.memory_space<hbm>> -> memref<10000x128xf32, #tpu.memory_space<hbm>>
      tpu.wait_indirect_dma semaphore(%arg14 : memref<!tpu.dma_semaphore, #tpu.memory_space<semaphore_mem>>) src(%dma_wait3A_234 : memref<10000x128xf32, #tpu.memory_space<hbm>>) dst(%arg11 : memref<112x128xf32, #tpu.memory_space<vmem>>)
      %dma_start3A_235 = arith.constant 7 : i32
      %dma_start3A_236 = arith.constant 0 : i32
      %dma_start3A_237 = tpu.memref_slice %arg9[%dma_start3A_235, %dma_start3A_236] : memref<15x112xi32, #tpu.memory_space<vmem>> -> memref<1x112xi32, #tpu.memory_space<vmem>>
      %dma_start3A_238 = tpu.memref_squeeze %dma_start3A_237 : memref<1x112xi32, #tpu.memory_space<vmem>> -> memref<112xi32, #tpu.memory_space<vmem>>
      %dma_start3A_239 = arith.constant 0 : i32
      %dma_start3A_240 = arith.constant 0 : i32
      %dma_start3A_241 = tpu.memref_slice %arg7[%dma_start3A_239, %dma_start3A_240] : memref<10112x128xf32, #tpu.memory_space<vmem_shared>> -> memref<10112x128xf32, #tpu.memory_space<vmem_shared>>
      tpu.enqueue_indirect_dma source(%arg11 : memref<112x128xf32, #tpu.memory_space<vmem>>) target(%dma_start3A_241 : memref<10112x128xf32, #tpu.memory_space<vmem_shared>>) offsets(%dma_start3A_238 : memref<112xi32, #tpu.memory_space<vmem>>) semaphore(%arg17 : memref<!tpu.dma_semaphore, #tpu.memory_space<semaphore_mem>>) {add = true}
      %dma_wait3A_242 = arith.constant 7 : i32
      %dma_wait3A_243 = arith.constant 0 : i32
      %dma_wait3A_244 = tpu.memref_slice %arg9[%dma_wait3A_242, %dma_wait3A_243] : memref<15x112xi32, #tpu.memory_space<vmem>> -> memref<1x112xi32, #tpu.memory_space<vmem>>
      %dma_wait3A_245 = tpu.memref_squeeze %dma_wait3A_244 : memref<1x112xi32, #tpu.memory_space<vmem>> -> memref<112xi32, #tpu.memory_space<vmem>>
      %dma_wait3A_246 = arith.constant 0 : i32
      %dma_wait3A_247 = arith.constant 0 : i32
      %dma_wait3A_248 = tpu.memref_slice %arg7[%dma_wait3A_246, %dma_wait3A_247] : memref<10112x128xf32, #tpu.memory_space<vmem_shared>> -> memref<10112x128xf32, #tpu.memory_space<vmem_shared>>
      tpu.wait_indirect_dma semaphore(%arg17 : memref<!tpu.dma_semaphore, #tpu.memory_space<semaphore_mem>>) src(%arg11 : memref<112x128xf32, #tpu.memory_space<vmem>>) dst(%dma_wait3A_248 : memref<10112x128xf32, #tpu.memory_space<vmem_shared>>)
      %dma_start3A_249 = arith.constant 10 : i32
      %dma_start3A_250 = arith.constant 0 : i32
      %dma_start3A_251 = tpu.memref_slice %arg8[%dma_start3A_249, %dma_start3A_250] : memref<15x112xi32, #tpu.memory_space<vmem>> -> memref<1x112xi32, #tpu.memory_space<vmem>>
      %dma_start3A_252 = tpu.memref_squeeze %dma_start3A_251 : memref<1x112xi32, #tpu.memory_space<vmem>> -> memref<112xi32, #tpu.memory_space<vmem>>
      %dma_start3A_253 = arith.constant 0 : i32
      %dma_start3A_254 = arith.constant 0 : i32
      %dma_start3A_255 = tpu.memref_slice %arg2[%dma_start3A_253, %dma_start3A_254] : memref<10000x128xf32, #tpu.memory_space<hbm>> -> memref<10000x128xf32, #tpu.memory_space<hbm>>
      tpu.enqueue_indirect_dma source(%dma_start3A_255 : memref<10000x128xf32, #tpu.memory_space<hbm>>) target(%arg11 : memref<112x128xf32, #tpu.memory_space<vmem>>) offsets(%dma_start3A_252 : memref<112xi32, #tpu.memory_space<vmem>>) semaphore(%arg14 : memref<!tpu.dma_semaphore, #tpu.memory_space<semaphore_mem>>)
      %dma_wait3A_256 = arith.constant 8 : i32
      %dma_wait3A_257 = arith.constant 0 : i32
      %dma_wait3A_258 = tpu.memref_slice %arg8[%dma_wait3A_256, %dma_wait3A_257] : memref<15x112xi32, #tpu.memory_space<vmem>> -> memref<1x112xi32, #tpu.memory_space<vmem>>
      %dma_wait3A_259 = tpu.memref_squeeze %dma_wait3A_258 : memref<1x112xi32, #tpu.memory_space<vmem>> -> memref<112xi32, #tpu.memory_space<vmem>>
      %dma_wait3A_260 = arith.constant 0 : i32
      %dma_wait3A_261 = arith.constant 0 : i32
      %dma_wait3A_262 = tpu.memref_slice %arg2[%dma_wait3A_260, %dma_wait3A_261] : memref<10000x128xf32, #tpu.memory_space<hbm>> -> memref<10000x128xf32, #tpu.memory_space<hbm>>
      tpu.wait_indirect_dma semaphore(%arg15 : memref<!tpu.dma_semaphore, #tpu.memory_space<semaphore_mem>>) src(%dma_wait3A_262 : memref<10000x128xf32, #tpu.memory_space<hbm>>) dst(%arg12 : memref<112x128xf32, #tpu.memory_space<vmem>>)
      %dma_start3A_263 = arith.constant 8 : i32
      %dma_start3A_264 = arith.constant 0 : i32
      %dma_start3A_265 = tpu.memref_slice %arg9[%dma_start3A_263, %dma_start3A_264] : memref<15x112xi32, #tpu.memory_space<vmem>> -> memref<1x112xi32, #tpu.memory_space<vmem>>
      %dma_start3A_266 = tpu.memref_squeeze %dma_start3A_265 : memref<1x112xi32, #tpu.memory_space<vmem>> -> memref<112xi32, #tpu.memory_space<vmem>>
      %dma_start3A_267 = arith.constant 0 : i32
      %dma_start3A_268 = arith.constant 0 : i32
      %dma_start3A_269 = tpu.memref_slice %arg7[%dma_start3A_267, %dma_start3A_268] : memref<10112x128xf32, #tpu.memory_space<vmem_shared>> -> memref<10112x128xf32, #tpu.memory_space<vmem_shared>>
      tpu.enqueue_indirect_dma source(%arg12 : memref<112x128xf32, #tpu.memory_space<vmem>>) target(%dma_start3A_269 : memref<10112x128xf32, #tpu.memory_space<vmem_shared>>) offsets(%dma_start3A_266 : memref<112xi32, #tpu.memory_space<vmem>>) semaphore(%arg18 : memref<!tpu.dma_semaphore, #tpu.memory_space<semaphore_mem>>) {add = true}
      %dma_wait3A_270 = arith.constant 8 : i32
      %dma_wait3A_271 = arith.constant 0 : i32
      %dma_wait3A_272 = tpu.memref_slice %arg9[%dma_wait3A_270, %dma_wait3A_271] : memref<15x112xi32, #tpu.memory_space<vmem>> -> memref<1x112xi32, #tpu.memory_space<vmem>>
      %dma_wait3A_273 = tpu.memref_squeeze %dma_wait3A_272 : memref<1x112xi32, #tpu.memory_space<vmem>> -> memref<112xi32, #tpu.memory_space<vmem>>
      %dma_wait3A_274 = arith.constant 0 : i32
      %dma_wait3A_275 = arith.constant 0 : i32
      %dma_wait3A_276 = tpu.memref_slice %arg7[%dma_wait3A_274, %dma_wait3A_275] : memref<10112x128xf32, #tpu.memory_space<vmem_shared>> -> memref<10112x128xf32, #tpu.memory_space<vmem_shared>>
      tpu.wait_indirect_dma semaphore(%arg18 : memref<!tpu.dma_semaphore, #tpu.memory_space<semaphore_mem>>) src(%arg12 : memref<112x128xf32, #tpu.memory_space<vmem>>) dst(%dma_wait3A_276 : memref<10112x128xf32, #tpu.memory_space<vmem_shared>>)
      %dma_start3A_277 = arith.constant 11 : i32
      %dma_start3A_278 = arith.constant 0 : i32
      %dma_start3A_279 = tpu.memref_slice %arg8[%dma_start3A_277, %dma_start3A_278] : memref<15x112xi32, #tpu.memory_space<vmem>> -> memref<1x112xi32, #tpu.memory_space<vmem>>
      %dma_start3A_280 = tpu.memref_squeeze %dma_start3A_279 : memref<1x112xi32, #tpu.memory_space<vmem>> -> memref<112xi32, #tpu.memory_space<vmem>>
      %dma_start3A_281 = arith.constant 0 : i32
      %dma_start3A_282 = arith.constant 0 : i32
      %dma_start3A_283 = tpu.memref_slice %arg2[%dma_start3A_281, %dma_start3A_282] : memref<10000x128xf32, #tpu.memory_space<hbm>> -> memref<10000x128xf32, #tpu.memory_space<hbm>>
      tpu.enqueue_indirect_dma source(%dma_start3A_283 : memref<10000x128xf32, #tpu.memory_space<hbm>>) target(%arg12 : memref<112x128xf32, #tpu.memory_space<vmem>>) offsets(%dma_start3A_280 : memref<112xi32, #tpu.memory_space<vmem>>) semaphore(%arg15 : memref<!tpu.dma_semaphore, #tpu.memory_space<semaphore_mem>>)
      %dma_wait3A_284 = arith.constant 9 : i32
      %dma_wait3A_285 = arith.constant 0 : i32
      %dma_wait3A_286 = tpu.memref_slice %arg8[%dma_wait3A_284, %dma_wait3A_285] : memref<15x112xi32, #tpu.memory_space<vmem>> -> memref<1x112xi32, #tpu.memory_space<vmem>>
      %dma_wait3A_287 = tpu.memref_squeeze %dma_wait3A_286 : memref<1x112xi32, #tpu.memory_space<vmem>> -> memref<112xi32, #tpu.memory_space<vmem>>
      %dma_wait3A_288 = arith.constant 0 : i32
      %dma_wait3A_289 = arith.constant 0 : i32
      %dma_wait3A_290 = tpu.memref_slice %arg2[%dma_wait3A_288, %dma_wait3A_289] : memref<10000x128xf32, #tpu.memory_space<hbm>> -> memref<10000x128xf32, #tpu.memory_space<hbm>>
      tpu.wait_indirect_dma semaphore(%arg13 : memref<!tpu.dma_semaphore, #tpu.memory_space<semaphore_mem>>) src(%dma_wait3A_290 : memref<10000x128xf32, #tpu.memory_space<hbm>>) dst(%arg10 : memref<112x128xf32, #tpu.memory_space<vmem>>)
      %dma_start3A_291 = arith.constant 9 : i32
      %dma_start3A_292 = arith.constant 0 : i32
      %dma_start3A_293 = tpu.memref_slice %arg9[%dma_start3A_291, %dma_start3A_292] : memref<15x112xi32, #tpu.memory_space<vmem>> -> memref<1x112xi32, #tpu.memory_space<vmem>>
      %dma_start3A_294 = tpu.memref_squeeze %dma_start3A_293 : memref<1x112xi32, #tpu.memory_space<vmem>> -> memref<112xi32, #tpu.memory_space<vmem>>
      %dma_start3A_295 = arith.constant 0 : i32
      %dma_start3A_296 = arith.constant 0 : i32
      %dma_start3A_297 = tpu.memref_slice %arg7[%dma_start3A_295, %dma_start3A_296] : memref<10112x128xf32, #tpu.memory_space<vmem_shared>> -> memref<10112x128xf32, #tpu.memory_space<vmem_shared>>
      tpu.enqueue_indirect_dma source(%arg10 : memref<112x128xf32, #tpu.memory_space<vmem>>) target(%dma_start3A_297 : memref<10112x128xf32, #tpu.memory_space<vmem_shared>>) offsets(%dma_start3A_294 : memref<112xi32, #tpu.memory_space<vmem>>) semaphore(%arg16 : memref<!tpu.dma_semaphore, #tpu.memory_space<semaphore_mem>>) {add = true}
      %dma_wait3A_298 = arith.constant 9 : i32
      %dma_wait3A_299 = arith.constant 0 : i32
      %dma_wait3A_300 = tpu.memref_slice %arg9[%dma_wait3A_298, %dma_wait3A_299] : memref<15x112xi32, #tpu.memory_space<vmem>> -> memref<1x112xi32, #tpu.memory_space<vmem>>
      %dma_wait3A_301 = tpu.memref_squeeze %dma_wait3A_300 : memref<1x112xi32, #tpu.memory_space<vmem>> -> memref<112xi32, #tpu.memory_space<vmem>>
      %dma_wait3A_302 = arith.constant 0 : i32
      %dma_wait3A_303 = arith.constant 0 : i32
      %dma_wait3A_304 = tpu.memref_slice %arg7[%dma_wait3A_302, %dma_wait3A_303] : memref<10112x128xf32, #tpu.memory_space<vmem_shared>> -> memref<10112x128xf32, #tpu.memory_space<vmem_shared>>
      tpu.wait_indirect_dma semaphore(%arg16 : memref<!tpu.dma_semaphore, #tpu.memory_space<semaphore_mem>>) src(%arg10 : memref<112x128xf32, #tpu.memory_space<vmem>>) dst(%dma_wait3A_304 : memref<10112x128xf32, #tpu.memory_space<vmem_shared>>)
      %dma_start3A_305 = arith.constant 12 : i32
      %dma_start3A_306 = arith.constant 0 : i32
      %dma_start3A_307 = tpu.memref_slice %arg8[%dma_start3A_305, %dma_start3A_306] : memref<15x112xi32, #tpu.memory_space<vmem>> -> memref<1x112xi32, #tpu.memory_space<vmem>>
      %dma_start3A_308 = tpu.memref_squeeze %dma_start3A_307 : memref<1x112xi32, #tpu.memory_space<vmem>> -> memref<112xi32, #tpu.memory_space<vmem>>
      %dma_start3A_309 = arith.constant 0 : i32
      %dma_start3A_310 = arith.constant 0 : i32
      %dma_start3A_311 = tpu.memref_slice %arg2[%dma_start3A_309, %dma_start3A_310] : memref<10000x128xf32, #tpu.memory_space<hbm>> -> memref<10000x128xf32, #tpu.memory_space<hbm>>
      tpu.enqueue_indirect_dma source(%dma_start3A_311 : memref<10000x128xf32, #tpu.memory_space<hbm>>) target(%arg10 : memref<112x128xf32, #tpu.memory_space<vmem>>) offsets(%dma_start3A_308 : memref<112xi32, #tpu.memory_space<vmem>>) semaphore(%arg13 : memref<!tpu.dma_semaphore, #tpu.memory_space<semaphore_mem>>)
      %dma_wait3A_312 = arith.constant 10 : i32
      %dma_wait3A_313 = arith.constant 0 : i32
      %dma_wait3A_314 = tpu.memref_slice %arg8[%dma_wait3A_312, %dma_wait3A_313] : memref<15x112xi32, #tpu.memory_space<vmem>> -> memref<1x112xi32, #tpu.memory_space<vmem>>
      %dma_wait3A_315 = tpu.memref_squeeze %dma_wait3A_314 : memref<1x112xi32, #tpu.memory_space<vmem>> -> memref<112xi32, #tpu.memory_space<vmem>>
      %dma_wait3A_316 = arith.constant 0 : i32
      %dma_wait3A_317 = arith.constant 0 : i32
      %dma_wait3A_318 = tpu.memref_slice %arg2[%dma_wait3A_316, %dma_wait3A_317] : memref<10000x128xf32, #tpu.memory_space<hbm>> -> memref<10000x128xf32, #tpu.memory_space<hbm>>
      tpu.wait_indirect_dma semaphore(%arg14 : memref<!tpu.dma_semaphore, #tpu.memory_space<semaphore_mem>>) src(%dma_wait3A_318 : memref<10000x128xf32, #tpu.memory_space<hbm>>) dst(%arg11 : memref<112x128xf32, #tpu.memory_space<vmem>>)
      %dma_start3A_319 = arith.constant 10 : i32
      %dma_start3A_320 = arith.constant 0 : i32
      %dma_start3A_321 = tpu.memref_slice %arg9[%dma_start3A_319, %dma_start3A_320] : memref<15x112xi32, #tpu.memory_space<vmem>> -> memref<1x112xi32, #tpu.memory_space<vmem>>
      %dma_start3A_322 = tpu.memref_squeeze %dma_start3A_321 : memref<1x112xi32, #tpu.memory_space<vmem>> -> memref<112xi32, #tpu.memory_space<vmem>>
      %dma_start3A_323 = arith.constant 0 : i32
      %dma_start3A_324 = arith.constant 0 : i32
      %dma_start3A_325 = tpu.memref_slice %arg7[%dma_start3A_323, %dma_start3A_324] : memref<10112x128xf32, #tpu.memory_space<vmem_shared>> -> memref<10112x128xf32, #tpu.memory_space<vmem_shared>>
      tpu.enqueue_indirect_dma source(%arg11 : memref<112x128xf32, #tpu.memory_space<vmem>>) target(%dma_start3A_325 : memref<10112x128xf32, #tpu.memory_space<vmem_shared>>) offsets(%dma_start3A_322 : memref<112xi32, #tpu.memory_space<vmem>>) semaphore(%arg17 : memref<!tpu.dma_semaphore, #tpu.memory_space<semaphore_mem>>) {add = true}
      %dma_wait3A_326 = arith.constant 10 : i32
      %dma_wait3A_327 = arith.constant 0 : i32
      %dma_wait3A_328 = tpu.memref_slice %arg9[%dma_wait3A_326, %dma_wait3A_327] : memref<15x112xi32, #tpu.memory_space<vmem>> -> memref<1x112xi32, #tpu.memory_space<vmem>>
      %dma_wait3A_329 = tpu.memref_squeeze %dma_wait3A_328 : memref<1x112xi32, #tpu.memory_space<vmem>> -> memref<112xi32, #tpu.memory_space<vmem>>
      %dma_wait3A_330 = arith.constant 0 : i32
      %dma_wait3A_331 = arith.constant 0 : i32
      %dma_wait3A_332 = tpu.memref_slice %arg7[%dma_wait3A_330, %dma_wait3A_331] : memref<10112x128xf32, #tpu.memory_space<vmem_shared>> -> memref<10112x128xf32, #tpu.memory_space<vmem_shared>>
      tpu.wait_indirect_dma semaphore(%arg17 : memref<!tpu.dma_semaphore, #tpu.memory_space<semaphore_mem>>) src(%arg11 : memref<112x128xf32, #tpu.memory_space<vmem>>) dst(%dma_wait3A_332 : memref<10112x128xf32, #tpu.memory_space<vmem_shared>>)
      %dma_start3A_333 = arith.constant 13 : i32
      %dma_start3A_334 = arith.constant 0 : i32
      %dma_start3A_335 = tpu.memref_slice %arg8[%dma_start3A_333, %dma_start3A_334] : memref<15x112xi32, #tpu.memory_space<vmem>> -> memref<1x112xi32, #tpu.memory_space<vmem>>
      %dma_start3A_336 = tpu.memref_squeeze %dma_start3A_335 : memref<1x112xi32, #tpu.memory_space<vmem>> -> memref<112xi32, #tpu.memory_space<vmem>>
      %dma_start3A_337 = arith.constant 0 : i32
      %dma_start3A_338 = arith.constant 0 : i32
      %dma_start3A_339 = tpu.memref_slice %arg2[%dma_start3A_337, %dma_start3A_338] : memref<10000x128xf32, #tpu.memory_space<hbm>> -> memref<10000x128xf32, #tpu.memory_space<hbm>>
      tpu.enqueue_indirect_dma source(%dma_start3A_339 : memref<10000x128xf32, #tpu.memory_space<hbm>>) target(%arg11 : memref<112x128xf32, #tpu.memory_space<vmem>>) offsets(%dma_start3A_336 : memref<112xi32, #tpu.memory_space<vmem>>) semaphore(%arg14 : memref<!tpu.dma_semaphore, #tpu.memory_space<semaphore_mem>>)
      %dma_wait3A_340 = arith.constant 11 : i32
      %dma_wait3A_341 = arith.constant 0 : i32
      %dma_wait3A_342 = tpu.memref_slice %arg8[%dma_wait3A_340, %dma_wait3A_341] : memref<15x112xi32, #tpu.memory_space<vmem>> -> memref<1x112xi32, #tpu.memory_space<vmem>>
      %dma_wait3A_343 = tpu.memref_squeeze %dma_wait3A_342 : memref<1x112xi32, #tpu.memory_space<vmem>> -> memref<112xi32, #tpu.memory_space<vmem>>
      %dma_wait3A_344 = arith.constant 0 : i32
      %dma_wait3A_345 = arith.constant 0 : i32
      %dma_wait3A_346 = tpu.memref_slice %arg2[%dma_wait3A_344, %dma_wait3A_345] : memref<10000x128xf32, #tpu.memory_space<hbm>> -> memref<10000x128xf32, #tpu.memory_space<hbm>>
      tpu.wait_indirect_dma semaphore(%arg15 : memref<!tpu.dma_semaphore, #tpu.memory_space<semaphore_mem>>) src(%dma_wait3A_346 : memref<10000x128xf32, #tpu.memory_space<hbm>>) dst(%arg12 : memref<112x128xf32, #tpu.memory_space<vmem>>)
      %dma_start3A_347 = arith.constant 11 : i32
      %dma_start3A_348 = arith.constant 0 : i32
      %dma_start3A_349 = tpu.memref_slice %arg9[%dma_start3A_347, %dma_start3A_348] : memref<15x112xi32, #tpu.memory_space<vmem>> -> memref<1x112xi32, #tpu.memory_space<vmem>>
      %dma_start3A_350 = tpu.memref_squeeze %dma_start3A_349 : memref<1x112xi32, #tpu.memory_space<vmem>> -> memref<112xi32, #tpu.memory_space<vmem>>
      %dma_start3A_351 = arith.constant 0 : i32
      %dma_start3A_352 = arith.constant 0 : i32
      %dma_start3A_353 = tpu.memref_slice %arg7[%dma_start3A_351, %dma_start3A_352] : memref<10112x128xf32, #tpu.memory_space<vmem_shared>> -> memref<10112x128xf32, #tpu.memory_space<vmem_shared>>
      tpu.enqueue_indirect_dma source(%arg12 : memref<112x128xf32, #tpu.memory_space<vmem>>) target(%dma_start3A_353 : memref<10112x128xf32, #tpu.memory_space<vmem_shared>>) offsets(%dma_start3A_350 : memref<112xi32, #tpu.memory_space<vmem>>) semaphore(%arg18 : memref<!tpu.dma_semaphore, #tpu.memory_space<semaphore_mem>>) {add = true}
      %dma_wait3A_354 = arith.constant 11 : i32
      %dma_wait3A_355 = arith.constant 0 : i32
      %dma_wait3A_356 = tpu.memref_slice %arg9[%dma_wait3A_354, %dma_wait3A_355] : memref<15x112xi32, #tpu.memory_space<vmem>> -> memref<1x112xi32, #tpu.memory_space<vmem>>
      %dma_wait3A_357 = tpu.memref_squeeze %dma_wait3A_356 : memref<1x112xi32, #tpu.memory_space<vmem>> -> memref<112xi32, #tpu.memory_space<vmem>>
      %dma_wait3A_358 = arith.constant 0 : i32
      %dma_wait3A_359 = arith.constant 0 : i32
      %dma_wait3A_360 = tpu.memref_slice %arg7[%dma_wait3A_358, %dma_wait3A_359] : memref<10112x128xf32, #tpu.memory_space<vmem_shared>> -> memref<10112x128xf32, #tpu.memory_space<vmem_shared>>
      tpu.wait_indirect_dma semaphore(%arg18 : memref<!tpu.dma_semaphore, #tpu.memory_space<semaphore_mem>>) src(%arg12 : memref<112x128xf32, #tpu.memory_space<vmem>>) dst(%dma_wait3A_360 : memref<10112x128xf32, #tpu.memory_space<vmem_shared>>)
      %dma_start3A_361 = arith.constant 14 : i32
      %dma_start3A_362 = arith.constant 0 : i32
      %dma_start3A_363 = tpu.memref_slice %arg8[%dma_start3A_361, %dma_start3A_362] : memref<15x112xi32, #tpu.memory_space<vmem>> -> memref<1x112xi32, #tpu.memory_space<vmem>>
      %dma_start3A_364 = tpu.memref_squeeze %dma_start3A_363 : memref<1x112xi32, #tpu.memory_space<vmem>> -> memref<112xi32, #tpu.memory_space<vmem>>
      %dma_start3A_365 = arith.constant 0 : i32
      %dma_start3A_366 = arith.constant 0 : i32
      %dma_start3A_367 = tpu.memref_slice %arg2[%dma_start3A_365, %dma_start3A_366] : memref<10000x128xf32, #tpu.memory_space<hbm>> -> memref<10000x128xf32, #tpu.memory_space<hbm>>
      tpu.enqueue_indirect_dma source(%dma_start3A_367 : memref<10000x128xf32, #tpu.memory_space<hbm>>) target(%arg12 : memref<112x128xf32, #tpu.memory_space<vmem>>) offsets(%dma_start3A_364 : memref<112xi32, #tpu.memory_space<vmem>>) semaphore(%arg15 : memref<!tpu.dma_semaphore, #tpu.memory_space<semaphore_mem>>)
      %dma_wait3A_368 = arith.constant 12 : i32
      %dma_wait3A_369 = arith.constant 0 : i32
      %dma_wait3A_370 = tpu.memref_slice %arg8[%dma_wait3A_368, %dma_wait3A_369] : memref<15x112xi32, #tpu.memory_space<vmem>> -> memref<1x112xi32, #tpu.memory_space<vmem>>
      %dma_wait3A_371 = tpu.memref_squeeze %dma_wait3A_370 : memref<1x112xi32, #tpu.memory_space<vmem>> -> memref<112xi32, #tpu.memory_space<vmem>>
      %dma_wait3A_372 = arith.constant 0 : i32
      %dma_wait3A_373 = arith.constant 0 : i32
      %dma_wait3A_374 = tpu.memref_slice %arg2[%dma_wait3A_372, %dma_wait3A_373] : memref<10000x128xf32, #tpu.memory_space<hbm>> -> memref<10000x128xf32, #tpu.memory_space<hbm>>
      tpu.wait_indirect_dma semaphore(%arg13 : memref<!tpu.dma_semaphore, #tpu.memory_space<semaphore_mem>>) src(%dma_wait3A_374 : memref<10000x128xf32, #tpu.memory_space<hbm>>) dst(%arg10 : memref<112x128xf32, #tpu.memory_space<vmem>>)
      %dma_start3A_375 = arith.constant 12 : i32
      %dma_start3A_376 = arith.constant 0 : i32
      %dma_start3A_377 = tpu.memref_slice %arg9[%dma_start3A_375, %dma_start3A_376] : memref<15x112xi32, #tpu.memory_space<vmem>> -> memref<1x112xi32, #tpu.memory_space<vmem>>
      %dma_start3A_378 = tpu.memref_squeeze %dma_start3A_377 : memref<1x112xi32, #tpu.memory_space<vmem>> -> memref<112xi32, #tpu.memory_space<vmem>>
      %dma_start3A_379 = arith.constant 0 : i32
      %dma_start3A_380 = arith.constant 0 : i32
      %dma_start3A_381 = tpu.memref_slice %arg7[%dma_start3A_379, %dma_start3A_380] : memref<10112x128xf32, #tpu.memory_space<vmem_shared>> -> memref<10112x128xf32, #tpu.memory_space<vmem_shared>>
      tpu.enqueue_indirect_dma source(%arg10 : memref<112x128xf32, #tpu.memory_space<vmem>>) target(%dma_start3A_381 : memref<10112x128xf32, #tpu.memory_space<vmem_shared>>) offsets(%dma_start3A_378 : memref<112xi32, #tpu.memory_space<vmem>>) semaphore(%arg16 : memref<!tpu.dma_semaphore, #tpu.memory_space<semaphore_mem>>) {add = true}
      %dma_wait3A_382 = arith.constant 13 : i32
      %dma_wait3A_383 = arith.constant 0 : i32
      %dma_wait3A_384 = tpu.memref_slice %arg8[%dma_wait3A_382, %dma_wait3A_383] : memref<15x112xi32, #tpu.memory_space<vmem>> -> memref<1x112xi32, #tpu.memory_space<vmem>>
      %dma_wait3A_385 = tpu.memref_squeeze %dma_wait3A_384 : memref<1x112xi32, #tpu.memory_space<vmem>> -> memref<112xi32, #tpu.memory_space<vmem>>
      %dma_wait3A_386 = arith.constant 0 : i32
      %dma_wait3A_387 = arith.constant 0 : i32
      %dma_wait3A_388 = tpu.memref_slice %arg2[%dma_wait3A_386, %dma_wait3A_387] : memref<10000x128xf32, #tpu.memory_space<hbm>> -> memref<10000x128xf32, #tpu.memory_space<hbm>>
      tpu.wait_indirect_dma semaphore(%arg14 : memref<!tpu.dma_semaphore, #tpu.memory_space<semaphore_mem>>) src(%dma_wait3A_388 : memref<10000x128xf32, #tpu.memory_space<hbm>>) dst(%arg11 : memref<112x128xf32, #tpu.memory_space<vmem>>)
      %dma_start3A_389 = arith.constant 13 : i32
      %dma_start3A_390 = arith.constant 0 : i32
      %dma_start3A_391 = tpu.memref_slice %arg9[%dma_start3A_389, %dma_start3A_390] : memref<15x112xi32, #tpu.memory_space<vmem>> -> memref<1x112xi32, #tpu.memory_space<vmem>>
      %dma_start3A_392 = tpu.memref_squeeze %dma_start3A_391 : memref<1x112xi32, #tpu.memory_space<vmem>> -> memref<112xi32, #tpu.memory_space<vmem>>
      %dma_start3A_393 = arith.constant 0 : i32
      %dma_start3A_394 = arith.constant 0 : i32
      %dma_start3A_395 = tpu.memref_slice %arg7[%dma_start3A_393, %dma_start3A_394] : memref<10112x128xf32, #tpu.memory_space<vmem_shared>> -> memref<10112x128xf32, #tpu.memory_space<vmem_shared>>
      tpu.enqueue_indirect_dma source(%arg11 : memref<112x128xf32, #tpu.memory_space<vmem>>) target(%dma_start3A_395 : memref<10112x128xf32, #tpu.memory_space<vmem_shared>>) offsets(%dma_start3A_392 : memref<112xi32, #tpu.memory_space<vmem>>) semaphore(%arg17 : memref<!tpu.dma_semaphore, #tpu.memory_space<semaphore_mem>>) {add = true}
      %dma_wait3A_396 = arith.constant 14 : i32
      %dma_wait3A_397 = arith.constant 0 : i32
      %dma_wait3A_398 = tpu.memref_slice %arg8[%dma_wait3A_396, %dma_wait3A_397] : memref<15x112xi32, #tpu.memory_space<vmem>> -> memref<1x112xi32, #tpu.memory_space<vmem>>
      %dma_wait3A_399 = tpu.memref_squeeze %dma_wait3A_398 : memref<1x112xi32, #tpu.memory_space<vmem>> -> memref<112xi32, #tpu.memory_space<vmem>>
      %dma_wait3A_400 = arith.constant 0 : i32
      %dma_wait3A_401 = arith.constant 0 : i32
      %dma_wait3A_402 = tpu.memref_slice %arg2[%dma_wait3A_400, %dma_wait3A_401] : memref<10000x128xf32, #tpu.memory_space<hbm>> -> memref<10000x128xf32, #tpu.memory_space<hbm>>
      tpu.wait_indirect_dma semaphore(%arg15 : memref<!tpu.dma_semaphore, #tpu.memory_space<semaphore_mem>>) src(%dma_wait3A_402 : memref<10000x128xf32, #tpu.memory_space<hbm>>) dst(%arg12 : memref<112x128xf32, #tpu.memory_space<vmem>>)
      %dma_start3A_403 = arith.constant 14 : i32
      %dma_start3A_404 = arith.constant 0 : i32
      %dma_start3A_405 = tpu.memref_slice %arg9[%dma_start3A_403, %dma_start3A_404] : memref<15x112xi32, #tpu.memory_space<vmem>> -> memref<1x112xi32, #tpu.memory_space<vmem>>
      %dma_start3A_406 = tpu.memref_squeeze %dma_start3A_405 : memref<1x112xi32, #tpu.memory_space<vmem>> -> memref<112xi32, #tpu.memory_space<vmem>>
      %dma_start3A_407 = arith.constant 0 : i32
      %dma_start3A_408 = arith.constant 0 : i32
      %dma_start3A_409 = tpu.memref_slice %arg7[%dma_start3A_407, %dma_start3A_408] : memref<10112x128xf32, #tpu.memory_space<vmem_shared>> -> memref<10112x128xf32, #tpu.memory_space<vmem_shared>>
      tpu.enqueue_indirect_dma source(%arg12 : memref<112x128xf32, #tpu.memory_space<vmem>>) target(%dma_start3A_409 : memref<10112x128xf32, #tpu.memory_space<vmem_shared>>) offsets(%dma_start3A_406 : memref<112xi32, #tpu.memory_space<vmem>>) semaphore(%arg18 : memref<!tpu.dma_semaphore, #tpu.memory_space<semaphore_mem>>) {add = true}
      %dma_wait3A_410 = arith.constant 12 : i32
      %dma_wait3A_411 = arith.constant 0 : i32
      %dma_wait3A_412 = tpu.memref_slice %arg9[%dma_wait3A_410, %dma_wait3A_411] : memref<15x112xi32, #tpu.memory_space<vmem>> -> memref<1x112xi32, #tpu.memory_space<vmem>>
      %dma_wait3A_413 = tpu.memref_squeeze %dma_wait3A_412 : memref<1x112xi32, #tpu.memory_space<vmem>> -> memref<112xi32, #tpu.memory_space<vmem>>
      %dma_wait3A_414 = arith.constant 0 : i32
      %dma_wait3A_415 = arith.constant 0 : i32
      %dma_wait3A_416 = tpu.memref_slice %arg7[%dma_wait3A_414, %dma_wait3A_415] : memref<10112x128xf32, #tpu.memory_space<vmem_shared>> -> memref<10112x128xf32, #tpu.memory_space<vmem_shared>>
      tpu.wait_indirect_dma semaphore(%arg16 : memref<!tpu.dma_semaphore, #tpu.memory_space<semaphore_mem>>) src(%arg10 : memref<112x128xf32, #tpu.memory_space<vmem>>) dst(%dma_wait3A_416 : memref<10112x128xf32, #tpu.memory_space<vmem_shared>>)
      %dma_wait3A_417 = arith.constant 13 : i32
      %dma_wait3A_418 = arith.constant 0 : i32
      %dma_wait3A_419 = tpu.memref_slice %arg9[%dma_wait3A_417, %dma_wait3A_418] : memref<15x112xi32, #tpu.memory_space<vmem>> -> memref<1x112xi32, #tpu.memory_space<vmem>>
      %dma_wait3A_420 = tpu.memref_squeeze %dma_wait3A_419 : memref<1x112xi32, #tpu.memory_space<vmem>> -> memref<112xi32, #tpu.memory_space<vmem>>
      %dma_wait3A_421 = arith.constant 0 : i32
      %dma_wait3A_422 = arith.constant 0 : i32
      %dma_wait3A_423 = tpu.memref_slice %arg7[%dma_wait3A_421, %dma_wait3A_422] : memref<10112x128xf32, #tpu.memory_space<vmem_shared>> -> memref<10112x128xf32, #tpu.memory_space<vmem_shared>>
      tpu.wait_indirect_dma semaphore(%arg17 : memref<!tpu.dma_semaphore, #tpu.memory_space<semaphore_mem>>) src(%arg11 : memref<112x128xf32, #tpu.memory_space<vmem>>) dst(%dma_wait3A_423 : memref<10112x128xf32, #tpu.memory_space<vmem_shared>>)
      %dma_wait3A_424 = arith.constant 14 : i32
      %dma_wait3A_425 = arith.constant 0 : i32
      %dma_wait3A_426 = tpu.memref_slice %arg9[%dma_wait3A_424, %dma_wait3A_425] : memref<15x112xi32, #tpu.memory_space<vmem>> -> memref<1x112xi32, #tpu.memory_space<vmem>>
      %dma_wait3A_427 = tpu.memref_squeeze %dma_wait3A_426 : memref<1x112xi32, #tpu.memory_space<vmem>> -> memref<112xi32, #tpu.memory_space<vmem>>
      %dma_wait3A_428 = arith.constant 0 : i32
      %dma_wait3A_429 = arith.constant 0 : i32
      %dma_wait3A_430 = tpu.memref_slice %arg7[%dma_wait3A_428, %dma_wait3A_429] : memref<10112x128xf32, #tpu.memory_space<vmem_shared>> -> memref<10112x128xf32, #tpu.memory_space<vmem_shared>>
      tpu.wait_indirect_dma semaphore(%arg18 : memref<!tpu.dma_semaphore, #tpu.memory_space<semaphore_mem>>) src(%arg12 : memref<112x128xf32, #tpu.memory_space<vmem>>) dst(%dma_wait3A_430 : memref<10112x128xf32, #tpu.memory_space<vmem_shared>>)
    }
    %scan3A_6 = arith.constant 6 : i32
    %barrier3A_7 = arith.constant 0 : index
    tpu.barrier barrier_id(%barrier3A_7)
    %mul3A_8 = arith.constant 632 : i32
    %mul3A_9 = arith.muli %arg1, %mul3A_8 : i32
    %mul3A_10 = arith.constant 632 : i32
    %mul3A_11 = arith.muli %arg1, %mul3A_10 : i32
    "tpu.region"() ({
      %run_scoped3A = tpu.sem_alloc : memref<!tpu.dma_semaphore, #tpu.memory_space<semaphore_mem>>
      %dma_start3A = arith.constant 0 : i32
      %dma_start3A_12 = tpu.memref_slice %arg6[%arg0, %mul3A_11, %dma_start3A] : memref<2x10112x128xf32, #tpu.memory_space<hbm>> -> memref<1x632x128xf32, #tpu.memory_space<hbm>>
      %dma_start3A_13 = tpu.memref_squeeze %dma_start3A_12 : memref<1x632x128xf32, #tpu.memory_space<hbm>> -> memref<632x128xf32, #tpu.memory_space<hbm>>
      %dma_start3A_14 = arith.constant 0 : i32
      %dma_start3A_15 = tpu.memref_slice %arg7[%mul3A_9, %dma_start3A_14] : memref<10112x128xf32, #tpu.memory_space<vmem_shared>> -> memref<632x128xf32, #tpu.memory_space<vmem_shared>>
      tpu.enqueue_dma source(%dma_start3A_15 : memref<632x128xf32, #tpu.memory_space<vmem_shared>>) target(%dma_start3A_13 : memref<632x128xf32, #tpu.memory_space<hbm>>) target_semaphore(%run_scoped3A : memref<!tpu.dma_semaphore, #tpu.memory_space<semaphore_mem>>)
      %dma_wait3A = arith.constant 0 : i32
      %dma_wait3A_16 = tpu.memref_slice %arg6[%arg0, %mul3A_11, %dma_wait3A] : memref<2x10112x128xf32, #tpu.memory_space<hbm>> -> memref<1x632x128xf32, #tpu.memory_space<hbm>>
      %dma_wait3A_17 = tpu.memref_squeeze %dma_wait3A_16 : memref<1x632x128xf32, #tpu.memory_space<hbm>> -> memref<632x128xf32, #tpu.memory_space<hbm>>
      %dma_wait3A_18 = arith.constant 0 : i32
      %dma_wait3A_19 = tpu.memref_slice %arg7[%mul3A_9, %dma_wait3A_18] : memref<10112x128xf32, #tpu.memory_space<vmem_shared>> -> memref<632x128xf32, #tpu.memory_space<vmem_shared>>
      tpu.wait_dma2 semaphore(%run_scoped3A : memref<!tpu.dma_semaphore, #tpu.memory_space<semaphore_mem>>) src(%dma_wait3A_19 : memref<632x128xf32, #tpu.memory_space<vmem_shared>>) dst(%dma_wait3A_17 : memref<632x128xf32, #tpu.memory_space<hbm>>)
      tpu.yield
    }) : () -> ()
    return
  }
}

module attributes {stable_mosaic.version = 14 : i64} {
  func.func @_tc0_body(%arg0: i32, %arg1: memref<1000x128xf32, #tpu.memory_space<vmem>>, %arg2: memref<128x256xf32, #tpu.memory_space<vmem>>, %arg3: memref<2x1000x16xf32, #tpu.memory_space<vmem>>, %arg4: memref<2x1000x128xf32, #tpu.memory_space<vmem>>) attributes {dimension_semantics = [#tpu.dimension_semantics<arbitrary>], iteration_bounds = array<i64: 10>, scalar_prefetch = 0 : i64, scratch_operands = 0 : i64, tpu.core_type = #tpu.core_type<tc>, window_params = [{transform_indices = @transform_0, window_bounds = array<i64: 1000, 128>}, {pipeline_mode = #tpu.pipeline_mode<synchronous>, transform_indices = @transform_1, window_bounds = array<i64: 128, 256>}, {transform_indices = @transform_2, window_bounds = array<i64: 2, 1000, 16>}, {transform_indices = @transform_3, window_bounds = array<i64: 2, 1000, 128>}]} {
    %get3A = arith.constant 0 : index
    %get3A_0 = arith.constant 0 : index
    %get3A_1 = arith.constant 0 : index
    %get3A_2 = vector.load %arg3[%get3A, %get3A_0, %get3A_1] : memref<2x1000x16xf32, #tpu.memory_space<vmem>>, vector<1x1000x1xf32>
    %get3A_3 = vector.shape_cast %get3A_2 : vector<1x1000x1xf32> to vector<1000x1xf32>
    %get3A_4 = arith.constant 1 : index
    %get3A_5 = arith.constant 0 : index
    %get3A_6 = arith.constant 0 : index
    %get3A_7 = vector.load %arg3[%get3A_4, %get3A_5, %get3A_6] : memref<2x1000x16xf32, #tpu.memory_space<vmem>>, vector<1x1000x1xf32>
    %get3A_8 = vector.shape_cast %get3A_7 : vector<1x1000x1xf32> to vector<1000x1xf32>
    %add3A = arith.addf %get3A_3, %get3A_8 : vector<1000x1xf32>
    %add3A_9 = arith.constant 1.000000e+00 : f32
    %add3A_10 = vector.broadcast %add3A_9 : f32 to vector<1000x1xf32>
    %add3A_11 = arith.addf %add3A, %add3A_10 : vector<1000x1xf32>
    %rsqrt3A = math.rsqrt %add3A_11 : vector<1000x1xf32>
    %get3A_12 = arith.constant 0 : index
    %get3A_13 = arith.constant 0 : index
    %get3A_14 = vector.load %arg1[%get3A_12, %get3A_13] : memref<1000x128xf32, #tpu.memory_space<vmem>>, vector<1000x128xf32>
    %get3A_15 = arith.constant 0 : index
    %get3A_16 = arith.constant 0 : index
    %get3A_17 = vector.load %arg2[%get3A_15, %get3A_16] : memref<128x256xf32, #tpu.memory_space<vmem>>, vector<128x256xf32>
    %dot_general3A = arith.constant dense<0.000000e+00> : vector<1000x256xf32>
    %dot_general3A_18 = tpu.matmul %get3A_14, %get3A_17, %dot_general3A {dimension_numbers = #tpu.dot_dimension_numbers<[1], [0], [0], [1], [0, 0, 1, 1], [], []>, transpose_lhs_hint = false} : vector<1000x128xf32>, vector<128x256xf32>, vector<1000x256xf32> -> vector<1000x256xf32>
    %mul3A = vector.broadcast %rsqrt3A : vector<1000x1xf32> to vector<1000x256xf32>
    %mul3A_19 = arith.mulf %dot_general3A_18, %mul3A : vector<1000x256xf32>
    %slice3A = vector.extract_strided_slice %mul3A_19 {offsets = [0, 0], sizes = [1000, 128], strides = [1, 1]} : vector<1000x256xf32> to vector<1000x128xf32>
    %swap3A = arith.constant 0 : index
    %swap3A_20 = arith.constant 0 : index
    %swap3A_21 = arith.constant 0 : index
    %swap3A_22 = vector.load %arg4[%swap3A, %swap3A_20, %swap3A_21] : memref<2x1000x128xf32, #tpu.memory_space<vmem>>, vector<1x1000x128xf32>
    %swap3A_23 = vector.shape_cast %swap3A_22 : vector<1x1000x128xf32> to vector<1000x128xf32>
    %swap3A_24 = vector.shape_cast %slice3A : vector<1000x128xf32> to vector<1x1000x128xf32>
    tpu.vector_store %arg4[%swap3A, %swap3A_20, %swap3A_21], %swap3A_24 {strides = array<i32>} : memref<2x1000x128xf32, #tpu.memory_space<vmem>>, vector<1x1000x128xf32>,
    %slice3A_25 = vector.extract_strided_slice %mul3A_19 {offsets = [0, 128], sizes = [1000, 128], strides = [1, 1]} : vector<1000x256xf32> to vector<1000x128xf32>
    %swap3A_26 = arith.constant 1 : index
    %swap3A_27 = arith.constant 0 : index
    %swap3A_28 = arith.constant 0 : index
    %swap3A_29 = vector.load %arg4[%swap3A_26, %swap3A_27, %swap3A_28] : memref<2x1000x128xf32, #tpu.memory_space<vmem>>, vector<1x1000x128xf32>
    %swap3A_30 = vector.shape_cast %swap3A_29 : vector<1x1000x128xf32> to vector<1000x128xf32>
    %swap3A_31 = vector.shape_cast %slice3A_25 : vector<1000x128xf32> to vector<1x1000x128xf32>
    tpu.vector_store %arg4[%swap3A_26, %swap3A_27, %swap3A_28], %swap3A_31 {strides = array<i32>} : memref<2x1000x128xf32, #tpu.memory_space<vmem>>, vector<1x1000x128xf32>,
    return
  }
  func.func @transform_0(%arg0: i32) -> (i32, i32) {
    %c0_i32 = arith.constant 0 : i32
    %c0_i32_0 = arith.constant 0 : i32
    return %arg0, %c0_i32 : i32, i32
  }
  func.func @transform_1(%arg0: i32) -> (i32, i32) {
    %c0_i32 = arith.constant 0 : i32
    %c0_i32_0 = arith.constant 0 : i32
    %c0_i32_1 = arith.constant 0 : i32
    return %c0_i32, %c0_i32_0 : i32, i32
  }
  func.func @transform_2(%arg0: i32) -> (i32, i32, i32) {
    %c0_i32 = arith.constant 0 : i32
    %c0_i32_0 = arith.constant 0 : i32
    %c0_i32_1 = arith.constant 0 : i32
    return %c0_i32, %arg0, %c0_i32_0 : i32, i32, i32
  }
  func.func @transform_3(%arg0: i32) -> (i32, i32, i32) {
    %c0_i32 = arith.constant 0 : i32
    %c0_i32_0 = arith.constant 0 : i32
    %c0_i32_1 = arith.constant 0 : i32
    return %c0_i32, %arg0, %c0_i32_0 : i32, i32, i32
  }
}

module attributes {stable_mosaic.version = 14 : i64} {
  func.func @_tc1_body(%arg0: i32, %arg1: memref<2x1000x128xf32, #tpu.memory_space<vmem>>, %arg2: memref<2x1000x128xf32, #tpu.memory_space<vmem>>, %arg3: memref<2x1000x16xf32, #tpu.memory_space<vmem>>, %arg4: memref<1x256xf32, #tpu.memory_space<vmem>>, %arg5: memref<256x128xf32, #tpu.memory_space<vmem>>, %arg6: memref<1000x128xf32, #tpu.memory_space<vmem>>) attributes {dimension_semantics = [#tpu.dimension_semantics<arbitrary>], iteration_bounds = array<i64: 10>, scalar_prefetch = 0 : i64, scratch_operands = 0 : i64, tpu.core_type = #tpu.core_type<tc>, window_params = [{transform_indices = @transform_0, window_bounds = array<i64: 2, 1000, 128>}, {transform_indices = @transform_1, window_bounds = array<i64: 2, 1000, 128>}, {transform_indices = @transform_2, window_bounds = array<i64: 2, 1000, 16>}, {pipeline_mode = #tpu.pipeline_mode<synchronous>, transform_indices = @transform_3, window_bounds = array<i64: 1, 256>}, {pipeline_mode = #tpu.pipeline_mode<synchronous>, transform_indices = @transform_4, window_bounds = array<i64: 256, 128>}, {transform_indices = @transform_5, window_bounds = array<i64: 1000, 128>}]} {
    %get3A = arith.constant 0 : index
    %get3A_0 = arith.constant 0 : index
    %get3A_1 = arith.constant 0 : index
    %get3A_2 = vector.load %arg3[%get3A, %get3A_0, %get3A_1] : memref<2x1000x16xf32, #tpu.memory_space<vmem>>, vector<1x1000x1xf32>
    %get3A_3 = vector.shape_cast %get3A_2 : vector<1x1000x1xf32> to vector<1000x1xf32>
    %get3A_4 = arith.constant 1 : index
    %get3A_5 = arith.constant 0 : index
    %get3A_6 = arith.constant 0 : index
    %get3A_7 = vector.load %arg3[%get3A_4, %get3A_5, %get3A_6] : memref<2x1000x16xf32, #tpu.memory_space<vmem>>, vector<1x1000x1xf32>
    %get3A_8 = vector.shape_cast %get3A_7 : vector<1x1000x1xf32> to vector<1000x1xf32>
    %add3A = arith.addf %get3A_3, %get3A_8 : vector<1000x1xf32>
    %add3A_9 = arith.constant 1.000000e+00 : f32
    %add3A_10 = vector.broadcast %add3A_9 : f32 to vector<1000x1xf32>
    %add3A_11 = arith.addf %add3A, %add3A_10 : vector<1000x1xf32>
    %rsqrt3A = math.rsqrt %add3A_11 : vector<1000x1xf32>
    %get3A_12 = arith.constant 0 : index
    %get3A_13 = arith.constant 0 : index
    %get3A_14 = arith.constant 0 : index
    %get3A_15 = vector.load %arg1[%get3A_12, %get3A_13, %get3A_14] : memref<2x1000x128xf32, #tpu.memory_space<vmem>>, vector<1x1000x128xf32>
    %get3A_16 = vector.shape_cast %get3A_15 : vector<1x1000x128xf32> to vector<1000x128xf32>
    %get3A_17 = arith.constant 0 : index
    %get3A_18 = arith.constant 0 : index
    %get3A_19 = arith.constant 0 : index
    %get3A_20 = vector.load %arg2[%get3A_17, %get3A_18, %get3A_19] : memref<2x1000x128xf32, #tpu.memory_space<vmem>>, vector<1x1000x128xf32>
    %get3A_21 = vector.shape_cast %get3A_20 : vector<1x1000x128xf32> to vector<1000x128xf32>
    %add3A_22 = arith.addf %get3A_16, %get3A_21 : vector<1000x128xf32>
    %get3A_23 = arith.constant 1 : index
    %get3A_24 = arith.constant 0 : index
    %get3A_25 = arith.constant 0 : index
    %get3A_26 = vector.load %arg1[%get3A_23, %get3A_24, %get3A_25] : memref<2x1000x128xf32, #tpu.memory_space<vmem>>, vector<1x1000x128xf32>
    %get3A_27 = vector.shape_cast %get3A_26 : vector<1x1000x128xf32> to vector<1000x128xf32>
    %get3A_28 = arith.constant 1 : index
    %get3A_29 = arith.constant 0 : index
    %get3A_30 = arith.constant 0 : index
    %get3A_31 = vector.load %arg2[%get3A_28, %get3A_29, %get3A_30] : memref<2x1000x128xf32, #tpu.memory_space<vmem>>, vector<1x1000x128xf32>
    %get3A_32 = vector.shape_cast %get3A_31 : vector<1x1000x128xf32> to vector<1000x128xf32>
    %add3A_33 = arith.addf %get3A_27, %get3A_32 : vector<1000x128xf32>
    %concatenate3A = tpu.concatenate %add3A_22, %add3A_33 in 1 : vector<1000x128xf32>, vector<1000x128xf32> -> vector<1000x256xf32>
    %mul3A = vector.broadcast %rsqrt3A : vector<1000x1xf32> to vector<1000x256xf32>
    %mul3A_34 = arith.mulf %concatenate3A, %mul3A : vector<1000x256xf32>
    %get3A_35 = arith.constant 0 : index
    %get3A_36 = arith.constant 0 : index
    %get3A_37 = vector.load %arg4[%get3A_35, %get3A_36] : memref<1x256xf32, #tpu.memory_space<vmem>>, vector<1x256xf32>
    %add3A_38 = vector.broadcast %get3A_37 : vector<1x256xf32> to vector<1000x256xf32>
    %add3A_39 = arith.addf %mul3A_34, %add3A_38 : vector<1000x256xf32>
    %max3A = arith.constant 0.000000e+00 : f32
    %max3A_40 = vector.broadcast %max3A : f32 to vector<1000x256xf32>
    %max3A_41 = arith.maximumf %add3A_39, %max3A_40 : vector<1000x256xf32>
    %get3A_42 = arith.constant 0 : index
    %get3A_43 = arith.constant 0 : index
    %get3A_44 = vector.load %arg5[%get3A_42, %get3A_43] : memref<256x128xf32, #tpu.memory_space<vmem>>, vector<256x128xf32>
    %dot_general3A = arith.constant dense<0.000000e+00> : vector<1000x128xf32>
    %dot_general3A_45 = tpu.matmul %max3A_41, %get3A_44, %dot_general3A {dimension_numbers = #tpu.dot_dimension_numbers<[1], [0], [0], [1], [0, 0, 1, 1], [], []>, transpose_lhs_hint = false} : vector<1000x256xf32>, vector<256x128xf32>, vector<1000x128xf32> -> vector<1000x128xf32>
    %mul3A_46 = vector.broadcast %rsqrt3A : vector<1000x1xf32> to vector<1000x128xf32>
    %mul3A_47 = arith.mulf %dot_general3A_45, %mul3A_46 : vector<1000x128xf32>
    %swap3A = arith.constant 0 : index
    %swap3A_48 = arith.constant 0 : index
    %swap3A_49 = vector.load %arg6[%swap3A, %swap3A_48] : memref<1000x128xf32, #tpu.memory_space<vmem>>, vector<1000x128xf32>
    tpu.vector_store %arg6[%swap3A, %swap3A_48], %mul3A_47 {strides = array<i32>} : memref<1000x128xf32, #tpu.memory_space<vmem>>, vector<1000x128xf32>,
    return
  }
  func.func @transform_0(%arg0: i32) -> (i32, i32, i32) {
    %c0_i32 = arith.constant 0 : i32
    %c0_i32_0 = arith.constant 0 : i32
    %c0_i32_1 = arith.constant 0 : i32
    return %c0_i32, %arg0, %c0_i32_0 : i32, i32, i32
  }
  func.func @transform_1(%arg0: i32) -> (i32, i32, i32) {
    %c0_i32 = arith.constant 0 : i32
    %c0_i32_0 = arith.constant 0 : i32
    %c0_i32_1 = arith.constant 0 : i32
    return %c0_i32, %arg0, %c0_i32_0 : i32, i32, i32
  }
  func.func @transform_2(%arg0: i32) -> (i32, i32, i32) {
    %c0_i32 = arith.constant 0 : i32
    %c0_i32_0 = arith.constant 0 : i32
    %c0_i32_1 = arith.constant 0 : i32
    return %c0_i32, %arg0, %c0_i32_0 : i32, i32, i32
  }
  func.func @transform_3(%arg0: i32) -> (i32, i32) {
    %c0_i32 = arith.constant 0 : i32
    %c0_i32_0 = arith.constant 0 : i32
    %c0_i32_1 = arith.constant 0 : i32
    return %c0_i32, %c0_i32_0 : i32, i32
  }
  func.func @transform_4(%arg0: i32) -> (i32, i32) {
    %c0_i32 = arith.constant 0 : i32
    %c0_i32_0 = arith.constant 0 : i32
    %c0_i32_1 = arith.constant 0 : i32
    return %c0_i32, %c0_i32_0 : i32, i32
  }
  func.func @transform_5(%arg0: i32) -> (i32, i32) {
    %c0_i32 = arith.constant 0 : i32
    %c0_i32_0 = arith.constant 0 : i32
    return %arg0, %c0_i32 : i32, i32
  }
}

module attributes {stable_mosaic.version = 14 : i64} {
  func.func @_tc2_body(%arg0: i32, %arg1: memref<2x1000x128xf32, #tpu.memory_space<vmem>>, %arg2: memref<1000x128xf32, #tpu.memory_space<vmem>>, %arg3: memref<2x1000x16xf32, #tpu.memory_space<vmem>>, %arg4: memref<1x128xf32, #tpu.memory_space<vmem>>, %arg5: memref<1000x128xf32, #tpu.memory_space<vmem>>) attributes {dimension_semantics = [#tpu.dimension_semantics<arbitrary>], iteration_bounds = array<i64: 10>, scalar_prefetch = 0 : i64, scratch_operands = 0 : i64, tpu.core_type = #tpu.core_type<tc>, window_params = [{transform_indices = @transform_0, window_bounds = array<i64: 2, 1000, 128>}, {transform_indices = @transform_1, window_bounds = array<i64: 1000, 128>}, {transform_indices = @transform_2, window_bounds = array<i64: 2, 1000, 16>}, {pipeline_mode = #tpu.pipeline_mode<synchronous>, transform_indices = @transform_3, window_bounds = array<i64: 1, 128>}, {transform_indices = @transform_4, window_bounds = array<i64: 1000, 128>}]} {
    %get3A = arith.constant 0 : index
    %get3A_0 = arith.constant 0 : index
    %get3A_1 = arith.constant 0 : index
    %get3A_2 = vector.load %arg3[%get3A, %get3A_0, %get3A_1] : memref<2x1000x16xf32, #tpu.memory_space<vmem>>, vector<1x1000x1xf32>
    %get3A_3 = vector.shape_cast %get3A_2 : vector<1x1000x1xf32> to vector<1000x1xf32>
    %get3A_4 = arith.constant 1 : index
    %get3A_5 = arith.constant 0 : index
    %get3A_6 = arith.constant 0 : index
    %get3A_7 = vector.load %arg3[%get3A_4, %get3A_5, %get3A_6] : memref<2x1000x16xf32, #tpu.memory_space<vmem>>, vector<1x1000x1xf32>
    %get3A_8 = vector.shape_cast %get3A_7 : vector<1x1000x1xf32> to vector<1000x1xf32>
    %add3A = arith.addf %get3A_3, %get3A_8 : vector<1000x1xf32>
    %add3A_9 = arith.constant 1.000000e+00 : f32
    %add3A_10 = vector.broadcast %add3A_9 : f32 to vector<1000x1xf32>
    %add3A_11 = arith.addf %add3A, %add3A_10 : vector<1000x1xf32>
    %rsqrt3A = math.rsqrt %add3A_11 : vector<1000x1xf32>
    %get3A_12 = arith.constant 0 : index
    %get3A_13 = arith.constant 0 : index
    %get3A_14 = arith.constant 0 : index
    %get3A_15 = vector.load %arg1[%get3A_12, %get3A_13, %get3A_14] : memref<2x1000x128xf32, #tpu.memory_space<vmem>>, vector<1x1000x128xf32>
    %get3A_16 = vector.shape_cast %get3A_15 : vector<1x1000x128xf32> to vector<1000x128xf32>
    %get3A_17 = arith.constant 1 : index
    %get3A_18 = arith.constant 0 : index
    %get3A_19 = arith.constant 0 : index
    %get3A_20 = vector.load %arg1[%get3A_17, %get3A_18, %get3A_19] : memref<2x1000x128xf32, #tpu.memory_space<vmem>>, vector<1x1000x128xf32>
    %get3A_21 = vector.shape_cast %get3A_20 : vector<1x1000x128xf32> to vector<1000x128xf32>
    %add3A_22 = arith.addf %get3A_16, %get3A_21 : vector<1000x128xf32>
    %get3A_23 = arith.constant 0 : index
    %get3A_24 = arith.constant 0 : index
    %get3A_25 = vector.load %arg2[%get3A_23, %get3A_24] : memref<1000x128xf32, #tpu.memory_space<vmem>>, vector<1000x128xf32>
    %add3A_26 = arith.addf %add3A_22, %get3A_25 : vector<1000x128xf32>
    %mul3A = vector.broadcast %rsqrt3A : vector<1000x1xf32> to vector<1000x128xf32>
    %mul3A_27 = arith.mulf %add3A_26, %mul3A : vector<1000x128xf32>
    %get3A_28 = arith.constant 0 : index
    %get3A_29 = arith.constant 0 : index
    %get3A_30 = vector.load %arg4[%get3A_28, %get3A_29] : memref<1x128xf32, #tpu.memory_space<vmem>>, vector<1x128xf32>
    %add3A_31 = vector.broadcast %get3A_30 : vector<1x128xf32> to vector<1000x128xf32>
    %add3A_32 = arith.addf %mul3A_27, %add3A_31 : vector<1000x128xf32>
    %reduce_max3A = arith.constant dense<0xFF800000> : vector<1000xf32>
    %reduce_max3A_33 = vector.multi_reduction <maximumf>, %add3A_32, %reduce_max3A [1] : vector<1000x128xf32> to vector<1000xf32>
    %broadcast_in_dim3A = vector.shape_cast %reduce_max3A_33 : vector<1000xf32> to vector<1000x1xf32>
    %sub3A = vector.broadcast %broadcast_in_dim3A : vector<1000x1xf32> to vector<1000x128xf32>
    %sub3A_34 = arith.subf %add3A_32, %sub3A : vector<1000x128xf32>
    %exp3A = math.exp %sub3A_34 : vector<1000x128xf32>
    %reduce_sum3A = arith.constant dense<0.000000e+00> : vector<1000xf32>
    %reduce_sum3A_35 = vector.multi_reduction <add>, %exp3A, %reduce_sum3A [1] : vector<1000x128xf32> to vector<1000xf32>
    %broadcast_in_dim3A_36 = vector.shape_cast %reduce_sum3A_35 : vector<1000xf32> to vector<1000x1xf32>
    %log3A = math.log %broadcast_in_dim3A_36 : vector<1000x1xf32>
    %sub3A_37 = vector.broadcast %broadcast_in_dim3A : vector<1000x1xf32> to vector<1000x128xf32>
    %sub3A_38 = arith.subf %add3A_32, %sub3A_37 : vector<1000x128xf32>
    %sub3A_39 = vector.broadcast %log3A : vector<1000x1xf32> to vector<1000x128xf32>
    %sub3A_40 = arith.subf %sub3A_38, %sub3A_39 : vector<1000x128xf32>
    %swap3A = arith.constant 0 : index
    %swap3A_41 = arith.constant 0 : index
    %swap3A_42 = vector.load %arg5[%swap3A, %swap3A_41] : memref<1000x128xf32, #tpu.memory_space<vmem>>, vector<1000x128xf32>
    tpu.vector_store %arg5[%swap3A, %swap3A_41], %sub3A_40 {strides = array<i32>} : memref<1000x128xf32, #tpu.memory_space<vmem>>, vector<1000x128xf32>,
    return
  }
  func.func @transform_0(%arg0: i32) -> (i32, i32, i32) {
    %c0_i32 = arith.constant 0 : i32
    %c0_i32_0 = arith.constant 0 : i32
    %c0_i32_1 = arith.constant 0 : i32
    return %c0_i32, %arg0, %c0_i32_0 : i32, i32, i32
  }
  func.func @transform_1(%arg0: i32) -> (i32, i32) {
    %c0_i32 = arith.constant 0 : i32
    %c0_i32_0 = arith.constant 0 : i32
    return %arg0, %c0_i32 : i32, i32
  }
  func.func @transform_2(%arg0: i32) -> (i32, i32, i32) {
    %c0_i32 = arith.constant 0 : i32
    %c0_i32_0 = arith.constant 0 : i32
    %c0_i32_1 = arith.constant 0 : i32
    return %c0_i32, %arg0, %c0_i32_0 : i32, i32, i32
  }
  func.func @transform_3(%arg0: i32) -> (i32, i32) {
    %c0_i32 = arith.constant 0 : i32
    %c0_i32_0 = arith.constant 0 : i32
    %c0_i32_1 = arith.constant 0 : i32
    return %c0_i32, %c0_i32_0 : i32, i32
  }
  func.func @transform_4(%arg0: i32) -> (i32, i32) {
    %c0_i32 = arith.constant 0 : i32
    %c0_i32_0 = arith.constant 0 : i32
    return %arg0, %c0_i32 : i32, i32
  }
}

</mosaic_0001>

<sc_bundles>
// kernel: kernel.11.cloned.1.call-start
scs
__scs_entry_jumppad:
0x0: {  	(pc) =	sbr.rel $0x88, $3  }
0x1: {  	(tag) =	ssettag $0x0;
	lr =	simm.s32 $0x1  }
0x2: {  	[smem:$0x3F9B] =	sst lr;
	_ =	strace $0xD0000000  }
0x3: {  	_ = 	snop  }
0x4: {  	_ = 	snop  }
0x5: {  	_ = 	snop  }
0x6: {  	_ = 	snop  }
0x7: {  	_ = 	snop  }
__scs_overlays_trampoline_lowered:
0x8: {  	[smem:$0x3FAA] =	sst s0  }
0x9: {  	[smem:$0x3FAB] =	sst s1  }
0xa: {  	[smem:$0x3FAC] =	sst s2  }
0xb: {  	[smem:$0x3FAD] =	sst s3  }
0xc: {  	[smem:$0x3FAE] =	sst s4  }
0xd: {  	[smem:$0x3FAF] =	sst s5  }
0xe: {  	[smem:$0x3FB0] =	sst s6  }
0xf: {  	[smem:$0x3FB1] =	sst s7  }
0x10: {  	[smem:$0x3FB2] =	sst s8  }
0x11: {  	[smem:$0x3FB3] =	sst s9;
	s0 =	simm.s32 @!p0 $0x0  }
0x12: {  	s1 =	sld [smem:$0x3F99];
	s0 =	simm.s32 @p0 $0x1  }
0x13: {  	[smem:$0x3FB4] =	sst s0;
	s0 =	simm.s32 @!p1 $0x0  }
0x14: {  	s2 =	sld [smem:$0x3F98];
	s0 =	simm.s32 @p1 $0x1  }
0x15: {  	[smem:$0x3FB5] =	sst s0;
	s0 =	simm.s32 @!p2 $0x0  }
0x16: {  	s3 =	sld [smem:$0x3FDB];
	s0 =	simm.s32 @p2 $0x1  }
0x17: {  	s4 =	simm.s32 $0x1BF5;
	[smem:$0x3FB7] =	sst s0  }
0x18: {  	s0 =	sld [smem:$0x3F9A];
	_ =	swait.ge [sflag:s4], $0x0  }
0x19: {  	s7 =	sld [smem:$0x3F9B]  }
0x1a: {  	s8 =	sadd.s32 $0xFFFFE003, lr  }
0x1b: {  	s9 =	sadd.s32 $0xFFFFFEF7, lr;
	s5 =	simm.s32 $0xFFFFFFFF;
	p2 =	slt.u32 s8, $0xFFFFF086  }
0x1c: {  	p1 =	slt.u32 s9, $0xF7A;
	s5 =	simm.s32 @!p2 $0x0  }
0x1d: {  	s5 =	simm.s32 @p1 $0x1;
	p0 =	seq.s32 s7, s2  }
0x1e: {  	s7 =	smul.u32 @!p0 $0xF7A, s2;
	p2 =	seq.s32 @!p0 s5, $0x0  }
0x1f: {  	s9 =	smul.u32 $0xF7A, s1;
	s8 =	simm.s32 @!p0 $0x1BF5;
	p2 =	por !p2, p0  }
0x20: {  	[sflag:s8] =	ssyncset.s32 @!p0 $0xFFFFF086;
	s6 =	sadd.s32 @!p0 s3, s7;
	s7 =	simm.s32 @!p0 $0x108  }
0x21: {  	s3 =	sadd.s32 s3, s9;
	s6 =	sadd.s32 @!p0 $0x88, s6;
	s7 =	simm.s32 @p2 $0x1082  }
0x22: {  	[simem:s7], [sflag:s8] =	dma.local @!p0 [hbm:s6], $0xF7A  }
0x23: {  	s9 =	sor.u32 $0xD0000000, s2;
	s6 =	simm.s32 $0x108;
	_ =	swait.ge @!p0 [sflag:s8], $0x0  }
0x24: {  	s3 =	sadd.s32 $0x88, s3;
	s6 =	simm.s32 @!p1 $0x1082;
	[sflag:s4] =	ssyncset.s32 $0xFFFFF086  }
0x25: {  	[simem:s6], [sflag:s4] =	dma.local [hbm:s3], $0xF7A  }
0x26: {  	[smem:$0x3F9B] =	sst s1;
	(tag) =	ssettag s2;
	_ =	strace s9  }
0x27: {  	s1 =	sld [smem:$0x3FAB]  }
0x28: {  	s2 =	sld [smem:$0x3FAC]  }
0x29: {  	s4 =	sld [smem:$0x3FAE]  }
0x2a: {  	p0 =	seq.s32 s5, $0x0;
	s5 =	sld [smem:$0x3FAF]  }
0x2b: {  	s6 =	sld [smem:$0x3FB0]  }
0x2c: {  	s7 =	sld [smem:$0x3FB1]  }
0x2d: {  	s3 =	simm.s32 $0x108;
	s8 =	sld [smem:$0x3FB2]  }
0x2e: {  	s3 =	simm.s32 @!p0 $0x1082;
	s9 =	sld [smem:$0x3FB3]  }
0x2f: {  	lr =	sadd.s32 s0, s3;
	s0 =	sld [smem:$0x3FAA]  }
0x30: {  	s3 =	sld [smem:$0x3FAD]  }
0x31: {  	[smem:$0x3FB6] =	sst s10  }
0x32: {  	s10 =	sld [smem:$0x3FB4];
	_ =	sdelay $0x3  }
0x33: {  	p0 =	seq.s32 s10, $0x1;
	s10 =	sld [smem:$0x3FB6];
	_ =	sdelay $0x3  }
0x34: {  	[smem:$0x3FB6] =	sst s10  }
0x35: {  	s10 =	sld [smem:$0x3FB5];
	_ =	sdelay $0x3  }
0x36: {  	p1 =	seq.s32 s10, $0x1;
	s10 =	sld [smem:$0x3FB6];
	_ =	sdelay $0x3  }
0x37: {  	[smem:$0x3FB6] =	sst s10  }
0x38: {  	s10 =	sld [smem:$0x3FB7]  }
0x39: {  	_ = 	snop;
	(pc) =	sbr.ind lr, $3  }
0x3a: {  	_ = 	snop  }
0x3b: {  	_ = 	snop  }
0x3c: {  	p2 =	seq.s32 s10, $0x1;
	s10 =	sld [smem:$0x3FB6]  }
0x3d: {  	_ =	shalt  }
0x3e: {  	_ =	shalt  }
0x3f: {  	_ =	shalt  }
0x40: {  	_ =	shalt  }
0x41: {  	_ =	shalt  }
0x42: {  	_ =	shalt  }
0x43: {  	_ =	shalt  }
0x44: {  	_ =	shalt  }
0x45: {  	_ =	shalt  }
0x46: {  	_ =	shalt  }
0x47: {  	_ =	shalt  }
0x48: {  	_ =	shalt  }
0x49: {  	_ =	shalt  }
0x4a: {  	_ =	shalt  }
0x4b: {  	_ =	shalt  }
0x4c: {  	_ =	shalt  }
0x4d: {  	_ =	shalt  }
0x4e: {  	_ =	shalt  }
0x4f: {  	_ =	shalt  }
0x50: {  	_ =	shalt  }
0x51: {  	_ =	shalt  }
0x52: {  	_ =	shalt  }
0x53: {  	_ =	shalt  }
0x54: {  	_ =	shalt  }
0x55: {  	_ =	shalt  }
0x56: {  	_ =	shalt  }
0x57: {  	_ =	shalt  }
0x58: {  	_ =	shalt  }
0x59: {  	_ =	shalt  }
0x5a: {  	_ =	shalt  }
0x5b: {  	_ =	shalt  }
0x5c: {  	_ =	shalt  }
0x5d: {  	_ =	shalt  }
0x5e: {  	_ =	shalt  }
0x5f: {  	_ =	shalt  }
0x60: {  	_ =	shalt  }
0x61: {  	_ =	shalt  }
0x62: {  	_ =	shalt  }
0x63: {  	_ =	shalt  }
0x64: {  	_ =	shalt  }
0x65: {  	_ =	shalt  }
0x66: {  	_ =	shalt  }
0x67: {  	_ =	shalt  }
0x68: {  	_ =	shalt  }
0x69: {  	_ =	shalt  }
0x6a: {  	_ =	shalt  }
0x6b: {  	_ =	shalt  }
0x6c: {  	_ =	shalt  }
0x6d: {  	_ =	shalt  }
0x6e: {  	_ =	shalt  }
0x6f: {  	_ =	shalt  }
0x70: {  	_ =	shalt  }
0x71: {  	_ =	shalt  }
0x72: {  	_ =	shalt  }
0x73: {  	_ =	shalt  }
0x74: {  	_ =	shalt  }
0x75: {  	_ =	shalt  }
0x76: {  	_ =	shalt  }
0x77: {  	_ =	shalt  }
0x78: {  	_ =	shalt  }
0x79: {  	_ =	shalt  }
0x7a: {  	_ =	shalt  }
0x7b: {  	_ =	shalt  }
0x7c: {  	_ =	shalt  }
0x7d: {  	_ =	shalt  }
0x7e: {  	_ =	shalt  }
0x7f: {  	_ =	shalt  }
0x80: {  	_ =	shalt  }
0x81: {  	_ =	shalt  }
0x82: {  	_ =	shalt  }
0x83: {  	_ =	shalt  }
0x84: {  	_ =	shalt  }
0x85: {  	_ =	shalt  }
0x86: {  	_ =	shalt  }
0x87: {  	_ =	shalt  }
.Lfunc_end0:
.L_simem_size_0:
called_computation.1_lowered:
.L_overlay_start_0:
0x88: {  	s2 =	sld [smem:$0x3FD9]  }
0x89: {  	s3 =	sld [smem:$0x3FFE];
	_ =	sdelay $0x1  }
0x8a: {  	s1 =	srdreg.scid  }
0x8b: {  	s0 =	sand.u32 $0x1, s1  }
0x8c: {  	s17 =	sshll.u32 s0, $0xA;
	s2 =	sadd.s32 s3, s2  }
0x8d: {  	s2 =	sadd.s32 s2, s17  }
0x8e: {  	[smem:$0x3FC2] =	sst s2  }
0x8f: {  	_ = 	snop  }
0x90: {  	s2 =	sld [smem:$0x3FD0];
	(tm) =	ssettm $0x1  }
0x91: {  	s18 =	sld [smem:$0x3FFB];
	_ =	sdelay $0x3  }
0x92: {  	_ =	strace s18  }
0x93: {  	s3 =	sld [smem:$0x3FFC];
	_ =	sdelay $0x3  }
0x94: {  	_ =	strace s3  }
0x95: {  	s3 =	sld [smem:$0x3FFD];
	_ =	sdelay $0x3  }
0x96: {  	_ =	strace s3  }
0x97: {  	_ =	strace $0x8FFFFFFF  }
0x98: {  	s19 =	sld [smem:$0x3FDB];
	_ =	sdelay $0x1  }
0x99: {  	s4 =	simm.s32 $_scs_section_size  }
0x9a: {  	s5 =	simm.s32 $_size__tile_overlayer_lowered;
	s6 =	simm.s32 $_tile_overlayer_lowered  }
0x9b: {  	s22 =	simm.s32 $0x1BFF;
	s21 =	sshll.u32 s6, $0x1;
	s3 =	sadd.s32 s4, s19  }
0x9c: {  	s7 =	simm.s32 $0x0;
	s20 =	sshll.u32 s5, $0x1;
	s5 =	sadd.s32 s21, s3  }
0x9d: {  	[timem:s7], [sflag:s22] =	dma.local [hbm:s5], s20  }
0x9e: {  	_ =	swait.ge [sflag:s22], s20  }
0x9f: {  	s4 =	ssub.s32 $0x0, s20;
	[sflag:s22] =	ssyncset.done $0x0  }
0xa0: {  	[sflag:s22] =	ssyncadd.s32 s4;
	_ =	sdelay $0x1  }
0xa1: {  	s23 =	simm.s32 $0x1B8B  }
0xa2: {  	_ =	swait.ge [sflag:s23], $0x1  }
0xa3: {  	[sflag:s23] =	ssyncset.done $0x0  }
0xa4: {  	s25 =	simm.s32 $0x1B8E;
	s24 =	sld [smem:$0x3FFE];
	[sflag:s23] =	ssyncadd.s32 $0xFFFFFFFF  }
0xa5: {  	s26 =	simm.s32 $execute0_lowered;
	[smem:$0x3FD2] =	sst s25  }
0xa6: {  	s5 =	sshll.u32 s26, $0x1;
	_ =	strace $0x80000049;
	[dreg:$0x1] =	wrdreg $0xFFFFFFFF  }
0xa7: {  	s28 =	simm.s32 $_size_execute0_lowered;
	s3 =	sadd.s32 s3, s5;
	[dreg:$0x0] =	wrdreg $0x0  }
0xa8: {  	s5 =	sshll.u32 s28, $0x1;
	[dreg:$0x2] =	wrdreg s3  }
0xa9: {  	[dreg:$0x3] =	wrdreg s5  }
0xaa: {  	[dreg:$0x4] =	wrdreg $0xC0  }
0xab: {  	_ =	task [dreg:s7], $0x5FFFF  }
0xac: {  	[dreg:$0x1] =	wrdreg $0xFFFFFFFF  }
0xad: {  	[dreg:$0x0] =	wrdreg $0x60  }
0xae: {  	[dreg:$0x2] =	wrdreg s24  }
0xaf: {  	[dreg:$0x3] =	wrdreg s2  }
0xb0: {  	[dreg:$0x4] =	wrdreg $0x0  }
0xb1: {  	[dreg:$0x5] =	wrdreg $0x9  }
0xb2: {  	_ =	task.clear_ibuf [dreg:s7], $0x6FFFF;
	_ =	strace $0x90000049  }
0xb3: {  	s29 =	simm.s32 $0x9;
	_ =	strace $0x8000004B  }
0xb4: {  	_ =	swait.ge [sflag:s29], $0x1  }
0xb5: {  	[sflag:s29] =	ssyncadd.s32 $0xFFFFFFFF  }
0xb6: {  	_ =	strace $0x9000004B  }
0xb7: {  	_ =	sfence  }
0xb8: {  	s30 =	sld [smem:$0x0];
	_ =	sdelay $0x2  }
0xb9: {  	s31 =	sshll.u32 s1, $0xD;
	s1 =	sshrl.u32 s1, $0x2  }
0xba: {  	s3 =	sand.u32 $0x4000, s31;
	s1 =	sadd.s32 s1, s30  }
0xbb: {  	s0 =	sor.u32 s3, s0;
	s1 =	sshll.u32 s1, $0x11  }
0xbc: {  	s0 =	sor.u32 s1, s0  }
0xbd: {  	s0 =	sadd.s32 $0x8F2B, s0  }
0xbe: {  	[sflag:s0] =	ssyncadd.remote.s32 $0x1  }
0xbf: {  	_ =	sfence.sel $0xFFFF  }
0xc0: {  	[dreg:$0x0] =	wrdreg $0xFFFFFFFF;
	(pc) =	sbr.abs _section_cstart, $3  }
0xc1: {  	[dreg:$0x1] =	wrdreg $0xFFFFFFFF  }
0xc2: {  	_ =	task.clear_ibuf [dreg:s7], $0x2FFFF;
	_ =	strace $0x9FFFFFFF  }
0xc3: {  	(tm) =	ssettm $0x7FFFFFFF  }
tec
execute0_lowered:
.L_overlay_start_1:
0x0: {  	(tag) =	ssettag $0x1  }
0x1: {  	s0 =	rddreg [dreg:$0x0];
	s1 =	srdreg.scid  }
0x2: {  	s5 =	rddreg [dreg:$0x1];
	s8 =	stileid.u32  }
0x3: {  	s2 =	rddreg [dreg:$0x2];
	s3 =	simm.s32 $0x0;
	s15 =	simm.s32 $0x13C80  }
0x4: {  	s16 =	simm.s32 $0x13D00;
	s17 =	simm.s32 $0x13D80;
	s18 =	simm.s32 $0x14880  }
0x5: {  	s19 =	simm.s32 $0x13E00;
	[smem:$0x7FF] =	sst s3;
	s9 =	sadd.s32 $0xDA00, s0  }
0x6: {  	s20 =	simm.s32 $0x14900;
	_ =	strace $0x8000004A;
	[smem:$0x7F8] =	sst s9  }
0x7: {  	s22 =	simm.s32 $0x13E80;
	s24 =	simm.s32 $0x14980;
	[dreg:$0x6] =	wrdreg s15  }
0x8: {  	s25 =	simm.s32 $0x13F00;
	s11 =	simm.s32 $0x14A80;
	[dreg:$0x7] =	wrdreg s16  }
0x9: {  	s28 =	simm.s32 $0x14F80;
	s6 =	smul.u32 $0x6C00, s8;
	[dreg:$0x8] =	wrdreg s17  }
0xa: {  	s29 =	simm.s32 $0x14500;
	s7 =	smul.u32 $0xD80, s8;
	[dreg:$0x9] =	wrdreg s18  }
0xb: {  	s30 =	simm.s32 $0x15000;
	s14 =	smul.u32 $0x13C00, s8;
	[dreg:$0xa] =	wrdreg s19  }
0xc: {  	s1 =	sand.u32 $0x1, s1;
	s23 =	smul.u32 $0x4F000, s8;
	[dreg:$0xb] =	wrdreg s20  }
0xd: {  	s31 =	simm.s32 $0x14580;
	s4 =	smul.u32 $0x6C000, s1;
	[dreg:$0xc] =	wrdreg s22  }
0xe: {  	s10 =	sshll.u32 s8, $0x6;
	s12 =	smul.u32 $0x13C000, s1;
	[dreg:$0xd] =	wrdreg s24  }
0xf: {  	s1 =	ssub.s32 $0x2, s1;
	[dreg:$0xe] =	wrdreg s25;
	s9 =	simm.s32 $0x13F80  }
0x10: {  	[dreg:$0x11] =	wrdreg s11;
	s15 =	simm.s32 $0x14B80;
	s16 =	simm.s32 $0x14100  }
0x11: {  	s11 =	simm.s32 $0x13C00;
	s17 =	simm.s32 $0x14C00;
	[dreg:$0x10] =	wrdreg s9  }
0x12: {  	s18 =	simm.s32 $0x14180;
	s19 =	simm.s32 $0x14C80;
	[dreg:$0x15] =	wrdreg s15  }
0x13: {  	s20 =	simm.s32 $0x14200;
	s22 =	simm.s32 $0x14280;
	[dreg:$0x16] =	wrdreg s16  }
0x14: {  	s24 =	simm.s32 $0x14300;
	s25 =	simm.s32 $0x14E00;
	[dreg:$0x17] =	wrdreg s17  }
0x15: {  	s7 =	sadd.s32 s7, s0;
	s21 =	sshrl.u32 s1, $0x1;
	[dreg:$0x18] =	wrdreg s18  }
0x16: {  	s26 =	sshrl.u32 s23, $0x2;
	[dreg:$0x19] =	wrdreg s19;
	s15 =	simm.s32 $0x18C00  }
0x17: {  	[dreg:$0x1a] =	wrdreg s20;
	s16 =	simm.s32 $0x1C400;
	s17 =	simm.s32 $0x1  }
0x18: {  	[dreg:$0x1c] =	wrdreg s22;
	s23 =	simm.s32 $0x14D80;
	s18 =	simm.s32 $0x4  }
0x19: {  	s19 =	simm.s32 $0x2;
	[dreg:$0x1e] =	wrdreg s24;
	s20 =	simm.s32 $0x5  }
0x1a: {  	[dreg:$0x1f] =	wrdreg s25;
	s22 =	simm.s32 $0x6;
	s24 =	simm.s32 $0x14400  }
0x1b: {  	s25 =	simm.s32 $0x14F00;
	s9 =	simm.s32 $0x0;
	s4 =	sadd.s32 s4, s6  }
0x1c: {  	s13 =	sadd.s32 $0x5FA00, s7;
	s1 =	ssub.s32 s1, s21;
	[dreg:$0x1d] =	wrdreg s23  }
0x1d: {  	s7 =	simm.s32 $0x14A00;
	s21 =	simm.s32 $0x14D00;
	[dreg:$0x5] =	wrdreg s13  }
0x1e: {  	s23 =	simm.s32 $0x14E80;
	s6 =	sshrl.u32 s4, $0x3;
	[dreg:$0xf] =	wrdreg s7  }
0x1f: {  	s4 =	sadd.s32 $0x6D200, s0;
	s1 =	smax.u32 s1, $0x1;
	[dreg:$0x1b] =	wrdreg s21  }
0x20: {  	s7 =	sor.u32 $0x1C07, s10;
	s13 =	simm.s32 $0x14B00;
	[smem:$0x7FA] =	sst s1  }
0x21: {  	s10 =	simm.s32 $0x7;
	s21 =	simm.s32 $0x3;
	[dreg:$0x13] =	wrdreg s13  }
0x22: {  	s5 =	sadd.s32 s6, s5;
	s6 =	sadd.s32 s14, s12;
	[smem:$0x7FC] =	sst s7  }
0x23: {  	s12 =	simm.s32 $0x14000;
	s14 =	simm.s32 $0x14080;
	[dreg:$0x4] =	wrdreg s5  }
0x24: {  	s13 =	simm.s32 $0x70;
	s1 =	simm.s32 $0x15080;
	[dreg:$0x12] =	wrdreg s12  }
0x25: {  	s6 =	sshrl.u32 s6, $0x3;
	[dreg:$0x14] =	wrdreg s14;
	s12 =	simm.s32 $0x14800  }
0x26: {  	s0 =	sadd.s32 s6, s0;
	s6 =	sadd.s32 s26, s2;
	s26 =	simm.s32 $0x14380  }
0x27: {  	s14 =	simm.s32 $0x15400;
	s0 =	sadd.s32 $0xBB400, s0;
	[smem:$0x7FB] =	sst s26  }
0x28: {  	s5 =	simm.s32 $0x15180;
	s8 =	sshrl.u32 s6, $0x3;
	[smem:$0x7F9] =	sst s0  }
0x29: {  	s26 =	simm.s32 $0x14480;
	s0 =	simm.s32 $0x15100;
	[smem:$0x7FD] =	sst s8  }
.LBB2_1:
0x2a: {  	s6 =	sld [smem:$0x7F8];
	_ =	sdelay $0x1  }
0x2b: {  	[smem:$0x7F7] =	sst s9  }
0x2c: {  	[spmem:s8], [sflag:s7] =	dma.local [hbm:s6], $0x2780  }
0x2d: {  	_ =	swait.ge [sflag:s10], $0x2780  }
0x2e: {  	[sflag:s10] =	ssyncset.done $0x0  }
0x2f: {  	[sflag:s10] =	ssyncadd.s32 $0xFFFFD880  }
0x30: {  	[bflag:$0x0] =	sbarrier.arrive $0xFFFF  }
0x31: {  	s7 =	rddreg [dreg:$0x4]  }
0x32: {  	s6 =	sadd.s32 $0x0, s7  }
0x33: {  	[tilespmem:s11], [sflag:$0x7] =	stream.linear.gather [hbm4b:s6+s3], $0xA00, $0x38;
	[tilespmem:$0x1FC00] =	vst v63  }
0x34: {  	_ =	swait.ge [sflag:s10], $0xA00  }
0x35: {  	s8 =	rddreg [dreg:$0x5];
	[sflag:s10] =	ssyncset.done $0x0  }
0x36: {  	[sflag:s10] =	ssyncadd.s32 $0xFFFFF600;
	s6 =	sadd.s32 $0x0, s8  }
0x37: {  	[tilespmem:s12], [sflag:$0x7] =	stream.linear.gather [hbm4b:s6+s3], $0xA00, $0x38;
	[tilespmem:$0x1FC00] =	vst v63  }
0x38: {  	_ =	swait.ge [sflag:s10], $0xA00  }
0x39: {  	[sflag:s10] =	ssyncset.done $0x0  }
0x3a: {  	[sflag:s10] =	ssyncadd.s32 $0xFFFFF600  }
0x3b: {  	[tilespmem:s14], [sflag:$0x1] =	stream.indirect.gather [hbm4b:s4+s13], $0x80, s11, s13, $0xb8;
	[tilespmem:$0x1FC00] =	vst v63  }
0x3c: {  	s9 =	rddreg [dreg:$0x6]  }
0x3d: {  	[tilespmem:s15], [sflag:$0x2] =	stream.indirect.gather [hbm4b:s4+s13], $0x80, s9, s13, $0xb8;
	[tilespmem:$0x1FC00] =	vst v63  }
0x3e: {  	s7 =	rddreg [dreg:$0x7]  }
0x3f: {  	[tilespmem:s16], [sflag:$0x3] =	stream.indirect.gather [hbm4b:s4+s13], $0x80, s7, s13, $0xb8;
	[tilespmem:$0x1FC00] =	vst v63  }
0x40: {  	_ =	swait.ge [sflag:s17], $0x3800  }
0x41: {  	[sflag:s17] =	ssyncset.done $0x0  }
0x42: {  	[sflag:s17] =	ssyncadd.s32 $0xFFFFC800  }
0x43: {  	[spmem:s2] =	stream.indirect.scatter.add.f32 [tilespmem:s14], [sflag:$0x4], $0x80, s12, s13, $0xb8;
	[tilespmem:$0x1FC00] =	vst v63  }
0x44: {  	_ =	swait.ge [sflag:s18], $0x3800  }
0x45: {  	[sflag:s18] =	ssyncset.done $0x0  }
0x46: {  	s9 =	rddreg [dreg:$0x8];
	[sflag:s18] =	ssyncadd.s32 $0xFFFFC800  }
0x47: {  	[tilespmem:s14], [sflag:$0x1] =	stream.indirect.gather [hbm4b:s4+s13], $0x80, s9, s13, $0xb8;
	[tilespmem:$0x1FC00] =	vst v63  }
0x48: {  	_ =	swait.ge [sflag:s19], $0x3800  }
0x49: {  	[sflag:s19] =	ssyncset.done $0x0  }
0x4a: {  	s7 =	rddreg [dreg:$0x9];
	[sflag:s19] =	ssyncadd.s32 $0xFFFFC800  }
0x4b: {  	[spmem:s2] =	stream.indirect.scatter.add.f32 [tilespmem:s15], [sflag:$0x5], $0x80, s7, s13, $0xb8;
	[tilespmem:$0x1FC00] =	vst v63  }
0x4c: {  	_ =	swait.ge [sflag:s20], $0x3800  }
0x4d: {  	[sflag:s20] =	ssyncset.done $0x0  }
0x4e: {  	s8 =	rddreg [dreg:$0xa];
	[sflag:s20] =	ssyncadd.s32 $0xFFFFC800  }
0x4f: {  	[tilespmem:s15], [sflag:$0x2] =	stream.indirect.gather [hbm4b:s4+s13], $0x80, s8, s13, $0xb8;
	[tilespmem:$0x1FC00] =	vst v63  }
0x50: {  	_ =	swait.ge [sflag:s21], $0x3800  }
0x51: {  	[sflag:s21] =	ssyncset.done $0x0  }
0x52: {  	s9 =	rddreg [dreg:$0xb];
	[sflag:s21] =	ssyncadd.s32 $0xFFFFC800  }
0x53: {  	[spmem:s2] =	stream.indirect.scatter.add.f32 [tilespmem:s16], [sflag:$0x6], $0x80, s9, s13, $0xb8;
	[tilespmem:$0x1FC00] =	vst v63  }
0x54: {  	_ =	swait.ge [sflag:s22], $0x3800  }
0x55: {  	[sflag:s22] =	ssyncset.done $0x0  }
0x56: {  	s7 =	rddreg [dreg:$0xc];
	[sflag:s22] =	ssyncadd.s32 $0xFFFFC800  }
0x57: {  	[tilespmem:s16], [sflag:$0x3] =	stream.indirect.gather [hbm4b:s4+s13], $0x80, s7, s13, $0xb8;
	[tilespmem:$0x1FC00] =	vst v63  }
0x58: {  	_ =	swait.ge [sflag:s17], $0x3800  }
0x59: {  	[sflag:s17] =	ssyncset.done $0x0  }
0x5a: {  	s8 =	rddreg [dreg:$0xd];
	[sflag:s17] =	ssyncadd.s32 $0xFFFFC800  }
0x5b: {  	[spmem:s2] =	stream.indirect.scatter.add.f32 [tilespmem:s14], [sflag:$0x4], $0x80, s8, s13, $0xb8;
	[tilespmem:$0x1FC00] =	vst v63  }
0x5c: {  	_ =	swait.ge [sflag:s18], $0x3800  }
0x5d: {  	[sflag:s18] =	ssyncset.done $0x0  }
0x5e: {  	s9 =	rddreg [dreg:$0xe];
	[sflag:s18] =	ssyncadd.s32 $0xFFFFC800  }
0x5f: {  	[tilespmem:s14], [sflag:$0x1] =	stream.indirect.gather [hbm4b:s4+s13], $0x80, s9, s13, $0xb8;
	[tilespmem:$0x1FC00] =	vst v63  }
0x60: {  	_ =	swait.ge [sflag:s19], $0x3800  }
0x61: {  	[sflag:s19] =	ssyncset.done $0x0  }
0x62: {  	s7 =	rddreg [dreg:$0xf];
	[sflag:s19] =	ssyncadd.s32 $0xFFFFC800  }
0x63: {  	[spmem:s2] =	stream.indirect.scatter.add.f32 [tilespmem:s15], [sflag:$0x5], $0x80, s7, s13, $0xb8;
	[tilespmem:$0x1FC00] =	vst v63  }
0x64: {  	_ =	swait.ge [sflag:s20], $0x3800  }
0x65: {  	[sflag:s20] =	ssyncset.done $0x0  }
0x66: {  	s8 =	rddreg [dreg:$0x10];
	[sflag:s20] =	ssyncadd.s32 $0xFFFFC800  }
0x67: {  	[tilespmem:s15], [sflag:$0x2] =	stream.indirect.gather [hbm4b:s4+s13], $0x80, s8, s13, $0xb8;
	[tilespmem:$0x1FC00] =	vst v63  }
0x68: {  	_ =	swait.ge [sflag:s21], $0x3800  }
0x69: {  	[sflag:s21] =	ssyncset.done $0x0  }
0x6a: {  	s9 =	rddreg [dreg:$0x11];
	[sflag:s21] =	ssyncadd.s32 $0xFFFFC800  }
0x6b: {  	[spmem:s2] =	stream.indirect.scatter.add.f32 [tilespmem:s16], [sflag:$0x6], $0x80, s9, s13, $0xb8;
	[tilespmem:$0x1FC00] =	vst v63  }
0x6c: {  	_ =	swait.ge [sflag:s22], $0x3800  }
0x6d: {  	[sflag:s22] =	ssyncset.done $0x0  }
0x6e: {  	s7 =	rddreg [dreg:$0x12];
	[sflag:s22] =	ssyncadd.s32 $0xFFFFC800  }
0x6f: {  	[tilespmem:s16], [sflag:$0x3] =	stream.indirect.gather [hbm4b:s4+s13], $0x80, s7, s13, $0xb8;
	[tilespmem:$0x1FC00] =	vst v63  }
0x70: {  	_ =	swait.ge [sflag:s17], $0x3800  }
0x71: {  	[sflag:s17] =	ssyncset.done $0x0  }
0x72: {  	s8 =	rddreg [dreg:$0x13];
	[sflag:s17] =	ssyncadd.s32 $0xFFFFC800  }
0x73: {  	[spmem:s2] =	stream.indirect.scatter.add.f32 [tilespmem:s14], [sflag:$0x4], $0x80, s8, s13, $0xb8;
	[tilespmem:$0x1FC00] =	vst v63  }
0x74: {  	_ =	swait.ge [sflag:s18], $0x3800  }
0x75: {  	[sflag:s18] =	ssyncset.done $0x0  }
0x76: {  	s9 =	rddreg [dreg:$0x14];
	[sflag:s18] =	ssyncadd.s32 $0xFFFFC800  }
0x77: {  	[tilespmem:s14], [sflag:$0x1] =	stream.indirect.gather [hbm4b:s4+s13], $0x80, s9, s13, $0xb8;
	[tilespmem:$0x1FC00] =	vst v63  }
0x78: {  	_ =	swait.ge [sflag:s19], $0x3800  }
0x79: {  	[sflag:s19] =	ssyncset.done $0x0  }
0x7a: {  	s7 =	rddreg [dreg:$0x15];
	[sflag:s19] =	ssyncadd.s32 $0xFFFFC800  }
0x7b: {  	[spmem:s2] =	stream.indirect.scatter.add.f32 [tilespmem:s15], [sflag:$0x5], $0x80, s7, s13, $0xb8;
	[tilespmem:$0x1FC00] =	vst v63  }
0x7c: {  	_ =	swait.ge [sflag:s20], $0x3800  }
0x7d: {  	[sflag:s20] =	ssyncset.done $0x0  }
0x7e: {  	s8 =	rddreg [dreg:$0x16];
	[sflag:s20] =	ssyncadd.s32 $0xFFFFC800  }
0x7f: {  	[tilespmem:s15], [sflag:$0x2] =	stream.indirect.gather [hbm4b:s4+s13], $0x80, s8, s13, $0xb8;
	[tilespmem:$0x1FC00] =	vst v63  }
0x80: {  	_ =	swait.ge [sflag:s21], $0x3800  }
0x81: {  	[sflag:s21] =	ssyncset.done $0x0  }
0x82: {  	s9 =	rddreg [dreg:$0x17];
	[sflag:s21] =	ssyncadd.s32 $0xFFFFC800  }
0x83: {  	[spmem:s2] =	stream.indirect.scatter.add.f32 [tilespmem:s16], [sflag:$0x6], $0x80, s9, s13, $0xb8;
	[tilespmem:$0x1FC00] =	vst v63  }
0x84: {  	_ =	swait.ge [sflag:s22], $0x3800  }
0x85: {  	[sflag:s22] =	ssyncset.done $0x0  }
0x86: {  	s7 =	rddreg [dreg:$0x18];
	[sflag:s22] =	ssyncadd.s32 $0xFFFFC800  }
0x87: {  	[tilespmem:s16], [sflag:$0x3] =	stream.indirect.gather [hbm4b:s4+s13], $0x80, s7, s13, $0xb8;
	[tilespmem:$0x1FC00] =	vst v63  }
0x88: {  	_ =	swait.ge [sflag:s17], $0x3800  }
0x89: {  	[sflag:s17] =	ssyncset.done $0x0  }
0x8a: {  	s8 =	rddreg [dreg:$0x19];
	[sflag:s17] =	ssyncadd.s32 $0xFFFFC800  }
0x8b: {  	[spmem:s2] =	stream.indirect.scatter.add.f32 [tilespmem:s14], [sflag:$0x4], $0x80, s8, s13, $0xb8;
	[tilespmem:$0x1FC00] =	vst v63  }
0x8c: {  	_ =	swait.ge [sflag:s18], $0x3800  }
0x8d: {  	[sflag:s18] =	ssyncset.done $0x0  }
0x8e: {  	s9 =	rddreg [dreg:$0x1a];
	[sflag:s18] =	ssyncadd.s32 $0xFFFFC800  }
0x8f: {  	[tilespmem:s14], [sflag:$0x1] =	stream.indirect.gather [hbm4b:s4+s13], $0x80, s9, s13, $0xb8;
	[tilespmem:$0x1FC00] =	vst v63  }
0x90: {  	_ =	swait.ge [sflag:s19], $0x3800  }
0x91: {  	[sflag:s19] =	ssyncset.done $0x0  }
0x92: {  	s7 =	rddreg [dreg:$0x1b];
	[sflag:s19] =	ssyncadd.s32 $0xFFFFC800  }
0x93: {  	[spmem:s2] =	stream.indirect.scatter.add.f32 [tilespmem:s15], [sflag:$0x5], $0x80, s7, s13, $0xb8;
	[tilespmem:$0x1FC00] =	vst v63  }
0x94: {  	_ =	swait.ge [sflag:s20], $0x3800  }
0x95: {  	[sflag:s20] =	ssyncset.done $0x0  }
0x96: {  	s8 =	rddreg [dreg:$0x1c];
	[sflag:s20] =	ssyncadd.s32 $0xFFFFC800  }
0x97: {  	[tilespmem:s15], [sflag:$0x2] =	stream.indirect.gather [hbm4b:s4+s13], $0x80, s8, s13, $0xb8;
	[tilespmem:$0x1FC00] =	vst v63  }
0x98: {  	_ =	swait.ge [sflag:s21], $0x3800  }
0x99: {  	[sflag:s21] =	ssyncset.done $0x0  }
0x9a: {  	s9 =	rddreg [dreg:$0x1d];
	[sflag:s21] =	ssyncadd.s32 $0xFFFFC800  }
0x9b: {  	[spmem:s2] =	stream.indirect.scatter.add.f32 [tilespmem:s16], [sflag:$0x6], $0x80, s9, s13, $0xb8;
	[tilespmem:$0x1FC00] =	vst v63  }
0x9c: {  	_ =	swait.ge [sflag:s22], $0x3800  }
0x9d: {  	[sflag:s22] =	ssyncset.done $0x0  }
0x9e: {  	s7 =	rddreg [dreg:$0x1e];
	[sflag:s22] =	ssyncadd.s32 $0xFFFFC800  }
0x9f: {  	[tilespmem:s16], [sflag:$0x3] =	stream.indirect.gather [hbm4b:s4+s13], $0x80, s7, s13, $0xb8;
	[tilespmem:$0x1FC00] =	vst v63  }
0xa0: {  	_ =	swait.ge [sflag:s17], $0x3800  }
0xa1: {  	[sflag:s17] =	ssyncset.done $0x0  }
0xa2: {  	s8 =	rddreg [dreg:$0x1f];
	[sflag:s17] =	ssyncadd.s32 $0xFFFFC800  }
0xa3: {  	[spmem:s2] =	stream.indirect.scatter.add.f32 [tilespmem:s14], [sflag:$0x4], $0x80, s8, s13, $0xb8;
	[tilespmem:$0x1FC00] =	vst v63  }
0xa4: {  	_ =	swait.ge [sflag:s18], $0x3800  }
0xa5: {  	s9 =	sld [smem:$0x7FB]  }
0xa6: {  	[sflag:s18] =	ssyncset.done $0x0  }
0xa7: {  	[sflag:s18] =	ssyncadd.s32 $0xFFFFC800  }
0xa8: {  	[tilespmem:s14], [sflag:$0x1] =	stream.indirect.gather [hbm4b:s4+s13], $0x80, s9, s13, $0xb8;
	[tilespmem:$0x1FC00] =	vst v63  }
0xa9: {  	_ =	swait.ge [sflag:s19], $0x3800  }
0xaa: {  	[sflag:s19] =	ssyncset.done $0x0  }
0xab: {  	[sflag:s19] =	ssyncadd.s32 $0xFFFFC800  }
0xac: {  	[spmem:s2] =	stream.indirect.scatter.add.f32 [tilespmem:s15], [sflag:$0x5], $0x80, s23, s13, $0xb8;
	[tilespmem:$0x1FC00] =	vst v63  }
0xad: {  	_ =	swait.ge [sflag:s20], $0x3800  }
0xae: {  	[sflag:s20] =	ssyncset.done $0x0  }
0xaf: {  	[sflag:s20] =	ssyncadd.s32 $0xFFFFC800  }
0xb0: {  	[tilespmem:s15], [sflag:$0x2] =	stream.indirect.gather [hbm4b:s4+s13], $0x80, s24, s13, $0xb8;
	[tilespmem:$0x1FC00] =	vst v63  }
0xb1: {  	_ =	swait.ge [sflag:s21], $0x3800  }
0xb2: {  	[sflag:s21] =	ssyncset.done $0x0  }
0xb3: {  	[sflag:s21] =	ssyncadd.s32 $0xFFFFC800  }
0xb4: {  	[spmem:s2] =	stream.indirect.scatter.add.f32 [tilespmem:s16], [sflag:$0x6], $0x80, s25, s13, $0xb8;
	[tilespmem:$0x1FC00] =	vst v63  }
0xb5: {  	_ =	swait.ge [sflag:s22], $0x3800  }
0xb6: {  	[sflag:s22] =	ssyncset.done $0x0  }
0xb7: {  	[sflag:s22] =	ssyncadd.s32 $0xFFFFC800  }
0xb8: {  	[tilespmem:s16], [sflag:$0x3] =	stream.indirect.gather [hbm4b:s4+s13], $0x80, s26, s13, $0xb8;
	[tilespmem:$0x1FC00] =	vst v63  }
0xb9: {  	_ =	swait.ge [sflag:s17], $0x3800  }
0xba: {  	[sflag:s17] =	ssyncset.done $0x0  }
0xbb: {  	[sflag:s17] =	ssyncadd.s32 $0xFFFFC800  }
0xbc: {  	[spmem:s2] =	stream.indirect.scatter.add.f32 [tilespmem:s14], [sflag:$0x4], $0x80, s28, s13, $0xb8;
	[tilespmem:$0x1FC00] =	vst v63  }
0xbd: {  	_ =	swait.ge [sflag:s18], $0x3800  }
0xbe: {  	[sflag:s18] =	ssyncset.done $0x0  }
0xbf: {  	[sflag:s18] =	ssyncadd.s32 $0xFFFFC800  }
0xc0: {  	[tilespmem:s14], [sflag:$0x1] =	stream.indirect.gather [hbm4b:s4+s13], $0x80, s29, s13, $0xb8;
	[tilespmem:$0x1FC00] =	vst v63  }
0xc1: {  	_ =	swait.ge [sflag:s19], $0x3800  }
0xc2: {  	[sflag:s19] =	ssyncset.done $0x0  }
0xc3: {  	[sflag:s19] =	ssyncadd.s32 $0xFFFFC800  }
0xc4: {  	[spmem:s2] =	stream.indirect.scatter.add.f32 [tilespmem:s15], [sflag:$0x5], $0x80, s30, s13, $0xb8;
	[tilespmem:$0x1FC00] =	vst v63  }
0xc5: {  	_ =	swait.ge [sflag:s20], $0x3800  }
0xc6: {  	[sflag:s20] =	ssyncset.done $0x0  }
0xc7: {  	[sflag:s20] =	ssyncadd.s32 $0xFFFFC800  }
0xc8: {  	[tilespmem:s15], [sflag:$0x2] =	stream.indirect.gather [hbm4b:s4+s13], $0x80, s31, s13, $0xb8;
	[tilespmem:$0x1FC00] =	vst v63  }
0xc9: {  	_ =	swait.ge [sflag:s21], $0x3800  }
0xca: {  	[sflag:s21] =	ssyncset.done $0x0  }
0xcb: {  	[sflag:s21] =	ssyncadd.s32 $0xFFFFC800  }
0xcc: {  	[spmem:s2] =	stream.indirect.scatter.add.f32 [tilespmem:s16], [sflag:$0x6], $0x80, s1, s13, $0xb8;
	[tilespmem:$0x1FC00] =	vst v63  }
0xcd: {  	_ =	swait.ge [sflag:s17], $0x3800  }
0xce: {  	[sflag:s17] =	ssyncset.done $0x0  }
0xcf: {  	[sflag:s17] =	ssyncadd.s32 $0xFFFFC800  }
0xd0: {  	[spmem:s2] =	stream.indirect.scatter.add.f32 [tilespmem:s14], [sflag:$0x4], $0x80, s0, s13, $0xb8;
	[tilespmem:$0x1FC00] =	vst v63  }
0xd1: {  	_ =	swait.ge [sflag:s19], $0x3800  }
0xd2: {  	[sflag:s19] =	ssyncset.done $0x0  }
0xd3: {  	[sflag:s19] =	ssyncadd.s32 $0xFFFFC800  }
0xd4: {  	[spmem:s2] =	stream.indirect.scatter.add.f32 [tilespmem:s15], [sflag:$0x5], $0x80, s5, s13, $0xb8;
	[tilespmem:$0x1FC00] =	vst v63  }
0xd5: {  	_ =	swait.ge [sflag:s22], $0x3800  }
0xd6: {  	[sflag:s22] =	ssyncset.done $0x0  }
0xd7: {  	[sflag:s22] =	ssyncadd.s32 $0xFFFFC800  }
0xd8: {  	_ =	swait.ge [sflag:s18], $0x3800  }
0xd9: {  	[sflag:s18] =	ssyncset.done $0x0  }
0xda: {  	[sflag:s18] =	ssyncadd.s32 $0xFFFFC800  }
0xdb: {  	s6 =	simm.s32 $0x300;
	_ =	swait.ge [sflag:s20], $0x3800  }
0xdc: {  	s8 =	simm.s32 $0x180;
	s9 =	rddreg [dreg:$0x4];
	[sflag:s20] =	ssyncset.done $0x0  }
.LBB2_2:
0xdd: {  	[sflag:s20] =	ssyncadd.s32 $0xFFFFC800;
	s9 =	sadd.s32 s8, s9  }
0xde: {  	[tilespmem:s11], [sflag:$0x7] =	stream.linear.gather [hbm4b:s9+s3], $0xA00, $0x38;
	[tilespmem:$0x1FC00] =	vst v63  }
0xdf: {  	_ =	swait.ge [sflag:s10], $0xA00  }
0xe0: {  	s9 =	rddreg [dreg:$0x5];
	[sflag:s10] =	ssyncset.done $0x0  }
0xe1: {  	[sflag:s10] =	ssyncadd.s32 $0xFFFFF600;
	s9 =	sadd.s32 s8, s9  }
0xe2: {  	[tilespmem:s12], [sflag:$0x7] =	stream.linear.gather [hbm4b:s9+s3], $0xA00, $0x38;
	[tilespmem:$0x1FC00] =	vst v63  }
0xe3: {  	_ =	swait.ge [sflag:s10], $0xA00  }
0xe4: {  	[sflag:s10] =	ssyncset.done $0x0  }
0xe5: {  	s7 =	smov.u32 s6;
	[sflag:s10] =	ssyncadd.s32 $0xFFFFF600  }
0xe6: {  	[tilespmem:s14], [sflag:$0x1] =	stream.indirect.gather [hbm4b:s4+s13], $0x80, s11, s13, $0xb8;
	[tilespmem:$0x1FC00] =	vst v63  }
0xe7: {  	s8 =	smov.u32 s7;
	s7 =	rddreg [dreg:$0x6]  }
0xe8: {  	[tilespmem:s15], [sflag:$0x2] =	stream.indirect.gather [hbm4b:s4+s13], $0x80, s7, s13, $0xb8;
	[tilespmem:$0x1FC00] =	vst v63  }
0xe9: {  	s9 =	rddreg [dreg:$0x7]  }
0xea: {  	[tilespmem:s16], [sflag:$0x3] =	stream.indirect.gather [hbm4b:s4+s13], $0x80, s9, s13, $0xb8;
	[tilespmem:$0x1FC00] =	vst v63  }
0xeb: {  	_ =	swait.ge [sflag:s17], $0x3800  }
0xec: {  	[sflag:s17] =	ssyncset.done $0x0  }
0xed: {  	[sflag:s17] =	ssyncadd.s32 $0xFFFFC800  }
0xee: {  	[spmem:s2] =	stream.indirect.scatter.add.f32 [tilespmem:s14], [sflag:$0x4], $0x80, s12, s13, $0xb8;
	[tilespmem:$0x1FC00] =	vst v63  }
0xef: {  	_ =	swait.ge [sflag:s18], $0x3800  }
0xf0: {  	[sflag:s18] =	ssyncset.done $0x0  }
0xf1: {  	s9 =	rddreg [dreg:$0x8];
	[sflag:s18] =	ssyncadd.s32 $0xFFFFC800  }
0xf2: {  	[tilespmem:s14], [sflag:$0x1] =	stream.indirect.gather [hbm4b:s4+s13], $0x80, s9, s13, $0xb8;
	[tilespmem:$0x1FC00] =	vst v63  }
0xf3: {  	_ =	swait.ge [sflag:s19], $0x3800  }
0xf4: {  	[sflag:s19] =	ssyncset.done $0x0  }
0xf5: {  	s9 =	rddreg [dreg:$0x9];
	[sflag:s19] =	ssyncadd.s32 $0xFFFFC800  }
0xf6: {  	[spmem:s2] =	stream.indirect.scatter.add.f32 [tilespmem:s15], [sflag:$0x5], $0x80, s9, s13, $0xb8;
	[tilespmem:$0x1FC00] =	vst v63  }
0xf7: {  	_ =	swait.ge [sflag:s20], $0x3800  }
0xf8: {  	[sflag:s20] =	ssyncset.done $0x0  }
0xf9: {  	s9 =	rddreg [dreg:$0xa];
	[sflag:s20] =	ssyncadd.s32 $0xFFFFC800  }
0xfa: {  	[tilespmem:s15], [sflag:$0x2] =	stream.indirect.gather [hbm4b:s4+s13], $0x80, s9, s13, $0xb8;
	[tilespmem:$0x1FC00] =	vst v63  }
0xfb: {  	_ =	swait.ge [sflag:s21], $0x3800  }
0xfc: {  	[sflag:s21] =	ssyncset.done $0x0  }
0xfd: {  	s9 =	rddreg [dreg:$0xb];
	[sflag:s21] =	ssyncadd.s32 $0xFFFFC800  }
0xfe: {  	[spmem:s2] =	stream.indirect.scatter.add.f32 [tilespmem:s16], [sflag:$0x6], $0x80, s9, s13, $0xb8;
	[tilespmem:$0x1FC00] =	vst v63  }
0xff: {  	_ =	swait.ge [sflag:s22], $0x3800  }
0x100: {  	[sflag:s22] =	ssyncset.done $0x0  }
0x101: {  	s9 =	rddreg [dreg:$0xc];
	[sflag:s22] =	ssyncadd.s32 $0xFFFFC800  }
0x102: {  	[tilespmem:s16], [sflag:$0x3] =	stream.indirect.gather [hbm4b:s4+s13], $0x80, s9, s13, $0xb8;
	[tilespmem:$0x1FC00] =	vst v63  }
0x103: {  	_ =	swait.ge [sflag:s17], $0x3800  }
0x104: {  	[sflag:s17] =	ssyncset.done $0x0  }
0x105: {  	s9 =	rddreg [dreg:$0xd];
	[sflag:s17] =	ssyncadd.s32 $0xFFFFC800  }
0x106: {  	[spmem:s2] =	stream.indirect.scatter.add.f32 [tilespmem:s14], [sflag:$0x4], $0x80, s9, s13, $0xb8;
	[tilespmem:$0x1FC00] =	vst v63  }
0x107: {  	_ =	swait.ge [sflag:s18], $0x3800  }
0x108: {  	[sflag:s18] =	ssyncset.done $0x0  }
0x109: {  	s9 =	rddreg [dreg:$0xe];
	[sflag:s18] =	ssyncadd.s32 $0xFFFFC800  }
0x10a: {  	[tilespmem:s14], [sflag:$0x1] =	stream.indirect.gather [hbm4b:s4+s13], $0x80, s9, s13, $0xb8;
	[tilespmem:$0x1FC00] =	vst v63  }
0x10b: {  	_ =	swait.ge [sflag:s19], $0x3800  }
0x10c: {  	[sflag:s19] =	ssyncset.done $0x0  }
0x10d: {  	s9 =	rddreg [dreg:$0xf];
	[sflag:s19] =	ssyncadd.s32 $0xFFFFC800  }
0x10e: {  	[spmem:s2] =	stream.indirect.scatter.add.f32 [tilespmem:s15], [sflag:$0x5], $0x80, s9, s13, $0xb8;
	[tilespmem:$0x1FC00] =	vst v63  }
0x10f: {  	_ =	swait.ge [sflag:s20], $0x3800  }
0x110: {  	[sflag:s20] =	ssyncset.done $0x0  }
0x111: {  	s9 =	rddreg [dreg:$0x10];
	[sflag:s20] =	ssyncadd.s32 $0xFFFFC800  }
0x112: {  	[tilespmem:s15], [sflag:$0x2] =	stream.indirect.gather [hbm4b:s4+s13], $0x80, s9, s13, $0xb8;
	[tilespmem:$0x1FC00] =	vst v63  }
0x113: {  	_ =	swait.ge [sflag:s21], $0x3800  }
0x114: {  	[sflag:s21] =	ssyncset.done $0x0  }
0x115: {  	s9 =	rddreg [dreg:$0x11];
	[sflag:s21] =	ssyncadd.s32 $0xFFFFC800  }
0x116: {  	[spmem:s2] =	stream.indirect.scatter.add.f32 [tilespmem:s16], [sflag:$0x6], $0x80, s9, s13, $0xb8;
	[tilespmem:$0x1FC00] =	vst v63  }
0x117: {  	_ =	swait.ge [sflag:s22], $0x3800  }
0x118: {  	[sflag:s22] =	ssyncset.done $0x0  }
0x119: {  	s9 =	rddreg [dreg:$0x12];
	[sflag:s22] =	ssyncadd.s32 $0xFFFFC800  }
0x11a: {  	[tilespmem:s16], [sflag:$0x3] =	stream.indirect.gather [hbm4b:s4+s13], $0x80, s9, s13, $0xb8;
	[tilespmem:$0x1FC00] =	vst v63  }
0x11b: {  	_ =	swait.ge [sflag:s17], $0x3800  }
0x11c: {  	[sflag:s17] =	ssyncset.done $0x0  }
0x11d: {  	s9 =	rddreg [dreg:$0x13];
	[sflag:s17] =	ssyncadd.s32 $0xFFFFC800  }
0x11e: {  	[spmem:s2] =	stream.indirect.scatter.add.f32 [tilespmem:s14], [sflag:$0x4], $0x80, s9, s13, $0xb8;
	[tilespmem:$0x1FC00] =	vst v63  }
0x11f: {  	_ =	swait.ge [sflag:s18], $0x3800  }
0x120: {  	[sflag:s18] =	ssyncset.done $0x0  }
0x121: {  	s9 =	rddreg [dreg:$0x14];
	[sflag:s18] =	ssyncadd.s32 $0xFFFFC800  }
0x122: {  	[tilespmem:s14], [sflag:$0x1] =	stream.indirect.gather [hbm4b:s4+s13], $0x80, s9, s13, $0xb8;
	[tilespmem:$0x1FC00] =	vst v63  }
0x123: {  	_ =	swait.ge [sflag:s19], $0x3800  }
0x124: {  	[sflag:s19] =	ssyncset.done $0x0  }
0x125: {  	s9 =	rddreg [dreg:$0x15];
	[sflag:s19] =	ssyncadd.s32 $0xFFFFC800  }
0x126: {  	[spmem:s2] =	stream.indirect.scatter.add.f32 [tilespmem:s15], [sflag:$0x5], $0x80, s9, s13, $0xb8;
	[tilespmem:$0x1FC00] =	vst v63  }
0x127: {  	_ =	swait.ge [sflag:s20], $0x3800  }
0x128: {  	[sflag:s20] =	ssyncset.done $0x0  }
0x129: {  	s9 =	rddreg [dreg:$0x16];
	[sflag:s20] =	ssyncadd.s32 $0xFFFFC800  }
0x12a: {  	[tilespmem:s15], [sflag:$0x2] =	stream.indirect.gather [hbm4b:s4+s13], $0x80, s9, s13, $0xb8;
	[tilespmem:$0x1FC00] =	vst v63  }
0x12b: {  	_ =	swait.ge [sflag:s21], $0x3800  }
0x12c: {  	[sflag:s21] =	ssyncset.done $0x0  }
0x12d: {  	s9 =	rddreg [dreg:$0x17];
	[sflag:s21] =	ssyncadd.s32 $0xFFFFC800  }
0x12e: {  	[spmem:s2] =	stream.indirect.scatter.add.f32 [tilespmem:s16], [sflag:$0x6], $0x80, s9, s13, $0xb8;
	[tilespmem:$0x1FC00] =	vst v63  }
0x12f: {  	_ =	swait.ge [sflag:s22], $0x3800  }
0x130: {  	[sflag:s22] =	ssyncset.done $0x0  }
0x131: {  	s9 =	rddreg [dreg:$0x18];
	[sflag:s22] =	ssyncadd.s32 $0xFFFFC800  }
0x132: {  	[tilespmem:s16], [sflag:$0x3] =	stream.indirect.gather [hbm4b:s4+s13], $0x80, s9, s13, $0xb8;
	[tilespmem:$0x1FC00] =	vst v63  }
0x133: {  	_ =	swait.ge [sflag:s17], $0x3800  }
0x134: {  	[sflag:s17] =	ssyncset.done $0x0  }
0x135: {  	s9 =	rddreg [dreg:$0x19];
	[sflag:s17] =	ssyncadd.s32 $0xFFFFC800  }
0x136: {  	[spmem:s2] =	stream.indirect.scatter.add.f32 [tilespmem:s14], [sflag:$0x4], $0x80, s9, s13, $0xb8;
	[tilespmem:$0x1FC00] =	vst v63  }
0x137: {  	_ =	swait.ge [sflag:s18], $0x3800  }
0x138: {  	[sflag:s18] =	ssyncset.done $0x0  }
0x139: {  	s9 =	rddreg [dreg:$0x1a];
	[sflag:s18] =	ssyncadd.s32 $0xFFFFC800  }
0x13a: {  	[tilespmem:s14], [sflag:$0x1] =	stream.indirect.gather [hbm4b:s4+s13], $0x80, s9, s13, $0xb8;
	[tilespmem:$0x1FC00] =	vst v63  }
0x13b: {  	_ =	swait.ge [sflag:s19], $0x3800  }
0x13c: {  	[sflag:s19] =	ssyncset.done $0x0  }
0x13d: {  	s9 =	rddreg [dreg:$0x1b];
	[sflag:s19] =	ssyncadd.s32 $0xFFFFC800  }
0x13e: {  	[spmem:s2] =	stream.indirect.scatter.add.f32 [tilespmem:s15], [sflag:$0x5], $0x80, s9, s13, $0xb8;
	[tilespmem:$0x1FC00] =	vst v63  }
0x13f: {  	_ =	swait.ge [sflag:s20], $0x3800  }
0x140: {  	[sflag:s20] =	ssyncset.done $0x0  }
0x141: {  	s9 =	rddreg [dreg:$0x1c];
	[sflag:s20] =	ssyncadd.s32 $0xFFFFC800  }
0x142: {  	[tilespmem:s15], [sflag:$0x2] =	stream.indirect.gather [hbm4b:s4+s13], $0x80, s9, s13, $0xb8;
	[tilespmem:$0x1FC00] =	vst v63  }
0x143: {  	_ =	swait.ge [sflag:s21], $0x3800  }
0x144: {  	[sflag:s21] =	ssyncset.done $0x0  }
0x145: {  	s9 =	rddreg [dreg:$0x1d];
	[sflag:s21] =	ssyncadd.s32 $0xFFFFC800  }
0x146: {  	[spmem:s2] =	stream.indirect.scatter.add.f32 [tilespmem:s16], [sflag:$0x6], $0x80, s9, s13, $0xb8;
	[tilespmem:$0x1FC00] =	vst v63  }
0x147: {  	_ =	swait.ge [sflag:s22], $0x3800  }
0x148: {  	[sflag:s22] =	ssyncset.done $0x0  }
0x149: {  	s9 =	rddreg [dreg:$0x1e];
	[sflag:s22] =	ssyncadd.s32 $0xFFFFC800  }
0x14a: {  	[tilespmem:s16], [sflag:$0x3] =	stream.indirect.gather [hbm4b:s4+s13], $0x80, s9, s13, $0xb8;
	[tilespmem:$0x1FC00] =	vst v63  }
0x14b: {  	_ =	swait.ge [sflag:s17], $0x3800  }
0x14c: {  	[sflag:s17] =	ssyncset.done $0x0  }
0x14d: {  	s9 =	rddreg [dreg:$0x1f];
	[sflag:s17] =	ssyncadd.s32 $0xFFFFC800  }
0x14e: {  	[spmem:s2] =	stream.indirect.scatter.add.f32 [tilespmem:s14], [sflag:$0x4], $0x80, s9, s13, $0xb8;
	[tilespmem:$0x1FC00] =	vst v63  }
0x14f: {  	_ =	swait.ge [sflag:s18], $0x3800  }
0x150: {  	s9 =	sld [smem:$0x7FB]  }
0x151: {  	[sflag:s18] =	ssyncset.done $0x0  }
0x152: {  	[sflag:s18] =	ssyncadd.s32 $0xFFFFC800  }
0x153: {  	[tilespmem:s14], [sflag:$0x1] =	stream.indirect.gather [hbm4b:s4+s13], $0x80, s9, s13, $0xb8;
	[tilespmem:$0x1FC00] =	vst v63  }
0x154: {  	_ =	swait.ge [sflag:s19], $0x3800  }
0x155: {  	[sflag:s19] =	ssyncset.done $0x0  }
0x156: {  	[sflag:s19] =	ssyncadd.s32 $0xFFFFC800  }
0x157: {  	[spmem:s2] =	stream.indirect.scatter.add.f32 [tilespmem:s15], [sflag:$0x5], $0x80, s23, s13, $0xb8;
	[tilespmem:$0x1FC00] =	vst v63  }
0x158: {  	_ =	swait.ge [sflag:s20], $0x3800  }
0x159: {  	[sflag:s20] =	ssyncset.done $0x0  }
0x15a: {  	[sflag:s20] =	ssyncadd.s32 $0xFFFFC800  }
0x15b: {  	[tilespmem:s15], [sflag:$0x2] =	stream.indirect.gather [hbm4b:s4+s13], $0x80, s24, s13, $0xb8;
	[tilespmem:$0x1FC00] =	vst v63  }
0x15c: {  	_ =	swait.ge [sflag:s21], $0x3800  }
0x15d: {  	[sflag:s21] =	ssyncset.done $0x0  }
0x15e: {  	[sflag:s21] =	ssyncadd.s32 $0xFFFFC800  }
0x15f: {  	[spmem:s2] =	stream.indirect.scatter.add.f32 [tilespmem:s16], [sflag:$0x6], $0x80, s25, s13, $0xb8;
	[tilespmem:$0x1FC00] =	vst v63  }
0x160: {  	_ =	swait.ge [sflag:s22], $0x3800  }
0x161: {  	[sflag:s22] =	ssyncset.done $0x0  }
0x162: {  	[sflag:s22] =	ssyncadd.s32 $0xFFFFC800  }
0x163: {  	[tilespmem:s16], [sflag:$0x3] =	stream.indirect.gather [hbm4b:s4+s13], $0x80, s26, s13, $0xb8;
	[tilespmem:$0x1FC00] =	vst v63  }
0x164: {  	_ =	swait.ge [sflag:s17], $0x3800  }
0x165: {  	[sflag:s17] =	ssyncset.done $0x0  }
0x166: {  	[sflag:s17] =	ssyncadd.s32 $0xFFFFC800  }
0x167: {  	[spmem:s2] =	stream.indirect.scatter.add.f32 [tilespmem:s14], [sflag:$0x4], $0x80, s28, s13, $0xb8;
	[tilespmem:$0x1FC00] =	vst v63  }
0x168: {  	_ =	swait.ge [sflag:s18], $0x3800  }
0x169: {  	[sflag:s18] =	ssyncset.done $0x0  }
0x16a: {  	[sflag:s18] =	ssyncadd.s32 $0xFFFFC800  }
0x16b: {  	[tilespmem:s14], [sflag:$0x1] =	stream.indirect.gather [hbm4b:s4+s13], $0x80, s29, s13, $0xb8;
	[tilespmem:$0x1FC00] =	vst v63  }
0x16c: {  	_ =	swait.ge [sflag:s19], $0x3800  }
0x16d: {  	[sflag:s19] =	ssyncset.done $0x0  }
0x16e: {  	[sflag:s19] =	ssyncadd.s32 $0xFFFFC800  }
0x16f: {  	[spmem:s2] =	stream.indirect.scatter.add.f32 [tilespmem:s15], [sflag:$0x5], $0x80, s30, s13, $0xb8;
	[tilespmem:$0x1FC00] =	vst v63  }
0x170: {  	_ =	swait.ge [sflag:s20], $0x3800  }
0x171: {  	[sflag:s20] =	ssyncset.done $0x0  }
0x172: {  	[sflag:s20] =	ssyncadd.s32 $0xFFFFC800  }
0x173: {  	[tilespmem:s15], [sflag:$0x2] =	stream.indirect.gather [hbm4b:s4+s13], $0x80, s31, s13, $0xb8;
	[tilespmem:$0x1FC00] =	vst v63  }
0x174: {  	_ =	swait.ge [sflag:s21], $0x3800  }
0x175: {  	[sflag:s21] =	ssyncset.done $0x0  }
0x176: {  	[sflag:s21] =	ssyncadd.s32 $0xFFFFC800  }
0x177: {  	[spmem:s2] =	stream.indirect.scatter.add.f32 [tilespmem:s16], [sflag:$0x6], $0x80, s1, s13, $0xb8;
	[tilespmem:$0x1FC00] =	vst v63  }
0x178: {  	_ =	swait.ge [sflag:s17], $0x3800  }
0x179: {  	[sflag:s17] =	ssyncset.done $0x0  }
0x17a: {  	[sflag:s17] =	ssyncadd.s32 $0xFFFFC800  }
0x17b: {  	[spmem:s2] =	stream.indirect.scatter.add.f32 [tilespmem:s14], [sflag:$0x4], $0x80, s0, s13, $0xb8;
	[tilespmem:$0x1FC00] =	vst v63  }
0x17c: {  	_ =	swait.ge [sflag:s19], $0x3800  }
0x17d: {  	[sflag:s19] =	ssyncset.done $0x0  }
0x17e: {  	[sflag:s19] =	ssyncadd.s32 $0xFFFFC800  }
0x17f: {  	[spmem:s2] =	stream.indirect.scatter.add.f32 [tilespmem:s15], [sflag:$0x5], $0x80, s5, s13, $0xb8;
	[tilespmem:$0x1FC00] =	vst v63  }
0x180: {  	_ =	swait.ge [sflag:s22], $0x3800  }
0x181: {  	[sflag:s22] =	ssyncset.done $0x0  }
0x182: {  	p0 =	sne.s32 s6, $0xC00;
	[sflag:s22] =	ssyncadd.s32 $0xFFFFC800  }
.Ltmp0:
0x183: {  	_ =	swait.ge [sflag:s18], $0x3800;
	(pc) =	sbr.rel @p0 .LBB2_2-.Ltmp0, $4  }
0x184: {  	[sflag:s18] =	ssyncset.done $0x0  }
0x185: {  	[sflag:s18] =	ssyncadd.s32 $0xFFFFC800  }
0x186: {  	_ =	swait.ge [sflag:s20], $0x3800  }
0x187: {  	s6 =	sadd.s32 $0x180, s6;
	s9 =	rddreg [dreg:$0x4];
	[sflag:s20] =	ssyncset.done $0x0  }
0x188: {  	[sflag:s20] =	ssyncadd.s32 $0xFFFFC800;
	s6 =	sadd.s32 s8, s9  }
0x189: {  	[tilespmem:s11], [sflag:$0x7] =	stream.linear.gather [hbm4b:s6+s3], $0xA00, $0x38;
	[tilespmem:$0x1FC00] =	vst v63  }
0x18a: {  	_ =	swait.ge [sflag:s10], $0xA00  }
0x18b: {  	s7 =	rddreg [dreg:$0x5];
	[sflag:s10] =	ssyncset.done $0x0  }
0x18c: {  	[sflag:s10] =	ssyncadd.s32 $0xFFFFF600;
	s6 =	sadd.s32 s8, s7  }
0x18d: {  	[tilespmem:s12], [sflag:$0x7] =	stream.linear.gather [hbm4b:s6+s3], $0xA00, $0x38;
	[tilespmem:$0x1FC00] =	vst v63  }
0x18e: {  	_ =	swait.ge [sflag:s10], $0xA00  }
0x18f: {  	[sflag:s10] =	ssyncset.done $0x0  }
0x190: {  	[sflag:s10] =	ssyncadd.s32 $0xFFFFF600  }
0x191: {  	[tilespmem:s14], [sflag:$0x1] =	stream.indirect.gather [hbm4b:s4+s13], $0x80, s11, s13, $0xb8;
	[tilespmem:$0x1FC00] =	vst v63  }
0x192: {  	s9 =	rddreg [dreg:$0x6]  }
0x193: {  	[tilespmem:s15], [sflag:$0x2] =	stream.indirect.gather [hbm4b:s4+s13], $0x80, s9, s13, $0xb8;
	[tilespmem:$0x1FC00] =	vst v63  }
0x194: {  	s7 =	rddreg [dreg:$0x7]  }
0x195: {  	[tilespmem:s16], [sflag:$0x3] =	stream.indirect.gather [hbm4b:s4+s13], $0x80, s7, s13, $0xb8;
	[tilespmem:$0x1FC00] =	vst v63  }
0x196: {  	_ =	swait.ge [sflag:s17], $0x3800  }
0x197: {  	[sflag:s17] =	ssyncset.done $0x0  }
0x198: {  	[sflag:s17] =	ssyncadd.s32 $0xFFFFC800  }
0x199: {  	[spmem:s2] =	stream.indirect.scatter.add.f32 [tilespmem:s14], [sflag:$0x4], $0x80, s12, s13, $0xb8;
	[tilespmem:$0x1FC00] =	vst v63  }
0x19a: {  	_ =	swait.ge [sflag:s18], $0x3800  }
0x19b: {  	[sflag:s18] =	ssyncset.done $0x0  }
0x19c: {  	s8 =	rddreg [dreg:$0x8];
	[sflag:s18] =	ssyncadd.s32 $0xFFFFC800  }
0x19d: {  	[tilespmem:s14], [sflag:$0x1] =	stream.indirect.gather [hbm4b:s4+s13], $0x80, s8, s13, $0xb8;
	[tilespmem:$0x1FC00] =	vst v63  }
0x19e: {  	_ =	swait.ge [sflag:s19], $0x3800  }
0x19f: {  	[sflag:s19] =	ssyncset.done $0x0  }
0x1a0: {  	s9 =	rddreg [dreg:$0x9];
	[sflag:s19] =	ssyncadd.s32 $0xFFFFC800  }
0x1a1: {  	[spmem:s2] =	stream.indirect.scatter.add.f32 [tilespmem:s15], [sflag:$0x5], $0x80, s9, s13, $0xb8;
	[tilespmem:$0x1FC00] =	vst v63  }
0x1a2: {  	_ =	swait.ge [sflag:s20], $0x3800  }
0x1a3: {  	[sflag:s20] =	ssyncset.done $0x0  }
0x1a4: {  	s7 =	rddreg [dreg:$0xa];
	[sflag:s20] =	ssyncadd.s32 $0xFFFFC800  }
0x1a5: {  	[tilespmem:s15], [sflag:$0x2] =	stream.indirect.gather [hbm4b:s4+s13], $0x80, s7, s13, $0xb8;
	[tilespmem:$0x1FC00] =	vst v63  }
0x1a6: {  	_ =	swait.ge [sflag:s21], $0x3800  }
0x1a7: {  	[sflag:s21] =	ssyncset.done $0x0  }
0x1a8: {  	s8 =	rddreg [dreg:$0xb];
	[sflag:s21] =	ssyncadd.s32 $0xFFFFC800  }
0x1a9: {  	[spmem:s2] =	stream.indirect.scatter.add.f32 [tilespmem:s16], [sflag:$0x6], $0x80, s8, s13, $0xb8;
	[tilespmem:$0x1FC00] =	vst v63  }
0x1aa: {  	_ =	swait.ge [sflag:s22], $0x3800  }
0x1ab: {  	[sflag:s22] =	ssyncset.done $0x0  }
0x1ac: {  	s9 =	rddreg [dreg:$0xc];
	[sflag:s22] =	ssyncadd.s32 $0xFFFFC800  }
0x1ad: {  	[tilespmem:s16], [sflag:$0x3] =	stream.indirect.gather [hbm4b:s4+s13], $0x80, s9, s13, $0xb8;
	[tilespmem:$0x1FC00] =	vst v63  }
0x1ae: {  	_ =	swait.ge [sflag:s17], $0x3800  }
0x1af: {  	[sflag:s17] =	ssyncset.done $0x0  }
0x1b0: {  	s7 =	rddreg [dreg:$0xd];
	[sflag:s17] =	ssyncadd.s32 $0xFFFFC800  }
0x1b1: {  	[spmem:s2] =	stream.indirect.scatter.add.f32 [tilespmem:s14], [sflag:$0x4], $0x80, s7, s13, $0xb8;
	[tilespmem:$0x1FC00] =	vst v63  }
0x1b2: {  	_ =	swait.ge [sflag:s18], $0x3800  }
0x1b3: {  	[sflag:s18] =	ssyncset.done $0x0  }
0x1b4: {  	s8 =	rddreg [dreg:$0xe];
	[sflag:s18] =	ssyncadd.s32 $0xFFFFC800  }
0x1b5: {  	[tilespmem:s14], [sflag:$0x1] =	stream.indirect.gather [hbm4b:s4+s13], $0x80, s8, s13, $0xb8;
	[tilespmem:$0x1FC00] =	vst v63  }
0x1b6: {  	_ =	swait.ge [sflag:s19], $0x3800  }
0x1b7: {  	[sflag:s19] =	ssyncset.done $0x0  }
0x1b8: {  	s9 =	rddreg [dreg:$0xf];
	[sflag:s19] =	ssyncadd.s32 $0xFFFFC800  }
0x1b9: {  	[spmem:s2] =	stream.indirect.scatter.add.f32 [tilespmem:s15], [sflag:$0x5], $0x80, s9, s13, $0xb8;
	[tilespmem:$0x1FC00] =	vst v63  }
0x1ba: {  	_ =	swait.ge [sflag:s20], $0x3800  }
0x1bb: {  	[sflag:s20] =	ssyncset.done $0x0  }
0x1bc: {  	s7 =	rddreg [dreg:$0x10];
	[sflag:s20] =	ssyncadd.s32 $0xFFFFC800  }
0x1bd: {  	[tilespmem:s15], [sflag:$0x2] =	stream.indirect.gather [hbm4b:s4+s13], $0x80, s7, s13, $0xb8;
	[tilespmem:$0x1FC00] =	vst v63  }
0x1be: {  	_ =	swait.ge [sflag:s21], $0x3800  }
0x1bf: {  	[sflag:s21] =	ssyncset.done $0x0  }
0x1c0: {  	s8 =	rddreg [dreg:$0x11];
	[sflag:s21] =	ssyncadd.s32 $0xFFFFC800  }
0x1c1: {  	[spmem:s2] =	stream.indirect.scatter.add.f32 [tilespmem:s16], [sflag:$0x6], $0x80, s8, s13, $0xb8;
	[tilespmem:$0x1FC00] =	vst v63  }
0x1c2: {  	_ =	swait.ge [sflag:s22], $0x3800  }
0x1c3: {  	[sflag:s22] =	ssyncset.done $0x0  }
0x1c4: {  	s9 =	rddreg [dreg:$0x12];
	[sflag:s22] =	ssyncadd.s32 $0xFFFFC800  }
0x1c5: {  	[tilespmem:s16], [sflag:$0x3] =	stream.indirect.gather [hbm4b:s4+s13], $0x80, s9, s13, $0xb8;
	[tilespmem:$0x1FC00] =	vst v63  }
0x1c6: {  	_ =	swait.ge [sflag:s17], $0x3800  }
0x1c7: {  	[sflag:s17] =	ssyncset.done $0x0  }
0x1c8: {  	s7 =	rddreg [dreg:$0x13];
	[sflag:s17] =	ssyncadd.s32 $0xFFFFC800  }
0x1c9: {  	[spmem:s2] =	stream.indirect.scatter.add.f32 [tilespmem:s14], [sflag:$0x4], $0x80, s7, s13, $0xb8;
	[tilespmem:$0x1FC00] =	vst v63  }
0x1ca: {  	_ =	swait.ge [sflag:s18], $0x3800  }
0x1cb: {  	[sflag:s18] =	ssyncset.done $0x0  }
0x1cc: {  	s8 =	rddreg [dreg:$0x14];
	[sflag:s18] =	ssyncadd.s32 $0xFFFFC800  }
0x1cd: {  	[tilespmem:s14], [sflag:$0x1] =	stream.indirect.gather [hbm4b:s4+s13], $0x80, s8, s13, $0xb8;
	[tilespmem:$0x1FC00] =	vst v63  }
0x1ce: {  	_ =	swait.ge [sflag:s19], $0x3800  }
0x1cf: {  	[sflag:s19] =	ssyncset.done $0x0  }
0x1d0: {  	s9 =	rddreg [dreg:$0x15];
	[sflag:s19] =	ssyncadd.s32 $0xFFFFC800  }
0x1d1: {  	[spmem:s2] =	stream.indirect.scatter.add.f32 [tilespmem:s15], [sflag:$0x5], $0x80, s9, s13, $0xb8;
	[tilespmem:$0x1FC00] =	vst v63  }
0x1d2: {  	_ =	swait.ge [sflag:s20], $0x3800  }
0x1d3: {  	[sflag:s20] =	ssyncset.done $0x0  }
0x1d4: {  	s7 =	rddreg [dreg:$0x16];
	[sflag:s20] =	ssyncadd.s32 $0xFFFFC800  }
0x1d5: {  	[tilespmem:s15], [sflag:$0x2] =	stream.indirect.gather [hbm4b:s4+s13], $0x80, s7, s13, $0xb8;
	[tilespmem:$0x1FC00] =	vst v63  }
0x1d6: {  	_ =	swait.ge [sflag:s21], $0x3800  }
0x1d7: {  	[sflag:s21] =	ssyncset.done $0x0  }
0x1d8: {  	s8 =	rddreg [dreg:$0x17];
	[sflag:s21] =	ssyncadd.s32 $0xFFFFC800  }
0x1d9: {  	[spmem:s2] =	stream.indirect.scatter.add.f32 [tilespmem:s16], [sflag:$0x6], $0x80, s8, s13, $0xb8;
	[tilespmem:$0x1FC00] =	vst v63  }
0x1da: {  	_ =	swait.ge [sflag:s22], $0x3800  }
0x1db: {  	[sflag:s22] =	ssyncset.done $0x0  }
0x1dc: {  	s9 =	rddreg [dreg:$0x18];
	[sflag:s22] =	ssyncadd.s32 $0xFFFFC800  }
0x1dd: {  	[tilespmem:s16], [sflag:$0x3] =	stream.indirect.gather [hbm4b:s4+s13], $0x80, s9, s13, $0xb8;
	[tilespmem:$0x1FC00] =	vst v63  }
0x1de: {  	_ =	swait.ge [sflag:s17], $0x3800  }
0x1df: {  	[sflag:s17] =	ssyncset.done $0x0  }
0x1e0: {  	s7 =	rddreg [dreg:$0x19];
	[sflag:s17] =	ssyncadd.s32 $0xFFFFC800  }
0x1e1: {  	[spmem:s2] =	stream.indirect.scatter.add.f32 [tilespmem:s14], [sflag:$0x4], $0x80, s7, s13, $0xb8;
	[tilespmem:$0x1FC00] =	vst v63  }
0x1e2: {  	_ =	swait.ge [sflag:s18], $0x3800  }
0x1e3: {  	[sflag:s18] =	ssyncset.done $0x0  }
0x1e4: {  	s8 =	rddreg [dreg:$0x1a];
	[sflag:s18] =	ssyncadd.s32 $0xFFFFC800  }
0x1e5: {  	[tilespmem:s14], [sflag:$0x1] =	stream.indirect.gather [hbm4b:s4+s13], $0x80, s8, s13, $0xb8;
	[tilespmem:$0x1FC00] =	vst v63  }
0x1e6: {  	_ =	swait.ge [sflag:s19], $0x3800  }
0x1e7: {  	[sflag:s19] =	ssyncset.done $0x0  }
0x1e8: {  	s9 =	rddreg [dreg:$0x1b];
	[sflag:s19] =	ssyncadd.s32 $0xFFFFC800  }
0x1e9: {  	[spmem:s2] =	stream.indirect.scatter.add.f32 [tilespmem:s15], [sflag:$0x5], $0x80, s9, s13, $0xb8;
	[tilespmem:$0x1FC00] =	vst v63  }
0x1ea: {  	_ =	swait.ge [sflag:s20], $0x3800  }
0x1eb: {  	[sflag:s20] =	ssyncset.done $0x0  }
0x1ec: {  	s7 =	rddreg [dreg:$0x1c];
	[sflag:s20] =	ssyncadd.s32 $0xFFFFC800  }
0x1ed: {  	[tilespmem:s15], [sflag:$0x2] =	stream.indirect.gather [hbm4b:s4+s13], $0x80, s7, s13, $0xb8;
	[tilespmem:$0x1FC00] =	vst v63  }
0x1ee: {  	_ =	swait.ge [sflag:s21], $0x3800  }
0x1ef: {  	[sflag:s21] =	ssyncset.done $0x0  }
0x1f0: {  	s8 =	rddreg [dreg:$0x1d];
	[sflag:s21] =	ssyncadd.s32 $0xFFFFC800  }
0x1f1: {  	[spmem:s2] =	stream.indirect.scatter.add.f32 [tilespmem:s16], [sflag:$0x6], $0x80, s8, s13, $0xb8;
	[tilespmem:$0x1FC00] =	vst v63  }
0x1f2: {  	_ =	swait.ge [sflag:s22], $0x3800  }
0x1f3: {  	[sflag:s22] =	ssyncset.done $0x0  }
0x1f4: {  	s9 =	rddreg [dreg:$0x1e];
	[sflag:s22] =	ssyncadd.s32 $0xFFFFC800  }
0x1f5: {  	[tilespmem:s16], [sflag:$0x3] =	stream.indirect.gather [hbm4b:s4+s13], $0x80, s9, s13, $0xb8;
	[tilespmem:$0x1FC00] =	vst v63  }
0x1f6: {  	_ =	swait.ge [sflag:s17], $0x3800  }
0x1f7: {  	[sflag:s17] =	ssyncset.done $0x0  }
0x1f8: {  	s7 =	rddreg [dreg:$0x1f];
	[sflag:s17] =	ssyncadd.s32 $0xFFFFC800  }
0x1f9: {  	[spmem:s2] =	stream.indirect.scatter.add.f32 [tilespmem:s14], [sflag:$0x4], $0x80, s7, s13, $0xb8;
	[tilespmem:$0x1FC00] =	vst v63  }
0x1fa: {  	_ =	swait.ge [sflag:s18], $0x3800  }
0x1fb: {  	s8 =	sld [smem:$0x7FB]  }
0x1fc: {  	[sflag:s18] =	ssyncset.done $0x0  }
0x1fd: {  	[sflag:s18] =	ssyncadd.s32 $0xFFFFC800  }
0x1fe: {  	[tilespmem:s14], [sflag:$0x1] =	stream.indirect.gather [hbm4b:s4+s13], $0x80, s8, s13, $0xb8;
	[tilespmem:$0x1FC00] =	vst v63  }
0x1ff: {  	_ =	swait.ge [sflag:s19], $0x3800  }
0x200: {  	[sflag:s19] =	ssyncset.done $0x0  }
0x201: {  	[sflag:s19] =	ssyncadd.s32 $0xFFFFC800  }
0x202: {  	[spmem:s2] =	stream.indirect.scatter.add.f32 [tilespmem:s15], [sflag:$0x5], $0x80, s23, s13, $0xb8;
	[tilespmem:$0x1FC00] =	vst v63  }
0x203: {  	_ =	swait.ge [sflag:s20], $0x3800  }
0x204: {  	[sflag:s20] =	ssyncset.done $0x0  }
0x205: {  	[sflag:s20] =	ssyncadd.s32 $0xFFFFC800  }
0x206: {  	[tilespmem:s15], [sflag:$0x2] =	stream.indirect.gather [hbm4b:s4+s13], $0x80, s24, s13, $0xb8;
	[tilespmem:$0x1FC00] =	vst v63  }
0x207: {  	_ =	swait.ge [sflag:s21], $0x3800  }
0x208: {  	[sflag:s21] =	ssyncset.done $0x0  }
0x209: {  	[sflag:s21] =	ssyncadd.s32 $0xFFFFC800  }
0x20a: {  	[spmem:s2] =	stream.indirect.scatter.add.f32 [tilespmem:s16], [sflag:$0x6], $0x80, s25, s13, $0xb8;
	[tilespmem:$0x1FC00] =	vst v63  }
0x20b: {  	_ =	swait.ge [sflag:s22], $0x3800  }
0x20c: {  	[sflag:s22] =	ssyncset.done $0x0  }
0x20d: {  	[sflag:s22] =	ssyncadd.s32 $0xFFFFC800  }
0x20e: {  	[tilespmem:s16], [sflag:$0x3] =	stream.indirect.gather [hbm4b:s4+s13], $0x80, s26, s13, $0xb8;
	[tilespmem:$0x1FC00] =	vst v63  }
0x20f: {  	_ =	swait.ge [sflag:s17], $0x3800  }
0x210: {  	[sflag:s17] =	ssyncset.done $0x0  }
0x211: {  	[sflag:s17] =	ssyncadd.s32 $0xFFFFC800  }
0x212: {  	[spmem:s2] =	stream.indirect.scatter.add.f32 [tilespmem:s14], [sflag:$0x4], $0x80, s28, s13, $0xb8;
	[tilespmem:$0x1FC00] =	vst v63  }
0x213: {  	_ =	swait.ge [sflag:s18], $0x3800  }
0x214: {  	[sflag:s18] =	ssyncset.done $0x0  }
0x215: {  	[sflag:s18] =	ssyncadd.s32 $0xFFFFC800  }
0x216: {  	[tilespmem:s14], [sflag:$0x1] =	stream.indirect.gather [hbm4b:s4+s13], $0x80, s29, s13, $0xb8;
	[tilespmem:$0x1FC00] =	vst v63  }
0x217: {  	_ =	swait.ge [sflag:s19], $0x3800  }
0x218: {  	[sflag:s19] =	ssyncset.done $0x0  }
0x219: {  	[sflag:s19] =	ssyncadd.s32 $0xFFFFC800  }
0x21a: {  	[spmem:s2] =	stream.indirect.scatter.add.f32 [tilespmem:s15], [sflag:$0x5], $0x80, s30, s13, $0xb8;
	[tilespmem:$0x1FC00] =	vst v63  }
0x21b: {  	_ =	swait.ge [sflag:s20], $0x3800  }
0x21c: {  	[sflag:s20] =	ssyncset.done $0x0  }
0x21d: {  	[sflag:s20] =	ssyncadd.s32 $0xFFFFC800  }
0x21e: {  	[tilespmem:s15], [sflag:$0x2] =	stream.indirect.gather [hbm4b:s4+s13], $0x80, s31, s13, $0xb8;
	[tilespmem:$0x1FC00] =	vst v63  }
0x21f: {  	_ =	swait.ge [sflag:s21], $0x3800  }
0x220: {  	[sflag:s21] =	ssyncset.done $0x0  }
0x221: {  	[sflag:s21] =	ssyncadd.s32 $0xFFFFC800  }
0x222: {  	[spmem:s2] =	stream.indirect.scatter.add.f32 [tilespmem:s16], [sflag:$0x6], $0x80, s1, s13, $0xb8;
	[tilespmem:$0x1FC00] =	vst v63  }
0x223: {  	_ =	swait.ge [sflag:s17], $0x3800  }
0x224: {  	[sflag:s17] =	ssyncset.done $0x0  }
0x225: {  	[sflag:s17] =	ssyncadd.s32 $0xFFFFC800  }
0x226: {  	[spmem:s2] =	stream.indirect.scatter.add.f32 [tilespmem:s14], [sflag:$0x4], $0x80, s0, s13, $0xb8;
	[tilespmem:$0x1FC00] =	vst v63  }
0x227: {  	_ =	swait.ge [sflag:s19], $0x3800  }
0x228: {  	[sflag:s19] =	ssyncset.done $0x0  }
0x229: {  	[sflag:s19] =	ssyncadd.s32 $0xFFFFC800  }
0x22a: {  	[spmem:s2] =	stream.indirect.scatter.add.f32 [tilespmem:s15], [sflag:$0x5], $0x80, s5, s13, $0xb8;
	[tilespmem:$0x1FC00] =	vst v63  }
0x22b: {  	_ =	swait.ge [sflag:s22], $0x3800  }
0x22c: {  	[sflag:s22] =	ssyncset.done $0x0  }
0x22d: {  	[sflag:s22] =	ssyncadd.s32 $0xFFFFC800  }
0x22e: {  	_ =	swait.ge [sflag:s18], $0x3800  }
0x22f: {  	[sflag:s18] =	ssyncset.done $0x0  }
0x230: {  	[sflag:s18] =	ssyncadd.s32 $0xFFFFC800  }
0x231: {  	_ =	swait.ge [sflag:s20], $0x3800  }
0x232: {  	[sflag:s20] =	ssyncset.done $0x0  }
0x233: {  	[sflag:s20] =	ssyncadd.s32 $0xFFFFC800  }
0x234: {  	[bflag:$0x0] =	sbarrier.arrive $0xFFFF  }
0x235: {  	s7 =	sld [smem:$0x7FC]  }
0x236: {  	s9 =	sld [smem:$0x7F9]  }
0x237: {  	s8 =	sld [smem:$0x7FD];
	_ =	sdelay $0x2  }
0x238: {  	[hbm:s9], [sflag:s7] =	dma.local [spmem:s8], $0x2780  }
0x239: {  	_ =	swait.ge [sflag:s10], $0x2780  }
0x23a: {  	s6 =	sld [smem:$0x7F7];
	_ =	sdelay $0x2  }
0x23b: {  	s9 =	sadd.s32 $0x1, s6;
	s6 =	sld [smem:$0x7FA];
	_ =	sdelay $0x2  }
0x23c: {  	p0 =	sne.s32 s9, s6  }
.Ltmp1:
0x23d: {  	_ = 	snop;
	(pc) =	sbr.rel @p0 .LBB2_1-.Ltmp1, $3  }
0x23e: {  	_ =	sdelay $0x1  }
0x23f: {  	[sflag:s10] =	ssyncset.done $0x0  }
0x240: {  	[sflag:s10] =	ssyncadd.s32 $0xFFFFD880  }
0x241: {  	_ =	sfence.sel $0x180000  }
0x242: {  	[bflag:$0x0] =	sbarrier.arrive $0xFFFF  }
0x243: {  	_ =	strace $0x9000004A  }
0x244: {  	s0 =	stileid.u32;
	[bflag:$0x2] =	sbarrier.arrive $0xFFFF  }
0x245: {  	p0 =	sne.s32 s0, $0x0;
	s0 =	rddreg [dreg:$0x3]  }
0x246: {  	s0 =	sadd.s32 @!p0 $0x100000, s0  }
0x247: {  	[sflag:s0] =	ssyncadd.tile.s32 @!p0 $0x1;
	_ =	shalt  }
.Lfunc_end2:
_tile_overlayer_lowered:
.L_overlay_start_2:
0x248: {  	(tag) =	ssettag $0x2  }
0x249: {  	s0 =	rddreg [dreg:$0x0];
	s2 =	stileid.u32  }
0x24a: {  	s1 =	rddreg [dreg:$0x1];
	p0 =	sne.s32 s2, $0x0  }
0x24b: {  	s3 =	rddreg [dreg:$0x2];
	[bflag:$0x3] =	sbarrier.arrive $0xFFFF;
	s2 =	simm.s32 @!p0 $0x1C07  }
0x24c: {  	[timem:s3], [sflag:s2] =	dma.local @!p0 [hbm:s0], s1  }
0x24d: {  	s0 =	simm.s32 @!p0 $0x7  }
0x24e: {  	_ =	swait.ge @!p0 [sflag:s0], s1  }
0x24f: {  	s1 =	ssub.s32 @!p0 $0x0, s1;
	[sflag:s0] =	ssyncset.done @!p0 $0x0  }
0x250: {  	[sflag:s0] =	ssyncadd.s32 @!p0 s1  }
0x251: {  	[bflag:$0x3] =	sbarrier.arrive $0xFFFF  }
0x252: {  	_ =	shalt  }

// kernel: kernel.14.cloned.1.call-start
scs
__scs_entry_jumppad:
0x0: {  	(pc) =	sbr.rel $0x88, $3  }
0x1: {  	(tag) =	ssettag $0x0;
	lr =	simm.s32 $0x1  }
0x2: {  	[smem:$0x3F9B] =	sst lr;
	_ =	strace $0xD0000000  }
0x3: {  	_ = 	snop  }
0x4: {  	_ = 	snop  }
0x5: {  	_ = 	snop  }
0x6: {  	_ = 	snop  }
0x7: {  	_ = 	snop  }
__scs_overlays_trampoline_lowered:
0x8: {  	[smem:$0x3FAA] =	sst s0  }
0x9: {  	[smem:$0x3FAB] =	sst s1  }
0xa: {  	[smem:$0x3FAC] =	sst s2  }
0xb: {  	[smem:$0x3FAD] =	sst s3  }
0xc: {  	[smem:$0x3FAE] =	sst s4  }
0xd: {  	[smem:$0x3FAF] =	sst s5  }
0xe: {  	[smem:$0x3FB0] =	sst s6  }
0xf: {  	[smem:$0x3FB1] =	sst s7  }
0x10: {  	[smem:$0x3FB2] =	sst s8  }
0x11: {  	[smem:$0x3FB3] =	sst s9;
	s0 =	simm.s32 @!p0 $0x0  }
0x12: {  	s1 =	sld [smem:$0x3F99];
	s0 =	simm.s32 @p0 $0x1  }
0x13: {  	[smem:$0x3FB4] =	sst s0;
	s0 =	simm.s32 @!p1 $0x0  }
0x14: {  	s2 =	sld [smem:$0x3F98];
	s0 =	simm.s32 @p1 $0x1  }
0x15: {  	[smem:$0x3FB5] =	sst s0;
	s0 =	simm.s32 @!p2 $0x0  }
0x16: {  	s3 =	sld [smem:$0x3FDB];
	s0 =	simm.s32 @p2 $0x1  }
0x17: {  	s4 =	simm.s32 $0x1BF5;
	[smem:$0x3FB7] =	sst s0  }
0x18: {  	s0 =	sld [smem:$0x3F9A];
	_ =	swait.ge [sflag:s4], $0x0  }
0x19: {  	s7 =	sld [smem:$0x3F9B]  }
0x1a: {  	s8 =	sadd.s32 $0xFFFFE003, lr  }
0x1b: {  	s9 =	sadd.s32 $0xFFFFFEF7, lr;
	s5 =	simm.s32 $0xFFFFFFFF;
	p2 =	slt.u32 s8, $0xFFFFF086  }
0x1c: {  	p1 =	slt.u32 s9, $0xF7A;
	s5 =	simm.s32 @!p2 $0x0  }
0x1d: {  	s5 =	simm.s32 @p1 $0x1;
	p0 =	seq.s32 s7, s2  }
0x1e: {  	s7 =	smul.u32 @!p0 $0xF7A, s2;
	p2 =	seq.s32 @!p0 s5, $0x0  }
0x1f: {  	s9 =	smul.u32 $0xF7A, s1;
	s8 =	simm.s32 @!p0 $0x1BF5;
	p2 =	por !p2, p0  }
0x20: {  	[sflag:s8] =	ssyncset.s32 @!p0 $0xFFFFF086;
	s6 =	sadd.s32 @!p0 s3, s7;
	s7 =	simm.s32 @!p0 $0x108  }
0x21: {  	s3 =	sadd.s32 s3, s9;
	s6 =	sadd.s32 @!p0 $0x88, s6;
	s7 =	simm.s32 @p2 $0x1082  }
0x22: {  	[simem:s7], [sflag:s8] =	dma.local @!p0 [hbm:s6], $0xF7A  }
0x23: {  	s9 =	sor.u32 $0xD0000000, s2;
	s6 =	simm.s32 $0x108;
	_ =	swait.ge @!p0 [sflag:s8], $0x0  }
0x24: {  	s3 =	sadd.s32 $0x88, s3;
	s6 =	simm.s32 @!p1 $0x1082;
	[sflag:s4] =	ssyncset.s32 $0xFFFFF086  }
0x25: {  	[simem:s6], [sflag:s4] =	dma.local [hbm:s3], $0xF7A  }
0x26: {  	[smem:$0x3F9B] =	sst s1;
	(tag) =	ssettag s2;
	_ =	strace s9  }
0x27: {  	s1 =	sld [smem:$0x3FAB]  }
0x28: {  	s2 =	sld [smem:$0x3FAC]  }
0x29: {  	s4 =	sld [smem:$0x3FAE]  }
0x2a: {  	p0 =	seq.s32 s5, $0x0;
	s5 =	sld [smem:$0x3FAF]  }
0x2b: {  	s6 =	sld [smem:$0x3FB0]  }
0x2c: {  	s7 =	sld [smem:$0x3FB1]  }
0x2d: {  	s3 =	simm.s32 $0x108;
	s8 =	sld [smem:$0x3FB2]  }
0x2e: {  	s3 =	simm.s32 @!p0 $0x1082;
	s9 =	sld [smem:$0x3FB3]  }
0x2f: {  	lr =	sadd.s32 s0, s3;
	s0 =	sld [smem:$0x3FAA]  }
0x30: {  	s3 =	sld [smem:$0x3FAD]  }
0x31: {  	[smem:$0x3FB6] =	sst s10  }
0x32: {  	s10 =	sld [smem:$0x3FB4];
	_ =	sdelay $0x3  }
0x33: {  	p0 =	seq.s32 s10, $0x1;
	s10 =	sld [smem:$0x3FB6];
	_ =	sdelay $0x3  }
0x34: {  	[smem:$0x3FB6] =	sst s10  }
0x35: {  	s10 =	sld [smem:$0x3FB5];
	_ =	sdelay $0x3  }
0x36: {  	p1 =	seq.s32 s10, $0x1;
	s10 =	sld [smem:$0x3FB6];
	_ =	sdelay $0x3  }
0x37: {  	[smem:$0x3FB6] =	sst s10  }
0x38: {  	s10 =	sld [smem:$0x3FB7]  }
0x39: {  	_ = 	snop;
	(pc) =	sbr.ind lr, $3  }
0x3a: {  	_ = 	snop  }
0x3b: {  	_ = 	snop  }
0x3c: {  	p2 =	seq.s32 s10, $0x1;
	s10 =	sld [smem:$0x3FB6]  }
0x3d: {  	_ =	shalt  }
0x3e: {  	_ =	shalt  }
0x3f: {  	_ =	shalt  }
0x40: {  	_ =	shalt  }
0x41: {  	_ =	shalt  }
0x42: {  	_ =	shalt  }
0x43: {  	_ =	shalt  }
0x44: {  	_ =	shalt  }
0x45: {  	_ =	shalt  }
0x46: {  	_ =	shalt  }
0x47: {  	_ =	shalt  }
0x48: {  	_ =	shalt  }
0x49: {  	_ =	shalt  }
0x4a: {  	_ =	shalt  }
0x4b: {  	_ =	shalt  }
0x4c: {  	_ =	shalt  }
0x4d: {  	_ =	shalt  }
0x4e: {  	_ =	shalt  }
0x4f: {  	_ =	shalt  }
0x50: {  	_ =	shalt  }
0x51: {  	_ =	shalt  }
0x52: {  	_ =	shalt  }
0x53: {  	_ =	shalt  }
0x54: {  	_ =	shalt  }
0x55: {  	_ =	shalt  }
0x56: {  	_ =	shalt  }
0x57: {  	_ =	shalt  }
0x58: {  	_ =	shalt  }
0x59: {  	_ =	shalt  }
0x5a: {  	_ =	shalt  }
0x5b: {  	_ =	shalt  }
0x5c: {  	_ =	shalt  }
0x5d: {  	_ =	shalt  }
0x5e: {  	_ =	shalt  }
0x5f: {  	_ =	shalt  }
0x60: {  	_ =	shalt  }
0x61: {  	_ =	shalt  }
0x62: {  	_ =	shalt  }
0x63: {  	_ =	shalt  }
0x64: {  	_ =	shalt  }
0x65: {  	_ =	shalt  }
0x66: {  	_ =	shalt  }
0x67: {  	_ =	shalt  }
0x68: {  	_ =	shalt  }
0x69: {  	_ =	shalt  }
0x6a: {  	_ =	shalt  }
0x6b: {  	_ =	shalt  }
0x6c: {  	_ =	shalt  }
0x6d: {  	_ =	shalt  }
0x6e: {  	_ =	shalt  }
0x6f: {  	_ =	shalt  }
0x70: {  	_ =	shalt  }
0x71: {  	_ =	shalt  }
0x72: {  	_ =	shalt  }
0x73: {  	_ =	shalt  }
0x74: {  	_ =	shalt  }
0x75: {  	_ =	shalt  }
0x76: {  	_ =	shalt  }
0x77: {  	_ =	shalt  }
0x78: {  	_ =	shalt  }
0x79: {  	_ =	shalt  }
0x7a: {  	_ =	shalt  }
0x7b: {  	_ =	shalt  }
0x7c: {  	_ =	shalt  }
0x7d: {  	_ =	shalt  }
0x7e: {  	_ =	shalt  }
0x7f: {  	_ =	shalt  }
0x80: {  	_ =	shalt  }
0x81: {  	_ =	shalt  }
0x82: {  	_ =	shalt  }
0x83: {  	_ =	shalt  }
0x84: {  	_ =	shalt  }
0x85: {  	_ =	shalt  }
0x86: {  	_ =	shalt  }
0x87: {  	_ =	shalt  }
.Lfunc_end0:
.L_simem_size_0:
called_computation.2_lowered:
.L_overlay_start_0:
0x88: {  	s2 =	sld [smem:$0x3FD9]  }
0x89: {  	s3 =	sld [smem:$0x3FFE];
	_ =	sdelay $0x1  }
0x8a: {  	s1 =	srdreg.scid  }
0x8b: {  	s0 =	sand.u32 $0x1, s1  }
0x8c: {  	s17 =	sshll.u32 s0, $0xA;
	s2 =	sadd.s32 s3, s2  }
0x8d: {  	s2 =	sadd.s32 s2, s17  }
0x8e: {  	[smem:$0x3FC2] =	sst s2  }
0x8f: {  	_ = 	snop  }
0x90: {  	s2 =	sld [smem:$0x3FD0];
	(tm) =	ssettm $0x1  }
0x91: {  	s18 =	sld [smem:$0x3FFB];
	_ =	sdelay $0x3  }
0x92: {  	_ =	strace s18  }
0x93: {  	s3 =	sld [smem:$0x3FFC];
	_ =	sdelay $0x3  }
0x94: {  	_ =	strace s3  }
0x95: {  	s3 =	sld [smem:$0x3FFD];
	_ =	sdelay $0x3  }
0x96: {  	_ =	strace s3  }
0x97: {  	_ =	strace $0x8FFFFFFF  }
0x98: {  	s19 =	sld [smem:$0x3FDB];
	_ =	sdelay $0x1  }
0x99: {  	s4 =	simm.s32 $_scs_section_size  }
0x9a: {  	s5 =	simm.s32 $_size__tile_overlayer_lowered;
	s6 =	simm.s32 $_tile_overlayer_lowered  }
0x9b: {  	s22 =	simm.s32 $0x1BFF;
	s21 =	sshll.u32 s6, $0x1;
	s3 =	sadd.s32 s4, s19  }
0x9c: {  	s7 =	simm.s32 $0x0;
	s20 =	sshll.u32 s5, $0x1;
	s5 =	sadd.s32 s21, s3  }
0x9d: {  	[timem:s7], [sflag:s22] =	dma.local [hbm:s5], s20  }
0x9e: {  	_ =	swait.ge [sflag:s22], s20  }
0x9f: {  	s4 =	ssub.s32 $0x0, s20;
	[sflag:s22] =	ssyncset.done $0x0  }
0xa0: {  	[sflag:s22] =	ssyncadd.s32 s4;
	_ =	sdelay $0x1  }
0xa1: {  	s23 =	simm.s32 $0x1B8B  }
0xa2: {  	_ =	swait.ge [sflag:s23], $0x1  }
0xa3: {  	[sflag:s23] =	ssyncset.done $0x0  }
0xa4: {  	s25 =	simm.s32 $0x1B8E;
	s24 =	sld [smem:$0x3FFE];
	[sflag:s23] =	ssyncadd.s32 $0xFFFFFFFF  }
0xa5: {  	s26 =	simm.s32 $execute0_lowered;
	[smem:$0x3FD2] =	sst s25  }
0xa6: {  	s5 =	sshll.u32 s26, $0x1;
	_ =	strace $0x8000004C;
	[dreg:$0x1] =	wrdreg $0xFFFFFFFF  }
0xa7: {  	s28 =	simm.s32 $_size_execute0_lowered;
	s3 =	sadd.s32 s3, s5;
	[dreg:$0x0] =	wrdreg $0x0  }
0xa8: {  	s5 =	sshll.u32 s28, $0x1;
	[dreg:$0x2] =	wrdreg s3  }
0xa9: {  	[dreg:$0x3] =	wrdreg s5  }
0xaa: {  	[dreg:$0x4] =	wrdreg $0xC0  }
0xab: {  	_ =	task [dreg:s7], $0x5FFFF  }
0xac: {  	[dreg:$0x1] =	wrdreg $0xFFFFFFFF  }
0xad: {  	[dreg:$0x0] =	wrdreg $0x60  }
0xae: {  	[dreg:$0x2] =	wrdreg s2  }
0xaf: {  	[dreg:$0x3] =	wrdreg s24  }
0xb0: {  	[dreg:$0x4] =	wrdreg $0x0  }
0xb1: {  	[dreg:$0x5] =	wrdreg $0x9  }
0xb2: {  	_ =	task.clear_ibuf [dreg:s7], $0x6FFFF;
	_ =	strace $0x9000004C  }
0xb3: {  	s29 =	simm.s32 $0x9;
	_ =	strace $0x8000004E  }
0xb4: {  	_ =	swait.ge [sflag:s29], $0x1  }
0xb5: {  	[sflag:s29] =	ssyncadd.s32 $0xFFFFFFFF  }
0xb6: {  	_ =	strace $0x9000004E  }
0xb7: {  	_ =	sfence  }
0xb8: {  	s30 =	sld [smem:$0x0];
	_ =	sdelay $0x2  }
0xb9: {  	s31 =	sshll.u32 s1, $0xD;
	s1 =	sshrl.u32 s1, $0x2  }
0xba: {  	s3 =	sand.u32 $0x4000, s31;
	s1 =	sadd.s32 s1, s30  }
0xbb: {  	s0 =	sor.u32 s3, s0;
	s1 =	sshll.u32 s1, $0x11  }
0xbc: {  	s0 =	sor.u32 s1, s0  }
0xbd: {  	s0 =	sadd.s32 $0x8F2B, s0  }
0xbe: {  	[sflag:s0] =	ssyncadd.remote.s32 $0x1  }
0xbf: {  	_ =	sfence.sel $0xFFFF  }
0xc0: {  	[dreg:$0x0] =	wrdreg $0xFFFFFFFF;
	(pc) =	sbr.abs _section_cstart, $3  }
0xc1: {  	[dreg:$0x1] =	wrdreg $0xFFFFFFFF  }
0xc2: {  	_ =	task.clear_ibuf [dreg:s7], $0x2FFFF;
	_ =	strace $0x9FFFFFFF  }
0xc3: {  	(tm) =	ssettm $0x7FFFFFFF  }
tec
execute0_lowered:
.L_overlay_start_1:
0x0: {  	(tag) =	ssettag $0x1  }
0x1: {  	s1 =	rddreg [dreg:$0x0]  }
0x2: {  	s0 =	srdreg.scid;
	s2 =	rddreg [dreg:$0x1]  }
0x3: {  	s9 =	stileid.u32;
	s3 =	rddreg [dreg:$0x2];
	s4 =	simm.s32 $0x0  }
0x4: {  	s11 =	simm.s32 $0x13D00;
	s12 =	simm.s32 $0x13D80;
	s13 =	simm.s32 $0x14480  }
0x5: {  	s14 =	simm.s32 $0x13E00;
	s15 =	simm.s32 $0x14500;
	s16 =	simm.s32 $0x13E80  }
0x6: {  	s17 =	simm.s32 $0x14580;
	s18 =	simm.s32 $0x13F00;
	s19 =	simm.s32 $0x14600  }
0x7: {  	s20 =	simm.s32 $0x13F80;
	[smem:$0x7FF] =	sst s4;
	s8 =	sadd.s32 $0xDA00, s2  }
0x8: {  	s28 =	simm.s32 $0x14900;
	_ =	strace $0x8000004D;
	[dreg:$0x17] =	wrdreg s8  }
0x9: {  	s29 =	simm.s32 $0x14280;
	s30 =	simm.s32 $0x14980;
	[dreg:$0x7] =	wrdreg s11  }
0xa: {  	s31 =	simm.s32 $0x14300;
	s5 =	smul.u32 $0x6000, s9;
	[dreg:$0x8] =	wrdreg s12  }
0xb: {  	s0 =	sand.u32 $0x1, s0;
	s7 =	smul.u32 $0x13C00, s9;
	[dreg:$0x9] =	wrdreg s13  }
0xc: {  	s23 =	smul.u32 $0x4F000, s9;
	s10 =	sshll.u32 s9, $0x6;
	[dreg:$0xa] =	wrdreg s14  }
0xd: {  	s9 =	simm.s32 $0x0;
	s6 =	smul.u32 $0x3000, s0;
	[dreg:$0xb] =	wrdreg s15  }
0xe: {  	s21 =	smul.u32 $0x13C000, s0;
	s0 =	ssub.s32 $0x2, s0;
	[dreg:$0xc] =	wrdreg s16  }
0xf: {  	s8 =	simm.s32 $0x13C80;
	s11 =	simm.s32 $0x13C00;
	[dreg:$0xd] =	wrdreg s17  }
0x10: {  	s12 =	simm.s32 $0x14400;
	s13 =	simm.s32 $0x70;
	[dreg:$0xe] =	wrdreg s18  }
0x11: {  	s14 =	simm.s32 $0x14C00;
	[dreg:$0xf] =	wrdreg s19;
	s15 =	simm.s32 $0x18400  }
0x12: {  	[dreg:$0x10] =	wrdreg s20;
	s16 =	simm.s32 $0x1BC00;
	s17 =	simm.s32 $0x1  }
0x13: {  	s18 =	simm.s32 $0x4;
	s19 =	simm.s32 $0x2;
	s20 =	simm.s32 $0x5  }
0x14: {  	s22 =	sshrl.u32 s0, $0x1;
	s25 =	sshrl.u32 s23, $0x2;
	[dreg:$0x6] =	wrdreg s8  }
0x15: {  	s23 =	simm.s32 $0x14700;
	s5 =	sadd.s32 s6, s5;
	s6 =	sadd.s32 s7, s21  }
0x16: {  	s0 =	ssub.s32 s0, s22;
	s26 =	sadd.s32 s25, s3;
	s7 =	sor.u32 $0x1C07, s10  }
0x17: {  	s10 =	simm.s32 $0x7;
	s21 =	simm.s32 $0x14680;
	[dreg:$0x13] =	wrdreg s23  }
0x18: {  	s22 =	simm.s32 $0x14000;
	s25 =	simm.s32 $0x14780;
	[dreg:$0x11] =	wrdreg s21  }
0x19: {  	s23 =	simm.s32 $0x14800;
	s5 =	sshrl.u32 s5, $0x3;
	[dreg:$0x12] =	wrdreg s22  }
0x1a: {  	s6 =	sshrl.u32 s6, $0x3;
	s0 =	smax.u32 s0, $0x1;
	[dreg:$0x15] =	wrdreg s25  }
0x1b: {  	s8 =	sshrl.u32 s26, $0x3;
	s26 =	simm.s32 $0x14100;
	[dreg:$0x18] =	wrdreg s7  }
0x1c: {  	s21 =	simm.s32 $0x3;
	s22 =	simm.s32 $0x6;
	[dreg:$0x1a] =	wrdreg s0  }
0x1d: {  	s25 =	simm.s32 $0x14880;
	s5 =	sadd.s32 s5, s2;
	[dreg:$0x16] =	wrdreg s26  }
0x1e: {  	s2 =	sadd.s32 s6, s2;
	[dreg:$0x1b] =	wrdreg s8;
	s24 =	sadd.s32 $0x1A00, s5  }
0x1f: {  	s26 =	simm.s32 $0x14200;
	s5 =	sadd.s32 $0x10A400, s5;
	[dreg:$0x4] =	wrdreg s24  }
0x20: {  	s0 =	simm.s32 $0x14A80;
	s2 =	sadd.s32 $0x5FA00, s2;
	[dreg:$0x5] =	wrdreg s5  }
0x21: {  	[dreg:$0x19] =	wrdreg s2;
	s24 =	simm.s32 $0x14080;
	s2 =	simm.s32 $0x14A00  }
0x22: {  	s5 =	simm.s32 $0x14B00;
	[dreg:$0x14] =	wrdreg s24;
	s24 =	simm.s32 $0x14180  }
.LBB2_1:
0x23: {  	[dreg:$0x1c] =	wrdreg s9  }
0x24: {  	s6 =	rddreg [dreg:$0x17]  }
0x25: {  	[spmem:s8], [sflag:s7] =	dma.local [hbm:s6], $0x2780  }
0x26: {  	_ =	swait.ge [sflag:s10], $0x2780  }
0x27: {  	[sflag:s10] =	ssyncset.done $0x0  }
0x28: {  	[sflag:s10] =	ssyncadd.s32 $0xFFFFD880  }
0x29: {  	[bflag:$0x0] =	sbarrier.arrive $0xFFFF  }
0x2a: {  	s9 =	rddreg [dreg:$0x5]  }
0x2b: {  	s6 =	sadd.s32 $0x0, s9  }
0x2c: {  	[tilespmem:s11], [sflag:$0x7] =	stream.linear.gather [hbm4b:s6+s4], $0x780, $0x38;
	[tilespmem:$0x1F400] =	vst v63  }
0x2d: {  	_ =	swait.ge [sflag:s10], $0x780  }
0x2e: {  	s7 =	rddreg [dreg:$0x4];
	[sflag:s10] =	ssyncset.done $0x0  }
0x2f: {  	[sflag:s10] =	ssyncadd.s32 $0xFFFFF880;
	s6 =	sadd.s32 $0x0, s7  }
0x30: {  	[tilespmem:s12], [sflag:$0x7] =	stream.linear.gather [hbm4b:s6+s4], $0x780, $0x38;
	[tilespmem:$0x1F400] =	vst v63  }
0x31: {  	_ =	swait.ge [sflag:s10], $0x780  }
0x32: {  	[sflag:s10] =	ssyncset.done $0x0  }
0x33: {  	[sflag:s10] =	ssyncadd.s32 $0xFFFFF880  }
0x34: {  	[tilespmem:s14], [sflag:$0x1] =	stream.indirect.gather [hbm4b:s1+s13], $0x80, s11, s13, $0xb8;
	[tilespmem:$0x1F400] =	vst v63  }
0x35: {  	s8 =	rddreg [dreg:$0x6]  }
0x36: {  	[tilespmem:s15], [sflag:$0x2] =	stream.indirect.gather [hbm4b:s1+s13], $0x80, s8, s13, $0xb8;
	[tilespmem:$0x1F400] =	vst v63  }
0x37: {  	s9 =	rddreg [dreg:$0x7]  }
0x38: {  	[tilespmem:s16], [sflag:$0x3] =	stream.indirect.gather [hbm4b:s1+s13], $0x80, s9, s13, $0xb8;
	[tilespmem:$0x1F400] =	vst v63  }
0x39: {  	_ =	swait.ge [sflag:s17], $0x3800  }
0x3a: {  	[sflag:s17] =	ssyncset.done $0x0  }
0x3b: {  	[sflag:s17] =	ssyncadd.s32 $0xFFFFC800  }
0x3c: {  	[spmem:s3] =	stream.indirect.scatter.add.f32 [tilespmem:s14], [sflag:$0x4], $0x80, s12, s13, $0xb8;
	[tilespmem:$0x1F400] =	vst v63  }
0x3d: {  	_ =	swait.ge [sflag:s18], $0x3800  }
0x3e: {  	[sflag:s18] =	ssyncset.done $0x0  }
0x3f: {  	s7 =	rddreg [dreg:$0x8];
	[sflag:s18] =	ssyncadd.s32 $0xFFFFC800  }
0x40: {  	[tilespmem:s14], [sflag:$0x1] =	stream.indirect.gather [hbm4b:s1+s13], $0x80, s7, s13, $0xb8;
	[tilespmem:$0x1F400] =	vst v63  }
0x41: {  	_ =	swait.ge [sflag:s19], $0x3800  }
0x42: {  	[sflag:s19] =	ssyncset.done $0x0  }
0x43: {  	s8 =	rddreg [dreg:$0x9];
	[sflag:s19] =	ssyncadd.s32 $0xFFFFC800  }
0x44: {  	[spmem:s3] =	stream.indirect.scatter.add.f32 [tilespmem:s15], [sflag:$0x5], $0x80, s8, s13, $0xb8;
	[tilespmem:$0x1F400] =	vst v63  }
0x45: {  	_ =	swait.ge [sflag:s20], $0x3800  }
0x46: {  	[sflag:s20] =	ssyncset.done $0x0  }
0x47: {  	s9 =	rddreg [dreg:$0xa];
	[sflag:s20] =	ssyncadd.s32 $0xFFFFC800  }
0x48: {  	[tilespmem:s15], [sflag:$0x2] =	stream.indirect.gather [hbm4b:s1+s13], $0x80, s9, s13, $0xb8;
	[tilespmem:$0x1F400] =	vst v63  }
0x49: {  	_ =	swait.ge [sflag:s21], $0x3800  }
0x4a: {  	[sflag:s21] =	ssyncset.done $0x0  }
0x4b: {  	s7 =	rddreg [dreg:$0xb];
	[sflag:s21] =	ssyncadd.s32 $0xFFFFC800  }
0x4c: {  	[spmem:s3] =	stream.indirect.scatter.add.f32 [tilespmem:s16], [sflag:$0x6], $0x80, s7, s13, $0xb8;
	[tilespmem:$0x1F400] =	vst v63  }
0x4d: {  	_ =	swait.ge [sflag:s22], $0x3800  }
0x4e: {  	[sflag:s22] =	ssyncset.done $0x0  }
0x4f: {  	s8 =	rddreg [dreg:$0xc];
	[sflag:s22] =	ssyncadd.s32 $0xFFFFC800  }
0x50: {  	[tilespmem:s16], [sflag:$0x3] =	stream.indirect.gather [hbm4b:s1+s13], $0x80, s8, s13, $0xb8;
	[tilespmem:$0x1F400] =	vst v63  }
0x51: {  	_ =	swait.ge [sflag:s17], $0x3800  }
0x52: {  	[sflag:s17] =	ssyncset.done $0x0  }
0x53: {  	s9 =	rddreg [dreg:$0xd];
	[sflag:s17] =	ssyncadd.s32 $0xFFFFC800  }
0x54: {  	[spmem:s3] =	stream.indirect.scatter.add.f32 [tilespmem:s14], [sflag:$0x4], $0x80, s9, s13, $0xb8;
	[tilespmem:$0x1F400] =	vst v63  }
0x55: {  	_ =	swait.ge [sflag:s18], $0x3800  }
0x56: {  	[sflag:s18] =	ssyncset.done $0x0  }
0x57: {  	s7 =	rddreg [dreg:$0xe];
	[sflag:s18] =	ssyncadd.s32 $0xFFFFC800  }
0x58: {  	[tilespmem:s14], [sflag:$0x1] =	stream.indirect.gather [hbm4b:s1+s13], $0x80, s7, s13, $0xb8;
	[tilespmem:$0x1F400] =	vst v63  }
0x59: {  	_ =	swait.ge [sflag:s19], $0x3800  }
0x5a: {  	[sflag:s19] =	ssyncset.done $0x0  }
0x5b: {  	s8 =	rddreg [dreg:$0xf];
	[sflag:s19] =	ssyncadd.s32 $0xFFFFC800  }
0x5c: {  	[spmem:s3] =	stream.indirect.scatter.add.f32 [tilespmem:s15], [sflag:$0x5], $0x80, s8, s13, $0xb8;
	[tilespmem:$0x1F400] =	vst v63  }
0x5d: {  	_ =	swait.ge [sflag:s20], $0x3800  }
0x5e: {  	[sflag:s20] =	ssyncset.done $0x0  }
0x5f: {  	s9 =	rddreg [dreg:$0x10];
	[sflag:s20] =	ssyncadd.s32 $0xFFFFC800  }
0x60: {  	[tilespmem:s15], [sflag:$0x2] =	stream.indirect.gather [hbm4b:s1+s13], $0x80, s9, s13, $0xb8;
	[tilespmem:$0x1F400] =	vst v63  }
0x61: {  	_ =	swait.ge [sflag:s21], $0x3800  }
0x62: {  	[sflag:s21] =	ssyncset.done $0x0  }
0x63: {  	s7 =	rddreg [dreg:$0x11];
	[sflag:s21] =	ssyncadd.s32 $0xFFFFC800  }
0x64: {  	[spmem:s3] =	stream.indirect.scatter.add.f32 [tilespmem:s16], [sflag:$0x6], $0x80, s7, s13, $0xb8;
	[tilespmem:$0x1F400] =	vst v63  }
0x65: {  	_ =	swait.ge [sflag:s22], $0x3800  }
0x66: {  	[sflag:s22] =	ssyncset.done $0x0  }
0x67: {  	s8 =	rddreg [dreg:$0x12];
	[sflag:s22] =	ssyncadd.s32 $0xFFFFC800  }
0x68: {  	[tilespmem:s16], [sflag:$0x3] =	stream.indirect.gather [hbm4b:s1+s13], $0x80, s8, s13, $0xb8;
	[tilespmem:$0x1F400] =	vst v63  }
0x69: {  	_ =	swait.ge [sflag:s17], $0x3800  }
0x6a: {  	[sflag:s17] =	ssyncset.done $0x0  }
0x6b: {  	s9 =	rddreg [dreg:$0x13];
	[sflag:s17] =	ssyncadd.s32 $0xFFFFC800  }
0x6c: {  	[spmem:s3] =	stream.indirect.scatter.add.f32 [tilespmem:s14], [sflag:$0x4], $0x80, s9, s13, $0xb8;
	[tilespmem:$0x1F400] =	vst v63  }
0x6d: {  	_ =	swait.ge [sflag:s18], $0x3800  }
0x6e: {  	[sflag:s18] =	ssyncset.done $0x0  }
0x6f: {  	s7 =	rddreg [dreg:$0x14];
	[sflag:s18] =	ssyncadd.s32 $0xFFFFC800  }
0x70: {  	[tilespmem:s14], [sflag:$0x1] =	stream.indirect.gather [hbm4b:s1+s13], $0x80, s7, s13, $0xb8;
	[tilespmem:$0x1F400] =	vst v63  }
0x71: {  	_ =	swait.ge [sflag:s19], $0x3800  }
0x72: {  	[sflag:s19] =	ssyncset.done $0x0  }
0x73: {  	s8 =	rddreg [dreg:$0x15];
	[sflag:s19] =	ssyncadd.s32 $0xFFFFC800  }
0x74: {  	[spmem:s3] =	stream.indirect.scatter.add.f32 [tilespmem:s15], [sflag:$0x5], $0x80, s8, s13, $0xb8;
	[tilespmem:$0x1F400] =	vst v63  }
0x75: {  	_ =	swait.ge [sflag:s20], $0x3800  }
0x76: {  	[sflag:s20] =	ssyncset.done $0x0  }
0x77: {  	s9 =	rddreg [dreg:$0x16];
	[sflag:s20] =	ssyncadd.s32 $0xFFFFC800  }
0x78: {  	[tilespmem:s15], [sflag:$0x2] =	stream.indirect.gather [hbm4b:s1+s13], $0x80, s9, s13, $0xb8;
	[tilespmem:$0x1F400] =	vst v63  }
0x79: {  	_ =	swait.ge [sflag:s21], $0x3800  }
0x7a: {  	[sflag:s21] =	ssyncset.done $0x0  }
0x7b: {  	[sflag:s21] =	ssyncadd.s32 $0xFFFFC800  }
0x7c: {  	[spmem:s3] =	stream.indirect.scatter.add.f32 [tilespmem:s16], [sflag:$0x6], $0x80, s23, s13, $0xb8;
	[tilespmem:$0x1F400] =	vst v63  }
0x7d: {  	_ =	swait.ge [sflag:s22], $0x3800  }
0x7e: {  	[sflag:s22] =	ssyncset.done $0x0  }
0x7f: {  	[sflag:s22] =	ssyncadd.s32 $0xFFFFC800  }
0x80: {  	[tilespmem:s16], [sflag:$0x3] =	stream.indirect.gather [hbm4b:s1+s13], $0x80, s24, s13, $0xb8;
	[tilespmem:$0x1F400] =	vst v63  }
0x81: {  	_ =	swait.ge [sflag:s17], $0x3800  }
0x82: {  	[sflag:s17] =	ssyncset.done $0x0  }
0x83: {  	[sflag:s17] =	ssyncadd.s32 $0xFFFFC800  }
0x84: {  	[spmem:s3] =	stream.indirect.scatter.add.f32 [tilespmem:s14], [sflag:$0x4], $0x80, s25, s13, $0xb8;
	[tilespmem:$0x1F400] =	vst v63  }
0x85: {  	_ =	swait.ge [sflag:s18], $0x3800  }
0x86: {  	[sflag:s18] =	ssyncset.done $0x0  }
0x87: {  	[sflag:s18] =	ssyncadd.s32 $0xFFFFC800  }
0x88: {  	[tilespmem:s14], [sflag:$0x1] =	stream.indirect.gather [hbm4b:s1+s13], $0x80, s26, s13, $0xb8;
	[tilespmem:$0x1F400] =	vst v63  }
0x89: {  	_ =	swait.ge [sflag:s19], $0x3800  }
0x8a: {  	[sflag:s19] =	ssyncset.done $0x0  }
0x8b: {  	[sflag:s19] =	ssyncadd.s32 $0xFFFFC800  }
0x8c: {  	[spmem:s3] =	stream.indirect.scatter.add.f32 [tilespmem:s15], [sflag:$0x5], $0x80, s28, s13, $0xb8;
	[tilespmem:$0x1F400] =	vst v63  }
0x8d: {  	_ =	swait.ge [sflag:s20], $0x3800  }
0x8e: {  	[sflag:s20] =	ssyncset.done $0x0  }
0x8f: {  	[sflag:s20] =	ssyncadd.s32 $0xFFFFC800  }
0x90: {  	[tilespmem:s15], [sflag:$0x2] =	stream.indirect.gather [hbm4b:s1+s13], $0x80, s29, s13, $0xb8;
	[tilespmem:$0x1F400] =	vst v63  }
0x91: {  	_ =	swait.ge [sflag:s21], $0x3800  }
0x92: {  	[sflag:s21] =	ssyncset.done $0x0  }
0x93: {  	[sflag:s21] =	ssyncadd.s32 $0xFFFFC800  }
0x94: {  	[spmem:s3] =	stream.indirect.scatter.add.f32 [tilespmem:s16], [sflag:$0x6], $0x80, s30, s13, $0xb8;
	[tilespmem:$0x1F400] =	vst v63  }
0x95: {  	_ =	swait.ge [sflag:s22], $0x3800  }
0x96: {  	[sflag:s22] =	ssyncset.done $0x0  }
0x97: {  	[sflag:s22] =	ssyncadd.s32 $0xFFFFC800  }
0x98: {  	[tilespmem:s16], [sflag:$0x3] =	stream.indirect.gather [hbm4b:s1+s13], $0x80, s31, s13, $0xb8;
	[tilespmem:$0x1F400] =	vst v63  }
0x99: {  	_ =	swait.ge [sflag:s17], $0x3800  }
0x9a: {  	[sflag:s17] =	ssyncset.done $0x0  }
0x9b: {  	[sflag:s17] =	ssyncadd.s32 $0xFFFFC800  }
0x9c: {  	[spmem:s3] =	stream.indirect.scatter.add.f32 [tilespmem:s14], [sflag:$0x4], $0x80, s2, s13, $0xb8;
	[tilespmem:$0x1F400] =	vst v63  }
0x9d: {  	_ =	swait.ge [sflag:s19], $0x3800  }
0x9e: {  	[sflag:s19] =	ssyncset.done $0x0  }
0x9f: {  	[sflag:s19] =	ssyncadd.s32 $0xFFFFC800  }
0xa0: {  	[spmem:s3] =	stream.indirect.scatter.add.f32 [tilespmem:s15], [sflag:$0x5], $0x80, s0, s13, $0xb8;
	[tilespmem:$0x1F400] =	vst v63  }
0xa1: {  	_ =	swait.ge [sflag:s21], $0x3800  }
0xa2: {  	[sflag:s21] =	ssyncset.done $0x0  }
0xa3: {  	[sflag:s21] =	ssyncadd.s32 $0xFFFFC800  }
0xa4: {  	[spmem:s3] =	stream.indirect.scatter.add.f32 [tilespmem:s16], [sflag:$0x6], $0x80, s5, s13, $0xb8;
	[tilespmem:$0x1F400] =	vst v63  }
0xa5: {  	_ =	swait.ge [sflag:s18], $0x3800  }
0xa6: {  	[sflag:s18] =	ssyncset.done $0x0  }
0xa7: {  	[sflag:s18] =	ssyncadd.s32 $0xFFFFC800  }
0xa8: {  	_ =	swait.ge [sflag:s20], $0x3800  }
0xa9: {  	[sflag:s20] =	ssyncset.done $0x0  }
0xaa: {  	[sflag:s20] =	ssyncadd.s32 $0xFFFFC800  }
0xab: {  	s6 =	simm.s32 $0x200;
	_ =	swait.ge [sflag:s22], $0x3800  }
0xac: {  	s8 =	simm.s32 $0x100;
	s9 =	rddreg [dreg:$0x5];
	[sflag:s22] =	ssyncset.done $0x0  }
.LBB2_2:
0xad: {  	[sflag:s22] =	ssyncadd.s32 $0xFFFFC800;
	s9 =	sadd.s32 s8, s9  }
0xae: {  	[tilespmem:s11], [sflag:$0x7] =	stream.linear.gather [hbm4b:s9+s4], $0x780, $0x38;
	[tilespmem:$0x1F400] =	vst v63  }
0xaf: {  	_ =	swait.ge [sflag:s10], $0x780  }
0xb0: {  	s9 =	rddreg [dreg:$0x4];
	[sflag:s10] =	ssyncset.done $0x0  }
0xb1: {  	[sflag:s10] =	ssyncadd.s32 $0xFFFFF880;
	s9 =	sadd.s32 s8, s9  }
0xb2: {  	[tilespmem:s12], [sflag:$0x7] =	stream.linear.gather [hbm4b:s9+s4], $0x780, $0x38;
	[tilespmem:$0x1F400] =	vst v63  }
0xb3: {  	_ =	swait.ge [sflag:s10], $0x780  }
0xb4: {  	[sflag:s10] =	ssyncset.done $0x0  }
0xb5: {  	s7 =	smov.u32 s6;
	[sflag:s10] =	ssyncadd.s32 $0xFFFFF880  }
0xb6: {  	[tilespmem:s14], [sflag:$0x1] =	stream.indirect.gather [hbm4b:s1+s13], $0x80, s11, s13, $0xb8;
	[tilespmem:$0x1F400] =	vst v63  }
0xb7: {  	s8 =	smov.u32 s7;
	s7 =	rddreg [dreg:$0x6]  }
0xb8: {  	[tilespmem:s15], [sflag:$0x2] =	stream.indirect.gather [hbm4b:s1+s13], $0x80, s7, s13, $0xb8;
	[tilespmem:$0x1F400] =	vst v63  }
0xb9: {  	s9 =	rddreg [dreg:$0x7]  }
0xba: {  	[tilespmem:s16], [sflag:$0x3] =	stream.indirect.gather [hbm4b:s1+s13], $0x80, s9, s13, $0xb8;
	[tilespmem:$0x1F400] =	vst v63  }
0xbb: {  	_ =	swait.ge [sflag:s17], $0x3800  }
0xbc: {  	[sflag:s17] =	ssyncset.done $0x0  }
0xbd: {  	[sflag:s17] =	ssyncadd.s32 $0xFFFFC800  }
0xbe: {  	[spmem:s3] =	stream.indirect.scatter.add.f32 [tilespmem:s14], [sflag:$0x4], $0x80, s12, s13, $0xb8;
	[tilespmem:$0x1F400] =	vst v63  }
0xbf: {  	_ =	swait.ge [sflag:s18], $0x3800  }
0xc0: {  	[sflag:s18] =	ssyncset.done $0x0  }
0xc1: {  	s9 =	rddreg [dreg:$0x8];
	[sflag:s18] =	ssyncadd.s32 $0xFFFFC800  }
0xc2: {  	[tilespmem:s14], [sflag:$0x1] =	stream.indirect.gather [hbm4b:s1+s13], $0x80, s9, s13, $0xb8;
	[tilespmem:$0x1F400] =	vst v63  }
0xc3: {  	_ =	swait.ge [sflag:s19], $0x3800  }
0xc4: {  	[sflag:s19] =	ssyncset.done $0x0  }
0xc5: {  	s9 =	rddreg [dreg:$0x9];
	[sflag:s19] =	ssyncadd.s32 $0xFFFFC800  }
0xc6: {  	[spmem:s3] =	stream.indirect.scatter.add.f32 [tilespmem:s15], [sflag:$0x5], $0x80, s9, s13, $0xb8;
	[tilespmem:$0x1F400] =	vst v63  }
0xc7: {  	_ =	swait.ge [sflag:s20], $0x3800  }
0xc8: {  	[sflag:s20] =	ssyncset.done $0x0  }
0xc9: {  	s9 =	rddreg [dreg:$0xa];
	[sflag:s20] =	ssyncadd.s32 $0xFFFFC800  }
0xca: {  	[tilespmem:s15], [sflag:$0x2] =	stream.indirect.gather [hbm4b:s1+s13], $0x80, s9, s13, $0xb8;
	[tilespmem:$0x1F400] =	vst v63  }
0xcb: {  	_ =	swait.ge [sflag:s21], $0x3800  }
0xcc: {  	[sflag:s21] =	ssyncset.done $0x0  }
0xcd: {  	s9 =	rddreg [dreg:$0xb];
	[sflag:s21] =	ssyncadd.s32 $0xFFFFC800  }
0xce: {  	[spmem:s3] =	stream.indirect.scatter.add.f32 [tilespmem:s16], [sflag:$0x6], $0x80, s9, s13, $0xb8;
	[tilespmem:$0x1F400] =	vst v63  }
0xcf: {  	_ =	swait.ge [sflag:s22], $0x3800  }
0xd0: {  	[sflag:s22] =	ssyncset.done $0x0  }
0xd1: {  	s9 =	rddreg [dreg:$0xc];
	[sflag:s22] =	ssyncadd.s32 $0xFFFFC800  }
0xd2: {  	[tilespmem:s16], [sflag:$0x3] =	stream.indirect.gather [hbm4b:s1+s13], $0x80, s9, s13, $0xb8;
	[tilespmem:$0x1F400] =	vst v63  }
0xd3: {  	_ =	swait.ge [sflag:s17], $0x3800  }
0xd4: {  	[sflag:s17] =	ssyncset.done $0x0  }
0xd5: {  	s9 =	rddreg [dreg:$0xd];
	[sflag:s17] =	ssyncadd.s32 $0xFFFFC800  }
0xd6: {  	[spmem:s3] =	stream.indirect.scatter.add.f32 [tilespmem:s14], [sflag:$0x4], $0x80, s9, s13, $0xb8;
	[tilespmem:$0x1F400] =	vst v63  }
0xd7: {  	_ =	swait.ge [sflag:s18], $0x3800  }
0xd8: {  	[sflag:s18] =	ssyncset.done $0x0  }
0xd9: {  	s9 =	rddreg [dreg:$0xe];
	[sflag:s18] =	ssyncadd.s32 $0xFFFFC800  }
0xda: {  	[tilespmem:s14], [sflag:$0x1] =	stream.indirect.gather [hbm4b:s1+s13], $0x80, s9, s13, $0xb8;
	[tilespmem:$0x1F400] =	vst v63  }
0xdb: {  	_ =	swait.ge [sflag:s19], $0x3800  }
0xdc: {  	[sflag:s19] =	ssyncset.done $0x0  }
0xdd: {  	s9 =	rddreg [dreg:$0xf];
	[sflag:s19] =	ssyncadd.s32 $0xFFFFC800  }
0xde: {  	[spmem:s3] =	stream.indirect.scatter.add.f32 [tilespmem:s15], [sflag:$0x5], $0x80, s9, s13, $0xb8;
	[tilespmem:$0x1F400] =	vst v63  }
0xdf: {  	_ =	swait.ge [sflag:s20], $0x3800  }
0xe0: {  	[sflag:s20] =	ssyncset.done $0x0  }
0xe1: {  	s9 =	rddreg [dreg:$0x10];
	[sflag:s20] =	ssyncadd.s32 $0xFFFFC800  }
0xe2: {  	[tilespmem:s15], [sflag:$0x2] =	stream.indirect.gather [hbm4b:s1+s13], $0x80, s9, s13, $0xb8;
	[tilespmem:$0x1F400] =	vst v63  }
0xe3: {  	_ =	swait.ge [sflag:s21], $0x3800  }
0xe4: {  	[sflag:s21] =	ssyncset.done $0x0  }
0xe5: {  	s9 =	rddreg [dreg:$0x11];
	[sflag:s21] =	ssyncadd.s32 $0xFFFFC800  }
0xe6: {  	[spmem:s3] =	stream.indirect.scatter.add.f32 [tilespmem:s16], [sflag:$0x6], $0x80, s9, s13, $0xb8;
	[tilespmem:$0x1F400] =	vst v63  }
0xe7: {  	_ =	swait.ge [sflag:s22], $0x3800  }
0xe8: {  	[sflag:s22] =	ssyncset.done $0x0  }
0xe9: {  	s9 =	rddreg [dreg:$0x12];
	[sflag:s22] =	ssyncadd.s32 $0xFFFFC800  }
0xea: {  	[tilespmem:s16], [sflag:$0x3] =	stream.indirect.gather [hbm4b:s1+s13], $0x80, s9, s13, $0xb8;
	[tilespmem:$0x1F400] =	vst v63  }
0xeb: {  	_ =	swait.ge [sflag:s17], $0x3800  }
0xec: {  	[sflag:s17] =	ssyncset.done $0x0  }
0xed: {  	s9 =	rddreg [dreg:$0x13];
	[sflag:s17] =	ssyncadd.s32 $0xFFFFC800  }
0xee: {  	[spmem:s3] =	stream.indirect.scatter.add.f32 [tilespmem:s14], [sflag:$0x4], $0x80, s9, s13, $0xb8;
	[tilespmem:$0x1F400] =	vst v63  }
0xef: {  	_ =	swait.ge [sflag:s18], $0x3800  }
0xf0: {  	[sflag:s18] =	ssyncset.done $0x0  }
0xf1: {  	s9 =	rddreg [dreg:$0x14];
	[sflag:s18] =	ssyncadd.s32 $0xFFFFC800  }
0xf2: {  	[tilespmem:s14], [sflag:$0x1] =	stream.indirect.gather [hbm4b:s1+s13], $0x80, s9, s13, $0xb8;
	[tilespmem:$0x1F400] =	vst v63  }
0xf3: {  	_ =	swait.ge [sflag:s19], $0x3800  }
0xf4: {  	[sflag:s19] =	ssyncset.done $0x0  }
0xf5: {  	s9 =	rddreg [dreg:$0x15];
	[sflag:s19] =	ssyncadd.s32 $0xFFFFC800  }
0xf6: {  	[spmem:s3] =	stream.indirect.scatter.add.f32 [tilespmem:s15], [sflag:$0x5], $0x80, s9, s13, $0xb8;
	[tilespmem:$0x1F400] =	vst v63  }
0xf7: {  	_ =	swait.ge [sflag:s20], $0x3800  }
0xf8: {  	[sflag:s20] =	ssyncset.done $0x0  }
0xf9: {  	s9 =	rddreg [dreg:$0x16];
	[sflag:s20] =	ssyncadd.s32 $0xFFFFC800  }
0xfa: {  	[tilespmem:s15], [sflag:$0x2] =	stream.indirect.gather [hbm4b:s1+s13], $0x80, s9, s13, $0xb8;
	[tilespmem:$0x1F400] =	vst v63  }
0xfb: {  	_ =	swait.ge [sflag:s21], $0x3800  }
0xfc: {  	[sflag:s21] =	ssyncset.done $0x0  }
0xfd: {  	[sflag:s21] =	ssyncadd.s32 $0xFFFFC800  }
0xfe: {  	[spmem:s3] =	stream.indirect.scatter.add.f32 [tilespmem:s16], [sflag:$0x6], $0x80, s23, s13, $0xb8;
	[tilespmem:$0x1F400] =	vst v63  }
0xff: {  	_ =	swait.ge [sflag:s22], $0x3800  }
0x100: {  	[sflag:s22] =	ssyncset.done $0x0  }
0x101: {  	[sflag:s22] =	ssyncadd.s32 $0xFFFFC800  }
0x102: {  	[tilespmem:s16], [sflag:$0x3] =	stream.indirect.gather [hbm4b:s1+s13], $0x80, s24, s13, $0xb8;
	[tilespmem:$0x1F400] =	vst v63  }
0x103: {  	_ =	swait.ge [sflag:s17], $0x3800  }
0x104: {  	[sflag:s17] =	ssyncset.done $0x0  }
0x105: {  	[sflag:s17] =	ssyncadd.s32 $0xFFFFC800  }
0x106: {  	[spmem:s3] =	stream.indirect.scatter.add.f32 [tilespmem:s14], [sflag:$0x4], $0x80, s25, s13, $0xb8;
	[tilespmem:$0x1F400] =	vst v63  }
0x107: {  	_ =	swait.ge [sflag:s18], $0x3800  }
0x108: {  	[sflag:s18] =	ssyncset.done $0x0  }
0x109: {  	[sflag:s18] =	ssyncadd.s32 $0xFFFFC800  }
0x10a: {  	[tilespmem:s14], [sflag:$0x1] =	stream.indirect.gather [hbm4b:s1+s13], $0x80, s26, s13, $0xb8;
	[tilespmem:$0x1F400] =	vst v63  }
0x10b: {  	_ =	swait.ge [sflag:s19], $0x3800  }
0x10c: {  	[sflag:s19] =	ssyncset.done $0x0  }
0x10d: {  	[sflag:s19] =	ssyncadd.s32 $0xFFFFC800  }
0x10e: {  	[spmem:s3] =	stream.indirect.scatter.add.f32 [tilespmem:s15], [sflag:$0x5], $0x80, s28, s13, $0xb8;
	[tilespmem:$0x1F400] =	vst v63  }
0x10f: {  	_ =	swait.ge [sflag:s20], $0x3800  }
0x110: {  	[sflag:s20] =	ssyncset.done $0x0  }
0x111: {  	[sflag:s20] =	ssyncadd.s32 $0xFFFFC800  }
0x112: {  	[tilespmem:s15], [sflag:$0x2] =	stream.indirect.gather [hbm4b:s1+s13], $0x80, s29, s13, $0xb8;
	[tilespmem:$0x1F400] =	vst v63  }
0x113: {  	_ =	swait.ge [sflag:s21], $0x3800  }
0x114: {  	[sflag:s21] =	ssyncset.done $0x0  }
0x115: {  	[sflag:s21] =	ssyncadd.s32 $0xFFFFC800  }
0x116: {  	[spmem:s3] =	stream.indirect.scatter.add.f32 [tilespmem:s16], [sflag:$0x6], $0x80, s30, s13, $0xb8;
	[tilespmem:$0x1F400] =	vst v63  }
0x117: {  	_ =	swait.ge [sflag:s22], $0x3800  }
0x118: {  	[sflag:s22] =	ssyncset.done $0x0  }
0x119: {  	[sflag:s22] =	ssyncadd.s32 $0xFFFFC800  }
0x11a: {  	[tilespmem:s16], [sflag:$0x3] =	stream.indirect.gather [hbm4b:s1+s13], $0x80, s31, s13, $0xb8;
	[tilespmem:$0x1F400] =	vst v63  }
0x11b: {  	_ =	swait.ge [sflag:s17], $0x3800  }
0x11c: {  	[sflag:s17] =	ssyncset.done $0x0  }
0x11d: {  	[sflag:s17] =	ssyncadd.s32 $0xFFFFC800  }
0x11e: {  	[spmem:s3] =	stream.indirect.scatter.add.f32 [tilespmem:s14], [sflag:$0x4], $0x80, s2, s13, $0xb8;
	[tilespmem:$0x1F400] =	vst v63  }
0x11f: {  	_ =	swait.ge [sflag:s19], $0x3800  }
0x120: {  	[sflag:s19] =	ssyncset.done $0x0  }
0x121: {  	[sflag:s19] =	ssyncadd.s32 $0xFFFFC800  }
0x122: {  	[spmem:s3] =	stream.indirect.scatter.add.f32 [tilespmem:s15], [sflag:$0x5], $0x80, s0, s13, $0xb8;
	[tilespmem:$0x1F400] =	vst v63  }
0x123: {  	_ =	swait.ge [sflag:s21], $0x3800  }
0x124: {  	[sflag:s21] =	ssyncset.done $0x0  }
0x125: {  	[sflag:s21] =	ssyncadd.s32 $0xFFFFC800  }
0x126: {  	[spmem:s3] =	stream.indirect.scatter.add.f32 [tilespmem:s16], [sflag:$0x6], $0x80, s5, s13, $0xb8;
	[tilespmem:$0x1F400] =	vst v63  }
0x127: {  	_ =	swait.ge [sflag:s18], $0x3800  }
0x128: {  	[sflag:s18] =	ssyncset.done $0x0  }
0x129: {  	p0 =	sne.s32 s6, $0x500;
	[sflag:s18] =	ssyncadd.s32 $0xFFFFC800  }
.Ltmp0:
0x12a: {  	_ =	swait.ge [sflag:s20], $0x3800;
	(pc) =	sbr.rel @p0 .LBB2_2-.Ltmp0, $4  }
0x12b: {  	[sflag:s20] =	ssyncset.done $0x0  }
0x12c: {  	[sflag:s20] =	ssyncadd.s32 $0xFFFFC800  }
0x12d: {  	_ =	swait.ge [sflag:s22], $0x3800  }
0x12e: {  	s6 =	sadd.s32 $0x100, s6;
	s9 =	rddreg [dreg:$0x5];
	[sflag:s22] =	ssyncset.done $0x0  }
0x12f: {  	[sflag:s22] =	ssyncadd.s32 $0xFFFFC800;
	s6 =	sadd.s32 s8, s9  }
0x130: {  	[tilespmem:s11], [sflag:$0x7] =	stream.linear.gather [hbm4b:s6+s4], $0x780, $0x38;
	[tilespmem:$0x1F400] =	vst v63  }
0x131: {  	_ =	swait.ge [sflag:s10], $0x780  }
0x132: {  	s7 =	rddreg [dreg:$0x4];
	[sflag:s10] =	ssyncset.done $0x0  }
0x133: {  	[sflag:s10] =	ssyncadd.s32 $0xFFFFF880;
	s6 =	sadd.s32 s8, s7  }
0x134: {  	[tilespmem:s12], [sflag:$0x7] =	stream.linear.gather [hbm4b:s6+s4], $0x780, $0x38;
	[tilespmem:$0x1F400] =	vst v63  }
0x135: {  	_ =	swait.ge [sflag:s10], $0x780  }
0x136: {  	[sflag:s10] =	ssyncset.done $0x0  }
0x137: {  	[sflag:s10] =	ssyncadd.s32 $0xFFFFF880  }
0x138: {  	[tilespmem:s14], [sflag:$0x1] =	stream.indirect.gather [hbm4b:s1+s13], $0x80, s11, s13, $0xb8;
	[tilespmem:$0x1F400] =	vst v63  }
0x139: {  	s8 =	rddreg [dreg:$0x6]  }
0x13a: {  	[tilespmem:s15], [sflag:$0x2] =	stream.indirect.gather [hbm4b:s1+s13], $0x80, s8, s13, $0xb8;
	[tilespmem:$0x1F400] =	vst v63  }
0x13b: {  	s7 =	rddreg [dreg:$0x7]  }
0x13c: {  	[tilespmem:s16], [sflag:$0x3] =	stream.indirect.gather [hbm4b:s1+s13], $0x80, s7, s13, $0xb8;
	[tilespmem:$0x1F400] =	vst v63  }
0x13d: {  	_ =	swait.ge [sflag:s17], $0x3800  }
0x13e: {  	[sflag:s17] =	ssyncset.done $0x0  }
0x13f: {  	[sflag:s17] =	ssyncadd.s32 $0xFFFFC800  }
0x140: {  	[spmem:s3] =	stream.indirect.scatter.add.f32 [tilespmem:s14], [sflag:$0x4], $0x80, s12, s13, $0xb8;
	[tilespmem:$0x1F400] =	vst v63  }
0x141: {  	_ =	swait.ge [sflag:s18], $0x3800  }
0x142: {  	[sflag:s18] =	ssyncset.done $0x0  }
0x143: {  	s9 =	rddreg [dreg:$0x8];
	[sflag:s18] =	ssyncadd.s32 $0xFFFFC800  }
0x144: {  	[tilespmem:s14], [sflag:$0x1] =	stream.indirect.gather [hbm4b:s1+s13], $0x80, s9, s13, $0xb8;
	[tilespmem:$0x1F400] =	vst v63  }
0x145: {  	_ =	swait.ge [sflag:s19], $0x3800  }
0x146: {  	[sflag:s19] =	ssyncset.done $0x0  }
0x147: {  	s7 =	rddreg [dreg:$0x9];
	[sflag:s19] =	ssyncadd.s32 $0xFFFFC800  }
0x148: {  	[spmem:s3] =	stream.indirect.scatter.add.f32 [tilespmem:s15], [sflag:$0x5], $0x80, s7, s13, $0xb8;
	[tilespmem:$0x1F400] =	vst v63  }
0x149: {  	_ =	swait.ge [sflag:s20], $0x3800  }
0x14a: {  	[sflag:s20] =	ssyncset.done $0x0  }
0x14b: {  	s8 =	rddreg [dreg:$0xa];
	[sflag:s20] =	ssyncadd.s32 $0xFFFFC800  }
0x14c: {  	[tilespmem:s15], [sflag:$0x2] =	stream.indirect.gather [hbm4b:s1+s13], $0x80, s8, s13, $0xb8;
	[tilespmem:$0x1F400] =	vst v63  }
0x14d: {  	_ =	swait.ge [sflag:s21], $0x3800  }
0x14e: {  	[sflag:s21] =	ssyncset.done $0x0  }
0x14f: {  	s9 =	rddreg [dreg:$0xb];
	[sflag:s21] =	ssyncadd.s32 $0xFFFFC800  }
0x150: {  	[spmem:s3] =	stream.indirect.scatter.add.f32 [tilespmem:s16], [sflag:$0x6], $0x80, s9, s13, $0xb8;
	[tilespmem:$0x1F400] =	vst v63  }
0x151: {  	_ =	swait.ge [sflag:s22], $0x3800  }
0x152: {  	[sflag:s22] =	ssyncset.done $0x0  }
0x153: {  	s7 =	rddreg [dreg:$0xc];
	[sflag:s22] =	ssyncadd.s32 $0xFFFFC800  }
0x154: {  	[tilespmem:s16], [sflag:$0x3] =	stream.indirect.gather [hbm4b:s1+s13], $0x80, s7, s13, $0xb8;
	[tilespmem:$0x1F400] =	vst v63  }
0x155: {  	_ =	swait.ge [sflag:s17], $0x3800  }
0x156: {  	[sflag:s17] =	ssyncset.done $0x0  }
0x157: {  	s8 =	rddreg [dreg:$0xd];
	[sflag:s17] =	ssyncadd.s32 $0xFFFFC800  }
0x158: {  	[spmem:s3] =	stream.indirect.scatter.add.f32 [tilespmem:s14], [sflag:$0x4], $0x80, s8, s13, $0xb8;
	[tilespmem:$0x1F400] =	vst v63  }
0x159: {  	_ =	swait.ge [sflag:s18], $0x3800  }
0x15a: {  	[sflag:s18] =	ssyncset.done $0x0  }
0x15b: {  	s9 =	rddreg [dreg:$0xe];
	[sflag:s18] =	ssyncadd.s32 $0xFFFFC800  }
0x15c: {  	[tilespmem:s14], [sflag:$0x1] =	stream.indirect.gather [hbm4b:s1+s13], $0x80, s9, s13, $0xb8;
	[tilespmem:$0x1F400] =	vst v63  }
0x15d: {  	_ =	swait.ge [sflag:s19], $0x3800  }
0x15e: {  	[sflag:s19] =	ssyncset.done $0x0  }
0x15f: {  	s7 =	rddreg [dreg:$0xf];
	[sflag:s19] =	ssyncadd.s32 $0xFFFFC800  }
0x160: {  	[spmem:s3] =	stream.indirect.scatter.add.f32 [tilespmem:s15], [sflag:$0x5], $0x80, s7, s13, $0xb8;
	[tilespmem:$0x1F400] =	vst v63  }
0x161: {  	_ =	swait.ge [sflag:s20], $0x3800  }
0x162: {  	[sflag:s20] =	ssyncset.done $0x0  }
0x163: {  	s8 =	rddreg [dreg:$0x10];
	[sflag:s20] =	ssyncadd.s32 $0xFFFFC800  }
0x164: {  	[tilespmem:s15], [sflag:$0x2] =	stream.indirect.gather [hbm4b:s1+s13], $0x80, s8, s13, $0xb8;
	[tilespmem:$0x1F400] =	vst v63  }
0x165: {  	_ =	swait.ge [sflag:s21], $0x3800  }
0x166: {  	[sflag:s21] =	ssyncset.done $0x0  }
0x167: {  	s9 =	rddreg [dreg:$0x11];
	[sflag:s21] =	ssyncadd.s32 $0xFFFFC800  }
0x168: {  	[spmem:s3] =	stream.indirect.scatter.add.f32 [tilespmem:s16], [sflag:$0x6], $0x80, s9, s13, $0xb8;
	[tilespmem:$0x1F400] =	vst v63  }
0x169: {  	_ =	swait.ge [sflag:s22], $0x3800  }
0x16a: {  	[sflag:s22] =	ssyncset.done $0x0  }
0x16b: {  	s7 =	rddreg [dreg:$0x12];
	[sflag:s22] =	ssyncadd.s32 $0xFFFFC800  }
0x16c: {  	[tilespmem:s16], [sflag:$0x3] =	stream.indirect.gather [hbm4b:s1+s13], $0x80, s7, s13, $0xb8;
	[tilespmem:$0x1F400] =	vst v63  }
0x16d: {  	_ =	swait.ge [sflag:s17], $0x3800  }
0x16e: {  	[sflag:s17] =	ssyncset.done $0x0  }
0x16f: {  	s8 =	rddreg [dreg:$0x13];
	[sflag:s17] =	ssyncadd.s32 $0xFFFFC800  }
0x170: {  	[spmem:s3] =	stream.indirect.scatter.add.f32 [tilespmem:s14], [sflag:$0x4], $0x80, s8, s13, $0xb8;
	[tilespmem:$0x1F400] =	vst v63  }
0x171: {  	_ =	swait.ge [sflag:s18], $0x3800  }
0x172: {  	[sflag:s18] =	ssyncset.done $0x0  }
0x173: {  	s9 =	rddreg [dreg:$0x14];
	[sflag:s18] =	ssyncadd.s32 $0xFFFFC800  }
0x174: {  	[tilespmem:s14], [sflag:$0x1] =	stream.indirect.gather [hbm4b:s1+s13], $0x80, s9, s13, $0xb8;
	[tilespmem:$0x1F400] =	vst v63  }
0x175: {  	_ =	swait.ge [sflag:s19], $0x3800  }
0x176: {  	[sflag:s19] =	ssyncset.done $0x0  }
0x177: {  	s7 =	rddreg [dreg:$0x15];
	[sflag:s19] =	ssyncadd.s32 $0xFFFFC800  }
0x178: {  	[spmem:s3] =	stream.indirect.scatter.add.f32 [tilespmem:s15], [sflag:$0x5], $0x80, s7, s13, $0xb8;
	[tilespmem:$0x1F400] =	vst v63  }
0x179: {  	_ =	swait.ge [sflag:s20], $0x3800  }
0x17a: {  	[sflag:s20] =	ssyncset.done $0x0  }
0x17b: {  	s8 =	rddreg [dreg:$0x16];
	[sflag:s20] =	ssyncadd.s32 $0xFFFFC800  }
0x17c: {  	[tilespmem:s15], [sflag:$0x2] =	stream.indirect.gather [hbm4b:s1+s13], $0x80, s8, s13, $0xb8;
	[tilespmem:$0x1F400] =	vst v63  }
0x17d: {  	_ =	swait.ge [sflag:s21], $0x3800  }
0x17e: {  	[sflag:s21] =	ssyncset.done $0x0  }
0x17f: {  	[sflag:s21] =	ssyncadd.s32 $0xFFFFC800  }
0x180: {  	[spmem:s3] =	stream.indirect.scatter.add.f32 [tilespmem:s16], [sflag:$0x6], $0x80, s23, s13, $0xb8;
	[tilespmem:$0x1F400] =	vst v63  }
0x181: {  	_ =	swait.ge [sflag:s22], $0x3800  }
0x182: {  	[sflag:s22] =	ssyncset.done $0x0  }
0x183: {  	[sflag:s22] =	ssyncadd.s32 $0xFFFFC800  }
0x184: {  	[tilespmem:s16], [sflag:$0x3] =	stream.indirect.gather [hbm4b:s1+s13], $0x80, s24, s13, $0xb8;
	[tilespmem:$0x1F400] =	vst v63  }
0x185: {  	_ =	swait.ge [sflag:s17], $0x3800  }
0x186: {  	[sflag:s17] =	ssyncset.done $0x0  }
0x187: {  	[sflag:s17] =	ssyncadd.s32 $0xFFFFC800  }
0x188: {  	[spmem:s3] =	stream.indirect.scatter.add.f32 [tilespmem:s14], [sflag:$0x4], $0x80, s25, s13, $0xb8;
	[tilespmem:$0x1F400] =	vst v63  }
0x189: {  	_ =	swait.ge [sflag:s18], $0x3800  }
0x18a: {  	[sflag:s18] =	ssyncset.done $0x0  }
0x18b: {  	[sflag:s18] =	ssyncadd.s32 $0xFFFFC800  }
0x18c: {  	[tilespmem:s14], [sflag:$0x1] =	stream.indirect.gather [hbm4b:s1+s13], $0x80, s26, s13, $0xb8;
	[tilespmem:$0x1F400] =	vst v63  }
0x18d: {  	_ =	swait.ge [sflag:s19], $0x3800  }
0x18e: {  	[sflag:s19] =	ssyncset.done $0x0  }
0x18f: {  	[sflag:s19] =	ssyncadd.s32 $0xFFFFC800  }
0x190: {  	[spmem:s3] =	stream.indirect.scatter.add.f32 [tilespmem:s15], [sflag:$0x5], $0x80, s28, s13, $0xb8;
	[tilespmem:$0x1F400] =	vst v63  }
0x191: {  	_ =	swait.ge [sflag:s20], $0x3800  }
0x192: {  	[sflag:s20] =	ssyncset.done $0x0  }
0x193: {  	[sflag:s20] =	ssyncadd.s32 $0xFFFFC800  }
0x194: {  	[tilespmem:s15], [sflag:$0x2] =	stream.indirect.gather [hbm4b:s1+s13], $0x80, s29, s13, $0xb8;
	[tilespmem:$0x1F400] =	vst v63  }
0x195: {  	_ =	swait.ge [sflag:s21], $0x3800  }
0x196: {  	[sflag:s21] =	ssyncset.done $0x0  }
0x197: {  	[sflag:s21] =	ssyncadd.s32 $0xFFFFC800  }
0x198: {  	[spmem:s3] =	stream.indirect.scatter.add.f32 [tilespmem:s16], [sflag:$0x6], $0x80, s30, s13, $0xb8;
	[tilespmem:$0x1F400] =	vst v63  }
0x199: {  	_ =	swait.ge [sflag:s22], $0x3800  }
0x19a: {  	[sflag:s22] =	ssyncset.done $0x0  }
0x19b: {  	[sflag:s22] =	ssyncadd.s32 $0xFFFFC800  }
0x19c: {  	[tilespmem:s16], [sflag:$0x3] =	stream.indirect.gather [hbm4b:s1+s13], $0x80, s31, s13, $0xb8;
	[tilespmem:$0x1F400] =	vst v63  }
0x19d: {  	_ =	swait.ge [sflag:s17], $0x3800  }
0x19e: {  	[sflag:s17] =	ssyncset.done $0x0  }
0x19f: {  	[sflag:s17] =	ssyncadd.s32 $0xFFFFC800  }
0x1a0: {  	[spmem:s3] =	stream.indirect.scatter.add.f32 [tilespmem:s14], [sflag:$0x4], $0x80, s2, s13, $0xb8;
	[tilespmem:$0x1F400] =	vst v63  }
0x1a1: {  	_ =	swait.ge [sflag:s19], $0x3800  }
0x1a2: {  	[sflag:s19] =	ssyncset.done $0x0  }
0x1a3: {  	[sflag:s19] =	ssyncadd.s32 $0xFFFFC800  }
0x1a4: {  	[spmem:s3] =	stream.indirect.scatter.add.f32 [tilespmem:s15], [sflag:$0x5], $0x80, s0, s13, $0xb8;
	[tilespmem:$0x1F400] =	vst v63  }
0x1a5: {  	_ =	swait.ge [sflag:s21], $0x3800  }
0x1a6: {  	[sflag:s21] =	ssyncset.done $0x0  }
0x1a7: {  	[sflag:s21] =	ssyncadd.s32 $0xFFFFC800  }
0x1a8: {  	[spmem:s3] =	stream.indirect.scatter.add.f32 [tilespmem:s16], [sflag:$0x6], $0x80, s5, s13, $0xb8;
	[tilespmem:$0x1F400] =	vst v63  }
0x1a9: {  	_ =	swait.ge [sflag:s18], $0x3800  }
0x1aa: {  	[sflag:s18] =	ssyncset.done $0x0  }
0x1ab: {  	[sflag:s18] =	ssyncadd.s32 $0xFFFFC800  }
0x1ac: {  	_ =	swait.ge [sflag:s20], $0x3800  }
0x1ad: {  	[sflag:s20] =	ssyncset.done $0x0  }
0x1ae: {  	[sflag:s20] =	ssyncadd.s32 $0xFFFFC800  }
0x1af: {  	_ =	swait.ge [sflag:s22], $0x3800  }
0x1b0: {  	[sflag:s22] =	ssyncset.done $0x0  }
0x1b1: {  	[sflag:s22] =	ssyncadd.s32 $0xFFFFC800  }
0x1b2: {  	[bflag:$0x0] =	sbarrier.arrive $0xFFFF  }
0x1b3: {  	s7 =	rddreg [dreg:$0x18]  }
0x1b4: {  	s9 =	rddreg [dreg:$0x19]  }
0x1b5: {  	s8 =	rddreg [dreg:$0x1b]  }
0x1b6: {  	[hbm:s9], [sflag:s7] =	dma.local [spmem:s8], $0x2780  }
0x1b7: {  	_ =	swait.ge [sflag:s10], $0x2780  }
0x1b8: {  	s6 =	rddreg [dreg:$0x1c]  }
0x1b9: {  	s9 =	sadd.s32 $0x1, s6;
	s6 =	rddreg [dreg:$0x1a]  }
0x1ba: {  	p0 =	sne.s32 s9, s6  }
.Ltmp1:
0x1bb: {  	_ = 	snop;
	(pc) =	sbr.rel @p0 .LBB2_1-.Ltmp1, $3  }
0x1bc: {  	_ =	sdelay $0x1  }
0x1bd: {  	[sflag:s10] =	ssyncset.done $0x0  }
0x1be: {  	[sflag:s10] =	ssyncadd.s32 $0xFFFFD880  }
0x1bf: {  	_ =	sfence.sel $0x180000  }
0x1c0: {  	[bflag:$0x0] =	sbarrier.arrive $0xFFFF  }
0x1c1: {  	_ =	strace $0x9000004D  }
0x1c2: {  	s0 =	stileid.u32;
	[bflag:$0x2] =	sbarrier.arrive $0xFFFF  }
0x1c3: {  	p0 =	sne.s32 s0, $0x0;
	s0 =	rddreg [dreg:$0x3]  }
0x1c4: {  	s0 =	sadd.s32 @!p0 $0x100000, s0  }
0x1c5: {  	[sflag:s0] =	ssyncadd.tile.s32 @!p0 $0x1;
	_ =	shalt  }
.Lfunc_end2:
_tile_overlayer_lowered:
.L_overlay_start_2:
0x1c6: {  	(tag) =	ssettag $0x2  }
0x1c7: {  	s0 =	rddreg [dreg:$0x0];
	s2 =	stileid.u32  }
0x1c8: {  	s1 =	rddreg [dreg:$0x1];
	p0 =	sne.s32 s2, $0x0  }
0x1c9: {  	s3 =	rddreg [dreg:$0x2];
	[bflag:$0x3] =	sbarrier.arrive $0xFFFF;
	s2 =	simm.s32 @!p0 $0x1C07  }
0x1ca: {  	[timem:s3], [sflag:s2] =	dma.local @!p0 [hbm:s0], s1  }
0x1cb: {  	s0 =	simm.s32 @!p0 $0x7  }
0x1cc: {  	_ =	swait.ge @!p0 [sflag:s0], s1  }
0x1cd: {  	s1 =	ssub.s32 @!p0 $0x0, s1;
	[sflag:s0] =	ssyncset.done @!p0 $0x0  }
0x1ce: {  	[sflag:s0] =	ssyncadd.s32 @!p0 s1  }
0x1cf: {  	[bflag:$0x3] =	sbarrier.arrive $0xFFFF  }
0x1d0: {  	_ =	shalt  }

// kernel: kernel.8.cloned.1.call-start
scs
__scs_entry_jumppad:
0x0: {  	(pc) =	sbr.rel $0x88, $3  }
0x1: {  	(tag) =	ssettag $0x0;
	lr =	simm.s32 $0x1  }
0x2: {  	[smem:$0x3F9B] =	sst lr;
	_ =	strace $0xD0000000  }
0x3: {  	_ = 	snop  }
0x4: {  	_ = 	snop  }
0x5: {  	_ = 	snop  }
0x6: {  	_ = 	snop  }
0x7: {  	_ = 	snop  }
__scs_overlays_trampoline_lowered:
0x8: {  	[smem:$0x3FAA] =	sst s0  }
0x9: {  	[smem:$0x3FAB] =	sst s1  }
0xa: {  	[smem:$0x3FAC] =	sst s2  }
0xb: {  	[smem:$0x3FAD] =	sst s3  }
0xc: {  	[smem:$0x3FAE] =	sst s4  }
0xd: {  	[smem:$0x3FAF] =	sst s5  }
0xe: {  	[smem:$0x3FB0] =	sst s6  }
0xf: {  	[smem:$0x3FB1] =	sst s7  }
0x10: {  	[smem:$0x3FB2] =	sst s8  }
0x11: {  	[smem:$0x3FB3] =	sst s9;
	s0 =	simm.s32 @!p0 $0x0  }
0x12: {  	s1 =	sld [smem:$0x3F99];
	s0 =	simm.s32 @p0 $0x1  }
0x13: {  	[smem:$0x3FB4] =	sst s0;
	s0 =	simm.s32 @!p1 $0x0  }
0x14: {  	s2 =	sld [smem:$0x3F98];
	s0 =	simm.s32 @p1 $0x1  }
0x15: {  	[smem:$0x3FB5] =	sst s0;
	s0 =	simm.s32 @!p2 $0x0  }
0x16: {  	s3 =	sld [smem:$0x3FDB];
	s0 =	simm.s32 @p2 $0x1  }
0x17: {  	s4 =	simm.s32 $0x1BF5;
	[smem:$0x3FB7] =	sst s0  }
0x18: {  	s0 =	sld [smem:$0x3F9A];
	_ =	swait.ge [sflag:s4], $0x0  }
0x19: {  	s7 =	sld [smem:$0x3F9B]  }
0x1a: {  	s8 =	sadd.s32 $0xFFFFE003, lr  }
0x1b: {  	s9 =	sadd.s32 $0xFFFFFEF7, lr;
	s5 =	simm.s32 $0xFFFFFFFF;
	p2 =	slt.u32 s8, $0xFFFFF086  }
0x1c: {  	p1 =	slt.u32 s9, $0xF7A;
	s5 =	simm.s32 @!p2 $0x0  }
0x1d: {  	s5 =	simm.s32 @p1 $0x1;
	p0 =	seq.s32 s7, s2  }
0x1e: {  	s7 =	smul.u32 @!p0 $0xF7A, s2;
	p2 =	seq.s32 @!p0 s5, $0x0  }
0x1f: {  	s9 =	smul.u32 $0xF7A, s1;
	s8 =	simm.s32 @!p0 $0x1BF5;
	p2 =	por !p2, p0  }
0x20: {  	[sflag:s8] =	ssyncset.s32 @!p0 $0xFFFFF086;
	s6 =	sadd.s32 @!p0 s3, s7;
	s7 =	simm.s32 @!p0 $0x108  }
0x21: {  	s3 =	sadd.s32 s3, s9;
	s6 =	sadd.s32 @!p0 $0x88, s6;
	s7 =	simm.s32 @p2 $0x1082  }
0x22: {  	[simem:s7], [sflag:s8] =	dma.local @!p0 [hbm:s6], $0xF7A  }
0x23: {  	s9 =	sor.u32 $0xD0000000, s2;
	s6 =	simm.s32 $0x108;
	_ =	swait.ge @!p0 [sflag:s8], $0x0  }
0x24: {  	s3 =	sadd.s32 $0x88, s3;
	s6 =	simm.s32 @!p1 $0x1082;
	[sflag:s4] =	ssyncset.s32 $0xFFFFF086  }
0x25: {  	[simem:s6], [sflag:s4] =	dma.local [hbm:s3], $0xF7A  }
0x26: {  	[smem:$0x3F9B] =	sst s1;
	(tag) =	ssettag s2;
	_ =	strace s9  }
0x27: {  	s1 =	sld [smem:$0x3FAB]  }
0x28: {  	s2 =	sld [smem:$0x3FAC]  }
0x29: {  	s4 =	sld [smem:$0x3FAE]  }
0x2a: {  	p0 =	seq.s32 s5, $0x0;
	s5 =	sld [smem:$0x3FAF]  }
0x2b: {  	s6 =	sld [smem:$0x3FB0]  }
0x2c: {  	s7 =	sld [smem:$0x3FB1]  }
0x2d: {  	s3 =	simm.s32 $0x108;
	s8 =	sld [smem:$0x3FB2]  }
0x2e: {  	s3 =	simm.s32 @!p0 $0x1082;
	s9 =	sld [smem:$0x3FB3]  }
0x2f: {  	lr =	sadd.s32 s0, s3;
	s0 =	sld [smem:$0x3FAA]  }
0x30: {  	s3 =	sld [smem:$0x3FAD]  }
0x31: {  	[smem:$0x3FB6] =	sst s10  }
0x32: {  	s10 =	sld [smem:$0x3FB4];
	_ =	sdelay $0x3  }
0x33: {  	p0 =	seq.s32 s10, $0x1;
	s10 =	sld [smem:$0x3FB6];
	_ =	sdelay $0x3  }
0x34: {  	[smem:$0x3FB6] =	sst s10  }
0x35: {  	s10 =	sld [smem:$0x3FB5];
	_ =	sdelay $0x3  }
0x36: {  	p1 =	seq.s32 s10, $0x1;
	s10 =	sld [smem:$0x3FB6];
	_ =	sdelay $0x3  }
0x37: {  	[smem:$0x3FB6] =	sst s10  }
0x38: {  	s10 =	sld [smem:$0x3FB7]  }
0x39: {  	_ = 	snop;
	(pc) =	sbr.ind lr, $3  }
0x3a: {  	_ = 	snop  }
0x3b: {  	_ = 	snop  }
0x3c: {  	p2 =	seq.s32 s10, $0x1;
	s10 =	sld [smem:$0x3FB6]  }
0x3d: {  	_ =	shalt  }
0x3e: {  	_ =	shalt  }
0x3f: {  	_ =	shalt  }
0x40: {  	_ =	shalt  }
0x41: {  	_ =	shalt  }
0x42: {  	_ =	shalt  }
0x43: {  	_ =	shalt  }
0x44: {  	_ =	shalt  }
0x45: {  	_ =	shalt  }
0x46: {  	_ =	shalt  }
0x47: {  	_ =	shalt  }
0x48: {  	_ =	shalt  }
0x49: {  	_ =	shalt  }
0x4a: {  	_ =	shalt  }
0x4b: {  	_ =	shalt  }
0x4c: {  	_ =	shalt  }
0x4d: {  	_ =	shalt  }
0x4e: {  	_ =	shalt  }
0x4f: {  	_ =	shalt  }
0x50: {  	_ =	shalt  }
0x51: {  	_ =	shalt  }
0x52: {  	_ =	shalt  }
0x53: {  	_ =	shalt  }
0x54: {  	_ =	shalt  }
0x55: {  	_ =	shalt  }
0x56: {  	_ =	shalt  }
0x57: {  	_ =	shalt  }
0x58: {  	_ =	shalt  }
0x59: {  	_ =	shalt  }
0x5a: {  	_ =	shalt  }
0x5b: {  	_ =	shalt  }
0x5c: {  	_ =	shalt  }
0x5d: {  	_ =	shalt  }
0x5e: {  	_ =	shalt  }
0x5f: {  	_ =	shalt  }
0x60: {  	_ =	shalt  }
0x61: {  	_ =	shalt  }
0x62: {  	_ =	shalt  }
0x63: {  	_ =	shalt  }
0x64: {  	_ =	shalt  }
0x65: {  	_ =	shalt  }
0x66: {  	_ =	shalt  }
0x67: {  	_ =	shalt  }
0x68: {  	_ =	shalt  }
0x69: {  	_ =	shalt  }
0x6a: {  	_ =	shalt  }
0x6b: {  	_ =	shalt  }
0x6c: {  	_ =	shalt  }
0x6d: {  	_ =	shalt  }
0x6e: {  	_ =	shalt  }
0x6f: {  	_ =	shalt  }
0x70: {  	_ =	shalt  }
0x71: {  	_ =	shalt  }
0x72: {  	_ =	shalt  }
0x73: {  	_ =	shalt  }
0x74: {  	_ =	shalt  }
0x75: {  	_ =	shalt  }
0x76: {  	_ =	shalt  }
0x77: {  	_ =	shalt  }
0x78: {  	_ =	shalt  }
0x79: {  	_ =	shalt  }
0x7a: {  	_ =	shalt  }
0x7b: {  	_ =	shalt  }
0x7c: {  	_ =	shalt  }
0x7d: {  	_ =	shalt  }
0x7e: {  	_ =	shalt  }
0x7f: {  	_ =	shalt  }
0x80: {  	_ =	shalt  }
0x81: {  	_ =	shalt  }
0x82: {  	_ =	shalt  }
0x83: {  	_ =	shalt  }
0x84: {  	_ =	shalt  }
0x85: {  	_ =	shalt  }
0x86: {  	_ =	shalt  }
0x87: {  	_ =	shalt  }
.Lfunc_end0:
.L_simem_size_0:
called_computation_lowered:
.L_overlay_start_0:
0x88: {  	s2 =	sld [smem:$0x3FD9]  }
0x89: {  	s3 =	sld [smem:$0x3FFE];
	_ =	sdelay $0x1  }
0x8a: {  	s1 =	srdreg.scid  }
0x8b: {  	s0 =	sand.u32 $0x1, s1  }
0x8c: {  	s16 =	sshll.u32 s0, $0xA;
	s2 =	sadd.s32 s3, s2  }
0x8d: {  	s2 =	sadd.s32 s2, s16  }
0x8e: {  	[smem:$0x3FC2] =	sst s2  }
0x8f: {  	_ = 	snop  }
0x90: {  	(tm) =	ssettm $0x1  }
0x91: {  	s17 =	sld [smem:$0x3FFB];
	_ =	sdelay $0x3  }
0x92: {  	_ =	strace s17  }
0x93: {  	s2 =	sld [smem:$0x3FFC];
	_ =	sdelay $0x3  }
0x94: {  	_ =	strace s2  }
0x95: {  	s2 =	sld [smem:$0x3FFD];
	_ =	sdelay $0x3  }
0x96: {  	_ =	strace s2  }
0x97: {  	_ =	strace $0x8FFFFFFF  }
0x98: {  	s18 =	sld [smem:$0x3FDB];
	_ =	sdelay $0x1  }
0x99: {  	s19 =	simm.s32 $_scs_section_size  }
0x9a: {  	s4 =	simm.s32 $_size__tile_overlayer_lowered;
	s5 =	simm.s32 $_tile_overlayer_lowered  }
0x9b: {  	s22 =	simm.s32 $0x1BFF;
	s21 =	sshll.u32 s5, $0x1;
	s2 =	sadd.s32 s19, s18  }
0x9c: {  	s6 =	simm.s32 $0x0;
	s20 =	sshll.u32 s4, $0x1;
	s4 =	sadd.s32 s21, s2  }
0x9d: {  	[timem:s6], [sflag:s22] =	dma.local [hbm:s4], s20  }
0x9e: {  	_ =	swait.ge [sflag:s22], s20  }
0x9f: {  	s3 =	ssub.s32 $0x0, s20;
	[sflag:s22] =	ssyncset.done $0x0  }
0xa0: {  	[sflag:s22] =	ssyncadd.s32 s3;
	_ =	sdelay $0x1  }
0xa1: {  	s23 =	simm.s32 $0x1B8B  }
0xa2: {  	_ =	swait.ge [sflag:s23], $0x1  }
0xa3: {  	[sflag:s23] =	ssyncset.done $0x0  }
0xa4: {  	s25 =	simm.s32 $0x1B8E;
	s24 =	sld [smem:$0x3FFE];
	[sflag:s23] =	ssyncadd.s32 $0xFFFFFFFF  }
0xa5: {  	s26 =	simm.s32 $execute0_lowered;
	[smem:$0x3FD2] =	sst s25  }
0xa6: {  	s4 =	sshll.u32 s26, $0x1;
	_ =	strace $0x80000046;
	[dreg:$0x1] =	wrdreg $0xFFFFFFFF  }
0xa7: {  	s28 =	simm.s32 $_size_execute0_lowered;
	s2 =	sadd.s32 s2, s4;
	[dreg:$0x0] =	wrdreg $0x0  }
0xa8: {  	s4 =	sshll.u32 s28, $0x1;
	[dreg:$0x2] =	wrdreg s2  }
0xa9: {  	[dreg:$0x3] =	wrdreg s4  }
0xaa: {  	[dreg:$0x4] =	wrdreg $0xC0  }
0xab: {  	_ =	task [dreg:s6], $0x5FFFF  }
0xac: {  	[dreg:$0x1] =	wrdreg $0xFFFFFFFF  }
0xad: {  	[dreg:$0x0] =	wrdreg $0x60  }
0xae: {  	[dreg:$0x2] =	wrdreg s24  }
0xaf: {  	[dreg:$0x3] =	wrdreg $0x0  }
0xb0: {  	[dreg:$0x4] =	wrdreg $0x9  }
0xb1: {  	_ =	task.clear_ibuf [dreg:s6], $0x5FFFF;
	_ =	strace $0x90000046  }
0xb2: {  	s29 =	simm.s32 $0x9;
	_ =	strace $0x80000048  }
0xb3: {  	_ =	swait.ge [sflag:s29], $0x1  }
0xb4: {  	[sflag:s29] =	ssyncadd.s32 $0xFFFFFFFF  }
0xb5: {  	_ =	strace $0x90000048  }
0xb6: {  	_ =	sfence  }
0xb7: {  	s30 =	sld [smem:$0x0];
	_ =	sdelay $0x2  }
0xb8: {  	s31 =	sshll.u32 s1, $0xD;
	s1 =	sshrl.u32 s1, $0x2  }
0xb9: {  	s3 =	sand.u32 $0x4000, s31;
	s1 =	sadd.s32 s1, s30  }
0xba: {  	s0 =	sor.u32 s3, s0;
	s1 =	sshll.u32 s1, $0x11  }
0xbb: {  	s0 =	sor.u32 s1, s0  }
0xbc: {  	s0 =	sadd.s32 $0x8F2B, s0  }
0xbd: {  	[sflag:s0] =	ssyncadd.remote.s32 $0x1  }
0xbe: {  	_ =	sfence.sel $0xFFFF  }
0xbf: {  	[dreg:$0x0] =	wrdreg $0xFFFFFFFF;
	(pc) =	sbr.abs _section_cstart, $3  }
0xc0: {  	[dreg:$0x1] =	wrdreg $0xFFFFFFFF  }
0xc1: {  	_ =	task.clear_ibuf [dreg:s6], $0x2FFFF;
	_ =	strace $0x9FFFFFFF  }
0xc2: {  	(tm) =	ssettm $0x7FFFFFFF  }
0xc3: {  	_ =	shalt  }
tec
execute0_lowered:
.L_overlay_start_1:
0x0: {  	(tag) =	ssettag $0x1  }
0x1: {  	s1 =	srdreg.scid;
	s6 =	rddreg [dreg:$0x0]  }
0x2: {  	s0 =	stileid.u32;
	s2 =	rddreg [dreg:$0x1];
	s3 =	simm.s32 $0x0  }
0x3: {  	s13 =	simm.s32 $0x13C00;
	s14 =	simm.s32 $0x70;
	s15 =	simm.s32 $0x1  }
0x4: {  	s16 =	simm.s32 $0x0;
	s5 =	sand.u32 $0x1, s1;
	s8 =	smul.u32 $0x13C00, s0  }
0x5: {  	s26 =	sshll.u32 s0, $0x1;
	[smem:$0x7FF] =	sst s3;
	s10 =	smul.u32 $0x4F000, s0  }
0x6: {  	s31 =	sshll.u32 s0, $0x6;
	s1 =	sor.u32 s5, s26;
	s7 =	smul.u32 $0x13C000, s5  }
0x7: {  	s28 =	ssub.s32 $0x2, s5;
	s5 =	sadd.s32 $0xDA00, s6;
	s4 =	smul.u32 $0x600, s1  }
0x8: {  	s1 =	rddreg [dreg:$0x2];
	_ =	strace $0x80000047;
	s29 =	sshrl.u32 s28, $0x1  }
0x9: {  	s30 =	sshrl.u32 s10, $0x2;
	s7 =	sadd.s32 s8, s7;
	s12 =	ssub.s32 s28, s29  }
0xa: {  	s10 =	sadd.s32 s30, s2;
	s9 =	sadd.s32 s4, s6;
	s7 =	sshrl.u32 s7, $0x3  }
0xb: {  	s4 =	sadd.s32 $0x10200, s6;
	s10 =	sshrl.u32 s10, $0x3;
	s11 =	sadd.s32 s7, s6  }
0xc: {  	s6 =	sor.u32 $0x1C02, s31;
	s7 =	sadd.s32 $0x1A00, s9;
	s9 =	smax.u32 s12, $0x1  }
0xd: {  	s12 =	simm.s32 $0x16C00;
	s8 =	sadd.s32 $0x10A00, s11;
	s11 =	simm.s32 $0x2  }
.LBB2_1:
0xe: {  	[spmem:s10], [sflag:s6] =	dma.local [hbm:s5], $0x2780  }
0xf: {  	_ =	swait.ge [sflag:s11], $0x2780  }
0x10: {  	[sflag:s11] =	ssyncset.done $0x0  }
0x11: {  	[sflag:s11] =	ssyncadd.s32 $0xFFFFD880  }
0x12: {  	[tilespmem:s12], [sflag:$0x2] =	stream.linear.gather [hbm4b:s4+s3], $0x3800, $0x38;
	[tilespmem:$0x1A400] =	vst v63  }
0x13: {  	_ =	swait.ge [sflag:s11], $0x3800  }
0x14: {  	[sflag:s11] =	ssyncset.done $0x0  }
0x15: {  	[sflag:s11] =	ssyncadd.s32 $0xFFFFC800  }
0x16: {  	[tilespmem:s13], [sflag:$0x2] =	stream.linear.gather [hbm4b:s7+s3], $0x2D00, $0x38;
	[tilespmem:$0x1A400] =	vst v63  }
0x17: {  	_ =	swait.ge [sflag:s11], $0x2D00  }
0x18: {  	[sflag:s11] =	ssyncset.done $0x0  }
0x19: {  	[sflag:s11] =	ssyncadd.s32 $0xFFFFD300  }
0x1a: {  	s17 =	simm.s32 $0x0;
	[bflag:$0x0] =	sbarrier.arrive $0xFFFF  }
.LBB2_2:
0x1b: {  	p0 =	sne.s32 s17, $0xB200  }
.Ltmp0:
0x1c: {  	_ = 	snop;
	(pc) =	sbr.rel @p0 .LBB2_2-.Ltmp0, $4  }
0x1d: {  	_ = 	snop  }
0x1e: {  	s18 =	sshra.s32 s17, $0x2  }
0x1f: {  	s17 =	sadd.s32 $0x200, s17;
	s18 =	sadd.s32 $0x13C00, s18  }
0x20: {  	[spmem:s2] =	stream.indirect.scatter.add.f32 [tilespmem:s12], [sflag:$0x1], $0x80, s18, s14, $0xb8;
	[tilespmem:$0x1A400] =	vst v63  }
0x21: {  	_ =	swait.ge [sflag:s15], $0x3800  }
0x22: {  	s17 =	simm.s32 $0x59;
	[sflag:s15] =	ssyncset.done $0x0  }
.LBB2_4:
0x23: {  	p0 =	sne.s32 s17, $0x1;
	s17 =	sadd.s32 $0xFFFFFFFF, s17;
	[sflag:s15] =	ssyncadd.s32 $0xFFFFC800  }
.Ltmp1:
0x24: {  	(pc) =	sbr.rel @p0 .LBB2_4-.Ltmp1, $3  }
0x25: {  	_ =	sdelay $0x1  }
0x26: {  	_ =	swait.ge [sflag:s15], $0x3800  }
0x27: {  	[sflag:s15] =	ssyncset.done $0x0  }
0x28: {  	s16 =	sadd.s32 $0x1, s16  }
0x29: {  	[sflag:s15] =	ssyncadd.s32 $0xFFFFC800;
	p0 =	sne.s32 s16, s9  }
.Ltmp2:
0x2a: {  	[bflag:$0x0] =	sbarrier.arrive $0xFFFF;
	(pc) =	sbr.rel @p0 .LBB2_1-.Ltmp2, $4  }
0x2b: {  	[hbm:s8], [sflag:s6] =	dma.local [spmem:s10], $0x2780  }
0x2c: {  	_ =	swait.ge [sflag:s11], $0x2780  }
0x2d: {  	[sflag:s11] =	ssyncset.done $0x0  }
0x2e: {  	[sflag:s11] =	ssyncadd.s32 $0xFFFFD880  }
0x2f: {  	_ =	sfence.sel $0x180000  }
0x30: {  	[bflag:$0x0] =	sbarrier.arrive $0xFFFF  }
0x31: {  	p0 =	sne.s32 s0, $0x0;
	_ =	strace $0x90000047  }
0x32: {  	s0 =	sadd.s32 @!p0 $0x100000, s1;
	[bflag:$0x2] =	sbarrier.arrive $0xFFFF  }
0x33: {  	[sflag:s0] =	ssyncadd.tile.s32 @!p0 $0x1;
	_ =	shalt  }
.Lfunc_end2:
_tile_overlayer_lowered:
.L_overlay_start_2:
0x34: {  	(tag) =	ssettag $0x2  }
0x35: {  	s0 =	rddreg [dreg:$0x0];
	s2 =	stileid.u32  }
0x36: {  	s1 =	rddreg [dreg:$0x1];
	p0 =	sne.s32 s2, $0x0  }
0x37: {  	s3 =	rddreg [dreg:$0x2];
	[bflag:$0x3] =	sbarrier.arrive $0xFFFF;
	s2 =	simm.s32 @!p0 $0x1C02  }
0x38: {  	[timem:s3], [sflag:s2] =	dma.local @!p0 [hbm:s0], s1  }
0x39: {  	s0 =	simm.s32 @!p0 $0x2  }
0x3a: {  	_ =	swait.ge @!p0 [sflag:s0], s1  }
0x3b: {  	s1 =	ssub.s32 @!p0 $0x0, s1;
	[sflag:s0] =	ssyncset.done @!p0 $0x0  }
0x3c: {  	[sflag:s0] =	ssyncadd.s32 @!p0 s1  }
0x3d: {  	[bflag:$0x3] =	sbarrier.arrive $0xFFFF  }
0x3e: {  	_ =	shalt  }

</sc_bundles>
